<compile_context>
chip_gen: v7x
topology: tpu7x:2x2x1
jax: 0.10.2.dev20260603
libtpu: 0.0.44.dev20260713+nightly
codegen_flags: <defaults>
</compile_context>

<pallas_src>
import dataclasses
import functools

import jax
import jax.numpy as jnp
from jax import lax
from jax.experimental import pallas as pl
from jax.experimental.pallas import tpu as pltpu
from jax.experimental.pallas import tpu_sc as plsc

N = 10000
NP = 10240
D_IN = 128
D_H = 256
GW = 128
NC = 2
NS = 16
CH = 32
SLOTS = 10

_SC_PARAMS = dataclasses.replace(pltpu.CompilerParams(), needs_layout_passes=False)


def _sc_degree(dst):
    E = dst.shape[0]
    nw = NC * NS
    per_w = E // nw
    mesh = plsc.VectorSubcoreMesh(core_axis_name="c", subcore_axis_name="s")

    @functools.partial(
        pl.kernel,
        out_type=jax.ShapeDtypeStruct((nw * N,), jnp.float32),
        mesh=mesh,
        scratch_types=[
            pltpu.VMEM((N,), jnp.float32),
            pltpu.VMEM((per_w,), jnp.int32),
        ],
        compiler_params=_SC_PARAMS,
    )
    def k(dst_hbm, out_hbm, deg_v, dst_v):
        c = lax.axis_index("c")
        s = lax.axis_index("s")
        wid = s * NC + c
        zero16 = jnp.zeros((16,), jnp.float32)
        one16 = jnp.ones((16,), jnp.float32)

        @pl.loop(0, N // 16)
        def _(i):
            deg_v[pl.ds(pl.multiple_of(i * 16, 16), 16)] = zero16

        pltpu.sync_copy(dst_hbm.at[pl.ds(pl.multiple_of(wid * per_w, 8), per_w)], dst_v)

        @pl.loop(0, per_w // 16)
        def _(i):
            idx = dst_v[pl.ds(pl.multiple_of(i * 16, 16), 16)]
            plsc.addupdate_scatter(deg_v, [idx], one16)

        pltpu.sync_copy(deg_v, out_hbm.at[pl.ds(pl.multiple_of(wid * N, 8), N)])

    return k(dst)


def _sc_aggregate(src2, dst, v, G):
    E = dst.shape[0]
    ES = 2 // G
    per_w = E // (ES * NS)
    nch = per_w // CH
    ntail = per_w - nch * CH
    nquad = nch // SLOTS
    nrem = nch - nquad * SLOTS
    mesh = plsc.VectorSubcoreMesh(core_axis_name="c", subcore_axis_name="s")
    rows_per_s = NP // NS
    zeros = jnp.zeros((CH, GW), jnp.float32)

    scratch = [
        pltpu.VMEM_SHARED((NP, GW), jnp.float32),
    ]
    scratch += [pltpu.VMEM((CH,), jnp.int32) for _ in range(SLOTS)]
    scratch += [pltpu.VMEM((CH,), jnp.int32) for _ in range(SLOTS)]
    scratch += [pltpu.VMEM((CH, GW), jnp.float32) for _ in range(SLOTS)]
    scratch += [pltpu.SemaphoreType.DMA] * (3 * SLOTS)
    if ntail:
        scratch += [pltpu.VMEM((ntail,), jnp.int32),
                    pltpu.VMEM((ntail,), jnp.int32)]

    @functools.partial(
        pl.kernel,
        out_type=jax.ShapeDtypeStruct((2 * NP, GW), jnp.float32),
        mesh=mesh,
        scratch_types=scratch,
    )
    def k(src_hbm, dst_hbm, v_hbm, z_hbm, out_hbm, acc, *scr):
        gi = scr[0:SLOTS]
        si = scr[SLOTS:2 * SLOTS]
        rows = scr[2 * SLOTS:3 * SLOTS]
        sem_i = scr[3 * SLOTS:4 * SLOTS]
        sem_g = scr[4 * SLOTS:5 * SLOTS]
        sem_s = scr[5 * SLOTS:6 * SLOTS]
        c = lax.axis_index("c")
        s = lax.axis_index("s")
        rbase = pl.multiple_of(s * rows_per_s, 8)
        if G == 1:
            dbase = (c * NS + s) * per_w
            ebase = dbase
        else:
            dbase = s * per_w
            ebase = c * E + dbase

        pltpu.sync_copy(z_hbm, rows[0])
        nfull = rows_per_s // CH
        zrem = rows_per_s - nfull * CH
        zdescs = [pltpu.async_copy(
            rows[0], acc.at[pl.ds(pl.multiple_of(rbase + t * CH, 8), CH)],
            sem_s[0]) for t in range(nfull)]
        if zrem:
            zdescs.append(pltpu.async_copy(
                rows[0].at[pl.ds(0, zrem)],
                acc.at[pl.ds(pl.multiple_of(rbase + nfull * CH, 8), zrem)],
                sem_s[0]))
        for d in zdescs:
            d.wait()
        plsc.subcore_barrier()

        def load_idx(b, jj):
            eoff = pl.multiple_of(ebase + jj * CH, 8)
            doff = pl.multiple_of(dbase + jj * CH, 8)
            d0 = pltpu.async_copy(src_hbm.at[pl.ds(eoff, CH)], gi[b], sem_i[b])
            d1 = pltpu.async_copy(dst_hbm.at[pl.ds(doff, CH)], si[b], sem_i[b])
            return (d0, d1)

        def fire_gather(b, idescs):
            idescs[0].wait()
            idescs[1].wait()
            return pltpu.async_copy(v_hbm.at[gi[b]], rows[b], sem_g[b])

        @pl.loop(0, nquad)
        def _(p):
            idescs = [load_idx(b, p * SLOTS + b) for b in range(SLOTS)]
            gdescs = [fire_gather(b, idescs[b]) for b in range(SLOTS)]
            sdescs = []
            for b in range(SLOTS):
                gdescs[b].wait()
                sdescs.append(
                    pltpu.async_copy(rows[b], acc.at[si[b]], sem_s[b], add=True))
            for b in range(SLOTS):
                sdescs[b].wait()

        if nrem:
            idescs = [load_idx(b, nquad * SLOTS + b) for b in range(nrem)]
            gdescs = [fire_gather(b, idescs[b]) for b in range(nrem)]
            for b in range(nrem):
                gdescs[b].wait()
                pltpu.async_copy(rows[b], acc.at[si[b]], sem_s[b], add=True).wait()

        if ntail:
            gi_t, si_t = scr[6 * SLOTS:6 * SLOTS + 2]
            rows_t = rows[0].at[pl.ds(0, ntail)]
            eoff = pl.multiple_of(ebase + nch * CH, 8)
            doff = pl.multiple_of(dbase + nch * CH, 8)
            pltpu.sync_copy(src_hbm.at[pl.ds(eoff, ntail)], gi_t)
            pltpu.sync_copy(dst_hbm.at[pl.ds(doff, ntail)], si_t)
            pltpu.async_copy(v_hbm.at[gi_t], rows_t, sem_g[0]).wait()
            pltpu.async_copy(rows_t, acc.at[si_t], sem_s[0], add=True).wait()

        plsc.subcore_barrier()
        obase = pl.multiple_of(c * NP + s * rows_per_s, 8)
        pltpu.sync_copy(acc.at[pl.ds(rbase, rows_per_s)],
                        out_hbm.at[pl.ds(obase, rows_per_s)])
        plsc.subcore_barrier()

    return k(src2, dst, v, zeros)


def _tc_prep(degp, x, src):
    E = src.shape[0]

    def body(degp_ref, x_ref, src_ref, ds_ref, v0_ref, src2_ref):
        deg = jnp.sum(degp_ref[...], axis=0) + 1.0
        ds = lax.rsqrt(deg)[:, None]
        ds_ref[...] = ds
        v0_ref[0:N, :] = x_ref[...] * ds
        v0_ref[N:NP, :] = jnp.zeros((NP - N, GW), jnp.float32)
        src2_ref[0:E] = src_ref[...]
        src2_ref[E:2 * E] = src_ref[...] + NP

    return pl.pallas_call(
        body,
        out_shape=(jax.ShapeDtypeStruct((N, 1), jnp.float32),
                   jax.ShapeDtypeStruct((NP, GW), jnp.float32),
                   jax.ShapeDtypeStruct((2 * E, ), jnp.int32)),
    )(degp, x, src)


def _tc_layer1(agg0, v0, ds, W1, b1):
    B = 2048

    def body(agg_ref, v0_ref, ds_ref, w_ref, b_ref, x1_ref, v1_ref):
        ds = ds_ref[...]
        u = (agg_ref[0] + agg_ref[1] + v0_ref[...]) * ds
        x1 = jnp.dot(u, w_ref[...], preferred_element_type=jnp.float32,
                     precision=lax.Precision.HIGHEST) + b_ref[...][None, :]
        x1_ref[...] = x1
        v1_ref[0] = x1[:, 0:GW] * ds
        v1_ref[1] = x1[:, GW:2 * GW] * ds

    return pl.pallas_call(
        body,
        grid=(NP // B,),
        in_specs=[
            pl.BlockSpec((2, B, GW), lambda i: (0, i, 0)),
            pl.BlockSpec((B, GW), lambda i: (i, 0)),
            pl.BlockSpec((B, 1), lambda i: (i, 0)),
            pl.BlockSpec((D_IN, D_H), lambda i: (0, 0)),
            pl.BlockSpec((D_H,), lambda i: (0,)),
        ],
        out_specs=(pl.BlockSpec((B, D_H), lambda i: (i, 0)),
                   pl.BlockSpec((2, B, GW), lambda i: (0, i, 0))),
        out_shape=(jax.ShapeDtypeStruct((N, D_H), jnp.float32),
                   jax.ShapeDtypeStruct((2, NP, GW), jnp.float32)),
    )(agg0, v0, ds, W1, b1)


def _tc_layer2(agg1, v1, ds, W2, b2, Wc, bc):
    B = 2048
    C = Wc.shape[1]

    def body(agg_ref, v1_ref, ds_ref, w2_ref, b2_ref, wc_ref, bc_ref, x2_ref, y_ref):
        ds = ds_ref[...]
        u = jnp.concatenate(
            [agg_ref[g] + v1_ref[g] for g in range(D_H // GW)], axis=1) * ds
        x2 = jnp.dot(u, w2_ref[...], preferred_element_type=jnp.float32,
                     precision=lax.Precision.HIGHEST) + b2_ref[...][None, :]
        x2_ref[...] = x2
        y_ref[...] = jnp.dot(x2, wc_ref[...], preferred_element_type=jnp.float32,
                             precision=lax.Precision.HIGHEST) + bc_ref[...][None, :]

    return pl.pallas_call(
        body,
        grid=(NP // B,),
        in_specs=[
            pl.BlockSpec((2, B, GW), lambda i: (0, i, 0)),
            pl.BlockSpec((2, B, GW), lambda i: (0, i, 0)),
            pl.BlockSpec((B, 1), lambda i: (i, 0)),
            pl.BlockSpec((D_H, D_H), lambda i: (0, 0)),
            pl.BlockSpec((D_H,), lambda i: (0,)),
            pl.BlockSpec((D_H, C), lambda i: (0, 0)),
            pl.BlockSpec((C,), lambda i: (0,)),
        ],
        out_specs=(pl.BlockSpec((B, D_H), lambda i: (i, 0)),
                   pl.BlockSpec((B, C), lambda i: (i, 0))),
        out_shape=(jax.ShapeDtypeStruct((N, D_H), jnp.float32),
                   jax.ShapeDtypeStruct((N, C), jnp.float32)),
    )(agg1, v1, ds, W2, b2, Wc, bc)


def kernel(x, edge_index, W1, b1, W2, b2, Wc, bc):
    src = edge_index[0]
    dst = edge_index[1]
    degp = _sc_degree(dst).reshape(NC * NS, N)
    ds, v0, src2 = _tc_prep(degp, x, src)
    agg0 = _sc_aggregate(src2, dst, v0, 1).reshape(2, NP, GW)
    x1, v1 = _tc_layer1(agg0, v0, ds, W1, b1)
    agg1 = _sc_aggregate(src2, dst, v1.reshape(2 * NP, GW), 2).reshape(2, NP, GW)
    x2, y = _tc_layer2(agg1, v1, ds, W2, b2, Wc, bc)
    return (x1, x2, y)

# --- scband reference (transcript-rebuilt; emitter-appended) ---
"""Pipeline reference for scband-net-79525614453071 (READ-ONLY COPY).

The authoritative reference and input builder live on the scoring server;
editing this copy changes nothing except your own understanding.
"""

import jax, jax.numpy as jnp
import numpy as np

N = 10000
E = 320000
D_IN = 128
D_H = 256
C = 40


def glorot(key, shape):
    fan_in, fan_out = shape[0], shape[1]
    limit = float(np.sqrt(6.0 / (fan_in + fan_out)))
    return jax.random.uniform(key, shape, dtype=jnp.float32, minval=-limit, maxval=limit)


def setup_inputs(seed: int = 0) -> dict:
    key = jax.random.key(seed)
    ks = jax.random.split(key, 8)
    x = jax.random.normal(ks[0], (N, D_IN), dtype=jnp.float32)
    edge_index = jax.random.randint(ks[1], (2, E), 0, N, dtype=jnp.int32)
    W1 = glorot(ks[2], (D_IN, D_H))
    b1 = jnp.zeros((D_H,), dtype=jnp.float32)
    W2 = glorot(ks[3], (D_H, D_H))
    b2 = jnp.zeros((D_H,), dtype=jnp.float32)
    Wc = glorot(ks[4], (D_H, C))
    bc = jnp.zeros((C,), dtype=jnp.float32)
    return {"x": x, "edge_index": edge_index, "W1": W1, "b1": b1, "W2": W2, "b2": b2, "Wc": Wc, "bc": bc}


def _gcn_conv(x, W, b, src, dst, n):
    # PyG GCNConv semantics: linear transform, add self-loops, symmetric normalization,
    # scatter-add aggregation, bias.
    sl = jnp.arange(n, dtype=src.dtype)
    src2 = jnp.concatenate([src, sl])
    dst2 = jnp.concatenate([dst, sl])
    deg = jnp.zeros((n,), dtype=x.dtype).at[dst2].add(1.0)
    d_inv_sqrt = jnp.where(deg > 0, deg ** -0.5, 0.0)
    norm = d_inv_sqrt[src2] * d_inv_sqrt[dst2]
    h = x @ W
    msg = h[src2] * norm[:, None]
    out = jnp.zeros((n, W.shape[1]), dtype=x.dtype).at[dst2].add(msg)
    return out + b


def reference(x, edge_index, W1, b1, W2, b2, Wc, bc):
    src = edge_index[0]
    dst = edge_index[1]
    x1 = _gcn_conv(x, W1, b1, src, dst, N)
    x2 = _gcn_conv(x1, W2, b2, src, dst, N)
    # LinearClassifier: dropout (identity in eval, p=0.0) then linear projection
    y = x2 @ Wc + bc
    return (x1, x2, y)

if __name__ == "__main__":
    import jax
    _d = setup_inputs()
    print(jax.jit(kernel)(*tuple(_d.values())))

</pallas_src>

<mosaic_0001>
#map = affine_map<(d0, d1) -> (0)>
#map1 = affine_map<(d0, d1) -> (0, 0)>
module attributes {stable_mosaic.version = 14 : i64} {
  func.func @k(%arg0: i32, %arg1: i32, %arg2: memref<640000xi32, #tpu.memory_space<hbm>>, %arg3: memref<320000xi32, #tpu.memory_space<hbm>>, %arg4: memref<10240x128xf32, #tpu.memory_space<hbm>>, %arg5: memref<32x128xf32, #tpu.memory_space<hbm>>, %arg6: memref<20480x128xf32, #tpu.memory_space<hbm>>, %arg7: memref<10240x128xf32, #tpu.memory_space<vmem_shared>>, %arg8: memref<32xi32, #tpu.memory_space<vmem>>, %arg9: memref<32xi32, #tpu.memory_space<vmem>>, %arg10: memref<32xi32, #tpu.memory_space<vmem>>, %arg11: memref<32xi32, #tpu.memory_space<vmem>>, %arg12: memref<32xi32, #tpu.memory_space<vmem>>, %arg13: memref<32xi32, #tpu.memory_space<vmem>>, %arg14: memref<32xi32, #tpu.memory_space<vmem>>, %arg15: memref<32xi32, #tpu.memory_space<vmem>>, %arg16: memref<32xi32, #tpu.memory_space<vmem>>, %arg17: memref<32xi32, #tpu.memory_space<vmem>>, %arg18: memref<32xi32, #tpu.memory_space<vmem>>, %arg19: memref<32xi32, #tpu.memory_space<vmem>>, %arg20: memref<32xi32, #tpu.memory_space<vmem>>, %arg21: memref<32xi32, #tpu.memory_space<vmem>>, %arg22: memref<32xi32, #tpu.memory_space<vmem>>, %arg23: memref<32xi32, #tpu.memory_space<vmem>>, %arg24: memref<32xi32, #tpu.memory_space<vmem>>, %arg25: memref<32xi32, #tpu.memory_space<vmem>>, %arg26: memref<32xi32, #tpu.memory_space<vmem>>, %arg27: memref<32xi32, #tpu.memory_space<vmem>>, %arg28: memref<32x128xf32, #tpu.memory_space<vmem>>, %arg29: memref<32x128xf32, #tpu.memory_space<vmem>>, %arg30: memref<32x128xf32, #tpu.memory_space<vmem>>, %arg31: memref<32x128xf32, #tpu.memory_space<vmem>>, %arg32: memref<32x128xf32, #tpu.memory_space<vmem>>, %arg33: memref<32x128xf32, #tpu.memory_space<vmem>>, %arg34: memref<32x128xf32, #tpu.memory_space<vmem>>, %arg35: memref<32x128xf32, #tpu.memory_space<vmem>>, %arg36: memref<32x128xf32, #tpu.memory_space<vmem>>, %arg37: memref<32x128xf32, #tpu.memory_space<vmem>>, %arg38: memref<!tpu.dma_semaphore, #tpu.memory_space<semaphore_mem>>, %arg39: memref<!tpu.dma_semaphore, #tpu.memory_space<semaphore_mem>>, %arg40: memref<!tpu.dma_semaphore, #tpu.memory_space<semaphore_mem>>, %arg41: memref<!tpu.dma_semaphore, #tpu.memory_space<semaphore_mem>>, %arg42: memref<!tpu.dma_semaphore, #tpu.memory_space<semaphore_mem>>, %arg43: memref<!tpu.dma_semaphore, #tpu.memory_space<semaphore_mem>>, %arg44: memref<!tpu.dma_semaphore, #tpu.memory_space<semaphore_mem>>, %arg45: memref<!tpu.dma_semaphore, #tpu.memory_space<semaphore_mem>>, %arg46: memref<!tpu.dma_semaphore, #tpu.memory_space<semaphore_mem>>, %arg47: memref<!tpu.dma_semaphore, #tpu.memory_space<semaphore_mem>>, %arg48: memref<!tpu.dma_semaphore, #tpu.memory_space<semaphore_mem>>, %arg49: memref<!tpu.dma_semaphore, #tpu.memory_space<semaphore_mem>>, %arg50: memref<!tpu.dma_semaphore, #tpu.memory_space<semaphore_mem>>, %arg51: memref<!tpu.dma_semaphore, #tpu.memory_space<semaphore_mem>>, %arg52: memref<!tpu.dma_semaphore, #tpu.memory_space<semaphore_mem>>, %arg53: memref<!tpu.dma_semaphore, #tpu.memory_space<semaphore_mem>>, %arg54: memref<!tpu.dma_semaphore, #tpu.memory_space<semaphore_mem>>, %arg55: memref<!tpu.dma_semaphore, #tpu.memory_space<semaphore_mem>>, %arg56: memref<!tpu.dma_semaphore, #tpu.memory_space<semaphore_mem>>, %arg57: memref<!tpu.dma_semaphore, #tpu.memory_space<semaphore_mem>>, %arg58: memref<!tpu.dma_semaphore, #tpu.memory_space<semaphore_mem>>, %arg59: memref<!tpu.dma_semaphore, #tpu.memory_space<semaphore_mem>>, %arg60: memref<!tpu.dma_semaphore, #tpu.memory_space<semaphore_mem>>, %arg61: memref<!tpu.dma_semaphore, #tpu.memory_space<semaphore_mem>>, %arg62: memref<!tpu.dma_semaphore, #tpu.memory_space<semaphore_mem>>, %arg63: memref<!tpu.dma_semaphore, #tpu.memory_space<semaphore_mem>>, %arg64: memref<!tpu.dma_semaphore, #tpu.memory_space<semaphore_mem>>, %arg65: memref<!tpu.dma_semaphore, #tpu.memory_space<semaphore_mem>>, %arg66: memref<!tpu.dma_semaphore, #tpu.memory_space<semaphore_mem>>, %arg67: memref<!tpu.dma_semaphore, #tpu.memory_space<semaphore_mem>>, %arg68: memref<16xi32, #tpu.memory_space<vmem>>, %arg69: memref<16xi32, #tpu.memory_space<vmem>>) attributes {dimension_semantics = [#tpu.dimension_semantics<core_parallel>, #tpu.dimension_semantics<subcore_parallel>], iteration_bounds = array<i64: 2, 16>, scalar_prefetch = 0 : i64, scratch_operands = 63 : i64, tpu.core_type = #tpu.core_type<sc_vector_subcore>, window_params = [{transform_indices = #map}, {transform_indices = #map}, {transform_indices = #map1}, {transform_indices = #map1}, {transform_indices = #map1}]} {
    %mul3A = arith.constant 640 : i32
    %mul3A_0 = arith.muli %arg1, %mul3A : i32
    %multiple_of3A = tpu.assume_multiple %mul3A_0, 8 : i32
    %mul3A_1 = arith.constant 16 : i32
    %mul3A_2 = arith.muli %arg0, %mul3A_1 : i32
    %add3A = arith.addi %mul3A_2, %arg1 : i32
    %mul3A_3 = arith.constant 10000 : i32
    %mul3A_4 = arith.muli %add3A, %mul3A_3 : i32
    "tpu.region"() ({
      %run_scoped3A = tpu.sem_alloc : memref<!tpu.dma_semaphore, #tpu.memory_space<semaphore_mem>>
      tpu.enqueue_dma source(%arg5 : memref<32x128xf32, #tpu.memory_space<hbm>>) target(%arg28 : memref<32x128xf32, #tpu.memory_space<vmem>>) target_semaphore(%run_scoped3A : memref<!tpu.dma_semaphore, #tpu.memory_space<semaphore_mem>>)
      tpu.wait_dma2 semaphore(%run_scoped3A : memref<!tpu.dma_semaphore, #tpu.memory_space<semaphore_mem>>) src(%arg5 : memref<32x128xf32, #tpu.memory_space<hbm>>) dst(%arg28 : memref<32x128xf32, #tpu.memory_space<vmem>>)
      tpu.yield
    }) : () -> ()
    %add3A_5 = arith.constant 0 : i32
    %add3A_6 = arith.addi %multiple_of3A, %add3A_5 : i32
    %multiple_of3A_7 = tpu.assume_multiple %add3A_6, 8 : i32
    %dma_start3A = arith.constant 0 : i32
    %dma_start3A_8 = tpu.memref_slice %arg7[%multiple_of3A_7, %dma_start3A] : memref<10240x128xf32, #tpu.memory_space<vmem_shared>> -> memref<32x128xf32, #tpu.memory_space<vmem_shared>>
    %dma_start3A_9 = arith.constant 0 : i32
    %dma_start3A_10 = tpu.memref_slice %arg7[%multiple_of3A_7, %dma_start3A_9] : memref<10240x128xf32, #tpu.memory_space<vmem_shared>> -> memref<32x128xf32, #tpu.memory_space<vmem_shared>>
    tpu.enqueue_dma source(%arg28 : memref<32x128xf32, #tpu.memory_space<vmem>>) target(%dma_start3A_10 : memref<32x128xf32, #tpu.memory_space<vmem_shared>>) target_semaphore(%arg58 : memref<!tpu.dma_semaphore, #tpu.memory_space<semaphore_mem>>)
    %add3A_11 = arith.constant 32 : i32
    %add3A_12 = arith.addi %multiple_of3A, %add3A_11 : i32
    %multiple_of3A_13 = tpu.assume_multiple %add3A_12, 8 : i32
    %dma_start3A_14 = arith.constant 0 : i32
    %dma_start3A_15 = tpu.memref_slice %arg7[%multiple_of3A_13, %dma_start3A_14] : memref<10240x128xf32, #tpu.memory_space<vmem_shared>> -> memref<32x128xf32, #tpu.memory_space<vmem_shared>>
    %dma_start3A_16 = arith.constant 0 : i32
    %dma_start3A_17 = tpu.memref_slice %arg7[%multiple_of3A_13, %dma_start3A_16] : memref<10240x128xf32, #tpu.memory_space<vmem_shared>> -> memref<32x128xf32, #tpu.memory_space<vmem_shared>>
    tpu.enqueue_dma source(%arg28 : memref<32x128xf32, #tpu.memory_space<vmem>>) target(%dma_start3A_17 : memref<32x128xf32, #tpu.memory_space<vmem_shared>>) target_semaphore(%arg58 : memref<!tpu.dma_semaphore, #tpu.memory_space<semaphore_mem>>)
    %add3A_18 = arith.constant 64 : i32
    %add3A_19 = arith.addi %multiple_of3A, %add3A_18 : i32
    %multiple_of3A_20 = tpu.assume_multiple %add3A_19, 8 : i32
    %dma_start3A_21 = arith.constant 0 : i32
    %dma_start3A_22 = tpu.memref_slice %arg7[%multiple_of3A_20, %dma_start3A_21] : memref<10240x128xf32, #tpu.memory_space<vmem_shared>> -> memref<32x128xf32, #tpu.memory_space<vmem_shared>>
    %dma_start3A_23 = arith.constant 0 : i32
    %dma_start3A_24 = tpu.memref_slice %arg7[%multiple_of3A_20, %dma_start3A_23] : memref<10240x128xf32, #tpu.memory_space<vmem_shared>> -> memref<32x128xf32, #tpu.memory_space<vmem_shared>>
    tpu.enqueue_dma source(%arg28 : memref<32x128xf32, #tpu.memory_space<vmem>>) target(%dma_start3A_24 : memref<32x128xf32, #tpu.memory_space<vmem_shared>>) target_semaphore(%arg58 : memref<!tpu.dma_semaphore, #tpu.memory_space<semaphore_mem>>)
    %add3A_25 = arith.constant 96 : i32
    %add3A_26 = arith.addi %multiple_of3A, %add3A_25 : i32
    %multiple_of3A_27 = tpu.assume_multiple %add3A_26, 8 : i32
    %dma_start3A_28 = arith.constant 0 : i32
    %dma_start3A_29 = tpu.memref_slice %arg7[%multiple_of3A_27, %dma_start3A_28] : memref<10240x128xf32, #tpu.memory_space<vmem_shared>> -> memref<32x128xf32, #tpu.memory_space<vmem_shared>>
    %dma_start3A_30 = arith.constant 0 : i32
    %dma_start3A_31 = tpu.memref_slice %arg7[%multiple_of3A_27, %dma_start3A_30] : memref<10240x128xf32, #tpu.memory_space<vmem_shared>> -> memref<32x128xf32, #tpu.memory_space<vmem_shared>>
    tpu.enqueue_dma source(%arg28 : memref<32x128xf32, #tpu.memory_space<vmem>>) target(%dma_start3A_31 : memref<32x128xf32, #tpu.memory_space<vmem_shared>>) target_semaphore(%arg58 : memref<!tpu.dma_semaphore, #tpu.memory_space<semaphore_mem>>)
    %add3A_32 = arith.constant 128 : i32
    %add3A_33 = arith.addi %multiple_of3A, %add3A_32 : i32
    %multiple_of3A_34 = tpu.assume_multiple %add3A_33, 8 : i32
    %dma_start3A_35 = arith.constant 0 : i32
    %dma_start3A_36 = tpu.memref_slice %arg7[%multiple_of3A_34, %dma_start3A_35] : memref<10240x128xf32, #tpu.memory_space<vmem_shared>> -> memref<32x128xf32, #tpu.memory_space<vmem_shared>>
    %dma_start3A_37 = arith.constant 0 : i32
    %dma_start3A_38 = tpu.memref_slice %arg7[%multiple_of3A_34, %dma_start3A_37] : memref<10240x128xf32, #tpu.memory_space<vmem_shared>> -> memref<32x128xf32, #tpu.memory_space<vmem_shared>>
    tpu.enqueue_dma source(%arg28 : memref<32x128xf32, #tpu.memory_space<vmem>>) target(%dma_start3A_38 : memref<32x128xf32, #tpu.memory_space<vmem_shared>>) target_semaphore(%arg58 : memref<!tpu.dma_semaphore, #tpu.memory_space<semaphore_mem>>)
    %add3A_39 = arith.constant 160 : i32
    %add3A_40 = arith.addi %multiple_of3A, %add3A_39 : i32
    %multiple_of3A_41 = tpu.assume_multiple %add3A_40, 8 : i32
    %dma_start3A_42 = arith.constant 0 : i32
    %dma_start3A_43 = tpu.memref_slice %arg7[%multiple_of3A_41, %dma_start3A_42] : memref<10240x128xf32, #tpu.memory_space<vmem_shared>> -> memref<32x128xf32, #tpu.memory_space<vmem_shared>>
    %dma_start3A_44 = arith.constant 0 : i32
    %dma_start3A_45 = tpu.memref_slice %arg7[%multiple_of3A_41, %dma_start3A_44] : memref<10240x128xf32, #tpu.memory_space<vmem_shared>> -> memref<32x128xf32, #tpu.memory_space<vmem_shared>>
    tpu.enqueue_dma source(%arg28 : memref<32x128xf32, #tpu.memory_space<vmem>>) target(%dma_start3A_45 : memref<32x128xf32, #tpu.memory_space<vmem_shared>>) target_semaphore(%arg58 : memref<!tpu.dma_semaphore, #tpu.memory_space<semaphore_mem>>)
    %add3A_46 = arith.constant 192 : i32
    %add3A_47 = arith.addi %multiple_of3A, %add3A_46 : i32
    %multiple_of3A_48 = tpu.assume_multiple %add3A_47, 8 : i32
    %dma_start3A_49 = arith.constant 0 : i32
    %dma_start3A_50 = tpu.memref_slice %arg7[%multiple_of3A_48, %dma_start3A_49] : memref<10240x128xf32, #tpu.memory_space<vmem_shared>> -> memref<32x128xf32, #tpu.memory_space<vmem_shared>>
    %dma_start3A_51 = arith.constant 0 : i32
    %dma_start3A_52 = tpu.memref_slice %arg7[%multiple_of3A_48, %dma_start3A_51] : memref<10240x128xf32, #tpu.memory_space<vmem_shared>> -> memref<32x128xf32, #tpu.memory_space<vmem_shared>>
    tpu.enqueue_dma source(%arg28 : memref<32x128xf32, #tpu.memory_space<vmem>>) target(%dma_start3A_52 : memref<32x128xf32, #tpu.memory_space<vmem_shared>>) target_semaphore(%arg58 : memref<!tpu.dma_semaphore, #tpu.memory_space<semaphore_mem>>)
    %add3A_53 = arith.constant 224 : i32
    %add3A_54 = arith.addi %multiple_of3A, %add3A_53 : i32
    %multiple_of3A_55 = tpu.assume_multiple %add3A_54, 8 : i32
    %dma_start3A_56 = arith.constant 0 : i32
    %dma_start3A_57 = tpu.memref_slice %arg7[%multiple_of3A_55, %dma_start3A_56] : memref<10240x128xf32, #tpu.memory_space<vmem_shared>> -> memref<32x128xf32, #tpu.memory_space<vmem_shared>>
    %dma_start3A_58 = arith.constant 0 : i32
    %dma_start3A_59 = tpu.memref_slice %arg7[%multiple_of3A_55, %dma_start3A_58] : memref<10240x128xf32, #tpu.memory_space<vmem_shared>> -> memref<32x128xf32, #tpu.memory_space<vmem_shared>>
    tpu.enqueue_dma source(%arg28 : memref<32x128xf32, #tpu.memory_space<vmem>>) target(%dma_start3A_59 : memref<32x128xf32, #tpu.memory_space<vmem_shared>>) target_semaphore(%arg58 : memref<!tpu.dma_semaphore, #tpu.memory_space<semaphore_mem>>)
    %add3A_60 = arith.constant 256 : i32
    %add3A_61 = arith.addi %multiple_of3A, %add3A_60 : i32
    %multiple_of3A_62 = tpu.assume_multiple %add3A_61, 8 : i32
    %dma_start3A_63 = arith.constant 0 : i32
    %dma_start3A_64 = tpu.memref_slice %arg7[%multiple_of3A_62, %dma_start3A_63] : memref<10240x128xf32, #tpu.memory_space<vmem_shared>> -> memref<32x128xf32, #tpu.memory_space<vmem_shared>>
    %dma_start3A_65 = arith.constant 0 : i32
    %dma_start3A_66 = tpu.memref_slice %arg7[%multiple_of3A_62, %dma_start3A_65] : memref<10240x128xf32, #tpu.memory_space<vmem_shared>> -> memref<32x128xf32, #tpu.memory_space<vmem_shared>>
    tpu.enqueue_dma source(%arg28 : memref<32x128xf32, #tpu.memory_space<vmem>>) target(%dma_start3A_66 : memref<32x128xf32, #tpu.memory_space<vmem_shared>>) target_semaphore(%arg58 : memref<!tpu.dma_semaphore, #tpu.memory_space<semaphore_mem>>)
    %add3A_67 = arith.constant 288 : i32
    %add3A_68 = arith.addi %multiple_of3A, %add3A_67 : i32
    %multiple_of3A_69 = tpu.assume_multiple %add3A_68, 8 : i32
    %dma_start3A_70 = arith.constant 0 : i32
    %dma_start3A_71 = tpu.memref_slice %arg7[%multiple_of3A_69, %dma_start3A_70] : memref<10240x128xf32, #tpu.memory_space<vmem_shared>> -> memref<32x128xf32, #tpu.memory_space<vmem_shared>>
    %dma_start3A_72 = arith.constant 0 : i32
    %dma_start3A_73 = tpu.memref_slice %arg7[%multiple_of3A_69, %dma_start3A_72] : memref<10240x128xf32, #tpu.memory_space<vmem_shared>> -> memref<32x128xf32, #tpu.memory_space<vmem_shared>>
    tpu.enqueue_dma source(%arg28 : memref<32x128xf32, #tpu.memory_space<vmem>>) target(%dma_start3A_73 : memref<32x128xf32, #tpu.memory_space<vmem_shared>>) target_semaphore(%arg58 : memref<!tpu.dma_semaphore, #tpu.memory_space<semaphore_mem>>)
    %add3A_74 = arith.constant 320 : i32
    %add3A_75 = arith.addi %multiple_of3A, %add3A_74 : i32
    %multiple_of3A_76 = tpu.assume_multiple %add3A_75, 8 : i32
    %dma_start3A_77 = arith.constant 0 : i32
    %dma_start3A_78 = tpu.memref_slice %arg7[%multiple_of3A_76, %dma_start3A_77] : memref<10240x128xf32, #tpu.memory_space<vmem_shared>> -> memref<32x128xf32, #tpu.memory_space<vmem_shared>>
    %dma_start3A_79 = arith.constant 0 : i32
    %dma_start3A_80 = tpu.memref_slice %arg7[%multiple_of3A_76, %dma_start3A_79] : memref<10240x128xf32, #tpu.memory_space<vmem_shared>> -> memref<32x128xf32, #tpu.memory_space<vmem_shared>>
    tpu.enqueue_dma source(%arg28 : memref<32x128xf32, #tpu.memory_space<vmem>>) target(%dma_start3A_80 : memref<32x128xf32, #tpu.memory_space<vmem_shared>>) target_semaphore(%arg58 : memref<!tpu.dma_semaphore, #tpu.memory_space<semaphore_mem>>)
    %add3A_81 = arith.constant 352 : i32
    %add3A_82 = arith.addi %multiple_of3A, %add3A_81 : i32
    %multiple_of3A_83 = tpu.assume_multiple %add3A_82, 8 : i32
    %dma_start3A_84 = arith.constant 0 : i32
    %dma_start3A_85 = tpu.memref_slice %arg7[%multiple_of3A_83, %dma_start3A_84] : memref<10240x128xf32, #tpu.memory_space<vmem_shared>> -> memref<32x128xf32, #tpu.memory_space<vmem_shared>>
    %dma_start3A_86 = arith.constant 0 : i32
    %dma_start3A_87 = tpu.memref_slice %arg7[%multiple_of3A_83, %dma_start3A_86] : memref<10240x128xf32, #tpu.memory_space<vmem_shared>> -> memref<32x128xf32, #tpu.memory_space<vmem_shared>>
    tpu.enqueue_dma source(%arg28 : memref<32x128xf32, #tpu.memory_space<vmem>>) target(%dma_start3A_87 : memref<32x128xf32, #tpu.memory_space<vmem_shared>>) target_semaphore(%arg58 : memref<!tpu.dma_semaphore, #tpu.memory_space<semaphore_mem>>)
    %add3A_88 = arith.constant 384 : i32
    %add3A_89 = arith.addi %multiple_of3A, %add3A_88 : i32
    %multiple_of3A_90 = tpu.assume_multiple %add3A_89, 8 : i32
    %dma_start3A_91 = arith.constant 0 : i32
    %dma_start3A_92 = tpu.memref_slice %arg7[%multiple_of3A_90, %dma_start3A_91] : memref<10240x128xf32, #tpu.memory_space<vmem_shared>> -> memref<32x128xf32, #tpu.memory_space<vmem_shared>>
    %dma_start3A_93 = arith.constant 0 : i32
    %dma_start3A_94 = tpu.memref_slice %arg7[%multiple_of3A_90, %dma_start3A_93] : memref<10240x128xf32, #tpu.memory_space<vmem_shared>> -> memref<32x128xf32, #tpu.memory_space<vmem_shared>>
    tpu.enqueue_dma source(%arg28 : memref<32x128xf32, #tpu.memory_space<vmem>>) target(%dma_start3A_94 : memref<32x128xf32, #tpu.memory_space<vmem_shared>>) target_semaphore(%arg58 : memref<!tpu.dma_semaphore, #tpu.memory_space<semaphore_mem>>)
    %add3A_95 = arith.constant 416 : i32
    %add3A_96 = arith.addi %multiple_of3A, %add3A_95 : i32
    %multiple_of3A_97 = tpu.assume_multiple %add3A_96, 8 : i32
    %dma_start3A_98 = arith.constant 0 : i32
    %dma_start3A_99 = tpu.memref_slice %arg7[%multiple_of3A_97, %dma_start3A_98] : memref<10240x128xf32, #tpu.memory_space<vmem_shared>> -> memref<32x128xf32, #tpu.memory_space<vmem_shared>>
    %dma_start3A_100 = arith.constant 0 : i32
    %dma_start3A_101 = tpu.memref_slice %arg7[%multiple_of3A_97, %dma_start3A_100] : memref<10240x128xf32, #tpu.memory_space<vmem_shared>> -> memref<32x128xf32, #tpu.memory_space<vmem_shared>>
    tpu.enqueue_dma source(%arg28 : memref<32x128xf32, #tpu.memory_space<vmem>>) target(%dma_start3A_101 : memref<32x128xf32, #tpu.memory_space<vmem_shared>>) target_semaphore(%arg58 : memref<!tpu.dma_semaphore, #tpu.memory_space<semaphore_mem>>)
    %add3A_102 = arith.constant 448 : i32
    %add3A_103 = arith.addi %multiple_of3A, %add3A_102 : i32
    %multiple_of3A_104 = tpu.assume_multiple %add3A_103, 8 : i32
    %dma_start3A_105 = arith.constant 0 : i32
    %dma_start3A_106 = tpu.memref_slice %arg7[%multiple_of3A_104, %dma_start3A_105] : memref<10240x128xf32, #tpu.memory_space<vmem_shared>> -> memref<32x128xf32, #tpu.memory_space<vmem_shared>>
    %dma_start3A_107 = arith.constant 0 : i32
    %dma_start3A_108 = tpu.memref_slice %arg7[%multiple_of3A_104, %dma_start3A_107] : memref<10240x128xf32, #tpu.memory_space<vmem_shared>> -> memref<32x128xf32, #tpu.memory_space<vmem_shared>>
    tpu.enqueue_dma source(%arg28 : memref<32x128xf32, #tpu.memory_space<vmem>>) target(%dma_start3A_108 : memref<32x128xf32, #tpu.memory_space<vmem_shared>>) target_semaphore(%arg58 : memref<!tpu.dma_semaphore, #tpu.memory_space<semaphore_mem>>)
    %add3A_109 = arith.constant 480 : i32
    %add3A_110 = arith.addi %multiple_of3A, %add3A_109 : i32
    %multiple_of3A_111 = tpu.assume_multiple %add3A_110, 8 : i32
    %dma_start3A_112 = arith.constant 0 : i32
    %dma_start3A_113 = tpu.memref_slice %arg7[%multiple_of3A_111, %dma_start3A_112] : memref<10240x128xf32, #tpu.memory_space<vmem_shared>> -> memref<32x128xf32, #tpu.memory_space<vmem_shared>>
    %dma_start3A_114 = arith.constant 0 : i32
    %dma_start3A_115 = tpu.memref_slice %arg7[%multiple_of3A_111, %dma_start3A_114] : memref<10240x128xf32, #tpu.memory_space<vmem_shared>> -> memref<32x128xf32, #tpu.memory_space<vmem_shared>>
    tpu.enqueue_dma source(%arg28 : memref<32x128xf32, #tpu.memory_space<vmem>>) target(%dma_start3A_115 : memref<32x128xf32, #tpu.memory_space<vmem_shared>>) target_semaphore(%arg58 : memref<!tpu.dma_semaphore, #tpu.memory_space<semaphore_mem>>)
    %add3A_116 = arith.constant 512 : i32
    %add3A_117 = arith.addi %multiple_of3A, %add3A_116 : i32
    %multiple_of3A_118 = tpu.assume_multiple %add3A_117, 8 : i32
    %dma_start3A_119 = arith.constant 0 : i32
    %dma_start3A_120 = tpu.memref_slice %arg7[%multiple_of3A_118, %dma_start3A_119] : memref<10240x128xf32, #tpu.memory_space<vmem_shared>> -> memref<32x128xf32, #tpu.memory_space<vmem_shared>>
    %dma_start3A_121 = arith.constant 0 : i32
    %dma_start3A_122 = tpu.memref_slice %arg7[%multiple_of3A_118, %dma_start3A_121] : memref<10240x128xf32, #tpu.memory_space<vmem_shared>> -> memref<32x128xf32, #tpu.memory_space<vmem_shared>>
    tpu.enqueue_dma source(%arg28 : memref<32x128xf32, #tpu.memory_space<vmem>>) target(%dma_start3A_122 : memref<32x128xf32, #tpu.memory_space<vmem_shared>>) target_semaphore(%arg58 : memref<!tpu.dma_semaphore, #tpu.memory_space<semaphore_mem>>)
    %add3A_123 = arith.constant 544 : i32
    %add3A_124 = arith.addi %multiple_of3A, %add3A_123 : i32
    %multiple_of3A_125 = tpu.assume_multiple %add3A_124, 8 : i32
    %dma_start3A_126 = arith.constant 0 : i32
    %dma_start3A_127 = tpu.memref_slice %arg7[%multiple_of3A_125, %dma_start3A_126] : memref<10240x128xf32, #tpu.memory_space<vmem_shared>> -> memref<32x128xf32, #tpu.memory_space<vmem_shared>>
    %dma_start3A_128 = arith.constant 0 : i32
    %dma_start3A_129 = tpu.memref_slice %arg7[%multiple_of3A_125, %dma_start3A_128] : memref<10240x128xf32, #tpu.memory_space<vmem_shared>> -> memref<32x128xf32, #tpu.memory_space<vmem_shared>>
    tpu.enqueue_dma source(%arg28 : memref<32x128xf32, #tpu.memory_space<vmem>>) target(%dma_start3A_129 : memref<32x128xf32, #tpu.memory_space<vmem_shared>>) target_semaphore(%arg58 : memref<!tpu.dma_semaphore, #tpu.memory_space<semaphore_mem>>)
    %add3A_130 = arith.constant 576 : i32
    %add3A_131 = arith.addi %multiple_of3A, %add3A_130 : i32
    %multiple_of3A_132 = tpu.assume_multiple %add3A_131, 8 : i32
    %dma_start3A_133 = arith.constant 0 : i32
    %dma_start3A_134 = tpu.memref_slice %arg7[%multiple_of3A_132, %dma_start3A_133] : memref<10240x128xf32, #tpu.memory_space<vmem_shared>> -> memref<32x128xf32, #tpu.memory_space<vmem_shared>>
    %dma_start3A_135 = arith.constant 0 : i32
    %dma_start3A_136 = tpu.memref_slice %arg7[%multiple_of3A_132, %dma_start3A_135] : memref<10240x128xf32, #tpu.memory_space<vmem_shared>> -> memref<32x128xf32, #tpu.memory_space<vmem_shared>>
    tpu.enqueue_dma source(%arg28 : memref<32x128xf32, #tpu.memory_space<vmem>>) target(%dma_start3A_136 : memref<32x128xf32, #tpu.memory_space<vmem_shared>>) target_semaphore(%arg58 : memref<!tpu.dma_semaphore, #tpu.memory_space<semaphore_mem>>)
    %add3A_137 = arith.constant 608 : i32
    %add3A_138 = arith.addi %multiple_of3A, %add3A_137 : i32
    %multiple_of3A_139 = tpu.assume_multiple %add3A_138, 8 : i32
    %dma_start3A_140 = arith.constant 0 : i32
    %dma_start3A_141 = tpu.memref_slice %arg7[%multiple_of3A_139, %dma_start3A_140] : memref<10240x128xf32, #tpu.memory_space<vmem_shared>> -> memref<32x128xf32, #tpu.memory_space<vmem_shared>>
    %dma_start3A_142 = arith.constant 0 : i32
    %dma_start3A_143 = tpu.memref_slice %arg7[%multiple_of3A_139, %dma_start3A_142] : memref<10240x128xf32, #tpu.memory_space<vmem_shared>> -> memref<32x128xf32, #tpu.memory_space<vmem_shared>>
    tpu.enqueue_dma source(%arg28 : memref<32x128xf32, #tpu.memory_space<vmem>>) target(%dma_start3A_143 : memref<32x128xf32, #tpu.memory_space<vmem_shared>>) target_semaphore(%arg58 : memref<!tpu.dma_semaphore, #tpu.memory_space<semaphore_mem>>)
    %dma_wait3A = arith.constant 0 : i32
    %dma_wait3A_144 = tpu.memref_slice %arg7[%multiple_of3A_7, %dma_wait3A] : memref<10240x128xf32, #tpu.memory_space<vmem_shared>> -> memref<32x128xf32, #tpu.memory_space<vmem_shared>>
    %dma_wait3A_145 = arith.constant 0 : i32
    %dma_wait3A_146 = tpu.memref_slice %arg7[%multiple_of3A_7, %dma_wait3A_145] : memref<10240x128xf32, #tpu.memory_space<vmem_shared>> -> memref<32x128xf32, #tpu.memory_space<vmem_shared>>
    tpu.wait_dma2 semaphore(%arg58 : memref<!tpu.dma_semaphore, #tpu.memory_space<semaphore_mem>>) src(%arg28 : memref<32x128xf32, #tpu.memory_space<vmem>>) dst(%dma_wait3A_146 : memref<32x128xf32, #tpu.memory_space<vmem_shared>>)
    %dma_wait3A_147 = arith.constant 0 : i32
    %dma_wait3A_148 = tpu.memref_slice %arg7[%multiple_of3A_13, %dma_wait3A_147] : memref<10240x128xf32, #tpu.memory_space<vmem_shared>> -> memref<32x128xf32, #tpu.memory_space<vmem_shared>>
    %dma_wait3A_149 = arith.constant 0 : i32
    %dma_wait3A_150 = tpu.memref_slice %arg7[%multiple_of3A_13, %dma_wait3A_149] : memref<10240x128xf32, #tpu.memory_space<vmem_shared>> -> memref<32x128xf32, #tpu.memory_space<vmem_shared>>
    tpu.wait_dma2 semaphore(%arg58 : memref<!tpu.dma_semaphore, #tpu.memory_space<semaphore_mem>>) src(%arg28 : memref<32x128xf32, #tpu.memory_space<vmem>>) dst(%dma_wait3A_150 : memref<32x128xf32, #tpu.memory_space<vmem_shared>>)
    %dma_wait3A_151 = arith.constant 0 : i32
    %dma_wait3A_152 = tpu.memref_slice %arg7[%multiple_of3A_20, %dma_wait3A_151] : memref<10240x128xf32, #tpu.memory_space<vmem_shared>> -> memref<32x128xf32, #tpu.memory_space<vmem_shared>>
    %dma_wait3A_153 = arith.constant 0 : i32
    %dma_wait3A_154 = tpu.memref_slice %arg7[%multiple_of3A_20, %dma_wait3A_153] : memref<10240x128xf32, #tpu.memory_space<vmem_shared>> -> memref<32x128xf32, #tpu.memory_space<vmem_shared>>
    tpu.wait_dma2 semaphore(%arg58 : memref<!tpu.dma_semaphore, #tpu.memory_space<semaphore_mem>>) src(%arg28 : memref<32x128xf32, #tpu.memory_space<vmem>>) dst(%dma_wait3A_154 : memref<32x128xf32, #tpu.memory_space<vmem_shared>>)
    %dma_wait3A_155 = arith.constant 0 : i32
    %dma_wait3A_156 = tpu.memref_slice %arg7[%multiple_of3A_27, %dma_wait3A_155] : memref<10240x128xf32, #tpu.memory_space<vmem_shared>> -> memref<32x128xf32, #tpu.memory_space<vmem_shared>>
    %dma_wait3A_157 = arith.constant 0 : i32
    %dma_wait3A_158 = tpu.memref_slice %arg7[%multiple_of3A_27, %dma_wait3A_157] : memref<10240x128xf32, #tpu.memory_space<vmem_shared>> -> memref<32x128xf32, #tpu.memory_space<vmem_shared>>
    tpu.wait_dma2 semaphore(%arg58 : memref<!tpu.dma_semaphore, #tpu.memory_space<semaphore_mem>>) src(%arg28 : memref<32x128xf32, #tpu.memory_space<vmem>>) dst(%dma_wait3A_158 : memref<32x128xf32, #tpu.memory_space<vmem_shared>>)
    %dma_wait3A_159 = arith.constant 0 : i32
    %dma_wait3A_160 = tpu.memref_slice %arg7[%multiple_of3A_34, %dma_wait3A_159] : memref<10240x128xf32, #tpu.memory_space<vmem_shared>> -> memref<32x128xf32, #tpu.memory_space<vmem_shared>>
    %dma_wait3A_161 = arith.constant 0 : i32
    %dma_wait3A_162 = tpu.memref_slice %arg7[%multiple_of3A_34, %dma_wait3A_161] : memref<10240x128xf32, #tpu.memory_space<vmem_shared>> -> memref<32x128xf32, #tpu.memory_space<vmem_shared>>
    tpu.wait_dma2 semaphore(%arg58 : memref<!tpu.dma_semaphore, #tpu.memory_space<semaphore_mem>>) src(%arg28 : memref<32x128xf32, #tpu.memory_space<vmem>>) dst(%dma_wait3A_162 : memref<32x128xf32, #tpu.memory_space<vmem_shared>>)
    %dma_wait3A_163 = arith.constant 0 : i32
    %dma_wait3A_164 = tpu.memref_slice %arg7[%multiple_of3A_41, %dma_wait3A_163] : memref<10240x128xf32, #tpu.memory_space<vmem_shared>> -> memref<32x128xf32, #tpu.memory_space<vmem_shared>>
    %dma_wait3A_165 = arith.constant 0 : i32
    %dma_wait3A_166 = tpu.memref_slice %arg7[%multiple_of3A_41, %dma_wait3A_165] : memref<10240x128xf32, #tpu.memory_space<vmem_shared>> -> memref<32x128xf32, #tpu.memory_space<vmem_shared>>
    tpu.wait_dma2 semaphore(%arg58 : memref<!tpu.dma_semaphore, #tpu.memory_space<semaphore_mem>>) src(%arg28 : memref<32x128xf32, #tpu.memory_space<vmem>>) dst(%dma_wait3A_166 : memref<32x128xf32, #tpu.memory_space<vmem_shared>>)
    %dma_wait3A_167 = arith.constant 0 : i32
    %dma_wait3A_168 = tpu.memref_slice %arg7[%multiple_of3A_48, %dma_wait3A_167] : memref<10240x128xf32, #tpu.memory_space<vmem_shared>> -> memref<32x128xf32, #tpu.memory_space<vmem_shared>>
    %dma_wait3A_169 = arith.constant 0 : i32
    %dma_wait3A_170 = tpu.memref_slice %arg7[%multiple_of3A_48, %dma_wait3A_169] : memref<10240x128xf32, #tpu.memory_space<vmem_shared>> -> memref<32x128xf32, #tpu.memory_space<vmem_shared>>
    tpu.wait_dma2 semaphore(%arg58 : memref<!tpu.dma_semaphore, #tpu.memory_space<semaphore_mem>>) src(%arg28 : memref<32x128xf32, #tpu.memory_space<vmem>>) dst(%dma_wait3A_170 : memref<32x128xf32, #tpu.memory_space<vmem_shared>>)
    %dma_wait3A_171 = arith.constant 0 : i32
    %dma_wait3A_172 = tpu.memref_slice %arg7[%multiple_of3A_55, %dma_wait3A_171] : memref<10240x128xf32, #tpu.memory_space<vmem_shared>> -> memref<32x128xf32, #tpu.memory_space<vmem_shared>>
    %dma_wait3A_173 = arith.constant 0 : i32
    %dma_wait3A_174 = tpu.memref_slice %arg7[%multiple_of3A_55, %dma_wait3A_173] : memref<10240x128xf32, #tpu.memory_space<vmem_shared>> -> memref<32x128xf32, #tpu.memory_space<vmem_shared>>
    tpu.wait_dma2 semaphore(%arg58 : memref<!tpu.dma_semaphore, #tpu.memory_space<semaphore_mem>>) src(%arg28 : memref<32x128xf32, #tpu.memory_space<vmem>>) dst(%dma_wait3A_174 : memref<32x128xf32, #tpu.memory_space<vmem_shared>>)
    %dma_wait3A_175 = arith.constant 0 : i32
    %dma_wait3A_176 = tpu.memref_slice %arg7[%multiple_of3A_62, %dma_wait3A_175] : memref<10240x128xf32, #tpu.memory_space<vmem_shared>> -> memref<32x128xf32, #tpu.memory_space<vmem_shared>>
    %dma_wait3A_177 = arith.constant 0 : i32
    %dma_wait3A_178 = tpu.memref_slice %arg7[%multiple_of3A_62, %dma_wait3A_177] : memref<10240x128xf32, #tpu.memory_space<vmem_shared>> -> memref<32x128xf32, #tpu.memory_space<vmem_shared>>
    tpu.wait_dma2 semaphore(%arg58 : memref<!tpu.dma_semaphore, #tpu.memory_space<semaphore_mem>>) src(%arg28 : memref<32x128xf32, #tpu.memory_space<vmem>>) dst(%dma_wait3A_178 : memref<32x128xf32, #tpu.memory_space<vmem_shared>>)
    %dma_wait3A_179 = arith.constant 0 : i32
    %dma_wait3A_180 = tpu.memref_slice %arg7[%multiple_of3A_69, %dma_wait3A_179] : memref<10240x128xf32, #tpu.memory_space<vmem_shared>> -> memref<32x128xf32, #tpu.memory_space<vmem_shared>>
    %dma_wait3A_181 = arith.constant 0 : i32
    %dma_wait3A_182 = tpu.memref_slice %arg7[%multiple_of3A_69, %dma_wait3A_181] : memref<10240x128xf32, #tpu.memory_space<vmem_shared>> -> memref<32x128xf32, #tpu.memory_space<vmem_shared>>
    tpu.wait_dma2 semaphore(%arg58 : memref<!tpu.dma_semaphore, #tpu.memory_space<semaphore_mem>>) src(%arg28 : memref<32x128xf32, #tpu.memory_space<vmem>>) dst(%dma_wait3A_182 : memref<32x128xf32, #tpu.memory_space<vmem_shared>>)
    %dma_wait3A_183 = arith.constant 0 : i32
    %dma_wait3A_184 = tpu.memref_slice %arg7[%multiple_of3A_76, %dma_wait3A_183] : memref<10240x128xf32, #tpu.memory_space<vmem_shared>> -> memref<32x128xf32, #tpu.memory_space<vmem_shared>>
    %dma_wait3A_185 = arith.constant 0 : i32
    %dma_wait3A_186 = tpu.memref_slice %arg7[%multiple_of3A_76, %dma_wait3A_185] : memref<10240x128xf32, #tpu.memory_space<vmem_shared>> -> memref<32x128xf32, #tpu.memory_space<vmem_shared>>
    tpu.wait_dma2 semaphore(%arg58 : memref<!tpu.dma_semaphore, #tpu.memory_space<semaphore_mem>>) src(%arg28 : memref<32x128xf32, #tpu.memory_space<vmem>>) dst(%dma_wait3A_186 : memref<32x128xf32, #tpu.memory_space<vmem_shared>>)
    %dma_wait3A_187 = arith.constant 0 : i32
    %dma_wait3A_188 = tpu.memref_slice %arg7[%multiple_of3A_83, %dma_wait3A_187] : memref<10240x128xf32, #tpu.memory_space<vmem_shared>> -> memref<32x128xf32, #tpu.memory_space<vmem_shared>>
    %dma_wait3A_189 = arith.constant 0 : i32
    %dma_wait3A_190 = tpu.memref_slice %arg7[%multiple_of3A_83, %dma_wait3A_189] : memref<10240x128xf32, #tpu.memory_space<vmem_shared>> -> memref<32x128xf32, #tpu.memory_space<vmem_shared>>
    tpu.wait_dma2 semaphore(%arg58 : memref<!tpu.dma_semaphore, #tpu.memory_space<semaphore_mem>>) src(%arg28 : memref<32x128xf32, #tpu.memory_space<vmem>>) dst(%dma_wait3A_190 : memref<32x128xf32, #tpu.memory_space<vmem_shared>>)
    %dma_wait3A_191 = arith.constant 0 : i32
    %dma_wait3A_192 = tpu.memref_slice %arg7[%multiple_of3A_90, %dma_wait3A_191] : memref<10240x128xf32, #tpu.memory_space<vmem_shared>> -> memref<32x128xf32, #tpu.memory_space<vmem_shared>>
    %dma_wait3A_193 = arith.constant 0 : i32
    %dma_wait3A_194 = tpu.memref_slice %arg7[%multiple_of3A_90, %dma_wait3A_193] : memref<10240x128xf32, #tpu.memory_space<vmem_shared>> -> memref<32x128xf32, #tpu.memory_space<vmem_shared>>
    tpu.wait_dma2 semaphore(%arg58 : memref<!tpu.dma_semaphore, #tpu.memory_space<semaphore_mem>>) src(%arg28 : memref<32x128xf32, #tpu.memory_space<vmem>>) dst(%dma_wait3A_194 : memref<32x128xf32, #tpu.memory_space<vmem_shared>>)
    %dma_wait3A_195 = arith.constant 0 : i32
    %dma_wait3A_196 = tpu.memref_slice %arg7[%multiple_of3A_97, %dma_wait3A_195] : memref<10240x128xf32, #tpu.memory_space<vmem_shared>> -> memref<32x128xf32, #tpu.memory_space<vmem_shared>>
    %dma_wait3A_197 = arith.constant 0 : i32
    %dma_wait3A_198 = tpu.memref_slice %arg7[%multiple_of3A_97, %dma_wait3A_197] : memref<10240x128xf32, #tpu.memory_space<vmem_shared>> -> memref<32x128xf32, #tpu.memory_space<vmem_shared>>
    tpu.wait_dma2 semaphore(%arg58 : memref<!tpu.dma_semaphore, #tpu.memory_space<semaphore_mem>>) src(%arg28 : memref<32x128xf32, #tpu.memory_space<vmem>>) dst(%dma_wait3A_198 : memref<32x128xf32, #tpu.memory_space<vmem_shared>>)
    %dma_wait3A_199 = arith.constant 0 : i32
    %dma_wait3A_200 = tpu.memref_slice %arg7[%multiple_of3A_104, %dma_wait3A_199] : memref<10240x128xf32, #tpu.memory_space<vmem_shared>> -> memref<32x128xf32, #tpu.memory_space<vmem_shared>>
    %dma_wait3A_201 = arith.constant 0 : i32
    %dma_wait3A_202 = tpu.memref_slice %arg7[%multiple_of3A_104, %dma_wait3A_201] : memref<10240x128xf32, #tpu.memory_space<vmem_shared>> -> memref<32x128xf32, #tpu.memory_space<vmem_shared>>
    tpu.wait_dma2 semaphore(%arg58 : memref<!tpu.dma_semaphore, #tpu.memory_space<semaphore_mem>>) src(%arg28 : memref<32x128xf32, #tpu.memory_space<vmem>>) dst(%dma_wait3A_202 : memref<32x128xf32, #tpu.memory_space<vmem_shared>>)
    %dma_wait3A_203 = arith.constant 0 : i32
    %dma_wait3A_204 = tpu.memref_slice %arg7[%multiple_of3A_111, %dma_wait3A_203] : memref<10240x128xf32, #tpu.memory_space<vmem_shared>> -> memref<32x128xf32, #tpu.memory_space<vmem_shared>>
    %dma_wait3A_205 = arith.constant 0 : i32
    %dma_wait3A_206 = tpu.memref_slice %arg7[%multiple_of3A_111, %dma_wait3A_205] : memref<10240x128xf32, #tpu.memory_space<vmem_shared>> -> memref<32x128xf32, #tpu.memory_space<vmem_shared>>
    tpu.wait_dma2 semaphore(%arg58 : memref<!tpu.dma_semaphore, #tpu.memory_space<semaphore_mem>>) src(%arg28 : memref<32x128xf32, #tpu.memory_space<vmem>>) dst(%dma_wait3A_206 : memref<32x128xf32, #tpu.memory_space<vmem_shared>>)
    %dma_wait3A_207 = arith.constant 0 : i32
    %dma_wait3A_208 = tpu.memref_slice %arg7[%multiple_of3A_118, %dma_wait3A_207] : memref<10240x128xf32, #tpu.memory_space<vmem_shared>> -> memref<32x128xf32, #tpu.memory_space<vmem_shared>>
    %dma_wait3A_209 = arith.constant 0 : i32
    %dma_wait3A_210 = tpu.memref_slice %arg7[%multiple_of3A_118, %dma_wait3A_209] : memref<10240x128xf32, #tpu.memory_space<vmem_shared>> -> memref<32x128xf32, #tpu.memory_space<vmem_shared>>
    tpu.wait_dma2 semaphore(%arg58 : memref<!tpu.dma_semaphore, #tpu.memory_space<semaphore_mem>>) src(%arg28 : memref<32x128xf32, #tpu.memory_space<vmem>>) dst(%dma_wait3A_210 : memref<32x128xf32, #tpu.memory_space<vmem_shared>>)
    %dma_wait3A_211 = arith.constant 0 : i32
    %dma_wait3A_212 = tpu.memref_slice %arg7[%multiple_of3A_125, %dma_wait3A_211] : memref<10240x128xf32, #tpu.memory_space<vmem_shared>> -> memref<32x128xf32, #tpu.memory_space<vmem_shared>>
    %dma_wait3A_213 = arith.constant 0 : i32
    %dma_wait3A_214 = tpu.memref_slice %arg7[%multiple_of3A_125, %dma_wait3A_213] : memref<10240x128xf32, #tpu.memory_space<vmem_shared>> -> memref<32x128xf32, #tpu.memory_space<vmem_shared>>
    tpu.wait_dma2 semaphore(%arg58 : memref<!tpu.dma_semaphore, #tpu.memory_space<semaphore_mem>>) src(%arg28 : memref<32x128xf32, #tpu.memory_space<vmem>>) dst(%dma_wait3A_214 : memref<32x128xf32, #tpu.memory_space<vmem_shared>>)
    %dma_wait3A_215 = arith.constant 0 : i32
    %dma_wait3A_216 = tpu.memref_slice %arg7[%multiple_of3A_132, %dma_wait3A_215] : memref<10240x128xf32, #tpu.memory_space<vmem_shared>> -> memref<32x128xf32, #tpu.memory_space<vmem_shared>>
    %dma_wait3A_217 = arith.constant 0 : i32
    %dma_wait3A_218 = tpu.memref_slice %arg7[%multiple_of3A_132, %dma_wait3A_217] : memref<10240x128xf32, #tpu.memory_space<vmem_shared>> -> memref<32x128xf32, #tpu.memory_space<vmem_shared>>
    tpu.wait_dma2 semaphore(%arg58 : memref<!tpu.dma_semaphore, #tpu.memory_space<semaphore_mem>>) src(%arg28 : memref<32x128xf32, #tpu.memory_space<vmem>>) dst(%dma_wait3A_218 : memref<32x128xf32, #tpu.memory_space<vmem_shared>>)
    %dma_wait3A_219 = arith.constant 0 : i32
    %dma_wait3A_220 = tpu.memref_slice %arg7[%multiple_of3A_139, %dma_wait3A_219] : memref<10240x128xf32, #tpu.memory_space<vmem_shared>> -> memref<32x128xf32, #tpu.memory_space<vmem_shared>>
    %dma_wait3A_221 = arith.constant 0 : i32
    %dma_wait3A_222 = tpu.memref_slice %arg7[%multiple_of3A_139, %dma_wait3A_221] : memref<10240x128xf32, #tpu.memory_space<vmem_shared>> -> memref<32x128xf32, #tpu.memory_space<vmem_shared>>
    tpu.wait_dma2 semaphore(%arg58 : memref<!tpu.dma_semaphore, #tpu.memory_space<semaphore_mem>>) src(%arg28 : memref<32x128xf32, #tpu.memory_space<vmem>>) dst(%dma_wait3A_222 : memref<32x128xf32, #tpu.memory_space<vmem_shared>>)
    %barrier3A = arith.constant 0 : index
    tpu.barrier barrier_id(%barrier3A)
    %scan3A = arith.constant 0 : i32
    %scan3A_223 = arith.constant 31 : i32
    %scan3A_224 = arith.addi %scan3A, %scan3A_223 : i32
    %scan3A_225 = arith.constant 1 : i32
    scf.for %scan3A_317 = %scan3A to %scan3A_224 step %scan3A_225  : i32 {
      %mul3A_318 = arith.constant 1 : i32
      %mul3A_319 = arith.muli %scan3A_317, %mul3A_318 : i32
      %add3A_320 = arith.constant 0 : i32
      %add3A_321 = arith.addi %add3A_320, %mul3A_319 : i32
      %mul3A_322 = arith.constant 10 : i32
      %mul3A_323 = arith.muli %add3A_321, %mul3A_322 : i32
      %add3A_324 = arith.constant 0 : i32
      %add3A_325 = arith.addi %mul3A_323, %add3A_324 : i32
      %mul3A_326 = arith.constant 32 : i32
      %mul3A_327 = arith.muli %add3A_325, %mul3A_326 : i32
      %add3A_328 = arith.addi %mul3A_4, %mul3A_327 : i32
      %multiple_of3A_329 = tpu.assume_multiple %add3A_328, 8 : i32
      %mul3A_330 = arith.constant 32 : i32
      %mul3A_331 = arith.muli %add3A_325, %mul3A_330 : i32
      %add3A_332 = arith.addi %mul3A_4, %mul3A_331 : i32
      %multiple_of3A_333 = tpu.assume_multiple %add3A_332, 8 : i32
      %dma_start3A_334 = tpu.memref_slice %arg2[%multiple_of3A_329] : memref<640000xi32, #tpu.memory_space<hbm>> -> memref<32xi32, #tpu.memory_space<hbm>>
      %dma_start3A_335 = tpu.memref_slice %arg2[%multiple_of3A_329] : memref<640000xi32, #tpu.memory_space<hbm>> -> memref<32xi32, #tpu.memory_space<hbm>>
      tpu.enqueue_dma source(%dma_start3A_335 : memref<32xi32, #tpu.memory_space<hbm>>) target(%arg8 : memref<32xi32, #tpu.memory_space<vmem>>) target_semaphore(%arg38 : memref<!tpu.dma_semaphore, #tpu.memory_space<semaphore_mem>>)
      %dma_start3A_336 = tpu.memref_slice %arg3[%multiple_of3A_333] : memref<320000xi32, #tpu.memory_space<hbm>> -> memref<32xi32, #tpu.memory_space<hbm>>
      %dma_start3A_337 = tpu.memref_slice %arg3[%multiple_of3A_333] : memref<320000xi32, #tpu.memory_space<hbm>> -> memref<32xi32, #tpu.memory_space<hbm>>
      tpu.enqueue_dma source(%dma_start3A_337 : memref<32xi32, #tpu.memory_space<hbm>>) target(%arg18 : memref<32xi32, #tpu.memory_space<vmem>>) target_semaphore(%arg38 : memref<!tpu.dma_semaphore, #tpu.memory_space<semaphore_mem>>)
      %mul3A_338 = arith.constant 10 : i32
      %mul3A_339 = arith.muli %add3A_321, %mul3A_338 : i32
      %add3A_340 = arith.constant 1 : i32
      %add3A_341 = arith.addi %mul3A_339, %add3A_340 : i32
      %mul3A_342 = arith.constant 32 : i32
      %mul3A_343 = arith.muli %add3A_341, %mul3A_342 : i32
      %add3A_344 = arith.addi %mul3A_4, %mul3A_343 : i32
      %multiple_of3A_345 = tpu.assume_multiple %add3A_344, 8 : i32
      %mul3A_346 = arith.constant 32 : i32
      %mul3A_347 = arith.muli %add3A_341, %mul3A_346 : i32
      %add3A_348 = arith.addi %mul3A_4, %mul3A_347 : i32
      %multiple_of3A_349 = tpu.assume_multiple %add3A_348, 8 : i32
      %dma_start3A_350 = tpu.memref_slice %arg2[%multiple_of3A_345] : memref<640000xi32, #tpu.memory_space<hbm>> -> memref<32xi32, #tpu.memory_space<hbm>>
      %dma_start3A_351 = tpu.memref_slice %arg2[%multiple_of3A_345] : memref<640000xi32, #tpu.memory_space<hbm>> -> memref<32xi32, #tpu.memory_space<hbm>>
      tpu.enqueue_dma source(%dma_start3A_351 : memref<32xi32, #tpu.memory_space<hbm>>) target(%arg9 : memref<32xi32, #tpu.memory_space<vmem>>) target_semaphore(%arg39 : memref<!tpu.dma_semaphore, #tpu.memory_space<semaphore_mem>>)
      %dma_start3A_352 = tpu.memref_slice %arg3[%multiple_of3A_349] : memref<320000xi32, #tpu.memory_space<hbm>> -> memref<32xi32, #tpu.memory_space<hbm>>
      %dma_start3A_353 = tpu.memref_slice %arg3[%multiple_of3A_349] : memref<320000xi32, #tpu.memory_space<hbm>> -> memref<32xi32, #tpu.memory_space<hbm>>
      tpu.enqueue_dma source(%dma_start3A_353 : memref<32xi32, #tpu.memory_space<hbm>>) target(%arg19 : memref<32xi32, #tpu.memory_space<vmem>>) target_semaphore(%arg39 : memref<!tpu.dma_semaphore, #tpu.memory_space<semaphore_mem>>)
      %mul3A_354 = arith.constant 10 : i32
      %mul3A_355 = arith.muli %add3A_321, %mul3A_354 : i32
      %add3A_356 = arith.constant 2 : i32
      %add3A_357 = arith.addi %mul3A_355, %add3A_356 : i32
      %mul3A_358 = arith.constant 32 : i32
      %mul3A_359 = arith.muli %add3A_357, %mul3A_358 : i32
      %add3A_360 = arith.addi %mul3A_4, %mul3A_359 : i32
      %multiple_of3A_361 = tpu.assume_multiple %add3A_360, 8 : i32
      %mul3A_362 = arith.constant 32 : i32
      %mul3A_363 = arith.muli %add3A_357, %mul3A_362 : i32
      %add3A_364 = arith.addi %mul3A_4, %mul3A_363 : i32
      %multiple_of3A_365 = tpu.assume_multiple %add3A_364, 8 : i32
      %dma_start3A_366 = tpu.memref_slice %arg2[%multiple_of3A_361] : memref<640000xi32, #tpu.memory_space<hbm>> -> memref<32xi32, #tpu.memory_space<hbm>>
      %dma_start3A_367 = tpu.memref_slice %arg2[%multiple_of3A_361] : memref<640000xi32, #tpu.memory_space<hbm>> -> memref<32xi32, #tpu.memory_space<hbm>>
      tpu.enqueue_dma source(%dma_start3A_367 : memref<32xi32, #tpu.memory_space<hbm>>) target(%arg10 : memref<32xi32, #tpu.memory_space<vmem>>) target_semaphore(%arg40 : memref<!tpu.dma_semaphore, #tpu.memory_space<semaphore_mem>>)
      %dma_start3A_368 = tpu.memref_slice %arg3[%multiple_of3A_365] : memref<320000xi32, #tpu.memory_space<hbm>> -> memref<32xi32, #tpu.memory_space<hbm>>
      %dma_start3A_369 = tpu.memref_slice %arg3[%multiple_of3A_365] : memref<320000xi32, #tpu.memory_space<hbm>> -> memref<32xi32, #tpu.memory_space<hbm>>
      tpu.enqueue_dma source(%dma_start3A_369 : memref<32xi32, #tpu.memory_space<hbm>>) target(%arg20 : memref<32xi32, #tpu.memory_space<vmem>>) target_semaphore(%arg40 : memref<!tpu.dma_semaphore, #tpu.memory_space<semaphore_mem>>)
      %mul3A_370 = arith.constant 10 : i32
      %mul3A_371 = arith.muli %add3A_321, %mul3A_370 : i32
      %add3A_372 = arith.constant 3 : i32
      %add3A_373 = arith.addi %mul3A_371, %add3A_372 : i32
      %mul3A_374 = arith.constant 32 : i32
      %mul3A_375 = arith.muli %add3A_373, %mul3A_374 : i32
      %add3A_376 = arith.addi %mul3A_4, %mul3A_375 : i32
      %multiple_of3A_377 = tpu.assume_multiple %add3A_376, 8 : i32
      %mul3A_378 = arith.constant 32 : i32
      %mul3A_379 = arith.muli %add3A_373, %mul3A_378 : i32
      %add3A_380 = arith.addi %mul3A_4, %mul3A_379 : i32
      %multiple_of3A_381 = tpu.assume_multiple %add3A_380, 8 : i32
      %dma_start3A_382 = tpu.memref_slice %arg2[%multiple_of3A_377] : memref<640000xi32, #tpu.memory_space<hbm>> -> memref<32xi32, #tpu.memory_space<hbm>>
      %dma_start3A_383 = tpu.memref_slice %arg2[%multiple_of3A_377] : memref<640000xi32, #tpu.memory_space<hbm>> -> memref<32xi32, #tpu.memory_space<hbm>>
      tpu.enqueue_dma source(%dma_start3A_383 : memref<32xi32, #tpu.memory_space<hbm>>) target(%arg11 : memref<32xi32, #tpu.memory_space<vmem>>) target_semaphore(%arg41 : memref<!tpu.dma_semaphore, #tpu.memory_space<semaphore_mem>>)
      %dma_start3A_384 = tpu.memref_slice %arg3[%multiple_of3A_381] : memref<320000xi32, #tpu.memory_space<hbm>> -> memref<32xi32, #tpu.memory_space<hbm>>
      %dma_start3A_385 = tpu.memref_slice %arg3[%multiple_of3A_381] : memref<320000xi32, #tpu.memory_space<hbm>> -> memref<32xi32, #tpu.memory_space<hbm>>
      tpu.enqueue_dma source(%dma_start3A_385 : memref<32xi32, #tpu.memory_space<hbm>>) target(%arg21 : memref<32xi32, #tpu.memory_space<vmem>>) target_semaphore(%arg41 : memref<!tpu.dma_semaphore, #tpu.memory_space<semaphore_mem>>)
      %mul3A_386 = arith.constant 10 : i32
      %mul3A_387 = arith.muli %add3A_321, %mul3A_386 : i32
      %add3A_388 = arith.constant 4 : i32
      %add3A_389 = arith.addi %mul3A_387, %add3A_388 : i32
      %mul3A_390 = arith.constant 32 : i32
      %mul3A_391 = arith.muli %add3A_389, %mul3A_390 : i32
      %add3A_392 = arith.addi %mul3A_4, %mul3A_391 : i32
      %multiple_of3A_393 = tpu.assume_multiple %add3A_392, 8 : i32
      %mul3A_394 = arith.constant 32 : i32
      %mul3A_395 = arith.muli %add3A_389, %mul3A_394 : i32
      %add3A_396 = arith.addi %mul3A_4, %mul3A_395 : i32
      %multiple_of3A_397 = tpu.assume_multiple %add3A_396, 8 : i32
      %dma_start3A_398 = tpu.memref_slice %arg2[%multiple_of3A_393] : memref<640000xi32, #tpu.memory_space<hbm>> -> memref<32xi32, #tpu.memory_space<hbm>>
      %dma_start3A_399 = tpu.memref_slice %arg2[%multiple_of3A_393] : memref<640000xi32, #tpu.memory_space<hbm>> -> memref<32xi32, #tpu.memory_space<hbm>>
      tpu.enqueue_dma source(%dma_start3A_399 : memref<32xi32, #tpu.memory_space<hbm>>) target(%arg12 : memref<32xi32, #tpu.memory_space<vmem>>) target_semaphore(%arg42 : memref<!tpu.dma_semaphore, #tpu.memory_space<semaphore_mem>>)
      %dma_start3A_400 = tpu.memref_slice %arg3[%multiple_of3A_397] : memref<320000xi32, #tpu.memory_space<hbm>> -> memref<32xi32, #tpu.memory_space<hbm>>
      %dma_start3A_401 = tpu.memref_slice %arg3[%multiple_of3A_397] : memref<320000xi32, #tpu.memory_space<hbm>> -> memref<32xi32, #tpu.memory_space<hbm>>
      tpu.enqueue_dma source(%dma_start3A_401 : memref<32xi32, #tpu.memory_space<hbm>>) target(%arg22 : memref<32xi32, #tpu.memory_space<vmem>>) target_semaphore(%arg42 : memref<!tpu.dma_semaphore, #tpu.memory_space<semaphore_mem>>)
      %mul3A_402 = arith.constant 10 : i32
      %mul3A_403 = arith.muli %add3A_321, %mul3A_402 : i32
      %add3A_404 = arith.constant 5 : i32
      %add3A_405 = arith.addi %mul3A_403, %add3A_404 : i32
      %mul3A_406 = arith.constant 32 : i32
      %mul3A_407 = arith.muli %add3A_405, %mul3A_406 : i32
      %add3A_408 = arith.addi %mul3A_4, %mul3A_407 : i32
      %multiple_of3A_409 = tpu.assume_multiple %add3A_408, 8 : i32
      %mul3A_410 = arith.constant 32 : i32
      %mul3A_411 = arith.muli %add3A_405, %mul3A_410 : i32
      %add3A_412 = arith.addi %mul3A_4, %mul3A_411 : i32
      %multiple_of3A_413 = tpu.assume_multiple %add3A_412, 8 : i32
      %dma_start3A_414 = tpu.memref_slice %arg2[%multiple_of3A_409] : memref<640000xi32, #tpu.memory_space<hbm>> -> memref<32xi32, #tpu.memory_space<hbm>>
      %dma_start3A_415 = tpu.memref_slice %arg2[%multiple_of3A_409] : memref<640000xi32, #tpu.memory_space<hbm>> -> memref<32xi32, #tpu.memory_space<hbm>>
      tpu.enqueue_dma source(%dma_start3A_415 : memref<32xi32, #tpu.memory_space<hbm>>) target(%arg13 : memref<32xi32, #tpu.memory_space<vmem>>) target_semaphore(%arg43 : memref<!tpu.dma_semaphore, #tpu.memory_space<semaphore_mem>>)
      %dma_start3A_416 = tpu.memref_slice %arg3[%multiple_of3A_413] : memref<320000xi32, #tpu.memory_space<hbm>> -> memref<32xi32, #tpu.memory_space<hbm>>
      %dma_start3A_417 = tpu.memref_slice %arg3[%multiple_of3A_413] : memref<320000xi32, #tpu.memory_space<hbm>> -> memref<32xi32, #tpu.memory_space<hbm>>
      tpu.enqueue_dma source(%dma_start3A_417 : memref<32xi32, #tpu.memory_space<hbm>>) target(%arg23 : memref<32xi32, #tpu.memory_space<vmem>>) target_semaphore(%arg43 : memref<!tpu.dma_semaphore, #tpu.memory_space<semaphore_mem>>)
      %mul3A_418 = arith.constant 10 : i32
      %mul3A_419 = arith.muli %add3A_321, %mul3A_418 : i32
      %add3A_420 = arith.constant 6 : i32
      %add3A_421 = arith.addi %mul3A_419, %add3A_420 : i32
      %mul3A_422 = arith.constant 32 : i32
      %mul3A_423 = arith.muli %add3A_421, %mul3A_422 : i32
      %add3A_424 = arith.addi %mul3A_4, %mul3A_423 : i32
      %multiple_of3A_425 = tpu.assume_multiple %add3A_424, 8 : i32
      %mul3A_426 = arith.constant 32 : i32
      %mul3A_427 = arith.muli %add3A_421, %mul3A_426 : i32
      %add3A_428 = arith.addi %mul3A_4, %mul3A_427 : i32
      %multiple_of3A_429 = tpu.assume_multiple %add3A_428, 8 : i32
      %dma_start3A_430 = tpu.memref_slice %arg2[%multiple_of3A_425] : memref<640000xi32, #tpu.memory_space<hbm>> -> memref<32xi32, #tpu.memory_space<hbm>>
      %dma_start3A_431 = tpu.memref_slice %arg2[%multiple_of3A_425] : memref<640000xi32, #tpu.memory_space<hbm>> -> memref<32xi32, #tpu.memory_space<hbm>>
      tpu.enqueue_dma source(%dma_start3A_431 : memref<32xi32, #tpu.memory_space<hbm>>) target(%arg14 : memref<32xi32, #tpu.memory_space<vmem>>) target_semaphore(%arg44 : memref<!tpu.dma_semaphore, #tpu.memory_space<semaphore_mem>>)
      %dma_start3A_432 = tpu.memref_slice %arg3[%multiple_of3A_429] : memref<320000xi32, #tpu.memory_space<hbm>> -> memref<32xi32, #tpu.memory_space<hbm>>
      %dma_start3A_433 = tpu.memref_slice %arg3[%multiple_of3A_429] : memref<320000xi32, #tpu.memory_space<hbm>> -> memref<32xi32, #tpu.memory_space<hbm>>
      tpu.enqueue_dma source(%dma_start3A_433 : memref<32xi32, #tpu.memory_space<hbm>>) target(%arg24 : memref<32xi32, #tpu.memory_space<vmem>>) target_semaphore(%arg44 : memref<!tpu.dma_semaphore, #tpu.memory_space<semaphore_mem>>)
      %mul3A_434 = arith.constant 10 : i32
      %mul3A_435 = arith.muli %add3A_321, %mul3A_434 : i32
      %add3A_436 = arith.constant 7 : i32
      %add3A_437 = arith.addi %mul3A_435, %add3A_436 : i32
      %mul3A_438 = arith.constant 32 : i32
      %mul3A_439 = arith.muli %add3A_437, %mul3A_438 : i32
      %add3A_440 = arith.addi %mul3A_4, %mul3A_439 : i32
      %multiple_of3A_441 = tpu.assume_multiple %add3A_440, 8 : i32
      %mul3A_442 = arith.constant 32 : i32
      %mul3A_443 = arith.muli %add3A_437, %mul3A_442 : i32
      %add3A_444 = arith.addi %mul3A_4, %mul3A_443 : i32
      %multiple_of3A_445 = tpu.assume_multiple %add3A_444, 8 : i32
      %dma_start3A_446 = tpu.memref_slice %arg2[%multiple_of3A_441] : memref<640000xi32, #tpu.memory_space<hbm>> -> memref<32xi32, #tpu.memory_space<hbm>>
      %dma_start3A_447 = tpu.memref_slice %arg2[%multiple_of3A_441] : memref<640000xi32, #tpu.memory_space<hbm>> -> memref<32xi32, #tpu.memory_space<hbm>>
      tpu.enqueue_dma source(%dma_start3A_447 : memref<32xi32, #tpu.memory_space<hbm>>) target(%arg15 : memref<32xi32, #tpu.memory_space<vmem>>) target_semaphore(%arg45 : memref<!tpu.dma_semaphore, #tpu.memory_space<semaphore_mem>>)
      %dma_start3A_448 = tpu.memref_slice %arg3[%multiple_of3A_445] : memref<320000xi32, #tpu.memory_space<hbm>> -> memref<32xi32, #tpu.memory_space<hbm>>
      %dma_start3A_449 = tpu.memref_slice %arg3[%multiple_of3A_445] : memref<320000xi32, #tpu.memory_space<hbm>> -> memref<32xi32, #tpu.memory_space<hbm>>
      tpu.enqueue_dma source(%dma_start3A_449 : memref<32xi32, #tpu.memory_space<hbm>>) target(%arg25 : memref<32xi32, #tpu.memory_space<vmem>>) target_semaphore(%arg45 : memref<!tpu.dma_semaphore, #tpu.memory_space<semaphore_mem>>)
      %mul3A_450 = arith.constant 10 : i32
      %mul3A_451 = arith.muli %add3A_321, %mul3A_450 : i32
      %add3A_452 = arith.constant 8 : i32
      %add3A_453 = arith.addi %mul3A_451, %add3A_452 : i32
      %mul3A_454 = arith.constant 32 : i32
      %mul3A_455 = arith.muli %add3A_453, %mul3A_454 : i32
      %add3A_456 = arith.addi %mul3A_4, %mul3A_455 : i32
      %multiple_of3A_457 = tpu.assume_multiple %add3A_456, 8 : i32
      %mul3A_458 = arith.constant 32 : i32
      %mul3A_459 = arith.muli %add3A_453, %mul3A_458 : i32
      %add3A_460 = arith.addi %mul3A_4, %mul3A_459 : i32
      %multiple_of3A_461 = tpu.assume_multiple %add3A_460, 8 : i32
      %dma_start3A_462 = tpu.memref_slice %arg2[%multiple_of3A_457] : memref<640000xi32, #tpu.memory_space<hbm>> -> memref<32xi32, #tpu.memory_space<hbm>>
      %dma_start3A_463 = tpu.memref_slice %arg2[%multiple_of3A_457] : memref<640000xi32, #tpu.memory_space<hbm>> -> memref<32xi32, #tpu.memory_space<hbm>>
      tpu.enqueue_dma source(%dma_start3A_463 : memref<32xi32, #tpu.memory_space<hbm>>) target(%arg16 : memref<32xi32, #tpu.memory_space<vmem>>) target_semaphore(%arg46 : memref<!tpu.dma_semaphore, #tpu.memory_space<semaphore_mem>>)
      %dma_start3A_464 = tpu.memref_slice %arg3[%multiple_of3A_461] : memref<320000xi32, #tpu.memory_space<hbm>> -> memref<32xi32, #tpu.memory_space<hbm>>
      %dma_start3A_465 = tpu.memref_slice %arg3[%multiple_of3A_461] : memref<320000xi32, #tpu.memory_space<hbm>> -> memref<32xi32, #tpu.memory_space<hbm>>
      tpu.enqueue_dma source(%dma_start3A_465 : memref<32xi32, #tpu.memory_space<hbm>>) target(%arg26 : memref<32xi32, #tpu.memory_space<vmem>>) target_semaphore(%arg46 : memref<!tpu.dma_semaphore, #tpu.memory_space<semaphore_mem>>)
      %mul3A_466 = arith.constant 10 : i32
      %mul3A_467 = arith.muli %add3A_321, %mul3A_466 : i32
      %add3A_468 = arith.constant 9 : i32
      %add3A_469 = arith.addi %mul3A_467, %add3A_468 : i32
      %mul3A_470 = arith.constant 32 : i32
      %mul3A_471 = arith.muli %add3A_469, %mul3A_470 : i32
      %add3A_472 = arith.addi %mul3A_4, %mul3A_471 : i32
      %multiple_of3A_473 = tpu.assume_multiple %add3A_472, 8 : i32
      %mul3A_474 = arith.constant 32 : i32
      %mul3A_475 = arith.muli %add3A_469, %mul3A_474 : i32
      %add3A_476 = arith.addi %mul3A_4, %mul3A_475 : i32
      %multiple_of3A_477 = tpu.assume_multiple %add3A_476, 8 : i32
      %dma_start3A_478 = tpu.memref_slice %arg2[%multiple_of3A_473] : memref<640000xi32, #tpu.memory_space<hbm>> -> memref<32xi32, #tpu.memory_space<hbm>>
      %dma_start3A_479 = tpu.memref_slice %arg2[%multiple_of3A_473] : memref<640000xi32, #tpu.memory_space<hbm>> -> memref<32xi32, #tpu.memory_space<hbm>>
      tpu.enqueue_dma source(%dma_start3A_479 : memref<32xi32, #tpu.memory_space<hbm>>) target(%arg17 : memref<32xi32, #tpu.memory_space<vmem>>) target_semaphore(%arg47 : memref<!tpu.dma_semaphore, #tpu.memory_space<semaphore_mem>>)
      %dma_start3A_480 = tpu.memref_slice %arg3[%multiple_of3A_477] : memref<320000xi32, #tpu.memory_space<hbm>> -> memref<32xi32, #tpu.memory_space<hbm>>
      %dma_start3A_481 = tpu.memref_slice %arg3[%multiple_of3A_477] : memref<320000xi32, #tpu.memory_space<hbm>> -> memref<32xi32, #tpu.memory_space<hbm>>
      tpu.enqueue_dma source(%dma_start3A_481 : memref<32xi32, #tpu.memory_space<hbm>>) target(%arg27 : memref<32xi32, #tpu.memory_space<vmem>>) target_semaphore(%arg47 : memref<!tpu.dma_semaphore, #tpu.memory_space<semaphore_mem>>)
      %dma_wait3A_482 = tpu.memref_slice %arg2[%multiple_of3A_329] : memref<640000xi32, #tpu.memory_space<hbm>> -> memref<32xi32, #tpu.memory_space<hbm>>
      %dma_wait3A_483 = tpu.memref_slice %arg2[%multiple_of3A_329] : memref<640000xi32, #tpu.memory_space<hbm>> -> memref<32xi32, #tpu.memory_space<hbm>>
      tpu.wait_dma2 semaphore(%arg38 : memref<!tpu.dma_semaphore, #tpu.memory_space<semaphore_mem>>) src(%dma_wait3A_483 : memref<32xi32, #tpu.memory_space<hbm>>) dst(%arg8 : memref<32xi32, #tpu.memory_space<vmem>>)
      %dma_wait3A_484 = tpu.memref_slice %arg3[%multiple_of3A_333] : memref<320000xi32, #tpu.memory_space<hbm>> -> memref<32xi32, #tpu.memory_space<hbm>>
      %dma_wait3A_485 = tpu.memref_slice %arg3[%multiple_of3A_333] : memref<320000xi32, #tpu.memory_space<hbm>> -> memref<32xi32, #tpu.memory_space<hbm>>
      tpu.wait_dma2 semaphore(%arg38 : memref<!tpu.dma_semaphore, #tpu.memory_space<semaphore_mem>>) src(%dma_wait3A_485 : memref<32xi32, #tpu.memory_space<hbm>>) dst(%arg18 : memref<32xi32, #tpu.memory_space<vmem>>)
      %dma_start3A_486 = arith.constant 0 : i32
      %dma_start3A_487 = arith.constant 0 : i32
      %dma_start3A_488 = tpu.memref_slice %arg4[%dma_start3A_486, %dma_start3A_487] : memref<10240x128xf32, #tpu.memory_space<hbm>> -> memref<10240x128xf32, #tpu.memory_space<hbm>>
      tpu.enqueue_indirect_dma source(%dma_start3A_488 : memref<10240x128xf32, #tpu.memory_space<hbm>>) target(%arg28 : memref<32x128xf32, #tpu.memory_space<vmem>>) offsets(%arg8 : memref<32xi32, #tpu.memory_space<vmem>>) semaphore(%arg48 : memref<!tpu.dma_semaphore, #tpu.memory_space<semaphore_mem>>)
      %dma_wait3A_489 = tpu.memref_slice %arg2[%multiple_of3A_345] : memref<640000xi32, #tpu.memory_space<hbm>> -> memref<32xi32, #tpu.memory_space<hbm>>
      %dma_wait3A_490 = tpu.memref_slice %arg2[%multiple_of3A_345] : memref<640000xi32, #tpu.memory_space<hbm>> -> memref<32xi32, #tpu.memory_space<hbm>>
      tpu.wait_dma2 semaphore(%arg39 : memref<!tpu.dma_semaphore, #tpu.memory_space<semaphore_mem>>) src(%dma_wait3A_490 : memref<32xi32, #tpu.memory_space<hbm>>) dst(%arg9 : memref<32xi32, #tpu.memory_space<vmem>>)
      %dma_wait3A_491 = tpu.memref_slice %arg3[%multiple_of3A_349] : memref<320000xi32, #tpu.memory_space<hbm>> -> memref<32xi32, #tpu.memory_space<hbm>>
      %dma_wait3A_492 = tpu.memref_slice %arg3[%multiple_of3A_349] : memref<320000xi32, #tpu.memory_space<hbm>> -> memref<32xi32, #tpu.memory_space<hbm>>
      tpu.wait_dma2 semaphore(%arg39 : memref<!tpu.dma_semaphore, #tpu.memory_space<semaphore_mem>>) src(%dma_wait3A_492 : memref<32xi32, #tpu.memory_space<hbm>>) dst(%arg19 : memref<32xi32, #tpu.memory_space<vmem>>)
      %dma_start3A_493 = arith.constant 0 : i32
      %dma_start3A_494 = arith.constant 0 : i32
      %dma_start3A_495 = tpu.memref_slice %arg4[%dma_start3A_493, %dma_start3A_494] : memref<10240x128xf32, #tpu.memory_space<hbm>> -> memref<10240x128xf32, #tpu.memory_space<hbm>>
      tpu.enqueue_indirect_dma source(%dma_start3A_495 : memref<10240x128xf32, #tpu.memory_space<hbm>>) target(%arg29 : memref<32x128xf32, #tpu.memory_space<vmem>>) offsets(%arg9 : memref<32xi32, #tpu.memory_space<vmem>>) semaphore(%arg49 : memref<!tpu.dma_semaphore, #tpu.memory_space<semaphore_mem>>)
      %dma_wait3A_496 = tpu.memref_slice %arg2[%multiple_of3A_361] : memref<640000xi32, #tpu.memory_space<hbm>> -> memref<32xi32, #tpu.memory_space<hbm>>
      %dma_wait3A_497 = tpu.memref_slice %arg2[%multiple_of3A_361] : memref<640000xi32, #tpu.memory_space<hbm>> -> memref<32xi32, #tpu.memory_space<hbm>>
      tpu.wait_dma2 semaphore(%arg40 : memref<!tpu.dma_semaphore, #tpu.memory_space<semaphore_mem>>) src(%dma_wait3A_497 : memref<32xi32, #tpu.memory_space<hbm>>) dst(%arg10 : memref<32xi32, #tpu.memory_space<vmem>>)
      %dma_wait3A_498 = tpu.memref_slice %arg3[%multiple_of3A_365] : memref<320000xi32, #tpu.memory_space<hbm>> -> memref<32xi32, #tpu.memory_space<hbm>>
      %dma_wait3A_499 = tpu.memref_slice %arg3[%multiple_of3A_365] : memref<320000xi32, #tpu.memory_space<hbm>> -> memref<32xi32, #tpu.memory_space<hbm>>
      tpu.wait_dma2 semaphore(%arg40 : memref<!tpu.dma_semaphore, #tpu.memory_space<semaphore_mem>>) src(%dma_wait3A_499 : memref<32xi32, #tpu.memory_space<hbm>>) dst(%arg20 : memref<32xi32, #tpu.memory_space<vmem>>)
      %dma_start3A_500 = arith.constant 0 : i32
      %dma_start3A_501 = arith.constant 0 : i32
      %dma_start3A_502 = tpu.memref_slice %arg4[%dma_start3A_500, %dma_start3A_501] : memref<10240x128xf32, #tpu.memory_space<hbm>> -> memref<10240x128xf32, #tpu.memory_space<hbm>>
      tpu.enqueue_indirect_dma source(%dma_start3A_502 : memref<10240x128xf32, #tpu.memory_space<hbm>>) target(%arg30 : memref<32x128xf32, #tpu.memory_space<vmem>>) offsets(%arg10 : memref<32xi32, #tpu.memory_space<vmem>>) semaphore(%arg50 : memref<!tpu.dma_semaphore, #tpu.memory_space<semaphore_mem>>)
      %dma_wait3A_503 = tpu.memref_slice %arg2[%multiple_of3A_377] : memref<640000xi32, #tpu.memory_space<hbm>> -> memref<32xi32, #tpu.memory_space<hbm>>
      %dma_wait3A_504 = tpu.memref_slice %arg2[%multiple_of3A_377] : memref<640000xi32, #tpu.memory_space<hbm>> -> memref<32xi32, #tpu.memory_space<hbm>>
      tpu.wait_dma2 semaphore(%arg41 : memref<!tpu.dma_semaphore, #tpu.memory_space<semaphore_mem>>) src(%dma_wait3A_504 : memref<32xi32, #tpu.memory_space<hbm>>) dst(%arg11 : memref<32xi32, #tpu.memory_space<vmem>>)
      %dma_wait3A_505 = tpu.memref_slice %arg3[%multiple_of3A_381] : memref<320000xi32, #tpu.memory_space<hbm>> -> memref<32xi32, #tpu.memory_space<hbm>>
      %dma_wait3A_506 = tpu.memref_slice %arg3[%multiple_of3A_381] : memref<320000xi32, #tpu.memory_space<hbm>> -> memref<32xi32, #tpu.memory_space<hbm>>
      tpu.wait_dma2 semaphore(%arg41 : memref<!tpu.dma_semaphore, #tpu.memory_space<semaphore_mem>>) src(%dma_wait3A_506 : memref<32xi32, #tpu.memory_space<hbm>>) dst(%arg21 : memref<32xi32, #tpu.memory_space<vmem>>)
      %dma_start3A_507 = arith.constant 0 : i32
      %dma_start3A_508 = arith.constant 0 : i32
      %dma_start3A_509 = tpu.memref_slice %arg4[%dma_start3A_507, %dma_start3A_508] : memref<10240x128xf32, #tpu.memory_space<hbm>> -> memref<10240x128xf32, #tpu.memory_space<hbm>>
      tpu.enqueue_indirect_dma source(%dma_start3A_509 : memref<10240x128xf32, #tpu.memory_space<hbm>>) target(%arg31 : memref<32x128xf32, #tpu.memory_space<vmem>>) offsets(%arg11 : memref<32xi32, #tpu.memory_space<vmem>>) semaphore(%arg51 : memref<!tpu.dma_semaphore, #tpu.memory_space<semaphore_mem>>)
      %dma_wait3A_510 = tpu.memref_slice %arg2[%multiple_of3A_393] : memref<640000xi32, #tpu.memory_space<hbm>> -> memref<32xi32, #tpu.memory_space<hbm>>
      %dma_wait3A_511 = tpu.memref_slice %arg2[%multiple_of3A_393] : memref<640000xi32, #tpu.memory_space<hbm>> -> memref<32xi32, #tpu.memory_space<hbm>>
      tpu.wait_dma2 semaphore(%arg42 : memref<!tpu.dma_semaphore, #tpu.memory_space<semaphore_mem>>) src(%dma_wait3A_511 : memref<32xi32, #tpu.memory_space<hbm>>) dst(%arg12 : memref<32xi32, #tpu.memory_space<vmem>>)
      %dma_wait3A_512 = tpu.memref_slice %arg3[%multiple_of3A_397] : memref<320000xi32, #tpu.memory_space<hbm>> -> memref<32xi32, #tpu.memory_space<hbm>>
      %dma_wait3A_513 = tpu.memref_slice %arg3[%multiple_of3A_397] : memref<320000xi32, #tpu.memory_space<hbm>> -> memref<32xi32, #tpu.memory_space<hbm>>
      tpu.wait_dma2 semaphore(%arg42 : memref<!tpu.dma_semaphore, #tpu.memory_space<semaphore_mem>>) src(%dma_wait3A_513 : memref<32xi32, #tpu.memory_space<hbm>>) dst(%arg22 : memref<32xi32, #tpu.memory_space<vmem>>)
      %dma_start3A_514 = arith.constant 0 : i32
      %dma_start3A_515 = arith.constant 0 : i32
      %dma_start3A_516 = tpu.memref_slice %arg4[%dma_start3A_514, %dma_start3A_515] : memref<10240x128xf32, #tpu.memory_space<hbm>> -> memref<10240x128xf32, #tpu.memory_space<hbm>>
      tpu.enqueue_indirect_dma source(%dma_start3A_516 : memref<10240x128xf32, #tpu.memory_space<hbm>>) target(%arg32 : memref<32x128xf32, #tpu.memory_space<vmem>>) offsets(%arg12 : memref<32xi32, #tpu.memory_space<vmem>>) semaphore(%arg52 : memref<!tpu.dma_semaphore, #tpu.memory_space<semaphore_mem>>)
      %dma_wait3A_517 = tpu.memref_slice %arg2[%multiple_of3A_409] : memref<640000xi32, #tpu.memory_space<hbm>> -> memref<32xi32, #tpu.memory_space<hbm>>
      %dma_wait3A_518 = tpu.memref_slice %arg2[%multiple_of3A_409] : memref<640000xi32, #tpu.memory_space<hbm>> -> memref<32xi32, #tpu.memory_space<hbm>>
      tpu.wait_dma2 semaphore(%arg43 : memref<!tpu.dma_semaphore, #tpu.memory_space<semaphore_mem>>) src(%dma_wait3A_518 : memref<32xi32, #tpu.memory_space<hbm>>) dst(%arg13 : memref<32xi32, #tpu.memory_space<vmem>>)
      %dma_wait3A_519 = tpu.memref_slice %arg3[%multiple_of3A_413] : memref<320000xi32, #tpu.memory_space<hbm>> -> memref<32xi32, #tpu.memory_space<hbm>>
      %dma_wait3A_520 = tpu.memref_slice %arg3[%multiple_of3A_413] : memref<320000xi32, #tpu.memory_space<hbm>> -> memref<32xi32, #tpu.memory_space<hbm>>
      tpu.wait_dma2 semaphore(%arg43 : memref<!tpu.dma_semaphore, #tpu.memory_space<semaphore_mem>>) src(%dma_wait3A_520 : memref<32xi32, #tpu.memory_space<hbm>>) dst(%arg23 : memref<32xi32, #tpu.memory_space<vmem>>)
      %dma_start3A_521 = arith.constant 0 : i32
      %dma_start3A_522 = arith.constant 0 : i32
      %dma_start3A_523 = tpu.memref_slice %arg4[%dma_start3A_521, %dma_start3A_522] : memref<10240x128xf32, #tpu.memory_space<hbm>> -> memref<10240x128xf32, #tpu.memory_space<hbm>>
      tpu.enqueue_indirect_dma source(%dma_start3A_523 : memref<10240x128xf32, #tpu.memory_space<hbm>>) target(%arg33 : memref<32x128xf32, #tpu.memory_space<vmem>>) offsets(%arg13 : memref<32xi32, #tpu.memory_space<vmem>>) semaphore(%arg53 : memref<!tpu.dma_semaphore, #tpu.memory_space<semaphore_mem>>)
      %dma_wait3A_524 = tpu.memref_slice %arg2[%multiple_of3A_425] : memref<640000xi32, #tpu.memory_space<hbm>> -> memref<32xi32, #tpu.memory_space<hbm>>
      %dma_wait3A_525 = tpu.memref_slice %arg2[%multiple_of3A_425] : memref<640000xi32, #tpu.memory_space<hbm>> -> memref<32xi32, #tpu.memory_space<hbm>>
      tpu.wait_dma2 semaphore(%arg44 : memref<!tpu.dma_semaphore, #tpu.memory_space<semaphore_mem>>) src(%dma_wait3A_525 : memref<32xi32, #tpu.memory_space<hbm>>) dst(%arg14 : memref<32xi32, #tpu.memory_space<vmem>>)
      %dma_wait3A_526 = tpu.memref_slice %arg3[%multiple_of3A_429] : memref<320000xi32, #tpu.memory_space<hbm>> -> memref<32xi32, #tpu.memory_space<hbm>>
      %dma_wait3A_527 = tpu.memref_slice %arg3[%multiple_of3A_429] : memref<320000xi32, #tpu.memory_space<hbm>> -> memref<32xi32, #tpu.memory_space<hbm>>
      tpu.wait_dma2 semaphore(%arg44 : memref<!tpu.dma_semaphore, #tpu.memory_space<semaphore_mem>>) src(%dma_wait3A_527 : memref<32xi32, #tpu.memory_space<hbm>>) dst(%arg24 : memref<32xi32, #tpu.memory_space<vmem>>)
      %dma_start3A_528 = arith.constant 0 : i32
      %dma_start3A_529 = arith.constant 0 : i32
      %dma_start3A_530 = tpu.memref_slice %arg4[%dma_start3A_528, %dma_start3A_529] : memref<10240x128xf32, #tpu.memory_space<hbm>> -> memref<10240x128xf32, #tpu.memory_space<hbm>>
      tpu.enqueue_indirect_dma source(%dma_start3A_530 : memref<10240x128xf32, #tpu.memory_space<hbm>>) target(%arg34 : memref<32x128xf32, #tpu.memory_space<vmem>>) offsets(%arg14 : memref<32xi32, #tpu.memory_space<vmem>>) semaphore(%arg54 : memref<!tpu.dma_semaphore, #tpu.memory_space<semaphore_mem>>)
      %dma_wait3A_531 = tpu.memref_slice %arg2[%multiple_of3A_441] : memref<640000xi32, #tpu.memory_space<hbm>> -> memref<32xi32, #tpu.memory_space<hbm>>
      %dma_wait3A_532 = tpu.memref_slice %arg2[%multiple_of3A_441] : memref<640000xi32, #tpu.memory_space<hbm>> -> memref<32xi32, #tpu.memory_space<hbm>>
      tpu.wait_dma2 semaphore(%arg45 : memref<!tpu.dma_semaphore, #tpu.memory_space<semaphore_mem>>) src(%dma_wait3A_532 : memref<32xi32, #tpu.memory_space<hbm>>) dst(%arg15 : memref<32xi32, #tpu.memory_space<vmem>>)
      %dma_wait3A_533 = tpu.memref_slice %arg3[%multiple_of3A_445] : memref<320000xi32, #tpu.memory_space<hbm>> -> memref<32xi32, #tpu.memory_space<hbm>>
      %dma_wait3A_534 = tpu.memref_slice %arg3[%multiple_of3A_445] : memref<320000xi32, #tpu.memory_space<hbm>> -> memref<32xi32, #tpu.memory_space<hbm>>
      tpu.wait_dma2 semaphore(%arg45 : memref<!tpu.dma_semaphore, #tpu.memory_space<semaphore_mem>>) src(%dma_wait3A_534 : memref<32xi32, #tpu.memory_space<hbm>>) dst(%arg25 : memref<32xi32, #tpu.memory_space<vmem>>)
      %dma_start3A_535 = arith.constant 0 : i32
      %dma_start3A_536 = arith.constant 0 : i32
      %dma_start3A_537 = tpu.memref_slice %arg4[%dma_start3A_535, %dma_start3A_536] : memref<10240x128xf32, #tpu.memory_space<hbm>> -> memref<10240x128xf32, #tpu.memory_space<hbm>>
      tpu.enqueue_indirect_dma source(%dma_start3A_537 : memref<10240x128xf32, #tpu.memory_space<hbm>>) target(%arg35 : memref<32x128xf32, #tpu.memory_space<vmem>>) offsets(%arg15 : memref<32xi32, #tpu.memory_space<vmem>>) semaphore(%arg55 : memref<!tpu.dma_semaphore, #tpu.memory_space<semaphore_mem>>)
      %dma_wait3A_538 = tpu.memref_slice %arg2[%multiple_of3A_457] : memref<640000xi32, #tpu.memory_space<hbm>> -> memref<32xi32, #tpu.memory_space<hbm>>
      %dma_wait3A_539 = tpu.memref_slice %arg2[%multiple_of3A_457] : memref<640000xi32, #tpu.memory_space<hbm>> -> memref<32xi32, #tpu.memory_space<hbm>>
      tpu.wait_dma2 semaphore(%arg46 : memref<!tpu.dma_semaphore, #tpu.memory_space<semaphore_mem>>) src(%dma_wait3A_539 : memref<32xi32, #tpu.memory_space<hbm>>) dst(%arg16 : memref<32xi32, #tpu.memory_space<vmem>>)
      %dma_wait3A_540 = tpu.memref_slice %arg3[%multiple_of3A_461] : memref<320000xi32, #tpu.memory_space<hbm>> -> memref<32xi32, #tpu.memory_space<hbm>>
      %dma_wait3A_541 = tpu.memref_slice %arg3[%multiple_of3A_461] : memref<320000xi32, #tpu.memory_space<hbm>> -> memref<32xi32, #tpu.memory_space<hbm>>
      tpu.wait_dma2 semaphore(%arg46 : memref<!tpu.dma_semaphore, #tpu.memory_space<semaphore_mem>>) src(%dma_wait3A_541 : memref<32xi32, #tpu.memory_space<hbm>>) dst(%arg26 : memref<32xi32, #tpu.memory_space<vmem>>)
      %dma_start3A_542 = arith.constant 0 : i32
      %dma_start3A_543 = arith.constant 0 : i32
      %dma_start3A_544 = tpu.memref_slice %arg4[%dma_start3A_542, %dma_start3A_543] : memref<10240x128xf32, #tpu.memory_space<hbm>> -> memref<10240x128xf32, #tpu.memory_space<hbm>>
      tpu.enqueue_indirect_dma source(%dma_start3A_544 : memref<10240x128xf32, #tpu.memory_space<hbm>>) target(%arg36 : memref<32x128xf32, #tpu.memory_space<vmem>>) offsets(%arg16 : memref<32xi32, #tpu.memory_space<vmem>>) semaphore(%arg56 : memref<!tpu.dma_semaphore, #tpu.memory_space<semaphore_mem>>)
      %dma_wait3A_545 = tpu.memref_slice %arg2[%multiple_of3A_473] : memref<640000xi32, #tpu.memory_space<hbm>> -> memref<32xi32, #tpu.memory_space<hbm>>
      %dma_wait3A_546 = tpu.memref_slice %arg2[%multiple_of3A_473] : memref<640000xi32, #tpu.memory_space<hbm>> -> memref<32xi32, #tpu.memory_space<hbm>>
      tpu.wait_dma2 semaphore(%arg47 : memref<!tpu.dma_semaphore, #tpu.memory_space<semaphore_mem>>) src(%dma_wait3A_546 : memref<32xi32, #tpu.memory_space<hbm>>) dst(%arg17 : memref<32xi32, #tpu.memory_space<vmem>>)
      %dma_wait3A_547 = tpu.memref_slice %arg3[%multiple_of3A_477] : memref<320000xi32, #tpu.memory_space<hbm>> -> memref<32xi32, #tpu.memory_space<hbm>>
      %dma_wait3A_548 = tpu.memref_slice %arg3[%multiple_of3A_477] : memref<320000xi32, #tpu.memory_space<hbm>> -> memref<32xi32, #tpu.memory_space<hbm>>
      tpu.wait_dma2 semaphore(%arg47 : memref<!tpu.dma_semaphore, #tpu.memory_space<semaphore_mem>>) src(%dma_wait3A_548 : memref<32xi32, #tpu.memory_space<hbm>>) dst(%arg27 : memref<32xi32, #tpu.memory_space<vmem>>)
      %dma_start3A_549 = arith.constant 0 : i32
      %dma_start3A_550 = arith.constant 0 : i32
      %dma_start3A_551 = tpu.memref_slice %arg4[%dma_start3A_549, %dma_start3A_550] : memref<10240x128xf32, #tpu.memory_space<hbm>> -> memref<10240x128xf32, #tpu.memory_space<hbm>>
      tpu.enqueue_indirect_dma source(%dma_start3A_551 : memref<10240x128xf32, #tpu.memory_space<hbm>>) target(%arg37 : memref<32x128xf32, #tpu.memory_space<vmem>>) offsets(%arg17 : memref<32xi32, #tpu.memory_space<vmem>>) semaphore(%arg57 : memref<!tpu.dma_semaphore, #tpu.memory_space<semaphore_mem>>)
      %dma_wait3A_552 = arith.constant 0 : i32
      %dma_wait3A_553 = arith.constant 0 : i32
      %dma_wait3A_554 = tpu.memref_slice %arg4[%dma_wait3A_552, %dma_wait3A_553] : memref<10240x128xf32, #tpu.memory_space<hbm>> -> memref<10240x128xf32, #tpu.memory_space<hbm>>
      tpu.wait_indirect_dma semaphore(%arg48 : memref<!tpu.dma_semaphore, #tpu.memory_space<semaphore_mem>>) src(%dma_wait3A_554 : memref<10240x128xf32, #tpu.memory_space<hbm>>) dst(%arg28 : memref<32x128xf32, #tpu.memory_space<vmem>>)
      %dma_start3A_555 = arith.constant 0 : i32
      %dma_start3A_556 = arith.constant 0 : i32
      %dma_start3A_557 = tpu.memref_slice %arg7[%dma_start3A_555, %dma_start3A_556] : memref<10240x128xf32, #tpu.memory_space<vmem_shared>> -> memref<10240x128xf32, #tpu.memory_space<vmem_shared>>
      tpu.enqueue_indirect_dma source(%arg28 : memref<32x128xf32, #tpu.memory_space<vmem>>) target(%dma_start3A_557 : memref<10240x128xf32, #tpu.memory_space<vmem_shared>>) offsets(%arg18 : memref<32xi32, #tpu.memory_space<vmem>>) semaphore(%arg58 : memref<!tpu.dma_semaphore, #tpu.memory_space<semaphore_mem>>) {add = true}
      %dma_wait3A_558 = arith.constant 0 : i32
      %dma_wait3A_559 = arith.constant 0 : i32
      %dma_wait3A_560 = tpu.memref_slice %arg4[%dma_wait3A_558, %dma_wait3A_559] : memref<10240x128xf32, #tpu.memory_space<hbm>> -> memref<10240x128xf32, #tpu.memory_space<hbm>>
      tpu.wait_indirect_dma semaphore(%arg49 : memref<!tpu.dma_semaphore, #tpu.memory_space<semaphore_mem>>) src(%dma_wait3A_560 : memref<10240x128xf32, #tpu.memory_space<hbm>>) dst(%arg29 : memref<32x128xf32, #tpu.memory_space<vmem>>)
      %dma_start3A_561 = arith.constant 0 : i32
      %dma_start3A_562 = arith.constant 0 : i32
      %dma_start3A_563 = tpu.memref_slice %arg7[%dma_start3A_561, %dma_start3A_562] : memref<10240x128xf32, #tpu.memory_space<vmem_shared>> -> memref<10240x128xf32, #tpu.memory_space<vmem_shared>>
      tpu.enqueue_indirect_dma source(%arg29 : memref<32x128xf32, #tpu.memory_space<vmem>>) target(%dma_start3A_563 : memref<10240x128xf32, #tpu.memory_space<vmem_shared>>) offsets(%arg19 : memref<32xi32, #tpu.memory_space<vmem>>) semaphore(%arg59 : memref<!tpu.dma_semaphore, #tpu.memory_space<semaphore_mem>>) {add = true}
      %dma_wait3A_564 = arith.constant 0 : i32
      %dma_wait3A_565 = arith.constant 0 : i32
      %dma_wait3A_566 = tpu.memref_slice %arg4[%dma_wait3A_564, %dma_wait3A_565] : memref<10240x128xf32, #tpu.memory_space<hbm>> -> memref<10240x128xf32, #tpu.memory_space<hbm>>
      tpu.wait_indirect_dma semaphore(%arg50 : memref<!tpu.dma_semaphore, #tpu.memory_space<semaphore_mem>>) src(%dma_wait3A_566 : memref<10240x128xf32, #tpu.memory_space<hbm>>) dst(%arg30 : memref<32x128xf32, #tpu.memory_space<vmem>>)
      %dma_start3A_567 = arith.constant 0 : i32
      %dma_start3A_568 = arith.constant 0 : i32
      %dma_start3A_569 = tpu.memref_slice %arg7[%dma_start3A_567, %dma_start3A_568] : memref<10240x128xf32, #tpu.memory_space<vmem_shared>> -> memref<10240x128xf32, #tpu.memory_space<vmem_shared>>
      tpu.enqueue_indirect_dma source(%arg30 : memref<32x128xf32, #tpu.memory_space<vmem>>) target(%dma_start3A_569 : memref<10240x128xf32, #tpu.memory_space<vmem_shared>>) offsets(%arg20 : memref<32xi32, #tpu.memory_space<vmem>>) semaphore(%arg60 : memref<!tpu.dma_semaphore, #tpu.memory_space<semaphore_mem>>) {add = true}
      %dma_wait3A_570 = arith.constant 0 : i32
      %dma_wait3A_571 = arith.constant 0 : i32
      %dma_wait3A_572 = tpu.memref_slice %arg4[%dma_wait3A_570, %dma_wait3A_571] : memref<10240x128xf32, #tpu.memory_space<hbm>> -> memref<10240x128xf32, #tpu.memory_space<hbm>>
      tpu.wait_indirect_dma semaphore(%arg51 : memref<!tpu.dma_semaphore, #tpu.memory_space<semaphore_mem>>) src(%dma_wait3A_572 : memref<10240x128xf32, #tpu.memory_space<hbm>>) dst(%arg31 : memref<32x128xf32, #tpu.memory_space<vmem>>)
      %dma_start3A_573 = arith.constant 0 : i32
      %dma_start3A_574 = arith.constant 0 : i32
      %dma_start3A_575 = tpu.memref_slice %arg7[%dma_start3A_573, %dma_start3A_574] : memref<10240x128xf32, #tpu.memory_space<vmem_shared>> -> memref<10240x128xf32, #tpu.memory_space<vmem_shared>>
      tpu.enqueue_indirect_dma source(%arg31 : memref<32x128xf32, #tpu.memory_space<vmem>>) target(%dma_start3A_575 : memref<10240x128xf32, #tpu.memory_space<vmem_shared>>) offsets(%arg21 : memref<32xi32, #tpu.memory_space<vmem>>) semaphore(%arg61 : memref<!tpu.dma_semaphore, #tpu.memory_space<semaphore_mem>>) {add = true}
      %dma_wait3A_576 = arith.constant 0 : i32
      %dma_wait3A_577 = arith.constant 0 : i32
      %dma_wait3A_578 = tpu.memref_slice %arg4[%dma_wait3A_576, %dma_wait3A_577] : memref<10240x128xf32, #tpu.memory_space<hbm>> -> memref<10240x128xf32, #tpu.memory_space<hbm>>
      tpu.wait_indirect_dma semaphore(%arg52 : memref<!tpu.dma_semaphore, #tpu.memory_space<semaphore_mem>>) src(%dma_wait3A_578 : memref<10240x128xf32, #tpu.memory_space<hbm>>) dst(%arg32 : memref<32x128xf32, #tpu.memory_space<vmem>>)
      %dma_start3A_579 = arith.constant 0 : i32
      %dma_start3A_580 = arith.constant 0 : i32
      %dma_start3A_581 = tpu.memref_slice %arg7[%dma_start3A_579, %dma_start3A_580] : memref<10240x128xf32, #tpu.memory_space<vmem_shared>> -> memref<10240x128xf32, #tpu.memory_space<vmem_shared>>
      tpu.enqueue_indirect_dma source(%arg32 : memref<32x128xf32, #tpu.memory_space<vmem>>) target(%dma_start3A_581 : memref<10240x128xf32, #tpu.memory_space<vmem_shared>>) offsets(%arg22 : memref<32xi32, #tpu.memory_space<vmem>>) semaphore(%arg62 : memref<!tpu.dma_semaphore, #tpu.memory_space<semaphore_mem>>) {add = true}
      %dma_wait3A_582 = arith.constant 0 : i32
      %dma_wait3A_583 = arith.constant 0 : i32
      %dma_wait3A_584 = tpu.memref_slice %arg4[%dma_wait3A_582, %dma_wait3A_583] : memref<10240x128xf32, #tpu.memory_space<hbm>> -> memref<10240x128xf32, #tpu.memory_space<hbm>>
      tpu.wait_indirect_dma semaphore(%arg53 : memref<!tpu.dma_semaphore, #tpu.memory_space<semaphore_mem>>) src(%dma_wait3A_584 : memref<10240x128xf32, #tpu.memory_space<hbm>>) dst(%arg33 : memref<32x128xf32, #tpu.memory_space<vmem>>)
      %dma_start3A_585 = arith.constant 0 : i32
      %dma_start3A_586 = arith.constant 0 : i32
      %dma_start3A_587 = tpu.memref_slice %arg7[%dma_start3A_585, %dma_start3A_586] : memref<10240x128xf32, #tpu.memory_space<vmem_shared>> -> memref<10240x128xf32, #tpu.memory_space<vmem_shared>>
      tpu.enqueue_indirect_dma source(%arg33 : memref<32x128xf32, #tpu.memory_space<vmem>>) target(%dma_start3A_587 : memref<10240x128xf32, #tpu.memory_space<vmem_shared>>) offsets(%arg23 : memref<32xi32, #tpu.memory_space<vmem>>) semaphore(%arg63 : memref<!tpu.dma_semaphore, #tpu.memory_space<semaphore_mem>>) {add = true}
      %dma_wait3A_588 = arith.constant 0 : i32
      %dma_wait3A_589 = arith.constant 0 : i32
      %dma_wait3A_590 = tpu.memref_slice %arg4[%dma_wait3A_588, %dma_wait3A_589] : memref<10240x128xf32, #tpu.memory_space<hbm>> -> memref<10240x128xf32, #tpu.memory_space<hbm>>
      tpu.wait_indirect_dma semaphore(%arg54 : memref<!tpu.dma_semaphore, #tpu.memory_space<semaphore_mem>>) src(%dma_wait3A_590 : memref<10240x128xf32, #tpu.memory_space<hbm>>) dst(%arg34 : memref<32x128xf32, #tpu.memory_space<vmem>>)
      %dma_start3A_591 = arith.constant 0 : i32
      %dma_start3A_592 = arith.constant 0 : i32
      %dma_start3A_593 = tpu.memref_slice %arg7[%dma_start3A_591, %dma_start3A_592] : memref<10240x128xf32, #tpu.memory_space<vmem_shared>> -> memref<10240x128xf32, #tpu.memory_space<vmem_shared>>
      tpu.enqueue_indirect_dma source(%arg34 : memref<32x128xf32, #tpu.memory_space<vmem>>) target(%dma_start3A_593 : memref<10240x128xf32, #tpu.memory_space<vmem_shared>>) offsets(%arg24 : memref<32xi32, #tpu.memory_space<vmem>>) semaphore(%arg64 : memref<!tpu.dma_semaphore, #tpu.memory_space<semaphore_mem>>) {add = true}
      %dma_wait3A_594 = arith.constant 0 : i32
      %dma_wait3A_595 = arith.constant 0 : i32
      %dma_wait3A_596 = tpu.memref_slice %arg4[%dma_wait3A_594, %dma_wait3A_595] : memref<10240x128xf32, #tpu.memory_space<hbm>> -> memref<10240x128xf32, #tpu.memory_space<hbm>>
      tpu.wait_indirect_dma semaphore(%arg55 : memref<!tpu.dma_semaphore, #tpu.memory_space<semaphore_mem>>) src(%dma_wait3A_596 : memref<10240x128xf32, #tpu.memory_space<hbm>>) dst(%arg35 : memref<32x128xf32, #tpu.memory_space<vmem>>)
      %dma_start3A_597 = arith.constant 0 : i32
      %dma_start3A_598 = arith.constant 0 : i32
      %dma_start3A_599 = tpu.memref_slice %arg7[%dma_start3A_597, %dma_start3A_598] : memref<10240x128xf32, #tpu.memory_space<vmem_shared>> -> memref<10240x128xf32, #tpu.memory_space<vmem_shared>>
      tpu.enqueue_indirect_dma source(%arg35 : memref<32x128xf32, #tpu.memory_space<vmem>>) target(%dma_start3A_599 : memref<10240x128xf32, #tpu.memory_space<vmem_shared>>) offsets(%arg25 : memref<32xi32, #tpu.memory_space<vmem>>) semaphore(%arg65 : memref<!tpu.dma_semaphore, #tpu.memory_space<semaphore_mem>>) {add = true}
      %dma_wait3A_600 = arith.constant 0 : i32
      %dma_wait3A_601 = arith.constant 0 : i32
      %dma_wait3A_602 = tpu.memref_slice %arg4[%dma_wait3A_600, %dma_wait3A_601] : memref<10240x128xf32, #tpu.memory_space<hbm>> -> memref<10240x128xf32, #tpu.memory_space<hbm>>
      tpu.wait_indirect_dma semaphore(%arg56 : memref<!tpu.dma_semaphore, #tpu.memory_space<semaphore_mem>>) src(%dma_wait3A_602 : memref<10240x128xf32, #tpu.memory_space<hbm>>) dst(%arg36 : memref<32x128xf32, #tpu.memory_space<vmem>>)
      %dma_start3A_603 = arith.constant 0 : i32
      %dma_start3A_604 = arith.constant 0 : i32
      %dma_start3A_605 = tpu.memref_slice %arg7[%dma_start3A_603, %dma_start3A_604] : memref<10240x128xf32, #tpu.memory_space<vmem_shared>> -> memref<10240x128xf32, #tpu.memory_space<vmem_shared>>
      tpu.enqueue_indirect_dma source(%arg36 : memref<32x128xf32, #tpu.memory_space<vmem>>) target(%dma_start3A_605 : memref<10240x128xf32, #tpu.memory_space<vmem_shared>>) offsets(%arg26 : memref<32xi32, #tpu.memory_space<vmem>>) semaphore(%arg66 : memref<!tpu.dma_semaphore, #tpu.memory_space<semaphore_mem>>) {add = true}
      %dma_wait3A_606 = arith.constant 0 : i32
      %dma_wait3A_607 = arith.constant 0 : i32
      %dma_wait3A_608 = tpu.memref_slice %arg4[%dma_wait3A_606, %dma_wait3A_607] : memref<10240x128xf32, #tpu.memory_space<hbm>> -> memref<10240x128xf32, #tpu.memory_space<hbm>>
      tpu.wait_indirect_dma semaphore(%arg57 : memref<!tpu.dma_semaphore, #tpu.memory_space<semaphore_mem>>) src(%dma_wait3A_608 : memref<10240x128xf32, #tpu.memory_space<hbm>>) dst(%arg37 : memref<32x128xf32, #tpu.memory_space<vmem>>)
      %dma_start3A_609 = arith.constant 0 : i32
      %dma_start3A_610 = arith.constant 0 : i32
      %dma_start3A_611 = tpu.memref_slice %arg7[%dma_start3A_609, %dma_start3A_610] : memref<10240x128xf32, #tpu.memory_space<vmem_shared>> -> memref<10240x128xf32, #tpu.memory_space<vmem_shared>>
      tpu.enqueue_indirect_dma source(%arg37 : memref<32x128xf32, #tpu.memory_space<vmem>>) target(%dma_start3A_611 : memref<10240x128xf32, #tpu.memory_space<vmem_shared>>) offsets(%arg27 : memref<32xi32, #tpu.memory_space<vmem>>) semaphore(%arg67 : memref<!tpu.dma_semaphore, #tpu.memory_space<semaphore_mem>>) {add = true}
      %dma_wait3A_612 = arith.constant 0 : i32
      %dma_wait3A_613 = arith.constant 0 : i32
      %dma_wait3A_614 = tpu.memref_slice %arg7[%dma_wait3A_612, %dma_wait3A_613] : memref<10240x128xf32, #tpu.memory_space<vmem_shared>> -> memref<10240x128xf32, #tpu.memory_space<vmem_shared>>
      tpu.wait_indirect_dma semaphore(%arg58 : memref<!tpu.dma_semaphore, #tpu.memory_space<semaphore_mem>>) src(%arg28 : memref<32x128xf32, #tpu.memory_space<vmem>>) dst(%dma_wait3A_614 : memref<10240x128xf32, #tpu.memory_space<vmem_shared>>)
      %dma_wait3A_615 = arith.constant 0 : i32
      %dma_wait3A_616 = arith.constant 0 : i32
      %dma_wait3A_617 = tpu.memref_slice %arg7[%dma_wait3A_615, %dma_wait3A_616] : memref<10240x128xf32, #tpu.memory_space<vmem_shared>> -> memref<10240x128xf32, #tpu.memory_space<vmem_shared>>
      tpu.wait_indirect_dma semaphore(%arg59 : memref<!tpu.dma_semaphore, #tpu.memory_space<semaphore_mem>>) src(%arg29 : memref<32x128xf32, #tpu.memory_space<vmem>>) dst(%dma_wait3A_617 : memref<10240x128xf32, #tpu.memory_space<vmem_shared>>)
      %dma_wait3A_618 = arith.constant 0 : i32
      %dma_wait3A_619 = arith.constant 0 : i32
      %dma_wait3A_620 = tpu.memref_slice %arg7[%dma_wait3A_618, %dma_wait3A_619] : memref<10240x128xf32, #tpu.memory_space<vmem_shared>> -> memref<10240x128xf32, #tpu.memory_space<vmem_shared>>
      tpu.wait_indirect_dma semaphore(%arg60 : memref<!tpu.dma_semaphore, #tpu.memory_space<semaphore_mem>>) src(%arg30 : memref<32x128xf32, #tpu.memory_space<vmem>>) dst(%dma_wait3A_620 : memref<10240x128xf32, #tpu.memory_space<vmem_shared>>)
      %dma_wait3A_621 = arith.constant 0 : i32
      %dma_wait3A_622 = arith.constant 0 : i32
      %dma_wait3A_623 = tpu.memref_slice %arg7[%dma_wait3A_621, %dma_wait3A_622] : memref<10240x128xf32, #tpu.memory_space<vmem_shared>> -> memref<10240x128xf32, #tpu.memory_space<vmem_shared>>
      tpu.wait_indirect_dma semaphore(%arg61 : memref<!tpu.dma_semaphore, #tpu.memory_space<semaphore_mem>>) src(%arg31 : memref<32x128xf32, #tpu.memory_space<vmem>>) dst(%dma_wait3A_623 : memref<10240x128xf32, #tpu.memory_space<vmem_shared>>)
      %dma_wait3A_624 = arith.constant 0 : i32
      %dma_wait3A_625 = arith.constant 0 : i32
      %dma_wait3A_626 = tpu.memref_slice %arg7[%dma_wait3A_624, %dma_wait3A_625] : memref<10240x128xf32, #tpu.memory_space<vmem_shared>> -> memref<10240x128xf32, #tpu.memory_space<vmem_shared>>
      tpu.wait_indirect_dma semaphore(%arg62 : memref<!tpu.dma_semaphore, #tpu.memory_space<semaphore_mem>>) src(%arg32 : memref<32x128xf32, #tpu.memory_space<vmem>>) dst(%dma_wait3A_626 : memref<10240x128xf32, #tpu.memory_space<vmem_shared>>)
      %dma_wait3A_627 = arith.constant 0 : i32
      %dma_wait3A_628 = arith.constant 0 : i32
      %dma_wait3A_629 = tpu.memref_slice %arg7[%dma_wait3A_627, %dma_wait3A_628] : memref<10240x128xf32, #tpu.memory_space<vmem_shared>> -> memref<10240x128xf32, #tpu.memory_space<vmem_shared>>
      tpu.wait_indirect_dma semaphore(%arg63 : memref<!tpu.dma_semaphore, #tpu.memory_space<semaphore_mem>>) src(%arg33 : memref<32x128xf32, #tpu.memory_space<vmem>>) dst(%dma_wait3A_629 : memref<10240x128xf32, #tpu.memory_space<vmem_shared>>)
      %dma_wait3A_630 = arith.constant 0 : i32
      %dma_wait3A_631 = arith.constant 0 : i32
      %dma_wait3A_632 = tpu.memref_slice %arg7[%dma_wait3A_630, %dma_wait3A_631] : memref<10240x128xf32, #tpu.memory_space<vmem_shared>> -> memref<10240x128xf32, #tpu.memory_space<vmem_shared>>
      tpu.wait_indirect_dma semaphore(%arg64 : memref<!tpu.dma_semaphore, #tpu.memory_space<semaphore_mem>>) src(%arg34 : memref<32x128xf32, #tpu.memory_space<vmem>>) dst(%dma_wait3A_632 : memref<10240x128xf32, #tpu.memory_space<vmem_shared>>)
      %dma_wait3A_633 = arith.constant 0 : i32
      %dma_wait3A_634 = arith.constant 0 : i32
      %dma_wait3A_635 = tpu.memref_slice %arg7[%dma_wait3A_633, %dma_wait3A_634] : memref<10240x128xf32, #tpu.memory_space<vmem_shared>> -> memref<10240x128xf32, #tpu.memory_space<vmem_shared>>
      tpu.wait_indirect_dma semaphore(%arg65 : memref<!tpu.dma_semaphore, #tpu.memory_space<semaphore_mem>>) src(%arg35 : memref<32x128xf32, #tpu.memory_space<vmem>>) dst(%dma_wait3A_635 : memref<10240x128xf32, #tpu.memory_space<vmem_shared>>)
      %dma_wait3A_636 = arith.constant 0 : i32
      %dma_wait3A_637 = arith.constant 0 : i32
      %dma_wait3A_638 = tpu.memref_slice %arg7[%dma_wait3A_636, %dma_wait3A_637] : memref<10240x128xf32, #tpu.memory_space<vmem_shared>> -> memref<10240x128xf32, #tpu.memory_space<vmem_shared>>
      tpu.wait_indirect_dma semaphore(%arg66 : memref<!tpu.dma_semaphore, #tpu.memory_space<semaphore_mem>>) src(%arg36 : memref<32x128xf32, #tpu.memory_space<vmem>>) dst(%dma_wait3A_638 : memref<10240x128xf32, #tpu.memory_space<vmem_shared>>)
      %dma_wait3A_639 = arith.constant 0 : i32
      %dma_wait3A_640 = arith.constant 0 : i32
      %dma_wait3A_641 = tpu.memref_slice %arg7[%dma_wait3A_639, %dma_wait3A_640] : memref<10240x128xf32, #tpu.memory_space<vmem_shared>> -> memref<10240x128xf32, #tpu.memory_space<vmem_shared>>
      tpu.wait_indirect_dma semaphore(%arg67 : memref<!tpu.dma_semaphore, #tpu.memory_space<semaphore_mem>>) src(%arg37 : memref<32x128xf32, #tpu.memory_space<vmem>>) dst(%dma_wait3A_641 : memref<10240x128xf32, #tpu.memory_space<vmem_shared>>)
    }
    %scan3A_226 = arith.constant 31 : i32
    %add3A_227 = arith.constant 9920 : i32
    %add3A_228 = arith.addi %mul3A_4, %add3A_227 : i32
    %multiple_of3A_229 = tpu.assume_multiple %add3A_228, 8 : i32
    %add3A_230 = arith.constant 9920 : i32
    %add3A_231 = arith.addi %mul3A_4, %add3A_230 : i32
    %multiple_of3A_232 = tpu.assume_multiple %add3A_231, 8 : i32
    %dma_start3A_233 = tpu.memref_slice %arg2[%multiple_of3A_229] : memref<640000xi32, #tpu.memory_space<hbm>> -> memref<32xi32, #tpu.memory_space<hbm>>
    %dma_start3A_234 = tpu.memref_slice %arg2[%multiple_of3A_229] : memref<640000xi32, #tpu.memory_space<hbm>> -> memref<32xi32, #tpu.memory_space<hbm>>
    tpu.enqueue_dma source(%dma_start3A_234 : memref<32xi32, #tpu.memory_space<hbm>>) target(%arg8 : memref<32xi32, #tpu.memory_space<vmem>>) target_semaphore(%arg38 : memref<!tpu.dma_semaphore, #tpu.memory_space<semaphore_mem>>)
    %dma_start3A_235 = tpu.memref_slice %arg3[%multiple_of3A_232] : memref<320000xi32, #tpu.memory_space<hbm>> -> memref<32xi32, #tpu.memory_space<hbm>>
    %dma_start3A_236 = tpu.memref_slice %arg3[%multiple_of3A_232] : memref<320000xi32, #tpu.memory_space<hbm>> -> memref<32xi32, #tpu.memory_space<hbm>>
    tpu.enqueue_dma source(%dma_start3A_236 : memref<32xi32, #tpu.memory_space<hbm>>) target(%arg18 : memref<32xi32, #tpu.memory_space<vmem>>) target_semaphore(%arg38 : memref<!tpu.dma_semaphore, #tpu.memory_space<semaphore_mem>>)
    %add3A_237 = arith.constant 9952 : i32
    %add3A_238 = arith.addi %mul3A_4, %add3A_237 : i32
    %multiple_of3A_239 = tpu.assume_multiple %add3A_238, 8 : i32
    %add3A_240 = arith.constant 9952 : i32
    %add3A_241 = arith.addi %mul3A_4, %add3A_240 : i32
    %multiple_of3A_242 = tpu.assume_multiple %add3A_241, 8 : i32
    %dma_start3A_243 = tpu.memref_slice %arg2[%multiple_of3A_239] : memref<640000xi32, #tpu.memory_space<hbm>> -> memref<32xi32, #tpu.memory_space<hbm>>
    %dma_start3A_244 = tpu.memref_slice %arg2[%multiple_of3A_239] : memref<640000xi32, #tpu.memory_space<hbm>> -> memref<32xi32, #tpu.memory_space<hbm>>
    tpu.enqueue_dma source(%dma_start3A_244 : memref<32xi32, #tpu.memory_space<hbm>>) target(%arg9 : memref<32xi32, #tpu.memory_space<vmem>>) target_semaphore(%arg39 : memref<!tpu.dma_semaphore, #tpu.memory_space<semaphore_mem>>)
    %dma_start3A_245 = tpu.memref_slice %arg3[%multiple_of3A_242] : memref<320000xi32, #tpu.memory_space<hbm>> -> memref<32xi32, #tpu.memory_space<hbm>>
    %dma_start3A_246 = tpu.memref_slice %arg3[%multiple_of3A_242] : memref<320000xi32, #tpu.memory_space<hbm>> -> memref<32xi32, #tpu.memory_space<hbm>>
    tpu.enqueue_dma source(%dma_start3A_246 : memref<32xi32, #tpu.memory_space<hbm>>) target(%arg19 : memref<32xi32, #tpu.memory_space<vmem>>) target_semaphore(%arg39 : memref<!tpu.dma_semaphore, #tpu.memory_space<semaphore_mem>>)
    %dma_wait3A_247 = tpu.memref_slice %arg2[%multiple_of3A_229] : memref<640000xi32, #tpu.memory_space<hbm>> -> memref<32xi32, #tpu.memory_space<hbm>>
    %dma_wait3A_248 = tpu.memref_slice %arg2[%multiple_of3A_229] : memref<640000xi32, #tpu.memory_space<hbm>> -> memref<32xi32, #tpu.memory_space<hbm>>
    tpu.wait_dma2 semaphore(%arg38 : memref<!tpu.dma_semaphore, #tpu.memory_space<semaphore_mem>>) src(%dma_wait3A_248 : memref<32xi32, #tpu.memory_space<hbm>>) dst(%arg8 : memref<32xi32, #tpu.memory_space<vmem>>)
    %dma_wait3A_249 = tpu.memref_slice %arg3[%multiple_of3A_232] : memref<320000xi32, #tpu.memory_space<hbm>> -> memref<32xi32, #tpu.memory_space<hbm>>
    %dma_wait3A_250 = tpu.memref_slice %arg3[%multiple_of3A_232] : memref<320000xi32, #tpu.memory_space<hbm>> -> memref<32xi32, #tpu.memory_space<hbm>>
    tpu.wait_dma2 semaphore(%arg38 : memref<!tpu.dma_semaphore, #tpu.memory_space<semaphore_mem>>) src(%dma_wait3A_250 : memref<32xi32, #tpu.memory_space<hbm>>) dst(%arg18 : memref<32xi32, #tpu.memory_space<vmem>>)
    %dma_start3A_251 = arith.constant 0 : i32
    %dma_start3A_252 = arith.constant 0 : i32
    %dma_start3A_253 = tpu.memref_slice %arg4[%dma_start3A_251, %dma_start3A_252] : memref<10240x128xf32, #tpu.memory_space<hbm>> -> memref<10240x128xf32, #tpu.memory_space<hbm>>
    tpu.enqueue_indirect_dma source(%dma_start3A_253 : memref<10240x128xf32, #tpu.memory_space<hbm>>) target(%arg28 : memref<32x128xf32, #tpu.memory_space<vmem>>) offsets(%arg8 : memref<32xi32, #tpu.memory_space<vmem>>) semaphore(%arg48 : memref<!tpu.dma_semaphore, #tpu.memory_space<semaphore_mem>>)
    %dma_wait3A_254 = tpu.memref_slice %arg2[%multiple_of3A_239] : memref<640000xi32, #tpu.memory_space<hbm>> -> memref<32xi32, #tpu.memory_space<hbm>>
    %dma_wait3A_255 = tpu.memref_slice %arg2[%multiple_of3A_239] : memref<640000xi32, #tpu.memory_space<hbm>> -> memref<32xi32, #tpu.memory_space<hbm>>
    tpu.wait_dma2 semaphore(%arg39 : memref<!tpu.dma_semaphore, #tpu.memory_space<semaphore_mem>>) src(%dma_wait3A_255 : memref<32xi32, #tpu.memory_space<hbm>>) dst(%arg9 : memref<32xi32, #tpu.memory_space<vmem>>)
    %dma_wait3A_256 = tpu.memref_slice %arg3[%multiple_of3A_242] : memref<320000xi32, #tpu.memory_space<hbm>> -> memref<32xi32, #tpu.memory_space<hbm>>
    %dma_wait3A_257 = tpu.memref_slice %arg3[%multiple_of3A_242] : memref<320000xi32, #tpu.memory_space<hbm>> -> memref<32xi32, #tpu.memory_space<hbm>>
    tpu.wait_dma2 semaphore(%arg39 : memref<!tpu.dma_semaphore, #tpu.memory_space<semaphore_mem>>) src(%dma_wait3A_257 : memref<32xi32, #tpu.memory_space<hbm>>) dst(%arg19 : memref<32xi32, #tpu.memory_space<vmem>>)
    %dma_start3A_258 = arith.constant 0 : i32
    %dma_start3A_259 = arith.constant 0 : i32
    %dma_start3A_260 = tpu.memref_slice %arg4[%dma_start3A_258, %dma_start3A_259] : memref<10240x128xf32, #tpu.memory_space<hbm>> -> memref<10240x128xf32, #tpu.memory_space<hbm>>
    tpu.enqueue_indirect_dma source(%dma_start3A_260 : memref<10240x128xf32, #tpu.memory_space<hbm>>) target(%arg29 : memref<32x128xf32, #tpu.memory_space<vmem>>) offsets(%arg9 : memref<32xi32, #tpu.memory_space<vmem>>) semaphore(%arg49 : memref<!tpu.dma_semaphore, #tpu.memory_space<semaphore_mem>>)
    %dma_wait3A_261 = arith.constant 0 : i32
    %dma_wait3A_262 = arith.constant 0 : i32
    %dma_wait3A_263 = tpu.memref_slice %arg4[%dma_wait3A_261, %dma_wait3A_262] : memref<10240x128xf32, #tpu.memory_space<hbm>> -> memref<10240x128xf32, #tpu.memory_space<hbm>>
    tpu.wait_indirect_dma semaphore(%arg48 : memref<!tpu.dma_semaphore, #tpu.memory_space<semaphore_mem>>) src(%dma_wait3A_263 : memref<10240x128xf32, #tpu.memory_space<hbm>>) dst(%arg28 : memref<32x128xf32, #tpu.memory_space<vmem>>)
    %dma_start3A_264 = arith.constant 0 : i32
    %dma_start3A_265 = arith.constant 0 : i32
    %dma_start3A_266 = tpu.memref_slice %arg7[%dma_start3A_264, %dma_start3A_265] : memref<10240x128xf32, #tpu.memory_space<vmem_shared>> -> memref<10240x128xf32, #tpu.memory_space<vmem_shared>>
    tpu.enqueue_indirect_dma source(%arg28 : memref<32x128xf32, #tpu.memory_space<vmem>>) target(%dma_start3A_266 : memref<10240x128xf32, #tpu.memory_space<vmem_shared>>) offsets(%arg18 : memref<32xi32, #tpu.memory_space<vmem>>) semaphore(%arg58 : memref<!tpu.dma_semaphore, #tpu.memory_space<semaphore_mem>>) {add = true}
    %dma_wait3A_267 = arith.constant 0 : i32
    %dma_wait3A_268 = arith.constant 0 : i32
    %dma_wait3A_269 = tpu.memref_slice %arg7[%dma_wait3A_267, %dma_wait3A_268] : memref<10240x128xf32, #tpu.memory_space<vmem_shared>> -> memref<10240x128xf32, #tpu.memory_space<vmem_shared>>
    tpu.wait_indirect_dma semaphore(%arg58 : memref<!tpu.dma_semaphore, #tpu.memory_space<semaphore_mem>>) src(%arg28 : memref<32x128xf32, #tpu.memory_space<vmem>>) dst(%dma_wait3A_269 : memref<10240x128xf32, #tpu.memory_space<vmem_shared>>)
    %dma_wait3A_270 = arith.constant 0 : i32
    %dma_wait3A_271 = arith.constant 0 : i32
    %dma_wait3A_272 = tpu.memref_slice %arg4[%dma_wait3A_270, %dma_wait3A_271] : memref<10240x128xf32, #tpu.memory_space<hbm>> -> memref<10240x128xf32, #tpu.memory_space<hbm>>
    tpu.wait_indirect_dma semaphore(%arg49 : memref<!tpu.dma_semaphore, #tpu.memory_space<semaphore_mem>>) src(%dma_wait3A_272 : memref<10240x128xf32, #tpu.memory_space<hbm>>) dst(%arg29 : memref<32x128xf32, #tpu.memory_space<vmem>>)
    %dma_start3A_273 = arith.constant 0 : i32
    %dma_start3A_274 = arith.constant 0 : i32
    %dma_start3A_275 = tpu.memref_slice %arg7[%dma_start3A_273, %dma_start3A_274] : memref<10240x128xf32, #tpu.memory_space<vmem_shared>> -> memref<10240x128xf32, #tpu.memory_space<vmem_shared>>
    tpu.enqueue_indirect_dma source(%arg29 : memref<32x128xf32, #tpu.memory_space<vmem>>) target(%dma_start3A_275 : memref<10240x128xf32, #tpu.memory_space<vmem_shared>>) offsets(%arg19 : memref<32xi32, #tpu.memory_space<vmem>>) semaphore(%arg59 : memref<!tpu.dma_semaphore, #tpu.memory_space<semaphore_mem>>) {add = true}
    %dma_wait3A_276 = arith.constant 0 : i32
    %dma_wait3A_277 = arith.constant 0 : i32
    %dma_wait3A_278 = tpu.memref_slice %arg7[%dma_wait3A_276, %dma_wait3A_277] : memref<10240x128xf32, #tpu.memory_space<vmem_shared>> -> memref<10240x128xf32, #tpu.memory_space<vmem_shared>>
    tpu.wait_indirect_dma semaphore(%arg59 : memref<!tpu.dma_semaphore, #tpu.memory_space<semaphore_mem>>) src(%arg29 : memref<32x128xf32, #tpu.memory_space<vmem>>) dst(%dma_wait3A_278 : memref<10240x128xf32, #tpu.memory_space<vmem_shared>>)
    %add3A_279 = arith.constant 9984 : i32
    %add3A_280 = arith.addi %mul3A_4, %add3A_279 : i32
    %multiple_of3A_281 = tpu.assume_multiple %add3A_280, 8 : i32
    %add3A_282 = arith.constant 9984 : i32
    %add3A_283 = arith.addi %mul3A_4, %add3A_282 : i32
    %multiple_of3A_284 = tpu.assume_multiple %add3A_283, 8 : i32
    "tpu.region"() ({
      %run_scoped3A = tpu.sem_alloc : memref<!tpu.dma_semaphore, #tpu.memory_space<semaphore_mem>>
      %dma_start3A_317 = tpu.memref_slice %arg2[%multiple_of3A_281] : memref<640000xi32, #tpu.memory_space<hbm>> -> memref<16xi32, #tpu.memory_space<hbm>>
      %dma_start3A_318 = tpu.memref_slice %arg2[%multiple_of3A_281] : memref<640000xi32, #tpu.memory_space<hbm>> -> memref<16xi32, #tpu.memory_space<hbm>>
      tpu.enqueue_dma source(%dma_start3A_318 : memref<16xi32, #tpu.memory_space<hbm>>) target(%arg68 : memref<16xi32, #tpu.memory_space<vmem>>) target_semaphore(%run_scoped3A : memref<!tpu.dma_semaphore, #tpu.memory_space<semaphore_mem>>)
      %dma_wait3A_319 = tpu.memref_slice %arg2[%multiple_of3A_281] : memref<640000xi32, #tpu.memory_space<hbm>> -> memref<16xi32, #tpu.memory_space<hbm>>
      %dma_wait3A_320 = tpu.memref_slice %arg2[%multiple_of3A_281] : memref<640000xi32, #tpu.memory_space<hbm>> -> memref<16xi32, #tpu.memory_space<hbm>>
      tpu.wait_dma2 semaphore(%run_scoped3A : memref<!tpu.dma_semaphore, #tpu.memory_space<semaphore_mem>>) src(%dma_wait3A_320 : memref<16xi32, #tpu.memory_space<hbm>>) dst(%arg68 : memref<16xi32, #tpu.memory_space<vmem>>)
      tpu.yield
    }) : () -> ()
    "tpu.region"() ({
      %run_scoped3A = tpu.sem_alloc : memref<!tpu.dma_semaphore, #tpu.memory_space<semaphore_mem>>
      %dma_start3A_317 = tpu.memref_slice %arg3[%multiple_of3A_284] : memref<320000xi32, #tpu.memory_space<hbm>> -> memref<16xi32, #tpu.memory_space<hbm>>
      %dma_start3A_318 = tpu.memref_slice %arg3[%multiple_of3A_284] : memref<320000xi32, #tpu.memory_space<hbm>> -> memref<16xi32, #tpu.memory_space<hbm>>
      tpu.enqueue_dma source(%dma_start3A_318 : memref<16xi32, #tpu.memory_space<hbm>>) target(%arg69 : memref<16xi32, #tpu.memory_space<vmem>>) target_semaphore(%run_scoped3A : memref<!tpu.dma_semaphore, #tpu.memory_space<semaphore_mem>>)
      %dma_wait3A_319 = tpu.memref_slice %arg3[%multiple_of3A_284] : memref<320000xi32, #tpu.memory_space<hbm>> -> memref<16xi32, #tpu.memory_space<hbm>>
      %dma_wait3A_320 = tpu.memref_slice %arg3[%multiple_of3A_284] : memref<320000xi32, #tpu.memory_space<hbm>> -> memref<16xi32, #tpu.memory_space<hbm>>
      tpu.wait_dma2 semaphore(%run_scoped3A : memref<!tpu.dma_semaphore, #tpu.memory_space<semaphore_mem>>) src(%dma_wait3A_320 : memref<16xi32, #tpu.memory_space<hbm>>) dst(%arg69 : memref<16xi32, #tpu.memory_space<vmem>>)
      tpu.yield
    }) : () -> ()
    %dma_start3A_285 = arith.constant 0 : i32
    %dma_start3A_286 = arith.constant 0 : i32
    %dma_start3A_287 = tpu.memref_slice %arg28[%dma_start3A_285, %dma_start3A_286] : memref<32x128xf32, #tpu.memory_space<vmem>> -> memref<16x128xf32, #tpu.memory_space<vmem>>
    %dma_start3A_288 = arith.constant 0 : i32
    %dma_start3A_289 = arith.constant 0 : i32
    %dma_start3A_290 = tpu.memref_slice %arg4[%dma_start3A_288, %dma_start3A_289] : memref<10240x128xf32, #tpu.memory_space<hbm>> -> memref<10240x128xf32, #tpu.memory_space<hbm>>
    tpu.enqueue_indirect_dma source(%dma_start3A_290 : memref<10240x128xf32, #tpu.memory_space<hbm>>) target(%dma_start3A_287 : memref<16x128xf32, #tpu.memory_space<vmem>>) offsets(%arg68 : memref<16xi32, #tpu.memory_space<vmem>>) semaphore(%arg48 : memref<!tpu.dma_semaphore, #tpu.memory_space<semaphore_mem>>)
    %dma_wait3A_291 = arith.constant 0 : i32
    %dma_wait3A_292 = arith.constant 0 : i32
    %dma_wait3A_293 = tpu.memref_slice %arg28[%dma_wait3A_291, %dma_wait3A_292] : memref<32x128xf32, #tpu.memory_space<vmem>> -> memref<16x128xf32, #tpu.memory_space<vmem>>
    %dma_wait3A_294 = arith.constant 0 : i32
    %dma_wait3A_295 = arith.constant 0 : i32
    %dma_wait3A_296 = tpu.memref_slice %arg4[%dma_wait3A_294, %dma_wait3A_295] : memref<10240x128xf32, #tpu.memory_space<hbm>> -> memref<10240x128xf32, #tpu.memory_space<hbm>>
    tpu.wait_indirect_dma semaphore(%arg48 : memref<!tpu.dma_semaphore, #tpu.memory_space<semaphore_mem>>) src(%dma_wait3A_296 : memref<10240x128xf32, #tpu.memory_space<hbm>>) dst(%dma_wait3A_293 : memref<16x128xf32, #tpu.memory_space<vmem>>)
    %dma_start3A_297 = arith.constant 0 : i32
    %dma_start3A_298 = arith.constant 0 : i32
    %dma_start3A_299 = tpu.memref_slice %arg28[%dma_start3A_297, %dma_start3A_298] : memref<32x128xf32, #tpu.memory_space<vmem>> -> memref<16x128xf32, #tpu.memory_space<vmem>>
    %dma_start3A_300 = arith.constant 0 : i32
    %dma_start3A_301 = arith.constant 0 : i32
    %dma_start3A_302 = tpu.memref_slice %arg7[%dma_start3A_300, %dma_start3A_301] : memref<10240x128xf32, #tpu.memory_space<vmem_shared>> -> memref<10240x128xf32, #tpu.memory_space<vmem_shared>>
    tpu.enqueue_indirect_dma source(%dma_start3A_299 : memref<16x128xf32, #tpu.memory_space<vmem>>) target(%dma_start3A_302 : memref<10240x128xf32, #tpu.memory_space<vmem_shared>>) offsets(%arg69 : memref<16xi32, #tpu.memory_space<vmem>>) semaphore(%arg58 : memref<!tpu.dma_semaphore, #tpu.memory_space<semaphore_mem>>) {add = true}
    %dma_wait3A_303 = arith.constant 0 : i32
    %dma_wait3A_304 = arith.constant 0 : i32
    %dma_wait3A_305 = tpu.memref_slice %arg28[%dma_wait3A_303, %dma_wait3A_304] : memref<32x128xf32, #tpu.memory_space<vmem>> -> memref<16x128xf32, #tpu.memory_space<vmem>>
    %dma_wait3A_306 = arith.constant 0 : i32
    %dma_wait3A_307 = arith.constant 0 : i32
    %dma_wait3A_308 = tpu.memref_slice %arg7[%dma_wait3A_306, %dma_wait3A_307] : memref<10240x128xf32, #tpu.memory_space<vmem_shared>> -> memref<10240x128xf32, #tpu.memory_space<vmem_shared>>
    tpu.wait_indirect_dma semaphore(%arg58 : memref<!tpu.dma_semaphore, #tpu.memory_space<semaphore_mem>>) src(%dma_wait3A_305 : memref<16x128xf32, #tpu.memory_space<vmem>>) dst(%dma_wait3A_308 : memref<10240x128xf32, #tpu.memory_space<vmem_shared>>)
    %barrier3A_309 = arith.constant 0 : index
    tpu.barrier barrier_id(%barrier3A_309)
    %mul3A_310 = arith.constant 10240 : i32
    %mul3A_311 = arith.muli %arg0, %mul3A_310 : i32
    %mul3A_312 = arith.constant 640 : i32
    %mul3A_313 = arith.muli %arg1, %mul3A_312 : i32
    %add3A_314 = arith.addi %mul3A_311, %mul3A_313 : i32
    %multiple_of3A_315 = tpu.assume_multiple %add3A_314, 8 : i32
    "tpu.region"() ({
      %run_scoped3A = tpu.sem_alloc : memref<!tpu.dma_semaphore, #tpu.memory_space<semaphore_mem>>
      %dma_start3A_317 = arith.constant 0 : i32
      %dma_start3A_318 = tpu.memref_slice %arg6[%multiple_of3A_315, %dma_start3A_317] : memref<20480x128xf32, #tpu.memory_space<hbm>> -> memref<640x128xf32, #tpu.memory_space<hbm>>
      %dma_start3A_319 = arith.constant 0 : i32
      %dma_start3A_320 = tpu.memref_slice %arg7[%multiple_of3A, %dma_start3A_319] : memref<10240x128xf32, #tpu.memory_space<vmem_shared>> -> memref<640x128xf32, #tpu.memory_space<vmem_shared>>
      tpu.enqueue_dma source(%dma_start3A_320 : memref<640x128xf32, #tpu.memory_space<vmem_shared>>) target(%dma_start3A_318 : memref<640x128xf32, #tpu.memory_space<hbm>>) target_semaphore(%run_scoped3A : memref<!tpu.dma_semaphore, #tpu.memory_space<semaphore_mem>>)
      %dma_wait3A_321 = arith.constant 0 : i32
      %dma_wait3A_322 = tpu.memref_slice %arg6[%multiple_of3A_315, %dma_wait3A_321] : memref<20480x128xf32, #tpu.memory_space<hbm>> -> memref<640x128xf32, #tpu.memory_space<hbm>>
      %dma_wait3A_323 = arith.constant 0 : i32
      %dma_wait3A_324 = tpu.memref_slice %arg7[%multiple_of3A, %dma_wait3A_323] : memref<10240x128xf32, #tpu.memory_space<vmem_shared>> -> memref<640x128xf32, #tpu.memory_space<vmem_shared>>
      tpu.wait_dma2 semaphore(%run_scoped3A : memref<!tpu.dma_semaphore, #tpu.memory_space<semaphore_mem>>) src(%dma_wait3A_324 : memref<640x128xf32, #tpu.memory_space<vmem_shared>>) dst(%dma_wait3A_322 : memref<640x128xf32, #tpu.memory_space<hbm>>)
      tpu.yield
    }) : () -> ()
    %barrier3A_316 = arith.constant 0 : index
    tpu.barrier barrier_id(%barrier3A_316)
    return
  }
}

#map = affine_map<(d0, d1) -> (0)>
module attributes {stable_mosaic.version = 14 : i64} {
  func.func @k(%arg0: i32, %arg1: i32, %arg2: memref<320000xi32, #tpu.memory_space<hbm>>, %arg3: memref<320000xf32, #tpu.memory_space<hbm>>, %arg4: memref<10000xf32, #tpu.memory_space<vmem>>, %arg5: memref<10000xi32, #tpu.memory_space<vmem>>) attributes {dimension_semantics = [#tpu.dimension_semantics<core_parallel>, #tpu.dimension_semantics<subcore_parallel>], iteration_bounds = array<i64: 2, 16>, scalar_prefetch = 0 : i64, scratch_operands = 2 : i64, tpu.core_type = #tpu.core_type<sc_vector_subcore>, window_params = [{transform_indices = #map}, {transform_indices = #map}]} {
    %mul3A = arith.constant 2 : i32
    %mul3A_0 = arith.muli %arg1, %mul3A : i32
    %add3A = arith.addi %mul3A_0, %arg0 : i32
    %broadcast_in_dim3A = arith.constant 0.000000e+00 : f32
    %broadcast_in_dim3A_1 = vector.broadcast %broadcast_in_dim3A : f32 to vector<16xf32>
    %broadcast_in_dim3A_2 = arith.constant 1.000000e+00 : f32
    %broadcast_in_dim3A_3 = vector.broadcast %broadcast_in_dim3A_2 : f32 to vector<16xf32>
    %scan3A = arith.constant 0 : i32
    %scan3A_4 = arith.constant 625 : i32
    %scan3A_5 = arith.addi %scan3A, %scan3A_4 : i32
    %scan3A_6 = arith.constant 1 : i32
    scf.for %scan3A_18 = %scan3A to %scan3A_5 step %scan3A_6  : i32 {
      %mul3A_19 = arith.constant 1 : i32
      %mul3A_20 = arith.muli %scan3A_18, %mul3A_19 : i32
      %add3A_21 = arith.constant 0 : i32
      %add3A_22 = arith.addi %add3A_21, %mul3A_20 : i32
      %mul3A_23 = arith.constant 16 : i32
      %mul3A_24 = arith.muli %add3A_22, %mul3A_23 : i32
      %multiple_of3A_25 = tpu.assume_multiple %mul3A_24, 16 : i32
      %swap3A = arith.index_cast %multiple_of3A_25 : i32 to index
      %swap3A_26 = tpu.vector_load %arg4[%swap3A] {strides = array<i32>} : memref<10000xf32, #tpu.memory_space<vmem>>, vector<16xf32>,
      tpu.vector_store %arg4[%swap3A], %broadcast_in_dim3A_1 {strides = array<i32>} : memref<10000xf32, #tpu.memory_space<vmem>>, vector<16xf32>,
    }
    %scan3A_7 = arith.constant 625 : i32
    %mul3A_8 = arith.constant 10000 : i32
    %mul3A_9 = arith.muli %add3A, %mul3A_8 : i32
    %multiple_of3A = tpu.assume_multiple %mul3A_9, 8 : i32
    "tpu.region"() ({
      %run_scoped3A = tpu.sem_alloc : memref<!tpu.dma_semaphore, #tpu.memory_space<semaphore_mem>>
      %dma_start3A = tpu.memref_slice %arg2[%multiple_of3A] : memref<320000xi32, #tpu.memory_space<hbm>> -> memref<10000xi32, #tpu.memory_space<hbm>>
      %dma_start3A_18 = tpu.memref_slice %arg2[%multiple_of3A] : memref<320000xi32, #tpu.memory_space<hbm>> -> memref<10000xi32, #tpu.memory_space<hbm>>
      tpu.enqueue_dma source(%dma_start3A_18 : memref<10000xi32, #tpu.memory_space<hbm>>) target(%arg5 : memref<10000xi32, #tpu.memory_space<vmem>>) target_semaphore(%run_scoped3A : memref<!tpu.dma_semaphore, #tpu.memory_space<semaphore_mem>>)
      %dma_wait3A = tpu.memref_slice %arg2[%multiple_of3A] : memref<320000xi32, #tpu.memory_space<hbm>> -> memref<10000xi32, #tpu.memory_space<hbm>>
      %dma_wait3A_19 = tpu.memref_slice %arg2[%multiple_of3A] : memref<320000xi32, #tpu.memory_space<hbm>> -> memref<10000xi32, #tpu.memory_space<hbm>>
      tpu.wait_dma2 semaphore(%run_scoped3A : memref<!tpu.dma_semaphore, #tpu.memory_space<semaphore_mem>>) src(%dma_wait3A_19 : memref<10000xi32, #tpu.memory_space<hbm>>) dst(%arg5 : memref<10000xi32, #tpu.memory_space<vmem>>)
      tpu.yield
    }) : () -> ()
    %scan3A_10 = arith.constant 0 : i32
    %scan3A_11 = arith.constant 625 : i32
    %scan3A_12 = arith.addi %scan3A_10, %scan3A_11 : i32
    %scan3A_13 = arith.constant 1 : i32
    scf.for %scan3A_18 = %scan3A_10 to %scan3A_12 step %scan3A_13  : i32 {
      %mul3A_19 = arith.constant 1 : i32
      %mul3A_20 = arith.muli %scan3A_18, %mul3A_19 : i32
      %add3A_21 = arith.constant 0 : i32
      %add3A_22 = arith.addi %add3A_21, %mul3A_20 : i32
      %mul3A_23 = arith.constant 16 : i32
      %mul3A_24 = arith.muli %add3A_22, %mul3A_23 : i32
      %multiple_of3A_25 = tpu.assume_multiple %mul3A_24, 16 : i32
      %get3A = arith.index_cast %multiple_of3A_25 : i32 to index
      %get3A_26 = tpu.vector_load %arg5[%get3A] {strides = array<i32>} : memref<10000xi32, #tpu.memory_space<vmem>>, vector<16xi32>,
      tpu.vector_store_idx %arg4[%get3A_26], %broadcast_in_dim3A_3 {add = true} : memref<10000xf32, #tpu.memory_space<vmem>>[vector<16xi32>], vector<16xf32>,
    }
    %scan3A_14 = arith.constant 625 : i32
    %mul3A_15 = arith.constant 10000 : i32
    %mul3A_16 = arith.muli %add3A, %mul3A_15 : i32
    %multiple_of3A_17 = tpu.assume_multiple %mul3A_16, 8 : i32
    "tpu.region"() ({
      %run_scoped3A = tpu.sem_alloc : memref<!tpu.dma_semaphore, #tpu.memory_space<semaphore_mem>>
      %dma_start3A = tpu.memref_slice %arg3[%multiple_of3A_17] : memref<320000xf32, #tpu.memory_space<hbm>> -> memref<10000xf32, #tpu.memory_space<hbm>>
      %dma_start3A_18 = tpu.memref_slice %arg3[%multiple_of3A_17] : memref<320000xf32, #tpu.memory_space<hbm>> -> memref<10000xf32, #tpu.memory_space<hbm>>
      tpu.enqueue_dma source(%arg4 : memref<10000xf32, #tpu.memory_space<vmem>>) target(%dma_start3A_18 : memref<10000xf32, #tpu.memory_space<hbm>>) target_semaphore(%run_scoped3A : memref<!tpu.dma_semaphore, #tpu.memory_space<semaphore_mem>>)
      %dma_wait3A = tpu.memref_slice %arg3[%multiple_of3A_17] : memref<320000xf32, #tpu.memory_space<hbm>> -> memref<10000xf32, #tpu.memory_space<hbm>>
      %dma_wait3A_19 = tpu.memref_slice %arg3[%multiple_of3A_17] : memref<320000xf32, #tpu.memory_space<hbm>> -> memref<10000xf32, #tpu.memory_space<hbm>>
      tpu.wait_dma2 semaphore(%run_scoped3A : memref<!tpu.dma_semaphore, #tpu.memory_space<semaphore_mem>>) src(%arg4 : memref<10000xf32, #tpu.memory_space<vmem>>) dst(%dma_wait3A_19 : memref<10000xf32, #tpu.memory_space<hbm>>)
      tpu.yield
    }) : () -> ()
    return
  }
}

#map = affine_map<(d0, d1) -> (0)>
#map1 = affine_map<(d0, d1) -> (0, 0)>
module attributes {stable_mosaic.version = 14 : i64} {
  func.func @k(%arg0: i32, %arg1: i32, %arg2: memref<640000xi32, #tpu.memory_space<hbm>>, %arg3: memref<320000xi32, #tpu.memory_space<hbm>>, %arg4: memref<20480x128xf32, #tpu.memory_space<hbm>>, %arg5: memref<32x128xf32, #tpu.memory_space<hbm>>, %arg6: memref<20480x128xf32, #tpu.memory_space<hbm>>, %arg7: memref<10240x128xf32, #tpu.memory_space<vmem_shared>>, %arg8: memref<32xi32, #tpu.memory_space<vmem>>, %arg9: memref<32xi32, #tpu.memory_space<vmem>>, %arg10: memref<32xi32, #tpu.memory_space<vmem>>, %arg11: memref<32xi32, #tpu.memory_space<vmem>>, %arg12: memref<32xi32, #tpu.memory_space<vmem>>, %arg13: memref<32xi32, #tpu.memory_space<vmem>>, %arg14: memref<32xi32, #tpu.memory_space<vmem>>, %arg15: memref<32xi32, #tpu.memory_space<vmem>>, %arg16: memref<32xi32, #tpu.memory_space<vmem>>, %arg17: memref<32xi32, #tpu.memory_space<vmem>>, %arg18: memref<32xi32, #tpu.memory_space<vmem>>, %arg19: memref<32xi32, #tpu.memory_space<vmem>>, %arg20: memref<32xi32, #tpu.memory_space<vmem>>, %arg21: memref<32xi32, #tpu.memory_space<vmem>>, %arg22: memref<32xi32, #tpu.memory_space<vmem>>, %arg23: memref<32xi32, #tpu.memory_space<vmem>>, %arg24: memref<32xi32, #tpu.memory_space<vmem>>, %arg25: memref<32xi32, #tpu.memory_space<vmem>>, %arg26: memref<32xi32, #tpu.memory_space<vmem>>, %arg27: memref<32xi32, #tpu.memory_space<vmem>>, %arg28: memref<32x128xf32, #tpu.memory_space<vmem>>, %arg29: memref<32x128xf32, #tpu.memory_space<vmem>>, %arg30: memref<32x128xf32, #tpu.memory_space<vmem>>, %arg31: memref<32x128xf32, #tpu.memory_space<vmem>>, %arg32: memref<32x128xf32, #tpu.memory_space<vmem>>, %arg33: memref<32x128xf32, #tpu.memory_space<vmem>>, %arg34: memref<32x128xf32, #tpu.memory_space<vmem>>, %arg35: memref<32x128xf32, #tpu.memory_space<vmem>>, %arg36: memref<32x128xf32, #tpu.memory_space<vmem>>, %arg37: memref<32x128xf32, #tpu.memory_space<vmem>>, %arg38: memref<!tpu.dma_semaphore, #tpu.memory_space<semaphore_mem>>, %arg39: memref<!tpu.dma_semaphore, #tpu.memory_space<semaphore_mem>>, %arg40: memref<!tpu.dma_semaphore, #tpu.memory_space<semaphore_mem>>, %arg41: memref<!tpu.dma_semaphore, #tpu.memory_space<semaphore_mem>>, %arg42: memref<!tpu.dma_semaphore, #tpu.memory_space<semaphore_mem>>, %arg43: memref<!tpu.dma_semaphore, #tpu.memory_space<semaphore_mem>>, %arg44: memref<!tpu.dma_semaphore, #tpu.memory_space<semaphore_mem>>, %arg45: memref<!tpu.dma_semaphore, #tpu.memory_space<semaphore_mem>>, %arg46: memref<!tpu.dma_semaphore, #tpu.memory_space<semaphore_mem>>, %arg47: memref<!tpu.dma_semaphore, #tpu.memory_space<semaphore_mem>>, %arg48: memref<!tpu.dma_semaphore, #tpu.memory_space<semaphore_mem>>, %arg49: memref<!tpu.dma_semaphore, #tpu.memory_space<semaphore_mem>>, %arg50: memref<!tpu.dma_semaphore, #tpu.memory_space<semaphore_mem>>, %arg51: memref<!tpu.dma_semaphore, #tpu.memory_space<semaphore_mem>>, %arg52: memref<!tpu.dma_semaphore, #tpu.memory_space<semaphore_mem>>, %arg53: memref<!tpu.dma_semaphore, #tpu.memory_space<semaphore_mem>>, %arg54: memref<!tpu.dma_semaphore, #tpu.memory_space<semaphore_mem>>, %arg55: memref<!tpu.dma_semaphore, #tpu.memory_space<semaphore_mem>>, %arg56: memref<!tpu.dma_semaphore, #tpu.memory_space<semaphore_mem>>, %arg57: memref<!tpu.dma_semaphore, #tpu.memory_space<semaphore_mem>>, %arg58: memref<!tpu.dma_semaphore, #tpu.memory_space<semaphore_mem>>, %arg59: memref<!tpu.dma_semaphore, #tpu.memory_space<semaphore_mem>>, %arg60: memref<!tpu.dma_semaphore, #tpu.memory_space<semaphore_mem>>, %arg61: memref<!tpu.dma_semaphore, #tpu.memory_space<semaphore_mem>>, %arg62: memref<!tpu.dma_semaphore, #tpu.memory_space<semaphore_mem>>, %arg63: memref<!tpu.dma_semaphore, #tpu.memory_space<semaphore_mem>>, %arg64: memref<!tpu.dma_semaphore, #tpu.memory_space<semaphore_mem>>, %arg65: memref<!tpu.dma_semaphore, #tpu.memory_space<semaphore_mem>>, %arg66: memref<!tpu.dma_semaphore, #tpu.memory_space<semaphore_mem>>, %arg67: memref<!tpu.dma_semaphore, #tpu.memory_space<semaphore_mem>>) attributes {dimension_semantics = [#tpu.dimension_semantics<core_parallel>, #tpu.dimension_semantics<subcore_parallel>], iteration_bounds = array<i64: 2, 16>, scalar_prefetch = 0 : i64, scratch_operands = 61 : i64, tpu.core_type = #tpu.core_type<sc_vector_subcore>, window_params = [{transform_indices = #map}, {transform_indices = #map}, {transform_indices = #map1}, {transform_indices = #map1}, {transform_indices = #map1}]} {
    %mul3A = arith.constant 640 : i32
    %mul3A_0 = arith.muli %arg1, %mul3A : i32
    %multiple_of3A = tpu.assume_multiple %mul3A_0, 8 : i32
    %mul3A_1 = arith.constant 20000 : i32
    %mul3A_2 = arith.muli %arg1, %mul3A_1 : i32
    %mul3A_3 = arith.constant 320000 : i32
    %mul3A_4 = arith.muli %arg0, %mul3A_3 : i32
    %add3A = arith.addi %mul3A_4, %mul3A_2 : i32
    "tpu.region"() ({
      %run_scoped3A = tpu.sem_alloc : memref<!tpu.dma_semaphore, #tpu.memory_space<semaphore_mem>>
      tpu.enqueue_dma source(%arg5 : memref<32x128xf32, #tpu.memory_space<hbm>>) target(%arg28 : memref<32x128xf32, #tpu.memory_space<vmem>>) target_semaphore(%run_scoped3A : memref<!tpu.dma_semaphore, #tpu.memory_space<semaphore_mem>>)
      tpu.wait_dma2 semaphore(%run_scoped3A : memref<!tpu.dma_semaphore, #tpu.memory_space<semaphore_mem>>) src(%arg5 : memref<32x128xf32, #tpu.memory_space<hbm>>) dst(%arg28 : memref<32x128xf32, #tpu.memory_space<vmem>>)
      tpu.yield
    }) : () -> ()
    %add3A_5 = arith.constant 0 : i32
    %add3A_6 = arith.addi %multiple_of3A, %add3A_5 : i32
    %multiple_of3A_7 = tpu.assume_multiple %add3A_6, 8 : i32
    %dma_start3A = arith.constant 0 : i32
    %dma_start3A_8 = tpu.memref_slice %arg7[%multiple_of3A_7, %dma_start3A] : memref<10240x128xf32, #tpu.memory_space<vmem_shared>> -> memref<32x128xf32, #tpu.memory_space<vmem_shared>>
    %dma_start3A_9 = arith.constant 0 : i32
    %dma_start3A_10 = tpu.memref_slice %arg7[%multiple_of3A_7, %dma_start3A_9] : memref<10240x128xf32, #tpu.memory_space<vmem_shared>> -> memref<32x128xf32, #tpu.memory_space<vmem_shared>>
    tpu.enqueue_dma source(%arg28 : memref<32x128xf32, #tpu.memory_space<vmem>>) target(%dma_start3A_10 : memref<32x128xf32, #tpu.memory_space<vmem_shared>>) target_semaphore(%arg58 : memref<!tpu.dma_semaphore, #tpu.memory_space<semaphore_mem>>)
    %add3A_11 = arith.constant 32 : i32
    %add3A_12 = arith.addi %multiple_of3A, %add3A_11 : i32
    %multiple_of3A_13 = tpu.assume_multiple %add3A_12, 8 : i32
    %dma_start3A_14 = arith.constant 0 : i32
    %dma_start3A_15 = tpu.memref_slice %arg7[%multiple_of3A_13, %dma_start3A_14] : memref<10240x128xf32, #tpu.memory_space<vmem_shared>> -> memref<32x128xf32, #tpu.memory_space<vmem_shared>>
    %dma_start3A_16 = arith.constant 0 : i32
    %dma_start3A_17 = tpu.memref_slice %arg7[%multiple_of3A_13, %dma_start3A_16] : memref<10240x128xf32, #tpu.memory_space<vmem_shared>> -> memref<32x128xf32, #tpu.memory_space<vmem_shared>>
    tpu.enqueue_dma source(%arg28 : memref<32x128xf32, #tpu.memory_space<vmem>>) target(%dma_start3A_17 : memref<32x128xf32, #tpu.memory_space<vmem_shared>>) target_semaphore(%arg58 : memref<!tpu.dma_semaphore, #tpu.memory_space<semaphore_mem>>)
    %add3A_18 = arith.constant 64 : i32
    %add3A_19 = arith.addi %multiple_of3A, %add3A_18 : i32
    %multiple_of3A_20 = tpu.assume_multiple %add3A_19, 8 : i32
    %dma_start3A_21 = arith.constant 0 : i32
    %dma_start3A_22 = tpu.memref_slice %arg7[%multiple_of3A_20, %dma_start3A_21] : memref<10240x128xf32, #tpu.memory_space<vmem_shared>> -> memref<32x128xf32, #tpu.memory_space<vmem_shared>>
    %dma_start3A_23 = arith.constant 0 : i32
    %dma_start3A_24 = tpu.memref_slice %arg7[%multiple_of3A_20, %dma_start3A_23] : memref<10240x128xf32, #tpu.memory_space<vmem_shared>> -> memref<32x128xf32, #tpu.memory_space<vmem_shared>>
    tpu.enqueue_dma source(%arg28 : memref<32x128xf32, #tpu.memory_space<vmem>>) target(%dma_start3A_24 : memref<32x128xf32, #tpu.memory_space<vmem_shared>>) target_semaphore(%arg58 : memref<!tpu.dma_semaphore, #tpu.memory_space<semaphore_mem>>)
    %add3A_25 = arith.constant 96 : i32
    %add3A_26 = arith.addi %multiple_of3A, %add3A_25 : i32
    %multiple_of3A_27 = tpu.assume_multiple %add3A_26, 8 : i32
    %dma_start3A_28 = arith.constant 0 : i32
    %dma_start3A_29 = tpu.memref_slice %arg7[%multiple_of3A_27, %dma_start3A_28] : memref<10240x128xf32, #tpu.memory_space<vmem_shared>> -> memref<32x128xf32, #tpu.memory_space<vmem_shared>>
    %dma_start3A_30 = arith.constant 0 : i32
    %dma_start3A_31 = tpu.memref_slice %arg7[%multiple_of3A_27, %dma_start3A_30] : memref<10240x128xf32, #tpu.memory_space<vmem_shared>> -> memref<32x128xf32, #tpu.memory_space<vmem_shared>>
    tpu.enqueue_dma source(%arg28 : memref<32x128xf32, #tpu.memory_space<vmem>>) target(%dma_start3A_31 : memref<32x128xf32, #tpu.memory_space<vmem_shared>>) target_semaphore(%arg58 : memref<!tpu.dma_semaphore, #tpu.memory_space<semaphore_mem>>)
    %add3A_32 = arith.constant 128 : i32
    %add3A_33 = arith.addi %multiple_of3A, %add3A_32 : i32
    %multiple_of3A_34 = tpu.assume_multiple %add3A_33, 8 : i32
    %dma_start3A_35 = arith.constant 0 : i32
    %dma_start3A_36 = tpu.memref_slice %arg7[%multiple_of3A_34, %dma_start3A_35] : memref<10240x128xf32, #tpu.memory_space<vmem_shared>> -> memref<32x128xf32, #tpu.memory_space<vmem_shared>>
    %dma_start3A_37 = arith.constant 0 : i32
    %dma_start3A_38 = tpu.memref_slice %arg7[%multiple_of3A_34, %dma_start3A_37] : memref<10240x128xf32, #tpu.memory_space<vmem_shared>> -> memref<32x128xf32, #tpu.memory_space<vmem_shared>>
    tpu.enqueue_dma source(%arg28 : memref<32x128xf32, #tpu.memory_space<vmem>>) target(%dma_start3A_38 : memref<32x128xf32, #tpu.memory_space<vmem_shared>>) target_semaphore(%arg58 : memref<!tpu.dma_semaphore, #tpu.memory_space<semaphore_mem>>)
    %add3A_39 = arith.constant 160 : i32
    %add3A_40 = arith.addi %multiple_of3A, %add3A_39 : i32
    %multiple_of3A_41 = tpu.assume_multiple %add3A_40, 8 : i32
    %dma_start3A_42 = arith.constant 0 : i32
    %dma_start3A_43 = tpu.memref_slice %arg7[%multiple_of3A_41, %dma_start3A_42] : memref<10240x128xf32, #tpu.memory_space<vmem_shared>> -> memref<32x128xf32, #tpu.memory_space<vmem_shared>>
    %dma_start3A_44 = arith.constant 0 : i32
    %dma_start3A_45 = tpu.memref_slice %arg7[%multiple_of3A_41, %dma_start3A_44] : memref<10240x128xf32, #tpu.memory_space<vmem_shared>> -> memref<32x128xf32, #tpu.memory_space<vmem_shared>>
    tpu.enqueue_dma source(%arg28 : memref<32x128xf32, #tpu.memory_space<vmem>>) target(%dma_start3A_45 : memref<32x128xf32, #tpu.memory_space<vmem_shared>>) target_semaphore(%arg58 : memref<!tpu.dma_semaphore, #tpu.memory_space<semaphore_mem>>)
    %add3A_46 = arith.constant 192 : i32
    %add3A_47 = arith.addi %multiple_of3A, %add3A_46 : i32
    %multiple_of3A_48 = tpu.assume_multiple %add3A_47, 8 : i32
    %dma_start3A_49 = arith.constant 0 : i32
    %dma_start3A_50 = tpu.memref_slice %arg7[%multiple_of3A_48, %dma_start3A_49] : memref<10240x128xf32, #tpu.memory_space<vmem_shared>> -> memref<32x128xf32, #tpu.memory_space<vmem_shared>>
    %dma_start3A_51 = arith.constant 0 : i32
    %dma_start3A_52 = tpu.memref_slice %arg7[%multiple_of3A_48, %dma_start3A_51] : memref<10240x128xf32, #tpu.memory_space<vmem_shared>> -> memref<32x128xf32, #tpu.memory_space<vmem_shared>>
    tpu.enqueue_dma source(%arg28 : memref<32x128xf32, #tpu.memory_space<vmem>>) target(%dma_start3A_52 : memref<32x128xf32, #tpu.memory_space<vmem_shared>>) target_semaphore(%arg58 : memref<!tpu.dma_semaphore, #tpu.memory_space<semaphore_mem>>)
    %add3A_53 = arith.constant 224 : i32
    %add3A_54 = arith.addi %multiple_of3A, %add3A_53 : i32
    %multiple_of3A_55 = tpu.assume_multiple %add3A_54, 8 : i32
    %dma_start3A_56 = arith.constant 0 : i32
    %dma_start3A_57 = tpu.memref_slice %arg7[%multiple_of3A_55, %dma_start3A_56] : memref<10240x128xf32, #tpu.memory_space<vmem_shared>> -> memref<32x128xf32, #tpu.memory_space<vmem_shared>>
    %dma_start3A_58 = arith.constant 0 : i32
    %dma_start3A_59 = tpu.memref_slice %arg7[%multiple_of3A_55, %dma_start3A_58] : memref<10240x128xf32, #tpu.memory_space<vmem_shared>> -> memref<32x128xf32, #tpu.memory_space<vmem_shared>>
    tpu.enqueue_dma source(%arg28 : memref<32x128xf32, #tpu.memory_space<vmem>>) target(%dma_start3A_59 : memref<32x128xf32, #tpu.memory_space<vmem_shared>>) target_semaphore(%arg58 : memref<!tpu.dma_semaphore, #tpu.memory_space<semaphore_mem>>)
    %add3A_60 = arith.constant 256 : i32
    %add3A_61 = arith.addi %multiple_of3A, %add3A_60 : i32
    %multiple_of3A_62 = tpu.assume_multiple %add3A_61, 8 : i32
    %dma_start3A_63 = arith.constant 0 : i32
    %dma_start3A_64 = tpu.memref_slice %arg7[%multiple_of3A_62, %dma_start3A_63] : memref<10240x128xf32, #tpu.memory_space<vmem_shared>> -> memref<32x128xf32, #tpu.memory_space<vmem_shared>>
    %dma_start3A_65 = arith.constant 0 : i32
    %dma_start3A_66 = tpu.memref_slice %arg7[%multiple_of3A_62, %dma_start3A_65] : memref<10240x128xf32, #tpu.memory_space<vmem_shared>> -> memref<32x128xf32, #tpu.memory_space<vmem_shared>>
    tpu.enqueue_dma source(%arg28 : memref<32x128xf32, #tpu.memory_space<vmem>>) target(%dma_start3A_66 : memref<32x128xf32, #tpu.memory_space<vmem_shared>>) target_semaphore(%arg58 : memref<!tpu.dma_semaphore, #tpu.memory_space<semaphore_mem>>)
    %add3A_67 = arith.constant 288 : i32
    %add3A_68 = arith.addi %multiple_of3A, %add3A_67 : i32
    %multiple_of3A_69 = tpu.assume_multiple %add3A_68, 8 : i32
    %dma_start3A_70 = arith.constant 0 : i32
    %dma_start3A_71 = tpu.memref_slice %arg7[%multiple_of3A_69, %dma_start3A_70] : memref<10240x128xf32, #tpu.memory_space<vmem_shared>> -> memref<32x128xf32, #tpu.memory_space<vmem_shared>>
    %dma_start3A_72 = arith.constant 0 : i32
    %dma_start3A_73 = tpu.memref_slice %arg7[%multiple_of3A_69, %dma_start3A_72] : memref<10240x128xf32, #tpu.memory_space<vmem_shared>> -> memref<32x128xf32, #tpu.memory_space<vmem_shared>>
    tpu.enqueue_dma source(%arg28 : memref<32x128xf32, #tpu.memory_space<vmem>>) target(%dma_start3A_73 : memref<32x128xf32, #tpu.memory_space<vmem_shared>>) target_semaphore(%arg58 : memref<!tpu.dma_semaphore, #tpu.memory_space<semaphore_mem>>)
    %add3A_74 = arith.constant 320 : i32
    %add3A_75 = arith.addi %multiple_of3A, %add3A_74 : i32
    %multiple_of3A_76 = tpu.assume_multiple %add3A_75, 8 : i32
    %dma_start3A_77 = arith.constant 0 : i32
    %dma_start3A_78 = tpu.memref_slice %arg7[%multiple_of3A_76, %dma_start3A_77] : memref<10240x128xf32, #tpu.memory_space<vmem_shared>> -> memref<32x128xf32, #tpu.memory_space<vmem_shared>>
    %dma_start3A_79 = arith.constant 0 : i32
    %dma_start3A_80 = tpu.memref_slice %arg7[%multiple_of3A_76, %dma_start3A_79] : memref<10240x128xf32, #tpu.memory_space<vmem_shared>> -> memref<32x128xf32, #tpu.memory_space<vmem_shared>>
    tpu.enqueue_dma source(%arg28 : memref<32x128xf32, #tpu.memory_space<vmem>>) target(%dma_start3A_80 : memref<32x128xf32, #tpu.memory_space<vmem_shared>>) target_semaphore(%arg58 : memref<!tpu.dma_semaphore, #tpu.memory_space<semaphore_mem>>)
    %add3A_81 = arith.constant 352 : i32
    %add3A_82 = arith.addi %multiple_of3A, %add3A_81 : i32
    %multiple_of3A_83 = tpu.assume_multiple %add3A_82, 8 : i32
    %dma_start3A_84 = arith.constant 0 : i32
    %dma_start3A_85 = tpu.memref_slice %arg7[%multiple_of3A_83, %dma_start3A_84] : memref<10240x128xf32, #tpu.memory_space<vmem_shared>> -> memref<32x128xf32, #tpu.memory_space<vmem_shared>>
    %dma_start3A_86 = arith.constant 0 : i32
    %dma_start3A_87 = tpu.memref_slice %arg7[%multiple_of3A_83, %dma_start3A_86] : memref<10240x128xf32, #tpu.memory_space<vmem_shared>> -> memref<32x128xf32, #tpu.memory_space<vmem_shared>>
    tpu.enqueue_dma source(%arg28 : memref<32x128xf32, #tpu.memory_space<vmem>>) target(%dma_start3A_87 : memref<32x128xf32, #tpu.memory_space<vmem_shared>>) target_semaphore(%arg58 : memref<!tpu.dma_semaphore, #tpu.memory_space<semaphore_mem>>)
    %add3A_88 = arith.constant 384 : i32
    %add3A_89 = arith.addi %multiple_of3A, %add3A_88 : i32
    %multiple_of3A_90 = tpu.assume_multiple %add3A_89, 8 : i32
    %dma_start3A_91 = arith.constant 0 : i32
    %dma_start3A_92 = tpu.memref_slice %arg7[%multiple_of3A_90, %dma_start3A_91] : memref<10240x128xf32, #tpu.memory_space<vmem_shared>> -> memref<32x128xf32, #tpu.memory_space<vmem_shared>>
    %dma_start3A_93 = arith.constant 0 : i32
    %dma_start3A_94 = tpu.memref_slice %arg7[%multiple_of3A_90, %dma_start3A_93] : memref<10240x128xf32, #tpu.memory_space<vmem_shared>> -> memref<32x128xf32, #tpu.memory_space<vmem_shared>>
    tpu.enqueue_dma source(%arg28 : memref<32x128xf32, #tpu.memory_space<vmem>>) target(%dma_start3A_94 : memref<32x128xf32, #tpu.memory_space<vmem_shared>>) target_semaphore(%arg58 : memref<!tpu.dma_semaphore, #tpu.memory_space<semaphore_mem>>)
    %add3A_95 = arith.constant 416 : i32
    %add3A_96 = arith.addi %multiple_of3A, %add3A_95 : i32
    %multiple_of3A_97 = tpu.assume_multiple %add3A_96, 8 : i32
    %dma_start3A_98 = arith.constant 0 : i32
    %dma_start3A_99 = tpu.memref_slice %arg7[%multiple_of3A_97, %dma_start3A_98] : memref<10240x128xf32, #tpu.memory_space<vmem_shared>> -> memref<32x128xf32, #tpu.memory_space<vmem_shared>>
    %dma_start3A_100 = arith.constant 0 : i32
    %dma_start3A_101 = tpu.memref_slice %arg7[%multiple_of3A_97, %dma_start3A_100] : memref<10240x128xf32, #tpu.memory_space<vmem_shared>> -> memref<32x128xf32, #tpu.memory_space<vmem_shared>>
    tpu.enqueue_dma source(%arg28 : memref<32x128xf32, #tpu.memory_space<vmem>>) target(%dma_start3A_101 : memref<32x128xf32, #tpu.memory_space<vmem_shared>>) target_semaphore(%arg58 : memref<!tpu.dma_semaphore, #tpu.memory_space<semaphore_mem>>)
    %add3A_102 = arith.constant 448 : i32
    %add3A_103 = arith.addi %multiple_of3A, %add3A_102 : i32
    %multiple_of3A_104 = tpu.assume_multiple %add3A_103, 8 : i32
    %dma_start3A_105 = arith.constant 0 : i32
    %dma_start3A_106 = tpu.memref_slice %arg7[%multiple_of3A_104, %dma_start3A_105] : memref<10240x128xf32, #tpu.memory_space<vmem_shared>> -> memref<32x128xf32, #tpu.memory_space<vmem_shared>>
    %dma_start3A_107 = arith.constant 0 : i32
    %dma_start3A_108 = tpu.memref_slice %arg7[%multiple_of3A_104, %dma_start3A_107] : memref<10240x128xf32, #tpu.memory_space<vmem_shared>> -> memref<32x128xf32, #tpu.memory_space<vmem_shared>>
    tpu.enqueue_dma source(%arg28 : memref<32x128xf32, #tpu.memory_space<vmem>>) target(%dma_start3A_108 : memref<32x128xf32, #tpu.memory_space<vmem_shared>>) target_semaphore(%arg58 : memref<!tpu.dma_semaphore, #tpu.memory_space<semaphore_mem>>)
    %add3A_109 = arith.constant 480 : i32
    %add3A_110 = arith.addi %multiple_of3A, %add3A_109 : i32
    %multiple_of3A_111 = tpu.assume_multiple %add3A_110, 8 : i32
    %dma_start3A_112 = arith.constant 0 : i32
    %dma_start3A_113 = tpu.memref_slice %arg7[%multiple_of3A_111, %dma_start3A_112] : memref<10240x128xf32, #tpu.memory_space<vmem_shared>> -> memref<32x128xf32, #tpu.memory_space<vmem_shared>>
    %dma_start3A_114 = arith.constant 0 : i32
    %dma_start3A_115 = tpu.memref_slice %arg7[%multiple_of3A_111, %dma_start3A_114] : memref<10240x128xf32, #tpu.memory_space<vmem_shared>> -> memref<32x128xf32, #tpu.memory_space<vmem_shared>>
    tpu.enqueue_dma source(%arg28 : memref<32x128xf32, #tpu.memory_space<vmem>>) target(%dma_start3A_115 : memref<32x128xf32, #tpu.memory_space<vmem_shared>>) target_semaphore(%arg58 : memref<!tpu.dma_semaphore, #tpu.memory_space<semaphore_mem>>)
    %add3A_116 = arith.constant 512 : i32
    %add3A_117 = arith.addi %multiple_of3A, %add3A_116 : i32
    %multiple_of3A_118 = tpu.assume_multiple %add3A_117, 8 : i32
    %dma_start3A_119 = arith.constant 0 : i32
    %dma_start3A_120 = tpu.memref_slice %arg7[%multiple_of3A_118, %dma_start3A_119] : memref<10240x128xf32, #tpu.memory_space<vmem_shared>> -> memref<32x128xf32, #tpu.memory_space<vmem_shared>>
    %dma_start3A_121 = arith.constant 0 : i32
    %dma_start3A_122 = tpu.memref_slice %arg7[%multiple_of3A_118, %dma_start3A_121] : memref<10240x128xf32, #tpu.memory_space<vmem_shared>> -> memref<32x128xf32, #tpu.memory_space<vmem_shared>>
    tpu.enqueue_dma source(%arg28 : memref<32x128xf32, #tpu.memory_space<vmem>>) target(%dma_start3A_122 : memref<32x128xf32, #tpu.memory_space<vmem_shared>>) target_semaphore(%arg58 : memref<!tpu.dma_semaphore, #tpu.memory_space<semaphore_mem>>)
    %add3A_123 = arith.constant 544 : i32
    %add3A_124 = arith.addi %multiple_of3A, %add3A_123 : i32
    %multiple_of3A_125 = tpu.assume_multiple %add3A_124, 8 : i32
    %dma_start3A_126 = arith.constant 0 : i32
    %dma_start3A_127 = tpu.memref_slice %arg7[%multiple_of3A_125, %dma_start3A_126] : memref<10240x128xf32, #tpu.memory_space<vmem_shared>> -> memref<32x128xf32, #tpu.memory_space<vmem_shared>>
    %dma_start3A_128 = arith.constant 0 : i32
    %dma_start3A_129 = tpu.memref_slice %arg7[%multiple_of3A_125, %dma_start3A_128] : memref<10240x128xf32, #tpu.memory_space<vmem_shared>> -> memref<32x128xf32, #tpu.memory_space<vmem_shared>>
    tpu.enqueue_dma source(%arg28 : memref<32x128xf32, #tpu.memory_space<vmem>>) target(%dma_start3A_129 : memref<32x128xf32, #tpu.memory_space<vmem_shared>>) target_semaphore(%arg58 : memref<!tpu.dma_semaphore, #tpu.memory_space<semaphore_mem>>)
    %add3A_130 = arith.constant 576 : i32
    %add3A_131 = arith.addi %multiple_of3A, %add3A_130 : i32
    %multiple_of3A_132 = tpu.assume_multiple %add3A_131, 8 : i32
    %dma_start3A_133 = arith.constant 0 : i32
    %dma_start3A_134 = tpu.memref_slice %arg7[%multiple_of3A_132, %dma_start3A_133] : memref<10240x128xf32, #tpu.memory_space<vmem_shared>> -> memref<32x128xf32, #tpu.memory_space<vmem_shared>>
    %dma_start3A_135 = arith.constant 0 : i32
    %dma_start3A_136 = tpu.memref_slice %arg7[%multiple_of3A_132, %dma_start3A_135] : memref<10240x128xf32, #tpu.memory_space<vmem_shared>> -> memref<32x128xf32, #tpu.memory_space<vmem_shared>>
    tpu.enqueue_dma source(%arg28 : memref<32x128xf32, #tpu.memory_space<vmem>>) target(%dma_start3A_136 : memref<32x128xf32, #tpu.memory_space<vmem_shared>>) target_semaphore(%arg58 : memref<!tpu.dma_semaphore, #tpu.memory_space<semaphore_mem>>)
    %add3A_137 = arith.constant 608 : i32
    %add3A_138 = arith.addi %multiple_of3A, %add3A_137 : i32
    %multiple_of3A_139 = tpu.assume_multiple %add3A_138, 8 : i32
    %dma_start3A_140 = arith.constant 0 : i32
    %dma_start3A_141 = tpu.memref_slice %arg7[%multiple_of3A_139, %dma_start3A_140] : memref<10240x128xf32, #tpu.memory_space<vmem_shared>> -> memref<32x128xf32, #tpu.memory_space<vmem_shared>>
    %dma_start3A_142 = arith.constant 0 : i32
    %dma_start3A_143 = tpu.memref_slice %arg7[%multiple_of3A_139, %dma_start3A_142] : memref<10240x128xf32, #tpu.memory_space<vmem_shared>> -> memref<32x128xf32, #tpu.memory_space<vmem_shared>>
    tpu.enqueue_dma source(%arg28 : memref<32x128xf32, #tpu.memory_space<vmem>>) target(%dma_start3A_143 : memref<32x128xf32, #tpu.memory_space<vmem_shared>>) target_semaphore(%arg58 : memref<!tpu.dma_semaphore, #tpu.memory_space<semaphore_mem>>)
    %dma_wait3A = arith.constant 0 : i32
    %dma_wait3A_144 = tpu.memref_slice %arg7[%multiple_of3A_7, %dma_wait3A] : memref<10240x128xf32, #tpu.memory_space<vmem_shared>> -> memref<32x128xf32, #tpu.memory_space<vmem_shared>>
    %dma_wait3A_145 = arith.constant 0 : i32
    %dma_wait3A_146 = tpu.memref_slice %arg7[%multiple_of3A_7, %dma_wait3A_145] : memref<10240x128xf32, #tpu.memory_space<vmem_shared>> -> memref<32x128xf32, #tpu.memory_space<vmem_shared>>
    tpu.wait_dma2 semaphore(%arg58 : memref<!tpu.dma_semaphore, #tpu.memory_space<semaphore_mem>>) src(%arg28 : memref<32x128xf32, #tpu.memory_space<vmem>>) dst(%dma_wait3A_146 : memref<32x128xf32, #tpu.memory_space<vmem_shared>>)
    %dma_wait3A_147 = arith.constant 0 : i32
    %dma_wait3A_148 = tpu.memref_slice %arg7[%multiple_of3A_13, %dma_wait3A_147] : memref<10240x128xf32, #tpu.memory_space<vmem_shared>> -> memref<32x128xf32, #tpu.memory_space<vmem_shared>>
    %dma_wait3A_149 = arith.constant 0 : i32
    %dma_wait3A_150 = tpu.memref_slice %arg7[%multiple_of3A_13, %dma_wait3A_149] : memref<10240x128xf32, #tpu.memory_space<vmem_shared>> -> memref<32x128xf32, #tpu.memory_space<vmem_shared>>
    tpu.wait_dma2 semaphore(%arg58 : memref<!tpu.dma_semaphore, #tpu.memory_space<semaphore_mem>>) src(%arg28 : memref<32x128xf32, #tpu.memory_space<vmem>>) dst(%dma_wait3A_150 : memref<32x128xf32, #tpu.memory_space<vmem_shared>>)
    %dma_wait3A_151 = arith.constant 0 : i32
    %dma_wait3A_152 = tpu.memref_slice %arg7[%multiple_of3A_20, %dma_wait3A_151] : memref<10240x128xf32, #tpu.memory_space<vmem_shared>> -> memref<32x128xf32, #tpu.memory_space<vmem_shared>>
    %dma_wait3A_153 = arith.constant 0 : i32
    %dma_wait3A_154 = tpu.memref_slice %arg7[%multiple_of3A_20, %dma_wait3A_153] : memref<10240x128xf32, #tpu.memory_space<vmem_shared>> -> memref<32x128xf32, #tpu.memory_space<vmem_shared>>
    tpu.wait_dma2 semaphore(%arg58 : memref<!tpu.dma_semaphore, #tpu.memory_space<semaphore_mem>>) src(%arg28 : memref<32x128xf32, #tpu.memory_space<vmem>>) dst(%dma_wait3A_154 : memref<32x128xf32, #tpu.memory_space<vmem_shared>>)
    %dma_wait3A_155 = arith.constant 0 : i32
    %dma_wait3A_156 = tpu.memref_slice %arg7[%multiple_of3A_27, %dma_wait3A_155] : memref<10240x128xf32, #tpu.memory_space<vmem_shared>> -> memref<32x128xf32, #tpu.memory_space<vmem_shared>>
    %dma_wait3A_157 = arith.constant 0 : i32
    %dma_wait3A_158 = tpu.memref_slice %arg7[%multiple_of3A_27, %dma_wait3A_157] : memref<10240x128xf32, #tpu.memory_space<vmem_shared>> -> memref<32x128xf32, #tpu.memory_space<vmem_shared>>
    tpu.wait_dma2 semaphore(%arg58 : memref<!tpu.dma_semaphore, #tpu.memory_space<semaphore_mem>>) src(%arg28 : memref<32x128xf32, #tpu.memory_space<vmem>>) dst(%dma_wait3A_158 : memref<32x128xf32, #tpu.memory_space<vmem_shared>>)
    %dma_wait3A_159 = arith.constant 0 : i32
    %dma_wait3A_160 = tpu.memref_slice %arg7[%multiple_of3A_34, %dma_wait3A_159] : memref<10240x128xf32, #tpu.memory_space<vmem_shared>> -> memref<32x128xf32, #tpu.memory_space<vmem_shared>>
    %dma_wait3A_161 = arith.constant 0 : i32
    %dma_wait3A_162 = tpu.memref_slice %arg7[%multiple_of3A_34, %dma_wait3A_161] : memref<10240x128xf32, #tpu.memory_space<vmem_shared>> -> memref<32x128xf32, #tpu.memory_space<vmem_shared>>
    tpu.wait_dma2 semaphore(%arg58 : memref<!tpu.dma_semaphore, #tpu.memory_space<semaphore_mem>>) src(%arg28 : memref<32x128xf32, #tpu.memory_space<vmem>>) dst(%dma_wait3A_162 : memref<32x128xf32, #tpu.memory_space<vmem_shared>>)
    %dma_wait3A_163 = arith.constant 0 : i32
    %dma_wait3A_164 = tpu.memref_slice %arg7[%multiple_of3A_41, %dma_wait3A_163] : memref<10240x128xf32, #tpu.memory_space<vmem_shared>> -> memref<32x128xf32, #tpu.memory_space<vmem_shared>>
    %dma_wait3A_165 = arith.constant 0 : i32
    %dma_wait3A_166 = tpu.memref_slice %arg7[%multiple_of3A_41, %dma_wait3A_165] : memref<10240x128xf32, #tpu.memory_space<vmem_shared>> -> memref<32x128xf32, #tpu.memory_space<vmem_shared>>
    tpu.wait_dma2 semaphore(%arg58 : memref<!tpu.dma_semaphore, #tpu.memory_space<semaphore_mem>>) src(%arg28 : memref<32x128xf32, #tpu.memory_space<vmem>>) dst(%dma_wait3A_166 : memref<32x128xf32, #tpu.memory_space<vmem_shared>>)
    %dma_wait3A_167 = arith.constant 0 : i32
    %dma_wait3A_168 = tpu.memref_slice %arg7[%multiple_of3A_48, %dma_wait3A_167] : memref<10240x128xf32, #tpu.memory_space<vmem_shared>> -> memref<32x128xf32, #tpu.memory_space<vmem_shared>>
    %dma_wait3A_169 = arith.constant 0 : i32
    %dma_wait3A_170 = tpu.memref_slice %arg7[%multiple_of3A_48, %dma_wait3A_169] : memref<10240x128xf32, #tpu.memory_space<vmem_shared>> -> memref<32x128xf32, #tpu.memory_space<vmem_shared>>
    tpu.wait_dma2 semaphore(%arg58 : memref<!tpu.dma_semaphore, #tpu.memory_space<semaphore_mem>>) src(%arg28 : memref<32x128xf32, #tpu.memory_space<vmem>>) dst(%dma_wait3A_170 : memref<32x128xf32, #tpu.memory_space<vmem_shared>>)
    %dma_wait3A_171 = arith.constant 0 : i32
    %dma_wait3A_172 = tpu.memref_slice %arg7[%multiple_of3A_55, %dma_wait3A_171] : memref<10240x128xf32, #tpu.memory_space<vmem_shared>> -> memref<32x128xf32, #tpu.memory_space<vmem_shared>>
    %dma_wait3A_173 = arith.constant 0 : i32
    %dma_wait3A_174 = tpu.memref_slice %arg7[%multiple_of3A_55, %dma_wait3A_173] : memref<10240x128xf32, #tpu.memory_space<vmem_shared>> -> memref<32x128xf32, #tpu.memory_space<vmem_shared>>
    tpu.wait_dma2 semaphore(%arg58 : memref<!tpu.dma_semaphore, #tpu.memory_space<semaphore_mem>>) src(%arg28 : memref<32x128xf32, #tpu.memory_space<vmem>>) dst(%dma_wait3A_174 : memref<32x128xf32, #tpu.memory_space<vmem_shared>>)
    %dma_wait3A_175 = arith.constant 0 : i32
    %dma_wait3A_176 = tpu.memref_slice %arg7[%multiple_of3A_62, %dma_wait3A_175] : memref<10240x128xf32, #tpu.memory_space<vmem_shared>> -> memref<32x128xf32, #tpu.memory_space<vmem_shared>>
    %dma_wait3A_177 = arith.constant 0 : i32
    %dma_wait3A_178 = tpu.memref_slice %arg7[%multiple_of3A_62, %dma_wait3A_177] : memref<10240x128xf32, #tpu.memory_space<vmem_shared>> -> memref<32x128xf32, #tpu.memory_space<vmem_shared>>
    tpu.wait_dma2 semaphore(%arg58 : memref<!tpu.dma_semaphore, #tpu.memory_space<semaphore_mem>>) src(%arg28 : memref<32x128xf32, #tpu.memory_space<vmem>>) dst(%dma_wait3A_178 : memref<32x128xf32, #tpu.memory_space<vmem_shared>>)
    %dma_wait3A_179 = arith.constant 0 : i32
    %dma_wait3A_180 = tpu.memref_slice %arg7[%multiple_of3A_69, %dma_wait3A_179] : memref<10240x128xf32, #tpu.memory_space<vmem_shared>> -> memref<32x128xf32, #tpu.memory_space<vmem_shared>>
    %dma_wait3A_181 = arith.constant 0 : i32
    %dma_wait3A_182 = tpu.memref_slice %arg7[%multiple_of3A_69, %dma_wait3A_181] : memref<10240x128xf32, #tpu.memory_space<vmem_shared>> -> memref<32x128xf32, #tpu.memory_space<vmem_shared>>
    tpu.wait_dma2 semaphore(%arg58 : memref<!tpu.dma_semaphore, #tpu.memory_space<semaphore_mem>>) src(%arg28 : memref<32x128xf32, #tpu.memory_space<vmem>>) dst(%dma_wait3A_182 : memref<32x128xf32, #tpu.memory_space<vmem_shared>>)
    %dma_wait3A_183 = arith.constant 0 : i32
    %dma_wait3A_184 = tpu.memref_slice %arg7[%multiple_of3A_76, %dma_wait3A_183] : memref<10240x128xf32, #tpu.memory_space<vmem_shared>> -> memref<32x128xf32, #tpu.memory_space<vmem_shared>>
    %dma_wait3A_185 = arith.constant 0 : i32
    %dma_wait3A_186 = tpu.memref_slice %arg7[%multiple_of3A_76, %dma_wait3A_185] : memref<10240x128xf32, #tpu.memory_space<vmem_shared>> -> memref<32x128xf32, #tpu.memory_space<vmem_shared>>
    tpu.wait_dma2 semaphore(%arg58 : memref<!tpu.dma_semaphore, #tpu.memory_space<semaphore_mem>>) src(%arg28 : memref<32x128xf32, #tpu.memory_space<vmem>>) dst(%dma_wait3A_186 : memref<32x128xf32, #tpu.memory_space<vmem_shared>>)
    %dma_wait3A_187 = arith.constant 0 : i32
    %dma_wait3A_188 = tpu.memref_slice %arg7[%multiple_of3A_83, %dma_wait3A_187] : memref<10240x128xf32, #tpu.memory_space<vmem_shared>> -> memref<32x128xf32, #tpu.memory_space<vmem_shared>>
    %dma_wait3A_189 = arith.constant 0 : i32
    %dma_wait3A_190 = tpu.memref_slice %arg7[%multiple_of3A_83, %dma_wait3A_189] : memref<10240x128xf32, #tpu.memory_space<vmem_shared>> -> memref<32x128xf32, #tpu.memory_space<vmem_shared>>
    tpu.wait_dma2 semaphore(%arg58 : memref<!tpu.dma_semaphore, #tpu.memory_space<semaphore_mem>>) src(%arg28 : memref<32x128xf32, #tpu.memory_space<vmem>>) dst(%dma_wait3A_190 : memref<32x128xf32, #tpu.memory_space<vmem_shared>>)
    %dma_wait3A_191 = arith.constant 0 : i32
    %dma_wait3A_192 = tpu.memref_slice %arg7[%multiple_of3A_90, %dma_wait3A_191] : memref<10240x128xf32, #tpu.memory_space<vmem_shared>> -> memref<32x128xf32, #tpu.memory_space<vmem_shared>>
    %dma_wait3A_193 = arith.constant 0 : i32
    %dma_wait3A_194 = tpu.memref_slice %arg7[%multiple_of3A_90, %dma_wait3A_193] : memref<10240x128xf32, #tpu.memory_space<vmem_shared>> -> memref<32x128xf32, #tpu.memory_space<vmem_shared>>
    tpu.wait_dma2 semaphore(%arg58 : memref<!tpu.dma_semaphore, #tpu.memory_space<semaphore_mem>>) src(%arg28 : memref<32x128xf32, #tpu.memory_space<vmem>>) dst(%dma_wait3A_194 : memref<32x128xf32, #tpu.memory_space<vmem_shared>>)
    %dma_wait3A_195 = arith.constant 0 : i32
    %dma_wait3A_196 = tpu.memref_slice %arg7[%multiple_of3A_97, %dma_wait3A_195] : memref<10240x128xf32, #tpu.memory_space<vmem_shared>> -> memref<32x128xf32, #tpu.memory_space<vmem_shared>>
    %dma_wait3A_197 = arith.constant 0 : i32
    %dma_wait3A_198 = tpu.memref_slice %arg7[%multiple_of3A_97, %dma_wait3A_197] : memref<10240x128xf32, #tpu.memory_space<vmem_shared>> -> memref<32x128xf32, #tpu.memory_space<vmem_shared>>
    tpu.wait_dma2 semaphore(%arg58 : memref<!tpu.dma_semaphore, #tpu.memory_space<semaphore_mem>>) src(%arg28 : memref<32x128xf32, #tpu.memory_space<vmem>>) dst(%dma_wait3A_198 : memref<32x128xf32, #tpu.memory_space<vmem_shared>>)
    %dma_wait3A_199 = arith.constant 0 : i32
    %dma_wait3A_200 = tpu.memref_slice %arg7[%multiple_of3A_104, %dma_wait3A_199] : memref<10240x128xf32, #tpu.memory_space<vmem_shared>> -> memref<32x128xf32, #tpu.memory_space<vmem_shared>>
    %dma_wait3A_201 = arith.constant 0 : i32
    %dma_wait3A_202 = tpu.memref_slice %arg7[%multiple_of3A_104, %dma_wait3A_201] : memref<10240x128xf32, #tpu.memory_space<vmem_shared>> -> memref<32x128xf32, #tpu.memory_space<vmem_shared>>
    tpu.wait_dma2 semaphore(%arg58 : memref<!tpu.dma_semaphore, #tpu.memory_space<semaphore_mem>>) src(%arg28 : memref<32x128xf32, #tpu.memory_space<vmem>>) dst(%dma_wait3A_202 : memref<32x128xf32, #tpu.memory_space<vmem_shared>>)
    %dma_wait3A_203 = arith.constant 0 : i32
    %dma_wait3A_204 = tpu.memref_slice %arg7[%multiple_of3A_111, %dma_wait3A_203] : memref<10240x128xf32, #tpu.memory_space<vmem_shared>> -> memref<32x128xf32, #tpu.memory_space<vmem_shared>>
    %dma_wait3A_205 = arith.constant 0 : i32
    %dma_wait3A_206 = tpu.memref_slice %arg7[%multiple_of3A_111, %dma_wait3A_205] : memref<10240x128xf32, #tpu.memory_space<vmem_shared>> -> memref<32x128xf32, #tpu.memory_space<vmem_shared>>
    tpu.wait_dma2 semaphore(%arg58 : memref<!tpu.dma_semaphore, #tpu.memory_space<semaphore_mem>>) src(%arg28 : memref<32x128xf32, #tpu.memory_space<vmem>>) dst(%dma_wait3A_206 : memref<32x128xf32, #tpu.memory_space<vmem_shared>>)
    %dma_wait3A_207 = arith.constant 0 : i32
    %dma_wait3A_208 = tpu.memref_slice %arg7[%multiple_of3A_118, %dma_wait3A_207] : memref<10240x128xf32, #tpu.memory_space<vmem_shared>> -> memref<32x128xf32, #tpu.memory_space<vmem_shared>>
    %dma_wait3A_209 = arith.constant 0 : i32
    %dma_wait3A_210 = tpu.memref_slice %arg7[%multiple_of3A_118, %dma_wait3A_209] : memref<10240x128xf32, #tpu.memory_space<vmem_shared>> -> memref<32x128xf32, #tpu.memory_space<vmem_shared>>
    tpu.wait_dma2 semaphore(%arg58 : memref<!tpu.dma_semaphore, #tpu.memory_space<semaphore_mem>>) src(%arg28 : memref<32x128xf32, #tpu.memory_space<vmem>>) dst(%dma_wait3A_210 : memref<32x128xf32, #tpu.memory_space<vmem_shared>>)
    %dma_wait3A_211 = arith.constant 0 : i32
    %dma_wait3A_212 = tpu.memref_slice %arg7[%multiple_of3A_125, %dma_wait3A_211] : memref<10240x128xf32, #tpu.memory_space<vmem_shared>> -> memref<32x128xf32, #tpu.memory_space<vmem_shared>>
    %dma_wait3A_213 = arith.constant 0 : i32
    %dma_wait3A_214 = tpu.memref_slice %arg7[%multiple_of3A_125, %dma_wait3A_213] : memref<10240x128xf32, #tpu.memory_space<vmem_shared>> -> memref<32x128xf32, #tpu.memory_space<vmem_shared>>
    tpu.wait_dma2 semaphore(%arg58 : memref<!tpu.dma_semaphore, #tpu.memory_space<semaphore_mem>>) src(%arg28 : memref<32x128xf32, #tpu.memory_space<vmem>>) dst(%dma_wait3A_214 : memref<32x128xf32, #tpu.memory_space<vmem_shared>>)
    %dma_wait3A_215 = arith.constant 0 : i32
    %dma_wait3A_216 = tpu.memref_slice %arg7[%multiple_of3A_132, %dma_wait3A_215] : memref<10240x128xf32, #tpu.memory_space<vmem_shared>> -> memref<32x128xf32, #tpu.memory_space<vmem_shared>>
    %dma_wait3A_217 = arith.constant 0 : i32
    %dma_wait3A_218 = tpu.memref_slice %arg7[%multiple_of3A_132, %dma_wait3A_217] : memref<10240x128xf32, #tpu.memory_space<vmem_shared>> -> memref<32x128xf32, #tpu.memory_space<vmem_shared>>
    tpu.wait_dma2 semaphore(%arg58 : memref<!tpu.dma_semaphore, #tpu.memory_space<semaphore_mem>>) src(%arg28 : memref<32x128xf32, #tpu.memory_space<vmem>>) dst(%dma_wait3A_218 : memref<32x128xf32, #tpu.memory_space<vmem_shared>>)
    %dma_wait3A_219 = arith.constant 0 : i32
    %dma_wait3A_220 = tpu.memref_slice %arg7[%multiple_of3A_139, %dma_wait3A_219] : memref<10240x128xf32, #tpu.memory_space<vmem_shared>> -> memref<32x128xf32, #tpu.memory_space<vmem_shared>>
    %dma_wait3A_221 = arith.constant 0 : i32
    %dma_wait3A_222 = tpu.memref_slice %arg7[%multiple_of3A_139, %dma_wait3A_221] : memref<10240x128xf32, #tpu.memory_space<vmem_shared>> -> memref<32x128xf32, #tpu.memory_space<vmem_shared>>
    tpu.wait_dma2 semaphore(%arg58 : memref<!tpu.dma_semaphore, #tpu.memory_space<semaphore_mem>>) src(%arg28 : memref<32x128xf32, #tpu.memory_space<vmem>>) dst(%dma_wait3A_222 : memref<32x128xf32, #tpu.memory_space<vmem_shared>>)
    %barrier3A = arith.constant 0 : index
    tpu.barrier barrier_id(%barrier3A)
    %scan3A = arith.constant 0 : i32
    %scan3A_223 = arith.constant 62 : i32
    %scan3A_224 = arith.addi %scan3A, %scan3A_223 : i32
    %scan3A_225 = arith.constant 1 : i32
    scf.for %scan3A_365 = %scan3A to %scan3A_224 step %scan3A_225  : i32 {
      %mul3A_366 = arith.constant 1 : i32
      %mul3A_367 = arith.muli %scan3A_365, %mul3A_366 : i32
      %add3A_368 = arith.constant 0 : i32
      %add3A_369 = arith.addi %add3A_368, %mul3A_367 : i32
      %mul3A_370 = arith.constant 10 : i32
      %mul3A_371 = arith.muli %add3A_369, %mul3A_370 : i32
      %add3A_372 = arith.constant 0 : i32
      %add3A_373 = arith.addi %mul3A_371, %add3A_372 : i32
      %mul3A_374 = arith.constant 32 : i32
      %mul3A_375 = arith.muli %add3A_373, %mul3A_374 : i32
      %add3A_376 = arith.addi %add3A, %mul3A_375 : i32
      %multiple_of3A_377 = tpu.assume_multiple %add3A_376, 8 : i32
      %mul3A_378 = arith.constant 32 : i32
      %mul3A_379 = arith.muli %add3A_373, %mul3A_378 : i32
      %add3A_380 = arith.addi %mul3A_2, %mul3A_379 : i32
      %multiple_of3A_381 = tpu.assume_multiple %add3A_380, 8 : i32
      %dma_start3A_382 = tpu.memref_slice %arg2[%multiple_of3A_377] : memref<640000xi32, #tpu.memory_space<hbm>> -> memref<32xi32, #tpu.memory_space<hbm>>
      %dma_start3A_383 = tpu.memref_slice %arg2[%multiple_of3A_377] : memref<640000xi32, #tpu.memory_space<hbm>> -> memref<32xi32, #tpu.memory_space<hbm>>
      tpu.enqueue_dma source(%dma_start3A_383 : memref<32xi32, #tpu.memory_space<hbm>>) target(%arg8 : memref<32xi32, #tpu.memory_space<vmem>>) target_semaphore(%arg38 : memref<!tpu.dma_semaphore, #tpu.memory_space<semaphore_mem>>)
      %dma_start3A_384 = tpu.memref_slice %arg3[%multiple_of3A_381] : memref<320000xi32, #tpu.memory_space<hbm>> -> memref<32xi32, #tpu.memory_space<hbm>>
      %dma_start3A_385 = tpu.memref_slice %arg3[%multiple_of3A_381] : memref<320000xi32, #tpu.memory_space<hbm>> -> memref<32xi32, #tpu.memory_space<hbm>>
      tpu.enqueue_dma source(%dma_start3A_385 : memref<32xi32, #tpu.memory_space<hbm>>) target(%arg18 : memref<32xi32, #tpu.memory_space<vmem>>) target_semaphore(%arg38 : memref<!tpu.dma_semaphore, #tpu.memory_space<semaphore_mem>>)
      %mul3A_386 = arith.constant 10 : i32
      %mul3A_387 = arith.muli %add3A_369, %mul3A_386 : i32
      %add3A_388 = arith.constant 1 : i32
      %add3A_389 = arith.addi %mul3A_387, %add3A_388 : i32
      %mul3A_390 = arith.constant 32 : i32
      %mul3A_391 = arith.muli %add3A_389, %mul3A_390 : i32
      %add3A_392 = arith.addi %add3A, %mul3A_391 : i32
      %multiple_of3A_393 = tpu.assume_multiple %add3A_392, 8 : i32
      %mul3A_394 = arith.constant 32 : i32
      %mul3A_395 = arith.muli %add3A_389, %mul3A_394 : i32
      %add3A_396 = arith.addi %mul3A_2, %mul3A_395 : i32
      %multiple_of3A_397 = tpu.assume_multiple %add3A_396, 8 : i32
      %dma_start3A_398 = tpu.memref_slice %arg2[%multiple_of3A_393] : memref<640000xi32, #tpu.memory_space<hbm>> -> memref<32xi32, #tpu.memory_space<hbm>>
      %dma_start3A_399 = tpu.memref_slice %arg2[%multiple_of3A_393] : memref<640000xi32, #tpu.memory_space<hbm>> -> memref<32xi32, #tpu.memory_space<hbm>>
      tpu.enqueue_dma source(%dma_start3A_399 : memref<32xi32, #tpu.memory_space<hbm>>) target(%arg9 : memref<32xi32, #tpu.memory_space<vmem>>) target_semaphore(%arg39 : memref<!tpu.dma_semaphore, #tpu.memory_space<semaphore_mem>>)
      %dma_start3A_400 = tpu.memref_slice %arg3[%multiple_of3A_397] : memref<320000xi32, #tpu.memory_space<hbm>> -> memref<32xi32, #tpu.memory_space<hbm>>
      %dma_start3A_401 = tpu.memref_slice %arg3[%multiple_of3A_397] : memref<320000xi32, #tpu.memory_space<hbm>> -> memref<32xi32, #tpu.memory_space<hbm>>
      tpu.enqueue_dma source(%dma_start3A_401 : memref<32xi32, #tpu.memory_space<hbm>>) target(%arg19 : memref<32xi32, #tpu.memory_space<vmem>>) target_semaphore(%arg39 : memref<!tpu.dma_semaphore, #tpu.memory_space<semaphore_mem>>)
      %mul3A_402 = arith.constant 10 : i32
      %mul3A_403 = arith.muli %add3A_369, %mul3A_402 : i32
      %add3A_404 = arith.constant 2 : i32
      %add3A_405 = arith.addi %mul3A_403, %add3A_404 : i32
      %mul3A_406 = arith.constant 32 : i32
      %mul3A_407 = arith.muli %add3A_405, %mul3A_406 : i32
      %add3A_408 = arith.addi %add3A, %mul3A_407 : i32
      %multiple_of3A_409 = tpu.assume_multiple %add3A_408, 8 : i32
      %mul3A_410 = arith.constant 32 : i32
      %mul3A_411 = arith.muli %add3A_405, %mul3A_410 : i32
      %add3A_412 = arith.addi %mul3A_2, %mul3A_411 : i32
      %multiple_of3A_413 = tpu.assume_multiple %add3A_412, 8 : i32
      %dma_start3A_414 = tpu.memref_slice %arg2[%multiple_of3A_409] : memref<640000xi32, #tpu.memory_space<hbm>> -> memref<32xi32, #tpu.memory_space<hbm>>
      %dma_start3A_415 = tpu.memref_slice %arg2[%multiple_of3A_409] : memref<640000xi32, #tpu.memory_space<hbm>> -> memref<32xi32, #tpu.memory_space<hbm>>
      tpu.enqueue_dma source(%dma_start3A_415 : memref<32xi32, #tpu.memory_space<hbm>>) target(%arg10 : memref<32xi32, #tpu.memory_space<vmem>>) target_semaphore(%arg40 : memref<!tpu.dma_semaphore, #tpu.memory_space<semaphore_mem>>)
      %dma_start3A_416 = tpu.memref_slice %arg3[%multiple_of3A_413] : memref<320000xi32, #tpu.memory_space<hbm>> -> memref<32xi32, #tpu.memory_space<hbm>>
      %dma_start3A_417 = tpu.memref_slice %arg3[%multiple_of3A_413] : memref<320000xi32, #tpu.memory_space<hbm>> -> memref<32xi32, #tpu.memory_space<hbm>>
      tpu.enqueue_dma source(%dma_start3A_417 : memref<32xi32, #tpu.memory_space<hbm>>) target(%arg20 : memref<32xi32, #tpu.memory_space<vmem>>) target_semaphore(%arg40 : memref<!tpu.dma_semaphore, #tpu.memory_space<semaphore_mem>>)
      %mul3A_418 = arith.constant 10 : i32
      %mul3A_419 = arith.muli %add3A_369, %mul3A_418 : i32
      %add3A_420 = arith.constant 3 : i32
      %add3A_421 = arith.addi %mul3A_419, %add3A_420 : i32
      %mul3A_422 = arith.constant 32 : i32
      %mul3A_423 = arith.muli %add3A_421, %mul3A_422 : i32
      %add3A_424 = arith.addi %add3A, %mul3A_423 : i32
      %multiple_of3A_425 = tpu.assume_multiple %add3A_424, 8 : i32
      %mul3A_426 = arith.constant 32 : i32
      %mul3A_427 = arith.muli %add3A_421, %mul3A_426 : i32
      %add3A_428 = arith.addi %mul3A_2, %mul3A_427 : i32
      %multiple_of3A_429 = tpu.assume_multiple %add3A_428, 8 : i32
      %dma_start3A_430 = tpu.memref_slice %arg2[%multiple_of3A_425] : memref<640000xi32, #tpu.memory_space<hbm>> -> memref<32xi32, #tpu.memory_space<hbm>>
      %dma_start3A_431 = tpu.memref_slice %arg2[%multiple_of3A_425] : memref<640000xi32, #tpu.memory_space<hbm>> -> memref<32xi32, #tpu.memory_space<hbm>>
      tpu.enqueue_dma source(%dma_start3A_431 : memref<32xi32, #tpu.memory_space<hbm>>) target(%arg11 : memref<32xi32, #tpu.memory_space<vmem>>) target_semaphore(%arg41 : memref<!tpu.dma_semaphore, #tpu.memory_space<semaphore_mem>>)
      %dma_start3A_432 = tpu.memref_slice %arg3[%multiple_of3A_429] : memref<320000xi32, #tpu.memory_space<hbm>> -> memref<32xi32, #tpu.memory_space<hbm>>
      %dma_start3A_433 = tpu.memref_slice %arg3[%multiple_of3A_429] : memref<320000xi32, #tpu.memory_space<hbm>> -> memref<32xi32, #tpu.memory_space<hbm>>
      tpu.enqueue_dma source(%dma_start3A_433 : memref<32xi32, #tpu.memory_space<hbm>>) target(%arg21 : memref<32xi32, #tpu.memory_space<vmem>>) target_semaphore(%arg41 : memref<!tpu.dma_semaphore, #tpu.memory_space<semaphore_mem>>)
      %mul3A_434 = arith.constant 10 : i32
      %mul3A_435 = arith.muli %add3A_369, %mul3A_434 : i32
      %add3A_436 = arith.constant 4 : i32
      %add3A_437 = arith.addi %mul3A_435, %add3A_436 : i32
      %mul3A_438 = arith.constant 32 : i32
      %mul3A_439 = arith.muli %add3A_437, %mul3A_438 : i32
      %add3A_440 = arith.addi %add3A, %mul3A_439 : i32
      %multiple_of3A_441 = tpu.assume_multiple %add3A_440, 8 : i32
      %mul3A_442 = arith.constant 32 : i32
      %mul3A_443 = arith.muli %add3A_437, %mul3A_442 : i32
      %add3A_444 = arith.addi %mul3A_2, %mul3A_443 : i32
      %multiple_of3A_445 = tpu.assume_multiple %add3A_444, 8 : i32
      %dma_start3A_446 = tpu.memref_slice %arg2[%multiple_of3A_441] : memref<640000xi32, #tpu.memory_space<hbm>> -> memref<32xi32, #tpu.memory_space<hbm>>
      %dma_start3A_447 = tpu.memref_slice %arg2[%multiple_of3A_441] : memref<640000xi32, #tpu.memory_space<hbm>> -> memref<32xi32, #tpu.memory_space<hbm>>
      tpu.enqueue_dma source(%dma_start3A_447 : memref<32xi32, #tpu.memory_space<hbm>>) target(%arg12 : memref<32xi32, #tpu.memory_space<vmem>>) target_semaphore(%arg42 : memref<!tpu.dma_semaphore, #tpu.memory_space<semaphore_mem>>)
      %dma_start3A_448 = tpu.memref_slice %arg3[%multiple_of3A_445] : memref<320000xi32, #tpu.memory_space<hbm>> -> memref<32xi32, #tpu.memory_space<hbm>>
      %dma_start3A_449 = tpu.memref_slice %arg3[%multiple_of3A_445] : memref<320000xi32, #tpu.memory_space<hbm>> -> memref<32xi32, #tpu.memory_space<hbm>>
      tpu.enqueue_dma source(%dma_start3A_449 : memref<32xi32, #tpu.memory_space<hbm>>) target(%arg22 : memref<32xi32, #tpu.memory_space<vmem>>) target_semaphore(%arg42 : memref<!tpu.dma_semaphore, #tpu.memory_space<semaphore_mem>>)
      %mul3A_450 = arith.constant 10 : i32
      %mul3A_451 = arith.muli %add3A_369, %mul3A_450 : i32
      %add3A_452 = arith.constant 5 : i32
      %add3A_453 = arith.addi %mul3A_451, %add3A_452 : i32
      %mul3A_454 = arith.constant 32 : i32
      %mul3A_455 = arith.muli %add3A_453, %mul3A_454 : i32
      %add3A_456 = arith.addi %add3A, %mul3A_455 : i32
      %multiple_of3A_457 = tpu.assume_multiple %add3A_456, 8 : i32
      %mul3A_458 = arith.constant 32 : i32
      %mul3A_459 = arith.muli %add3A_453, %mul3A_458 : i32
      %add3A_460 = arith.addi %mul3A_2, %mul3A_459 : i32
      %multiple_of3A_461 = tpu.assume_multiple %add3A_460, 8 : i32
      %dma_start3A_462 = tpu.memref_slice %arg2[%multiple_of3A_457] : memref<640000xi32, #tpu.memory_space<hbm>> -> memref<32xi32, #tpu.memory_space<hbm>>
      %dma_start3A_463 = tpu.memref_slice %arg2[%multiple_of3A_457] : memref<640000xi32, #tpu.memory_space<hbm>> -> memref<32xi32, #tpu.memory_space<hbm>>
      tpu.enqueue_dma source(%dma_start3A_463 : memref<32xi32, #tpu.memory_space<hbm>>) target(%arg13 : memref<32xi32, #tpu.memory_space<vmem>>) target_semaphore(%arg43 : memref<!tpu.dma_semaphore, #tpu.memory_space<semaphore_mem>>)
      %dma_start3A_464 = tpu.memref_slice %arg3[%multiple_of3A_461] : memref<320000xi32, #tpu.memory_space<hbm>> -> memref<32xi32, #tpu.memory_space<hbm>>
      %dma_start3A_465 = tpu.memref_slice %arg3[%multiple_of3A_461] : memref<320000xi32, #tpu.memory_space<hbm>> -> memref<32xi32, #tpu.memory_space<hbm>>
      tpu.enqueue_dma source(%dma_start3A_465 : memref<32xi32, #tpu.memory_space<hbm>>) target(%arg23 : memref<32xi32, #tpu.memory_space<vmem>>) target_semaphore(%arg43 : memref<!tpu.dma_semaphore, #tpu.memory_space<semaphore_mem>>)
      %mul3A_466 = arith.constant 10 : i32
      %mul3A_467 = arith.muli %add3A_369, %mul3A_466 : i32
      %add3A_468 = arith.constant 6 : i32
      %add3A_469 = arith.addi %mul3A_467, %add3A_468 : i32
      %mul3A_470 = arith.constant 32 : i32
      %mul3A_471 = arith.muli %add3A_469, %mul3A_470 : i32
      %add3A_472 = arith.addi %add3A, %mul3A_471 : i32
      %multiple_of3A_473 = tpu.assume_multiple %add3A_472, 8 : i32
      %mul3A_474 = arith.constant 32 : i32
      %mul3A_475 = arith.muli %add3A_469, %mul3A_474 : i32
      %add3A_476 = arith.addi %mul3A_2, %mul3A_475 : i32
      %multiple_of3A_477 = tpu.assume_multiple %add3A_476, 8 : i32
      %dma_start3A_478 = tpu.memref_slice %arg2[%multiple_of3A_473] : memref<640000xi32, #tpu.memory_space<hbm>> -> memref<32xi32, #tpu.memory_space<hbm>>
      %dma_start3A_479 = tpu.memref_slice %arg2[%multiple_of3A_473] : memref<640000xi32, #tpu.memory_space<hbm>> -> memref<32xi32, #tpu.memory_space<hbm>>
      tpu.enqueue_dma source(%dma_start3A_479 : memref<32xi32, #tpu.memory_space<hbm>>) target(%arg14 : memref<32xi32, #tpu.memory_space<vmem>>) target_semaphore(%arg44 : memref<!tpu.dma_semaphore, #tpu.memory_space<semaphore_mem>>)
      %dma_start3A_480 = tpu.memref_slice %arg3[%multiple_of3A_477] : memref<320000xi32, #tpu.memory_space<hbm>> -> memref<32xi32, #tpu.memory_space<hbm>>
      %dma_start3A_481 = tpu.memref_slice %arg3[%multiple_of3A_477] : memref<320000xi32, #tpu.memory_space<hbm>> -> memref<32xi32, #tpu.memory_space<hbm>>
      tpu.enqueue_dma source(%dma_start3A_481 : memref<32xi32, #tpu.memory_space<hbm>>) target(%arg24 : memref<32xi32, #tpu.memory_space<vmem>>) target_semaphore(%arg44 : memref<!tpu.dma_semaphore, #tpu.memory_space<semaphore_mem>>)
      %mul3A_482 = arith.constant 10 : i32
      %mul3A_483 = arith.muli %add3A_369, %mul3A_482 : i32
      %add3A_484 = arith.constant 7 : i32
      %add3A_485 = arith.addi %mul3A_483, %add3A_484 : i32
      %mul3A_486 = arith.constant 32 : i32
      %mul3A_487 = arith.muli %add3A_485, %mul3A_486 : i32
      %add3A_488 = arith.addi %add3A, %mul3A_487 : i32
      %multiple_of3A_489 = tpu.assume_multiple %add3A_488, 8 : i32
      %mul3A_490 = arith.constant 32 : i32
      %mul3A_491 = arith.muli %add3A_485, %mul3A_490 : i32
      %add3A_492 = arith.addi %mul3A_2, %mul3A_491 : i32
      %multiple_of3A_493 = tpu.assume_multiple %add3A_492, 8 : i32
      %dma_start3A_494 = tpu.memref_slice %arg2[%multiple_of3A_489] : memref<640000xi32, #tpu.memory_space<hbm>> -> memref<32xi32, #tpu.memory_space<hbm>>
      %dma_start3A_495 = tpu.memref_slice %arg2[%multiple_of3A_489] : memref<640000xi32, #tpu.memory_space<hbm>> -> memref<32xi32, #tpu.memory_space<hbm>>
      tpu.enqueue_dma source(%dma_start3A_495 : memref<32xi32, #tpu.memory_space<hbm>>) target(%arg15 : memref<32xi32, #tpu.memory_space<vmem>>) target_semaphore(%arg45 : memref<!tpu.dma_semaphore, #tpu.memory_space<semaphore_mem>>)
      %dma_start3A_496 = tpu.memref_slice %arg3[%multiple_of3A_493] : memref<320000xi32, #tpu.memory_space<hbm>> -> memref<32xi32, #tpu.memory_space<hbm>>
      %dma_start3A_497 = tpu.memref_slice %arg3[%multiple_of3A_493] : memref<320000xi32, #tpu.memory_space<hbm>> -> memref<32xi32, #tpu.memory_space<hbm>>
      tpu.enqueue_dma source(%dma_start3A_497 : memref<32xi32, #tpu.memory_space<hbm>>) target(%arg25 : memref<32xi32, #tpu.memory_space<vmem>>) target_semaphore(%arg45 : memref<!tpu.dma_semaphore, #tpu.memory_space<semaphore_mem>>)
      %mul3A_498 = arith.constant 10 : i32
      %mul3A_499 = arith.muli %add3A_369, %mul3A_498 : i32
      %add3A_500 = arith.constant 8 : i32
      %add3A_501 = arith.addi %mul3A_499, %add3A_500 : i32
      %mul3A_502 = arith.constant 32 : i32
      %mul3A_503 = arith.muli %add3A_501, %mul3A_502 : i32
      %add3A_504 = arith.addi %add3A, %mul3A_503 : i32
      %multiple_of3A_505 = tpu.assume_multiple %add3A_504, 8 : i32
      %mul3A_506 = arith.constant 32 : i32
      %mul3A_507 = arith.muli %add3A_501, %mul3A_506 : i32
      %add3A_508 = arith.addi %mul3A_2, %mul3A_507 : i32
      %multiple_of3A_509 = tpu.assume_multiple %add3A_508, 8 : i32
      %dma_start3A_510 = tpu.memref_slice %arg2[%multiple_of3A_505] : memref<640000xi32, #tpu.memory_space<hbm>> -> memref<32xi32, #tpu.memory_space<hbm>>
      %dma_start3A_511 = tpu.memref_slice %arg2[%multiple_of3A_505] : memref<640000xi32, #tpu.memory_space<hbm>> -> memref<32xi32, #tpu.memory_space<hbm>>
      tpu.enqueue_dma source(%dma_start3A_511 : memref<32xi32, #tpu.memory_space<hbm>>) target(%arg16 : memref<32xi32, #tpu.memory_space<vmem>>) target_semaphore(%arg46 : memref<!tpu.dma_semaphore, #tpu.memory_space<semaphore_mem>>)
      %dma_start3A_512 = tpu.memref_slice %arg3[%multiple_of3A_509] : memref<320000xi32, #tpu.memory_space<hbm>> -> memref<32xi32, #tpu.memory_space<hbm>>
      %dma_start3A_513 = tpu.memref_slice %arg3[%multiple_of3A_509] : memref<320000xi32, #tpu.memory_space<hbm>> -> memref<32xi32, #tpu.memory_space<hbm>>
      tpu.enqueue_dma source(%dma_start3A_513 : memref<32xi32, #tpu.memory_space<hbm>>) target(%arg26 : memref<32xi32, #tpu.memory_space<vmem>>) target_semaphore(%arg46 : memref<!tpu.dma_semaphore, #tpu.memory_space<semaphore_mem>>)
      %mul3A_514 = arith.constant 10 : i32
      %mul3A_515 = arith.muli %add3A_369, %mul3A_514 : i32
      %add3A_516 = arith.constant 9 : i32
      %add3A_517 = arith.addi %mul3A_515, %add3A_516 : i32
      %mul3A_518 = arith.constant 32 : i32
      %mul3A_519 = arith.muli %add3A_517, %mul3A_518 : i32
      %add3A_520 = arith.addi %add3A, %mul3A_519 : i32
      %multiple_of3A_521 = tpu.assume_multiple %add3A_520, 8 : i32
      %mul3A_522 = arith.constant 32 : i32
      %mul3A_523 = arith.muli %add3A_517, %mul3A_522 : i32
      %add3A_524 = arith.addi %mul3A_2, %mul3A_523 : i32
      %multiple_of3A_525 = tpu.assume_multiple %add3A_524, 8 : i32
      %dma_start3A_526 = tpu.memref_slice %arg2[%multiple_of3A_521] : memref<640000xi32, #tpu.memory_space<hbm>> -> memref<32xi32, #tpu.memory_space<hbm>>
      %dma_start3A_527 = tpu.memref_slice %arg2[%multiple_of3A_521] : memref<640000xi32, #tpu.memory_space<hbm>> -> memref<32xi32, #tpu.memory_space<hbm>>
      tpu.enqueue_dma source(%dma_start3A_527 : memref<32xi32, #tpu.memory_space<hbm>>) target(%arg17 : memref<32xi32, #tpu.memory_space<vmem>>) target_semaphore(%arg47 : memref<!tpu.dma_semaphore, #tpu.memory_space<semaphore_mem>>)
      %dma_start3A_528 = tpu.memref_slice %arg3[%multiple_of3A_525] : memref<320000xi32, #tpu.memory_space<hbm>> -> memref<32xi32, #tpu.memory_space<hbm>>
      %dma_start3A_529 = tpu.memref_slice %arg3[%multiple_of3A_525] : memref<320000xi32, #tpu.memory_space<hbm>> -> memref<32xi32, #tpu.memory_space<hbm>>
      tpu.enqueue_dma source(%dma_start3A_529 : memref<32xi32, #tpu.memory_space<hbm>>) target(%arg27 : memref<32xi32, #tpu.memory_space<vmem>>) target_semaphore(%arg47 : memref<!tpu.dma_semaphore, #tpu.memory_space<semaphore_mem>>)
      %dma_wait3A_530 = tpu.memref_slice %arg2[%multiple_of3A_377] : memref<640000xi32, #tpu.memory_space<hbm>> -> memref<32xi32, #tpu.memory_space<hbm>>
      %dma_wait3A_531 = tpu.memref_slice %arg2[%multiple_of3A_377] : memref<640000xi32, #tpu.memory_space<hbm>> -> memref<32xi32, #tpu.memory_space<hbm>>
      tpu.wait_dma2 semaphore(%arg38 : memref<!tpu.dma_semaphore, #tpu.memory_space<semaphore_mem>>) src(%dma_wait3A_531 : memref<32xi32, #tpu.memory_space<hbm>>) dst(%arg8 : memref<32xi32, #tpu.memory_space<vmem>>)
      %dma_wait3A_532 = tpu.memref_slice %arg3[%multiple_of3A_381] : memref<320000xi32, #tpu.memory_space<hbm>> -> memref<32xi32, #tpu.memory_space<hbm>>
      %dma_wait3A_533 = tpu.memref_slice %arg3[%multiple_of3A_381] : memref<320000xi32, #tpu.memory_space<hbm>> -> memref<32xi32, #tpu.memory_space<hbm>>
      tpu.wait_dma2 semaphore(%arg38 : memref<!tpu.dma_semaphore, #tpu.memory_space<semaphore_mem>>) src(%dma_wait3A_533 : memref<32xi32, #tpu.memory_space<hbm>>) dst(%arg18 : memref<32xi32, #tpu.memory_space<vmem>>)
      %dma_start3A_534 = arith.constant 0 : i32
      %dma_start3A_535 = arith.constant 0 : i32
      %dma_start3A_536 = tpu.memref_slice %arg4[%dma_start3A_534, %dma_start3A_535] : memref<20480x128xf32, #tpu.memory_space<hbm>> -> memref<20480x128xf32, #tpu.memory_space<hbm>>
      tpu.enqueue_indirect_dma source(%dma_start3A_536 : memref<20480x128xf32, #tpu.memory_space<hbm>>) target(%arg28 : memref<32x128xf32, #tpu.memory_space<vmem>>) offsets(%arg8 : memref<32xi32, #tpu.memory_space<vmem>>) semaphore(%arg48 : memref<!tpu.dma_semaphore, #tpu.memory_space<semaphore_mem>>)
      %dma_wait3A_537 = tpu.memref_slice %arg2[%multiple_of3A_393] : memref<640000xi32, #tpu.memory_space<hbm>> -> memref<32xi32, #tpu.memory_space<hbm>>
      %dma_wait3A_538 = tpu.memref_slice %arg2[%multiple_of3A_393] : memref<640000xi32, #tpu.memory_space<hbm>> -> memref<32xi32, #tpu.memory_space<hbm>>
      tpu.wait_dma2 semaphore(%arg39 : memref<!tpu.dma_semaphore, #tpu.memory_space<semaphore_mem>>) src(%dma_wait3A_538 : memref<32xi32, #tpu.memory_space<hbm>>) dst(%arg9 : memref<32xi32, #tpu.memory_space<vmem>>)
      %dma_wait3A_539 = tpu.memref_slice %arg3[%multiple_of3A_397] : memref<320000xi32, #tpu.memory_space<hbm>> -> memref<32xi32, #tpu.memory_space<hbm>>
      %dma_wait3A_540 = tpu.memref_slice %arg3[%multiple_of3A_397] : memref<320000xi32, #tpu.memory_space<hbm>> -> memref<32xi32, #tpu.memory_space<hbm>>
      tpu.wait_dma2 semaphore(%arg39 : memref<!tpu.dma_semaphore, #tpu.memory_space<semaphore_mem>>) src(%dma_wait3A_540 : memref<32xi32, #tpu.memory_space<hbm>>) dst(%arg19 : memref<32xi32, #tpu.memory_space<vmem>>)
      %dma_start3A_541 = arith.constant 0 : i32
      %dma_start3A_542 = arith.constant 0 : i32
      %dma_start3A_543 = tpu.memref_slice %arg4[%dma_start3A_541, %dma_start3A_542] : memref<20480x128xf32, #tpu.memory_space<hbm>> -> memref<20480x128xf32, #tpu.memory_space<hbm>>
      tpu.enqueue_indirect_dma source(%dma_start3A_543 : memref<20480x128xf32, #tpu.memory_space<hbm>>) target(%arg29 : memref<32x128xf32, #tpu.memory_space<vmem>>) offsets(%arg9 : memref<32xi32, #tpu.memory_space<vmem>>) semaphore(%arg49 : memref<!tpu.dma_semaphore, #tpu.memory_space<semaphore_mem>>)
      %dma_wait3A_544 = tpu.memref_slice %arg2[%multiple_of3A_409] : memref<640000xi32, #tpu.memory_space<hbm>> -> memref<32xi32, #tpu.memory_space<hbm>>
      %dma_wait3A_545 = tpu.memref_slice %arg2[%multiple_of3A_409] : memref<640000xi32, #tpu.memory_space<hbm>> -> memref<32xi32, #tpu.memory_space<hbm>>
      tpu.wait_dma2 semaphore(%arg40 : memref<!tpu.dma_semaphore, #tpu.memory_space<semaphore_mem>>) src(%dma_wait3A_545 : memref<32xi32, #tpu.memory_space<hbm>>) dst(%arg10 : memref<32xi32, #tpu.memory_space<vmem>>)
      %dma_wait3A_546 = tpu.memref_slice %arg3[%multiple_of3A_413] : memref<320000xi32, #tpu.memory_space<hbm>> -> memref<32xi32, #tpu.memory_space<hbm>>
      %dma_wait3A_547 = tpu.memref_slice %arg3[%multiple_of3A_413] : memref<320000xi32, #tpu.memory_space<hbm>> -> memref<32xi32, #tpu.memory_space<hbm>>
      tpu.wait_dma2 semaphore(%arg40 : memref<!tpu.dma_semaphore, #tpu.memory_space<semaphore_mem>>) src(%dma_wait3A_547 : memref<32xi32, #tpu.memory_space<hbm>>) dst(%arg20 : memref<32xi32, #tpu.memory_space<vmem>>)
      %dma_start3A_548 = arith.constant 0 : i32
      %dma_start3A_549 = arith.constant 0 : i32
      %dma_start3A_550 = tpu.memref_slice %arg4[%dma_start3A_548, %dma_start3A_549] : memref<20480x128xf32, #tpu.memory_space<hbm>> -> memref<20480x128xf32, #tpu.memory_space<hbm>>
      tpu.enqueue_indirect_dma source(%dma_start3A_550 : memref<20480x128xf32, #tpu.memory_space<hbm>>) target(%arg30 : memref<32x128xf32, #tpu.memory_space<vmem>>) offsets(%arg10 : memref<32xi32, #tpu.memory_space<vmem>>) semaphore(%arg50 : memref<!tpu.dma_semaphore, #tpu.memory_space<semaphore_mem>>)
      %dma_wait3A_551 = tpu.memref_slice %arg2[%multiple_of3A_425] : memref<640000xi32, #tpu.memory_space<hbm>> -> memref<32xi32, #tpu.memory_space<hbm>>
      %dma_wait3A_552 = tpu.memref_slice %arg2[%multiple_of3A_425] : memref<640000xi32, #tpu.memory_space<hbm>> -> memref<32xi32, #tpu.memory_space<hbm>>
      tpu.wait_dma2 semaphore(%arg41 : memref<!tpu.dma_semaphore, #tpu.memory_space<semaphore_mem>>) src(%dma_wait3A_552 : memref<32xi32, #tpu.memory_space<hbm>>) dst(%arg11 : memref<32xi32, #tpu.memory_space<vmem>>)
      %dma_wait3A_553 = tpu.memref_slice %arg3[%multiple_of3A_429] : memref<320000xi32, #tpu.memory_space<hbm>> -> memref<32xi32, #tpu.memory_space<hbm>>
      %dma_wait3A_554 = tpu.memref_slice %arg3[%multiple_of3A_429] : memref<320000xi32, #tpu.memory_space<hbm>> -> memref<32xi32, #tpu.memory_space<hbm>>
      tpu.wait_dma2 semaphore(%arg41 : memref<!tpu.dma_semaphore, #tpu.memory_space<semaphore_mem>>) src(%dma_wait3A_554 : memref<32xi32, #tpu.memory_space<hbm>>) dst(%arg21 : memref<32xi32, #tpu.memory_space<vmem>>)
      %dma_start3A_555 = arith.constant 0 : i32
      %dma_start3A_556 = arith.constant 0 : i32
      %dma_start3A_557 = tpu.memref_slice %arg4[%dma_start3A_555, %dma_start3A_556] : memref<20480x128xf32, #tpu.memory_space<hbm>> -> memref<20480x128xf32, #tpu.memory_space<hbm>>
      tpu.enqueue_indirect_dma source(%dma_start3A_557 : memref<20480x128xf32, #tpu.memory_space<hbm>>) target(%arg31 : memref<32x128xf32, #tpu.memory_space<vmem>>) offsets(%arg11 : memref<32xi32, #tpu.memory_space<vmem>>) semaphore(%arg51 : memref<!tpu.dma_semaphore, #tpu.memory_space<semaphore_mem>>)
      %dma_wait3A_558 = tpu.memref_slice %arg2[%multiple_of3A_441] : memref<640000xi32, #tpu.memory_space<hbm>> -> memref<32xi32, #tpu.memory_space<hbm>>
      %dma_wait3A_559 = tpu.memref_slice %arg2[%multiple_of3A_441] : memref<640000xi32, #tpu.memory_space<hbm>> -> memref<32xi32, #tpu.memory_space<hbm>>
      tpu.wait_dma2 semaphore(%arg42 : memref<!tpu.dma_semaphore, #tpu.memory_space<semaphore_mem>>) src(%dma_wait3A_559 : memref<32xi32, #tpu.memory_space<hbm>>) dst(%arg12 : memref<32xi32, #tpu.memory_space<vmem>>)
      %dma_wait3A_560 = tpu.memref_slice %arg3[%multiple_of3A_445] : memref<320000xi32, #tpu.memory_space<hbm>> -> memref<32xi32, #tpu.memory_space<hbm>>
      %dma_wait3A_561 = tpu.memref_slice %arg3[%multiple_of3A_445] : memref<320000xi32, #tpu.memory_space<hbm>> -> memref<32xi32, #tpu.memory_space<hbm>>
      tpu.wait_dma2 semaphore(%arg42 : memref<!tpu.dma_semaphore, #tpu.memory_space<semaphore_mem>>) src(%dma_wait3A_561 : memref<32xi32, #tpu.memory_space<hbm>>) dst(%arg22 : memref<32xi32, #tpu.memory_space<vmem>>)
      %dma_start3A_562 = arith.constant 0 : i32
      %dma_start3A_563 = arith.constant 0 : i32
      %dma_start3A_564 = tpu.memref_slice %arg4[%dma_start3A_562, %dma_start3A_563] : memref<20480x128xf32, #tpu.memory_space<hbm>> -> memref<20480x128xf32, #tpu.memory_space<hbm>>
      tpu.enqueue_indirect_dma source(%dma_start3A_564 : memref<20480x128xf32, #tpu.memory_space<hbm>>) target(%arg32 : memref<32x128xf32, #tpu.memory_space<vmem>>) offsets(%arg12 : memref<32xi32, #tpu.memory_space<vmem>>) semaphore(%arg52 : memref<!tpu.dma_semaphore, #tpu.memory_space<semaphore_mem>>)
      %dma_wait3A_565 = tpu.memref_slice %arg2[%multiple_of3A_457] : memref<640000xi32, #tpu.memory_space<hbm>> -> memref<32xi32, #tpu.memory_space<hbm>>
      %dma_wait3A_566 = tpu.memref_slice %arg2[%multiple_of3A_457] : memref<640000xi32, #tpu.memory_space<hbm>> -> memref<32xi32, #tpu.memory_space<hbm>>
      tpu.wait_dma2 semaphore(%arg43 : memref<!tpu.dma_semaphore, #tpu.memory_space<semaphore_mem>>) src(%dma_wait3A_566 : memref<32xi32, #tpu.memory_space<hbm>>) dst(%arg13 : memref<32xi32, #tpu.memory_space<vmem>>)
      %dma_wait3A_567 = tpu.memref_slice %arg3[%multiple_of3A_461] : memref<320000xi32, #tpu.memory_space<hbm>> -> memref<32xi32, #tpu.memory_space<hbm>>
      %dma_wait3A_568 = tpu.memref_slice %arg3[%multiple_of3A_461] : memref<320000xi32, #tpu.memory_space<hbm>> -> memref<32xi32, #tpu.memory_space<hbm>>
      tpu.wait_dma2 semaphore(%arg43 : memref<!tpu.dma_semaphore, #tpu.memory_space<semaphore_mem>>) src(%dma_wait3A_568 : memref<32xi32, #tpu.memory_space<hbm>>) dst(%arg23 : memref<32xi32, #tpu.memory_space<vmem>>)
      %dma_start3A_569 = arith.constant 0 : i32
      %dma_start3A_570 = arith.constant 0 : i32
      %dma_start3A_571 = tpu.memref_slice %arg4[%dma_start3A_569, %dma_start3A_570] : memref<20480x128xf32, #tpu.memory_space<hbm>> -> memref<20480x128xf32, #tpu.memory_space<hbm>>
      tpu.enqueue_indirect_dma source(%dma_start3A_571 : memref<20480x128xf32, #tpu.memory_space<hbm>>) target(%arg33 : memref<32x128xf32, #tpu.memory_space<vmem>>) offsets(%arg13 : memref<32xi32, #tpu.memory_space<vmem>>) semaphore(%arg53 : memref<!tpu.dma_semaphore, #tpu.memory_space<semaphore_mem>>)
      %dma_wait3A_572 = tpu.memref_slice %arg2[%multiple_of3A_473] : memref<640000xi32, #tpu.memory_space<hbm>> -> memref<32xi32, #tpu.memory_space<hbm>>
      %dma_wait3A_573 = tpu.memref_slice %arg2[%multiple_of3A_473] : memref<640000xi32, #tpu.memory_space<hbm>> -> memref<32xi32, #tpu.memory_space<hbm>>
      tpu.wait_dma2 semaphore(%arg44 : memref<!tpu.dma_semaphore, #tpu.memory_space<semaphore_mem>>) src(%dma_wait3A_573 : memref<32xi32, #tpu.memory_space<hbm>>) dst(%arg14 : memref<32xi32, #tpu.memory_space<vmem>>)
      %dma_wait3A_574 = tpu.memref_slice %arg3[%multiple_of3A_477] : memref<320000xi32, #tpu.memory_space<hbm>> -> memref<32xi32, #tpu.memory_space<hbm>>
      %dma_wait3A_575 = tpu.memref_slice %arg3[%multiple_of3A_477] : memref<320000xi32, #tpu.memory_space<hbm>> -> memref<32xi32, #tpu.memory_space<hbm>>
      tpu.wait_dma2 semaphore(%arg44 : memref<!tpu.dma_semaphore, #tpu.memory_space<semaphore_mem>>) src(%dma_wait3A_575 : memref<32xi32, #tpu.memory_space<hbm>>) dst(%arg24 : memref<32xi32, #tpu.memory_space<vmem>>)
      %dma_start3A_576 = arith.constant 0 : i32
      %dma_start3A_577 = arith.constant 0 : i32
      %dma_start3A_578 = tpu.memref_slice %arg4[%dma_start3A_576, %dma_start3A_577] : memref<20480x128xf32, #tpu.memory_space<hbm>> -> memref<20480x128xf32, #tpu.memory_space<hbm>>
      tpu.enqueue_indirect_dma source(%dma_start3A_578 : memref<20480x128xf32, #tpu.memory_space<hbm>>) target(%arg34 : memref<32x128xf32, #tpu.memory_space<vmem>>) offsets(%arg14 : memref<32xi32, #tpu.memory_space<vmem>>) semaphore(%arg54 : memref<!tpu.dma_semaphore, #tpu.memory_space<semaphore_mem>>)
      %dma_wait3A_579 = tpu.memref_slice %arg2[%multiple_of3A_489] : memref<640000xi32, #tpu.memory_space<hbm>> -> memref<32xi32, #tpu.memory_space<hbm>>
      %dma_wait3A_580 = tpu.memref_slice %arg2[%multiple_of3A_489] : memref<640000xi32, #tpu.memory_space<hbm>> -> memref<32xi32, #tpu.memory_space<hbm>>
      tpu.wait_dma2 semaphore(%arg45 : memref<!tpu.dma_semaphore, #tpu.memory_space<semaphore_mem>>) src(%dma_wait3A_580 : memref<32xi32, #tpu.memory_space<hbm>>) dst(%arg15 : memref<32xi32, #tpu.memory_space<vmem>>)
      %dma_wait3A_581 = tpu.memref_slice %arg3[%multiple_of3A_493] : memref<320000xi32, #tpu.memory_space<hbm>> -> memref<32xi32, #tpu.memory_space<hbm>>
      %dma_wait3A_582 = tpu.memref_slice %arg3[%multiple_of3A_493] : memref<320000xi32, #tpu.memory_space<hbm>> -> memref<32xi32, #tpu.memory_space<hbm>>
      tpu.wait_dma2 semaphore(%arg45 : memref<!tpu.dma_semaphore, #tpu.memory_space<semaphore_mem>>) src(%dma_wait3A_582 : memref<32xi32, #tpu.memory_space<hbm>>) dst(%arg25 : memref<32xi32, #tpu.memory_space<vmem>>)
      %dma_start3A_583 = arith.constant 0 : i32
      %dma_start3A_584 = arith.constant 0 : i32
      %dma_start3A_585 = tpu.memref_slice %arg4[%dma_start3A_583, %dma_start3A_584] : memref<20480x128xf32, #tpu.memory_space<hbm>> -> memref<20480x128xf32, #tpu.memory_space<hbm>>
      tpu.enqueue_indirect_dma source(%dma_start3A_585 : memref<20480x128xf32, #tpu.memory_space<hbm>>) target(%arg35 : memref<32x128xf32, #tpu.memory_space<vmem>>) offsets(%arg15 : memref<32xi32, #tpu.memory_space<vmem>>) semaphore(%arg55 : memref<!tpu.dma_semaphore, #tpu.memory_space<semaphore_mem>>)
      %dma_wait3A_586 = tpu.memref_slice %arg2[%multiple_of3A_505] : memref<640000xi32, #tpu.memory_space<hbm>> -> memref<32xi32, #tpu.memory_space<hbm>>
      %dma_wait3A_587 = tpu.memref_slice %arg2[%multiple_of3A_505] : memref<640000xi32, #tpu.memory_space<hbm>> -> memref<32xi32, #tpu.memory_space<hbm>>
      tpu.wait_dma2 semaphore(%arg46 : memref<!tpu.dma_semaphore, #tpu.memory_space<semaphore_mem>>) src(%dma_wait3A_587 : memref<32xi32, #tpu.memory_space<hbm>>) dst(%arg16 : memref<32xi32, #tpu.memory_space<vmem>>)
      %dma_wait3A_588 = tpu.memref_slice %arg3[%multiple_of3A_509] : memref<320000xi32, #tpu.memory_space<hbm>> -> memref<32xi32, #tpu.memory_space<hbm>>
      %dma_wait3A_589 = tpu.memref_slice %arg3[%multiple_of3A_509] : memref<320000xi32, #tpu.memory_space<hbm>> -> memref<32xi32, #tpu.memory_space<hbm>>
      tpu.wait_dma2 semaphore(%arg46 : memref<!tpu.dma_semaphore, #tpu.memory_space<semaphore_mem>>) src(%dma_wait3A_589 : memref<32xi32, #tpu.memory_space<hbm>>) dst(%arg26 : memref<32xi32, #tpu.memory_space<vmem>>)
      %dma_start3A_590 = arith.constant 0 : i32
      %dma_start3A_591 = arith.constant 0 : i32
      %dma_start3A_592 = tpu.memref_slice %arg4[%dma_start3A_590, %dma_start3A_591] : memref<20480x128xf32, #tpu.memory_space<hbm>> -> memref<20480x128xf32, #tpu.memory_space<hbm>>
      tpu.enqueue_indirect_dma source(%dma_start3A_592 : memref<20480x128xf32, #tpu.memory_space<hbm>>) target(%arg36 : memref<32x128xf32, #tpu.memory_space<vmem>>) offsets(%arg16 : memref<32xi32, #tpu.memory_space<vmem>>) semaphore(%arg56 : memref<!tpu.dma_semaphore, #tpu.memory_space<semaphore_mem>>)
      %dma_wait3A_593 = tpu.memref_slice %arg2[%multiple_of3A_521] : memref<640000xi32, #tpu.memory_space<hbm>> -> memref<32xi32, #tpu.memory_space<hbm>>
      %dma_wait3A_594 = tpu.memref_slice %arg2[%multiple_of3A_521] : memref<640000xi32, #tpu.memory_space<hbm>> -> memref<32xi32, #tpu.memory_space<hbm>>
      tpu.wait_dma2 semaphore(%arg47 : memref<!tpu.dma_semaphore, #tpu.memory_space<semaphore_mem>>) src(%dma_wait3A_594 : memref<32xi32, #tpu.memory_space<hbm>>) dst(%arg17 : memref<32xi32, #tpu.memory_space<vmem>>)
      %dma_wait3A_595 = tpu.memref_slice %arg3[%multiple_of3A_525] : memref<320000xi32, #tpu.memory_space<hbm>> -> memref<32xi32, #tpu.memory_space<hbm>>
      %dma_wait3A_596 = tpu.memref_slice %arg3[%multiple_of3A_525] : memref<320000xi32, #tpu.memory_space<hbm>> -> memref<32xi32, #tpu.memory_space<hbm>>
      tpu.wait_dma2 semaphore(%arg47 : memref<!tpu.dma_semaphore, #tpu.memory_space<semaphore_mem>>) src(%dma_wait3A_596 : memref<32xi32, #tpu.memory_space<hbm>>) dst(%arg27 : memref<32xi32, #tpu.memory_space<vmem>>)
      %dma_start3A_597 = arith.constant 0 : i32
      %dma_start3A_598 = arith.constant 0 : i32
      %dma_start3A_599 = tpu.memref_slice %arg4[%dma_start3A_597, %dma_start3A_598] : memref<20480x128xf32, #tpu.memory_space<hbm>> -> memref<20480x128xf32, #tpu.memory_space<hbm>>
      tpu.enqueue_indirect_dma source(%dma_start3A_599 : memref<20480x128xf32, #tpu.memory_space<hbm>>) target(%arg37 : memref<32x128xf32, #tpu.memory_space<vmem>>) offsets(%arg17 : memref<32xi32, #tpu.memory_space<vmem>>) semaphore(%arg57 : memref<!tpu.dma_semaphore, #tpu.memory_space<semaphore_mem>>)
      %dma_wait3A_600 = arith.constant 0 : i32
      %dma_wait3A_601 = arith.constant 0 : i32
      %dma_wait3A_602 = tpu.memref_slice %arg4[%dma_wait3A_600, %dma_wait3A_601] : memref<20480x128xf32, #tpu.memory_space<hbm>> -> memref<20480x128xf32, #tpu.memory_space<hbm>>
      tpu.wait_indirect_dma semaphore(%arg48 : memref<!tpu.dma_semaphore, #tpu.memory_space<semaphore_mem>>) src(%dma_wait3A_602 : memref<20480x128xf32, #tpu.memory_space<hbm>>) dst(%arg28 : memref<32x128xf32, #tpu.memory_space<vmem>>)
      %dma_start3A_603 = arith.constant 0 : i32
      %dma_start3A_604 = arith.constant 0 : i32
      %dma_start3A_605 = tpu.memref_slice %arg7[%dma_start3A_603, %dma_start3A_604] : memref<10240x128xf32, #tpu.memory_space<vmem_shared>> -> memref<10240x128xf32, #tpu.memory_space<vmem_shared>>
      tpu.enqueue_indirect_dma source(%arg28 : memref<32x128xf32, #tpu.memory_space<vmem>>) target(%dma_start3A_605 : memref<10240x128xf32, #tpu.memory_space<vmem_shared>>) offsets(%arg18 : memref<32xi32, #tpu.memory_space<vmem>>) semaphore(%arg58 : memref<!tpu.dma_semaphore, #tpu.memory_space<semaphore_mem>>) {add = true}
      %dma_wait3A_606 = arith.constant 0 : i32
      %dma_wait3A_607 = arith.constant 0 : i32
      %dma_wait3A_608 = tpu.memref_slice %arg4[%dma_wait3A_606, %dma_wait3A_607] : memref<20480x128xf32, #tpu.memory_space<hbm>> -> memref<20480x128xf32, #tpu.memory_space<hbm>>
      tpu.wait_indirect_dma semaphore(%arg49 : memref<!tpu.dma_semaphore, #tpu.memory_space<semaphore_mem>>) src(%dma_wait3A_608 : memref<20480x128xf32, #tpu.memory_space<hbm>>) dst(%arg29 : memref<32x128xf32, #tpu.memory_space<vmem>>)
      %dma_start3A_609 = arith.constant 0 : i32
      %dma_start3A_610 = arith.constant 0 : i32
      %dma_start3A_611 = tpu.memref_slice %arg7[%dma_start3A_609, %dma_start3A_610] : memref<10240x128xf32, #tpu.memory_space<vmem_shared>> -> memref<10240x128xf32, #tpu.memory_space<vmem_shared>>
      tpu.enqueue_indirect_dma source(%arg29 : memref<32x128xf32, #tpu.memory_space<vmem>>) target(%dma_start3A_611 : memref<10240x128xf32, #tpu.memory_space<vmem_shared>>) offsets(%arg19 : memref<32xi32, #tpu.memory_space<vmem>>) semaphore(%arg59 : memref<!tpu.dma_semaphore, #tpu.memory_space<semaphore_mem>>) {add = true}
      %dma_wait3A_612 = arith.constant 0 : i32
      %dma_wait3A_613 = arith.constant 0 : i32
      %dma_wait3A_614 = tpu.memref_slice %arg4[%dma_wait3A_612, %dma_wait3A_613] : memref<20480x128xf32, #tpu.memory_space<hbm>> -> memref<20480x128xf32, #tpu.memory_space<hbm>>
      tpu.wait_indirect_dma semaphore(%arg50 : memref<!tpu.dma_semaphore, #tpu.memory_space<semaphore_mem>>) src(%dma_wait3A_614 : memref<20480x128xf32, #tpu.memory_space<hbm>>) dst(%arg30 : memref<32x128xf32, #tpu.memory_space<vmem>>)
      %dma_start3A_615 = arith.constant 0 : i32
      %dma_start3A_616 = arith.constant 0 : i32
      %dma_start3A_617 = tpu.memref_slice %arg7[%dma_start3A_615, %dma_start3A_616] : memref<10240x128xf32, #tpu.memory_space<vmem_shared>> -> memref<10240x128xf32, #tpu.memory_space<vmem_shared>>
      tpu.enqueue_indirect_dma source(%arg30 : memref<32x128xf32, #tpu.memory_space<vmem>>) target(%dma_start3A_617 : memref<10240x128xf32, #tpu.memory_space<vmem_shared>>) offsets(%arg20 : memref<32xi32, #tpu.memory_space<vmem>>) semaphore(%arg60 : memref<!tpu.dma_semaphore, #tpu.memory_space<semaphore_mem>>) {add = true}
      %dma_wait3A_618 = arith.constant 0 : i32
      %dma_wait3A_619 = arith.constant 0 : i32
      %dma_wait3A_620 = tpu.memref_slice %arg4[%dma_wait3A_618, %dma_wait3A_619] : memref<20480x128xf32, #tpu.memory_space<hbm>> -> memref<20480x128xf32, #tpu.memory_space<hbm>>
      tpu.wait_indirect_dma semaphore(%arg51 : memref<!tpu.dma_semaphore, #tpu.memory_space<semaphore_mem>>) src(%dma_wait3A_620 : memref<20480x128xf32, #tpu.memory_space<hbm>>) dst(%arg31 : memref<32x128xf32, #tpu.memory_space<vmem>>)
      %dma_start3A_621 = arith.constant 0 : i32
      %dma_start3A_622 = arith.constant 0 : i32
      %dma_start3A_623 = tpu.memref_slice %arg7[%dma_start3A_621, %dma_start3A_622] : memref<10240x128xf32, #tpu.memory_space<vmem_shared>> -> memref<10240x128xf32, #tpu.memory_space<vmem_shared>>
      tpu.enqueue_indirect_dma source(%arg31 : memref<32x128xf32, #tpu.memory_space<vmem>>) target(%dma_start3A_623 : memref<10240x128xf32, #tpu.memory_space<vmem_shared>>) offsets(%arg21 : memref<32xi32, #tpu.memory_space<vmem>>) semaphore(%arg61 : memref<!tpu.dma_semaphore, #tpu.memory_space<semaphore_mem>>) {add = true}
      %dma_wait3A_624 = arith.constant 0 : i32
      %dma_wait3A_625 = arith.constant 0 : i32
      %dma_wait3A_626 = tpu.memref_slice %arg4[%dma_wait3A_624, %dma_wait3A_625] : memref<20480x128xf32, #tpu.memory_space<hbm>> -> memref<20480x128xf32, #tpu.memory_space<hbm>>
      tpu.wait_indirect_dma semaphore(%arg52 : memref<!tpu.dma_semaphore, #tpu.memory_space<semaphore_mem>>) src(%dma_wait3A_626 : memref<20480x128xf32, #tpu.memory_space<hbm>>) dst(%arg32 : memref<32x128xf32, #tpu.memory_space<vmem>>)
      %dma_start3A_627 = arith.constant 0 : i32
      %dma_start3A_628 = arith.constant 0 : i32
      %dma_start3A_629 = tpu.memref_slice %arg7[%dma_start3A_627, %dma_start3A_628] : memref<10240x128xf32, #tpu.memory_space<vmem_shared>> -> memref<10240x128xf32, #tpu.memory_space<vmem_shared>>
      tpu.enqueue_indirect_dma source(%arg32 : memref<32x128xf32, #tpu.memory_space<vmem>>) target(%dma_start3A_629 : memref<10240x128xf32, #tpu.memory_space<vmem_shared>>) offsets(%arg22 : memref<32xi32, #tpu.memory_space<vmem>>) semaphore(%arg62 : memref<!tpu.dma_semaphore, #tpu.memory_space<semaphore_mem>>) {add = true}
      %dma_wait3A_630 = arith.constant 0 : i32
      %dma_wait3A_631 = arith.constant 0 : i32
      %dma_wait3A_632 = tpu.memref_slice %arg4[%dma_wait3A_630, %dma_wait3A_631] : memref<20480x128xf32, #tpu.memory_space<hbm>> -> memref<20480x128xf32, #tpu.memory_space<hbm>>
      tpu.wait_indirect_dma semaphore(%arg53 : memref<!tpu.dma_semaphore, #tpu.memory_space<semaphore_mem>>) src(%dma_wait3A_632 : memref<20480x128xf32, #tpu.memory_space<hbm>>) dst(%arg33 : memref<32x128xf32, #tpu.memory_space<vmem>>)
      %dma_start3A_633 = arith.constant 0 : i32
      %dma_start3A_634 = arith.constant 0 : i32
      %dma_start3A_635 = tpu.memref_slice %arg7[%dma_start3A_633, %dma_start3A_634] : memref<10240x128xf32, #tpu.memory_space<vmem_shared>> -> memref<10240x128xf32, #tpu.memory_space<vmem_shared>>
      tpu.enqueue_indirect_dma source(%arg33 : memref<32x128xf32, #tpu.memory_space<vmem>>) target(%dma_start3A_635 : memref<10240x128xf32, #tpu.memory_space<vmem_shared>>) offsets(%arg23 : memref<32xi32, #tpu.memory_space<vmem>>) semaphore(%arg63 : memref<!tpu.dma_semaphore, #tpu.memory_space<semaphore_mem>>) {add = true}
      %dma_wait3A_636 = arith.constant 0 : i32
      %dma_wait3A_637 = arith.constant 0 : i32
      %dma_wait3A_638 = tpu.memref_slice %arg4[%dma_wait3A_636, %dma_wait3A_637] : memref<20480x128xf32, #tpu.memory_space<hbm>> -> memref<20480x128xf32, #tpu.memory_space<hbm>>
      tpu.wait_indirect_dma semaphore(%arg54 : memref<!tpu.dma_semaphore, #tpu.memory_space<semaphore_mem>>) src(%dma_wait3A_638 : memref<20480x128xf32, #tpu.memory_space<hbm>>) dst(%arg34 : memref<32x128xf32, #tpu.memory_space<vmem>>)
      %dma_start3A_639 = arith.constant 0 : i32
      %dma_start3A_640 = arith.constant 0 : i32
      %dma_start3A_641 = tpu.memref_slice %arg7[%dma_start3A_639, %dma_start3A_640] : memref<10240x128xf32, #tpu.memory_space<vmem_shared>> -> memref<10240x128xf32, #tpu.memory_space<vmem_shared>>
      tpu.enqueue_indirect_dma source(%arg34 : memref<32x128xf32, #tpu.memory_space<vmem>>) target(%dma_start3A_641 : memref<10240x128xf32, #tpu.memory_space<vmem_shared>>) offsets(%arg24 : memref<32xi32, #tpu.memory_space<vmem>>) semaphore(%arg64 : memref<!tpu.dma_semaphore, #tpu.memory_space<semaphore_mem>>) {add = true}
      %dma_wait3A_642 = arith.constant 0 : i32
      %dma_wait3A_643 = arith.constant 0 : i32
      %dma_wait3A_644 = tpu.memref_slice %arg4[%dma_wait3A_642, %dma_wait3A_643] : memref<20480x128xf32, #tpu.memory_space<hbm>> -> memref<20480x128xf32, #tpu.memory_space<hbm>>
      tpu.wait_indirect_dma semaphore(%arg55 : memref<!tpu.dma_semaphore, #tpu.memory_space<semaphore_mem>>) src(%dma_wait3A_644 : memref<20480x128xf32, #tpu.memory_space<hbm>>) dst(%arg35 : memref<32x128xf32, #tpu.memory_space<vmem>>)
      %dma_start3A_645 = arith.constant 0 : i32
      %dma_start3A_646 = arith.constant 0 : i32
      %dma_start3A_647 = tpu.memref_slice %arg7[%dma_start3A_645, %dma_start3A_646] : memref<10240x128xf32, #tpu.memory_space<vmem_shared>> -> memref<10240x128xf32, #tpu.memory_space<vmem_shared>>
      tpu.enqueue_indirect_dma source(%arg35 : memref<32x128xf32, #tpu.memory_space<vmem>>) target(%dma_start3A_647 : memref<10240x128xf32, #tpu.memory_space<vmem_shared>>) offsets(%arg25 : memref<32xi32, #tpu.memory_space<vmem>>) semaphore(%arg65 : memref<!tpu.dma_semaphore, #tpu.memory_space<semaphore_mem>>) {add = true}
      %dma_wait3A_648 = arith.constant 0 : i32
      %dma_wait3A_649 = arith.constant 0 : i32
      %dma_wait3A_650 = tpu.memref_slice %arg4[%dma_wait3A_648, %dma_wait3A_649] : memref<20480x128xf32, #tpu.memory_space<hbm>> -> memref<20480x128xf32, #tpu.memory_space<hbm>>
      tpu.wait_indirect_dma semaphore(%arg56 : memref<!tpu.dma_semaphore, #tpu.memory_space<semaphore_mem>>) src(%dma_wait3A_650 : memref<20480x128xf32, #tpu.memory_space<hbm>>) dst(%arg36 : memref<32x128xf32, #tpu.memory_space<vmem>>)
      %dma_start3A_651 = arith.constant 0 : i32
      %dma_start3A_652 = arith.constant 0 : i32
      %dma_start3A_653 = tpu.memref_slice %arg7[%dma_start3A_651, %dma_start3A_652] : memref<10240x128xf32, #tpu.memory_space<vmem_shared>> -> memref<10240x128xf32, #tpu.memory_space<vmem_shared>>
      tpu.enqueue_indirect_dma source(%arg36 : memref<32x128xf32, #tpu.memory_space<vmem>>) target(%dma_start3A_653 : memref<10240x128xf32, #tpu.memory_space<vmem_shared>>) offsets(%arg26 : memref<32xi32, #tpu.memory_space<vmem>>) semaphore(%arg66 : memref<!tpu.dma_semaphore, #tpu.memory_space<semaphore_mem>>) {add = true}
      %dma_wait3A_654 = arith.constant 0 : i32
      %dma_wait3A_655 = arith.constant 0 : i32
      %dma_wait3A_656 = tpu.memref_slice %arg4[%dma_wait3A_654, %dma_wait3A_655] : memref<20480x128xf32, #tpu.memory_space<hbm>> -> memref<20480x128xf32, #tpu.memory_space<hbm>>
      tpu.wait_indirect_dma semaphore(%arg57 : memref<!tpu.dma_semaphore, #tpu.memory_space<semaphore_mem>>) src(%dma_wait3A_656 : memref<20480x128xf32, #tpu.memory_space<hbm>>) dst(%arg37 : memref<32x128xf32, #tpu.memory_space<vmem>>)
      %dma_start3A_657 = arith.constant 0 : i32
      %dma_start3A_658 = arith.constant 0 : i32
      %dma_start3A_659 = tpu.memref_slice %arg7[%dma_start3A_657, %dma_start3A_658] : memref<10240x128xf32, #tpu.memory_space<vmem_shared>> -> memref<10240x128xf32, #tpu.memory_space<vmem_shared>>
      tpu.enqueue_indirect_dma source(%arg37 : memref<32x128xf32, #tpu.memory_space<vmem>>) target(%dma_start3A_659 : memref<10240x128xf32, #tpu.memory_space<vmem_shared>>) offsets(%arg27 : memref<32xi32, #tpu.memory_space<vmem>>) semaphore(%arg67 : memref<!tpu.dma_semaphore, #tpu.memory_space<semaphore_mem>>) {add = true}
      %dma_wait3A_660 = arith.constant 0 : i32
      %dma_wait3A_661 = arith.constant 0 : i32
      %dma_wait3A_662 = tpu.memref_slice %arg7[%dma_wait3A_660, %dma_wait3A_661] : memref<10240x128xf32, #tpu.memory_space<vmem_shared>> -> memref<10240x128xf32, #tpu.memory_space<vmem_shared>>
      tpu.wait_indirect_dma semaphore(%arg58 : memref<!tpu.dma_semaphore, #tpu.memory_space<semaphore_mem>>) src(%arg28 : memref<32x128xf32, #tpu.memory_space<vmem>>) dst(%dma_wait3A_662 : memref<10240x128xf32, #tpu.memory_space<vmem_shared>>)
      %dma_wait3A_663 = arith.constant 0 : i32
      %dma_wait3A_664 = arith.constant 0 : i32
      %dma_wait3A_665 = tpu.memref_slice %arg7[%dma_wait3A_663, %dma_wait3A_664] : memref<10240x128xf32, #tpu.memory_space<vmem_shared>> -> memref<10240x128xf32, #tpu.memory_space<vmem_shared>>
      tpu.wait_indirect_dma semaphore(%arg59 : memref<!tpu.dma_semaphore, #tpu.memory_space<semaphore_mem>>) src(%arg29 : memref<32x128xf32, #tpu.memory_space<vmem>>) dst(%dma_wait3A_665 : memref<10240x128xf32, #tpu.memory_space<vmem_shared>>)
      %dma_wait3A_666 = arith.constant 0 : i32
      %dma_wait3A_667 = arith.constant 0 : i32
      %dma_wait3A_668 = tpu.memref_slice %arg7[%dma_wait3A_666, %dma_wait3A_667] : memref<10240x128xf32, #tpu.memory_space<vmem_shared>> -> memref<10240x128xf32, #tpu.memory_space<vmem_shared>>
      tpu.wait_indirect_dma semaphore(%arg60 : memref<!tpu.dma_semaphore, #tpu.memory_space<semaphore_mem>>) src(%arg30 : memref<32x128xf32, #tpu.memory_space<vmem>>) dst(%dma_wait3A_668 : memref<10240x128xf32, #tpu.memory_space<vmem_shared>>)
      %dma_wait3A_669 = arith.constant 0 : i32
      %dma_wait3A_670 = arith.constant 0 : i32
      %dma_wait3A_671 = tpu.memref_slice %arg7[%dma_wait3A_669, %dma_wait3A_670] : memref<10240x128xf32, #tpu.memory_space<vmem_shared>> -> memref<10240x128xf32, #tpu.memory_space<vmem_shared>>
      tpu.wait_indirect_dma semaphore(%arg61 : memref<!tpu.dma_semaphore, #tpu.memory_space<semaphore_mem>>) src(%arg31 : memref<32x128xf32, #tpu.memory_space<vmem>>) dst(%dma_wait3A_671 : memref<10240x128xf32, #tpu.memory_space<vmem_shared>>)
      %dma_wait3A_672 = arith.constant 0 : i32
      %dma_wait3A_673 = arith.constant 0 : i32
      %dma_wait3A_674 = tpu.memref_slice %arg7[%dma_wait3A_672, %dma_wait3A_673] : memref<10240x128xf32, #tpu.memory_space<vmem_shared>> -> memref<10240x128xf32, #tpu.memory_space<vmem_shared>>
      tpu.wait_indirect_dma semaphore(%arg62 : memref<!tpu.dma_semaphore, #tpu.memory_space<semaphore_mem>>) src(%arg32 : memref<32x128xf32, #tpu.memory_space<vmem>>) dst(%dma_wait3A_674 : memref<10240x128xf32, #tpu.memory_space<vmem_shared>>)
      %dma_wait3A_675 = arith.constant 0 : i32
      %dma_wait3A_676 = arith.constant 0 : i32
      %dma_wait3A_677 = tpu.memref_slice %arg7[%dma_wait3A_675, %dma_wait3A_676] : memref<10240x128xf32, #tpu.memory_space<vmem_shared>> -> memref<10240x128xf32, #tpu.memory_space<vmem_shared>>
      tpu.wait_indirect_dma semaphore(%arg63 : memref<!tpu.dma_semaphore, #tpu.memory_space<semaphore_mem>>) src(%arg33 : memref<32x128xf32, #tpu.memory_space<vmem>>) dst(%dma_wait3A_677 : memref<10240x128xf32, #tpu.memory_space<vmem_shared>>)
      %dma_wait3A_678 = arith.constant 0 : i32
      %dma_wait3A_679 = arith.constant 0 : i32
      %dma_wait3A_680 = tpu.memref_slice %arg7[%dma_wait3A_678, %dma_wait3A_679] : memref<10240x128xf32, #tpu.memory_space<vmem_shared>> -> memref<10240x128xf32, #tpu.memory_space<vmem_shared>>
      tpu.wait_indirect_dma semaphore(%arg64 : memref<!tpu.dma_semaphore, #tpu.memory_space<semaphore_mem>>) src(%arg34 : memref<32x128xf32, #tpu.memory_space<vmem>>) dst(%dma_wait3A_680 : memref<10240x128xf32, #tpu.memory_space<vmem_shared>>)
      %dma_wait3A_681 = arith.constant 0 : i32
      %dma_wait3A_682 = arith.constant 0 : i32
      %dma_wait3A_683 = tpu.memref_slice %arg7[%dma_wait3A_681, %dma_wait3A_682] : memref<10240x128xf32, #tpu.memory_space<vmem_shared>> -> memref<10240x128xf32, #tpu.memory_space<vmem_shared>>
      tpu.wait_indirect_dma semaphore(%arg65 : memref<!tpu.dma_semaphore, #tpu.memory_space<semaphore_mem>>) src(%arg35 : memref<32x128xf32, #tpu.memory_space<vmem>>) dst(%dma_wait3A_683 : memref<10240x128xf32, #tpu.memory_space<vmem_shared>>)
      %dma_wait3A_684 = arith.constant 0 : i32
      %dma_wait3A_685 = arith.constant 0 : i32
      %dma_wait3A_686 = tpu.memref_slice %arg7[%dma_wait3A_684, %dma_wait3A_685] : memref<10240x128xf32, #tpu.memory_space<vmem_shared>> -> memref<10240x128xf32, #tpu.memory_space<vmem_shared>>
      tpu.wait_indirect_dma semaphore(%arg66 : memref<!tpu.dma_semaphore, #tpu.memory_space<semaphore_mem>>) src(%arg36 : memref<32x128xf32, #tpu.memory_space<vmem>>) dst(%dma_wait3A_686 : memref<10240x128xf32, #tpu.memory_space<vmem_shared>>)
      %dma_wait3A_687 = arith.constant 0 : i32
      %dma_wait3A_688 = arith.constant 0 : i32
      %dma_wait3A_689 = tpu.memref_slice %arg7[%dma_wait3A_687, %dma_wait3A_688] : memref<10240x128xf32, #tpu.memory_space<vmem_shared>> -> memref<10240x128xf32, #tpu.memory_space<vmem_shared>>
      tpu.wait_indirect_dma semaphore(%arg67 : memref<!tpu.dma_semaphore, #tpu.memory_space<semaphore_mem>>) src(%arg37 : memref<32x128xf32, #tpu.memory_space<vmem>>) dst(%dma_wait3A_689 : memref<10240x128xf32, #tpu.memory_space<vmem_shared>>)
    }
    %scan3A_226 = arith.constant 62 : i32
    %add3A_227 = arith.constant 19840 : i32
    %add3A_228 = arith.addi %add3A, %add3A_227 : i32
    %multiple_of3A_229 = tpu.assume_multiple %add3A_228, 8 : i32
    %add3A_230 = arith.constant 19840 : i32
    %add3A_231 = arith.addi %mul3A_2, %add3A_230 : i32
    %multiple_of3A_232 = tpu.assume_multiple %add3A_231, 8 : i32
    %dma_start3A_233 = tpu.memref_slice %arg2[%multiple_of3A_229] : memref<640000xi32, #tpu.memory_space<hbm>> -> memref<32xi32, #tpu.memory_space<hbm>>
    %dma_start3A_234 = tpu.memref_slice %arg2[%multiple_of3A_229] : memref<640000xi32, #tpu.memory_space<hbm>> -> memref<32xi32, #tpu.memory_space<hbm>>
    tpu.enqueue_dma source(%dma_start3A_234 : memref<32xi32, #tpu.memory_space<hbm>>) target(%arg8 : memref<32xi32, #tpu.memory_space<vmem>>) target_semaphore(%arg38 : memref<!tpu.dma_semaphore, #tpu.memory_space<semaphore_mem>>)
    %dma_start3A_235 = tpu.memref_slice %arg3[%multiple_of3A_232] : memref<320000xi32, #tpu.memory_space<hbm>> -> memref<32xi32, #tpu.memory_space<hbm>>
    %dma_start3A_236 = tpu.memref_slice %arg3[%multiple_of3A_232] : memref<320000xi32, #tpu.memory_space<hbm>> -> memref<32xi32, #tpu.memory_space<hbm>>
    tpu.enqueue_dma source(%dma_start3A_236 : memref<32xi32, #tpu.memory_space<hbm>>) target(%arg18 : memref<32xi32, #tpu.memory_space<vmem>>) target_semaphore(%arg38 : memref<!tpu.dma_semaphore, #tpu.memory_space<semaphore_mem>>)
    %add3A_237 = arith.constant 19872 : i32
    %add3A_238 = arith.addi %add3A, %add3A_237 : i32
    %multiple_of3A_239 = tpu.assume_multiple %add3A_238, 8 : i32
    %add3A_240 = arith.constant 19872 : i32
    %add3A_241 = arith.addi %mul3A_2, %add3A_240 : i32
    %multiple_of3A_242 = tpu.assume_multiple %add3A_241, 8 : i32
    %dma_start3A_243 = tpu.memref_slice %arg2[%multiple_of3A_239] : memref<640000xi32, #tpu.memory_space<hbm>> -> memref<32xi32, #tpu.memory_space<hbm>>
    %dma_start3A_244 = tpu.memref_slice %arg2[%multiple_of3A_239] : memref<640000xi32, #tpu.memory_space<hbm>> -> memref<32xi32, #tpu.memory_space<hbm>>
    tpu.enqueue_dma source(%dma_start3A_244 : memref<32xi32, #tpu.memory_space<hbm>>) target(%arg9 : memref<32xi32, #tpu.memory_space<vmem>>) target_semaphore(%arg39 : memref<!tpu.dma_semaphore, #tpu.memory_space<semaphore_mem>>)
    %dma_start3A_245 = tpu.memref_slice %arg3[%multiple_of3A_242] : memref<320000xi32, #tpu.memory_space<hbm>> -> memref<32xi32, #tpu.memory_space<hbm>>
    %dma_start3A_246 = tpu.memref_slice %arg3[%multiple_of3A_242] : memref<320000xi32, #tpu.memory_space<hbm>> -> memref<32xi32, #tpu.memory_space<hbm>>
    tpu.enqueue_dma source(%dma_start3A_246 : memref<32xi32, #tpu.memory_space<hbm>>) target(%arg19 : memref<32xi32, #tpu.memory_space<vmem>>) target_semaphore(%arg39 : memref<!tpu.dma_semaphore, #tpu.memory_space<semaphore_mem>>)
    %add3A_247 = arith.constant 19904 : i32
    %add3A_248 = arith.addi %add3A, %add3A_247 : i32
    %multiple_of3A_249 = tpu.assume_multiple %add3A_248, 8 : i32
    %add3A_250 = arith.constant 19904 : i32
    %add3A_251 = arith.addi %mul3A_2, %add3A_250 : i32
    %multiple_of3A_252 = tpu.assume_multiple %add3A_251, 8 : i32
    %dma_start3A_253 = tpu.memref_slice %arg2[%multiple_of3A_249] : memref<640000xi32, #tpu.memory_space<hbm>> -> memref<32xi32, #tpu.memory_space<hbm>>
    %dma_start3A_254 = tpu.memref_slice %arg2[%multiple_of3A_249] : memref<640000xi32, #tpu.memory_space<hbm>> -> memref<32xi32, #tpu.memory_space<hbm>>
    tpu.enqueue_dma source(%dma_start3A_254 : memref<32xi32, #tpu.memory_space<hbm>>) target(%arg10 : memref<32xi32, #tpu.memory_space<vmem>>) target_semaphore(%arg40 : memref<!tpu.dma_semaphore, #tpu.memory_space<semaphore_mem>>)
    %dma_start3A_255 = tpu.memref_slice %arg3[%multiple_of3A_252] : memref<320000xi32, #tpu.memory_space<hbm>> -> memref<32xi32, #tpu.memory_space<hbm>>
    %dma_start3A_256 = tpu.memref_slice %arg3[%multiple_of3A_252] : memref<320000xi32, #tpu.memory_space<hbm>> -> memref<32xi32, #tpu.memory_space<hbm>>
    tpu.enqueue_dma source(%dma_start3A_256 : memref<32xi32, #tpu.memory_space<hbm>>) target(%arg20 : memref<32xi32, #tpu.memory_space<vmem>>) target_semaphore(%arg40 : memref<!tpu.dma_semaphore, #tpu.memory_space<semaphore_mem>>)
    %add3A_257 = arith.constant 19936 : i32
    %add3A_258 = arith.addi %add3A, %add3A_257 : i32
    %multiple_of3A_259 = tpu.assume_multiple %add3A_258, 8 : i32
    %add3A_260 = arith.constant 19936 : i32
    %add3A_261 = arith.addi %mul3A_2, %add3A_260 : i32
    %multiple_of3A_262 = tpu.assume_multiple %add3A_261, 8 : i32
    %dma_start3A_263 = tpu.memref_slice %arg2[%multiple_of3A_259] : memref<640000xi32, #tpu.memory_space<hbm>> -> memref<32xi32, #tpu.memory_space<hbm>>
    %dma_start3A_264 = tpu.memref_slice %arg2[%multiple_of3A_259] : memref<640000xi32, #tpu.memory_space<hbm>> -> memref<32xi32, #tpu.memory_space<hbm>>
    tpu.enqueue_dma source(%dma_start3A_264 : memref<32xi32, #tpu.memory_space<hbm>>) target(%arg11 : memref<32xi32, #tpu.memory_space<vmem>>) target_semaphore(%arg41 : memref<!tpu.dma_semaphore, #tpu.memory_space<semaphore_mem>>)
    %dma_start3A_265 = tpu.memref_slice %arg3[%multiple_of3A_262] : memref<320000xi32, #tpu.memory_space<hbm>> -> memref<32xi32, #tpu.memory_space<hbm>>
    %dma_start3A_266 = tpu.memref_slice %arg3[%multiple_of3A_262] : memref<320000xi32, #tpu.memory_space<hbm>> -> memref<32xi32, #tpu.memory_space<hbm>>
    tpu.enqueue_dma source(%dma_start3A_266 : memref<32xi32, #tpu.memory_space<hbm>>) target(%arg21 : memref<32xi32, #tpu.memory_space<vmem>>) target_semaphore(%arg41 : memref<!tpu.dma_semaphore, #tpu.memory_space<semaphore_mem>>)
    %add3A_267 = arith.constant 19968 : i32
    %add3A_268 = arith.addi %add3A, %add3A_267 : i32
    %multiple_of3A_269 = tpu.assume_multiple %add3A_268, 8 : i32
    %add3A_270 = arith.constant 19968 : i32
    %add3A_271 = arith.addi %mul3A_2, %add3A_270 : i32
    %multiple_of3A_272 = tpu.assume_multiple %add3A_271, 8 : i32
    %dma_start3A_273 = tpu.memref_slice %arg2[%multiple_of3A_269] : memref<640000xi32, #tpu.memory_space<hbm>> -> memref<32xi32, #tpu.memory_space<hbm>>
    %dma_start3A_274 = tpu.memref_slice %arg2[%multiple_of3A_269] : memref<640000xi32, #tpu.memory_space<hbm>> -> memref<32xi32, #tpu.memory_space<hbm>>
    tpu.enqueue_dma source(%dma_start3A_274 : memref<32xi32, #tpu.memory_space<hbm>>) target(%arg12 : memref<32xi32, #tpu.memory_space<vmem>>) target_semaphore(%arg42 : memref<!tpu.dma_semaphore, #tpu.memory_space<semaphore_mem>>)
    %dma_start3A_275 = tpu.memref_slice %arg3[%multiple_of3A_272] : memref<320000xi32, #tpu.memory_space<hbm>> -> memref<32xi32, #tpu.memory_space<hbm>>
    %dma_start3A_276 = tpu.memref_slice %arg3[%multiple_of3A_272] : memref<320000xi32, #tpu.memory_space<hbm>> -> memref<32xi32, #tpu.memory_space<hbm>>
    tpu.enqueue_dma source(%dma_start3A_276 : memref<32xi32, #tpu.memory_space<hbm>>) target(%arg22 : memref<32xi32, #tpu.memory_space<vmem>>) target_semaphore(%arg42 : memref<!tpu.dma_semaphore, #tpu.memory_space<semaphore_mem>>)
    %dma_wait3A_277 = tpu.memref_slice %arg2[%multiple_of3A_229] : memref<640000xi32, #tpu.memory_space<hbm>> -> memref<32xi32, #tpu.memory_space<hbm>>
    %dma_wait3A_278 = tpu.memref_slice %arg2[%multiple_of3A_229] : memref<640000xi32, #tpu.memory_space<hbm>> -> memref<32xi32, #tpu.memory_space<hbm>>
    tpu.wait_dma2 semaphore(%arg38 : memref<!tpu.dma_semaphore, #tpu.memory_space<semaphore_mem>>) src(%dma_wait3A_278 : memref<32xi32, #tpu.memory_space<hbm>>) dst(%arg8 : memref<32xi32, #tpu.memory_space<vmem>>)
    %dma_wait3A_279 = tpu.memref_slice %arg3[%multiple_of3A_232] : memref<320000xi32, #tpu.memory_space<hbm>> -> memref<32xi32, #tpu.memory_space<hbm>>
    %dma_wait3A_280 = tpu.memref_slice %arg3[%multiple_of3A_232] : memref<320000xi32, #tpu.memory_space<hbm>> -> memref<32xi32, #tpu.memory_space<hbm>>
    tpu.wait_dma2 semaphore(%arg38 : memref<!tpu.dma_semaphore, #tpu.memory_space<semaphore_mem>>) src(%dma_wait3A_280 : memref<32xi32, #tpu.memory_space<hbm>>) dst(%arg18 : memref<32xi32, #tpu.memory_space<vmem>>)
    %dma_start3A_281 = arith.constant 0 : i32
    %dma_start3A_282 = arith.constant 0 : i32
    %dma_start3A_283 = tpu.memref_slice %arg4[%dma_start3A_281, %dma_start3A_282] : memref<20480x128xf32, #tpu.memory_space<hbm>> -> memref<20480x128xf32, #tpu.memory_space<hbm>>
    tpu.enqueue_indirect_dma source(%dma_start3A_283 : memref<20480x128xf32, #tpu.memory_space<hbm>>) target(%arg28 : memref<32x128xf32, #tpu.memory_space<vmem>>) offsets(%arg8 : memref<32xi32, #tpu.memory_space<vmem>>) semaphore(%arg48 : memref<!tpu.dma_semaphore, #tpu.memory_space<semaphore_mem>>)
    %dma_wait3A_284 = tpu.memref_slice %arg2[%multiple_of3A_239] : memref<640000xi32, #tpu.memory_space<hbm>> -> memref<32xi32, #tpu.memory_space<hbm>>
    %dma_wait3A_285 = tpu.memref_slice %arg2[%multiple_of3A_239] : memref<640000xi32, #tpu.memory_space<hbm>> -> memref<32xi32, #tpu.memory_space<hbm>>
    tpu.wait_dma2 semaphore(%arg39 : memref<!tpu.dma_semaphore, #tpu.memory_space<semaphore_mem>>) src(%dma_wait3A_285 : memref<32xi32, #tpu.memory_space<hbm>>) dst(%arg9 : memref<32xi32, #tpu.memory_space<vmem>>)
    %dma_wait3A_286 = tpu.memref_slice %arg3[%multiple_of3A_242] : memref<320000xi32, #tpu.memory_space<hbm>> -> memref<32xi32, #tpu.memory_space<hbm>>
    %dma_wait3A_287 = tpu.memref_slice %arg3[%multiple_of3A_242] : memref<320000xi32, #tpu.memory_space<hbm>> -> memref<32xi32, #tpu.memory_space<hbm>>
    tpu.wait_dma2 semaphore(%arg39 : memref<!tpu.dma_semaphore, #tpu.memory_space<semaphore_mem>>) src(%dma_wait3A_287 : memref<32xi32, #tpu.memory_space<hbm>>) dst(%arg19 : memref<32xi32, #tpu.memory_space<vmem>>)
    %dma_start3A_288 = arith.constant 0 : i32
    %dma_start3A_289 = arith.constant 0 : i32
    %dma_start3A_290 = tpu.memref_slice %arg4[%dma_start3A_288, %dma_start3A_289] : memref<20480x128xf32, #tpu.memory_space<hbm>> -> memref<20480x128xf32, #tpu.memory_space<hbm>>
    tpu.enqueue_indirect_dma source(%dma_start3A_290 : memref<20480x128xf32, #tpu.memory_space<hbm>>) target(%arg29 : memref<32x128xf32, #tpu.memory_space<vmem>>) offsets(%arg9 : memref<32xi32, #tpu.memory_space<vmem>>) semaphore(%arg49 : memref<!tpu.dma_semaphore, #tpu.memory_space<semaphore_mem>>)
    %dma_wait3A_291 = tpu.memref_slice %arg2[%multiple_of3A_249] : memref<640000xi32, #tpu.memory_space<hbm>> -> memref<32xi32, #tpu.memory_space<hbm>>
    %dma_wait3A_292 = tpu.memref_slice %arg2[%multiple_of3A_249] : memref<640000xi32, #tpu.memory_space<hbm>> -> memref<32xi32, #tpu.memory_space<hbm>>
    tpu.wait_dma2 semaphore(%arg40 : memref<!tpu.dma_semaphore, #tpu.memory_space<semaphore_mem>>) src(%dma_wait3A_292 : memref<32xi32, #tpu.memory_space<hbm>>) dst(%arg10 : memref<32xi32, #tpu.memory_space<vmem>>)
    %dma_wait3A_293 = tpu.memref_slice %arg3[%multiple_of3A_252] : memref<320000xi32, #tpu.memory_space<hbm>> -> memref<32xi32, #tpu.memory_space<hbm>>
    %dma_wait3A_294 = tpu.memref_slice %arg3[%multiple_of3A_252] : memref<320000xi32, #tpu.memory_space<hbm>> -> memref<32xi32, #tpu.memory_space<hbm>>
    tpu.wait_dma2 semaphore(%arg40 : memref<!tpu.dma_semaphore, #tpu.memory_space<semaphore_mem>>) src(%dma_wait3A_294 : memref<32xi32, #tpu.memory_space<hbm>>) dst(%arg20 : memref<32xi32, #tpu.memory_space<vmem>>)
    %dma_start3A_295 = arith.constant 0 : i32
    %dma_start3A_296 = arith.constant 0 : i32
    %dma_start3A_297 = tpu.memref_slice %arg4[%dma_start3A_295, %dma_start3A_296] : memref<20480x128xf32, #tpu.memory_space<hbm>> -> memref<20480x128xf32, #tpu.memory_space<hbm>>
    tpu.enqueue_indirect_dma source(%dma_start3A_297 : memref<20480x128xf32, #tpu.memory_space<hbm>>) target(%arg30 : memref<32x128xf32, #tpu.memory_space<vmem>>) offsets(%arg10 : memref<32xi32, #tpu.memory_space<vmem>>) semaphore(%arg50 : memref<!tpu.dma_semaphore, #tpu.memory_space<semaphore_mem>>)
    %dma_wait3A_298 = tpu.memref_slice %arg2[%multiple_of3A_259] : memref<640000xi32, #tpu.memory_space<hbm>> -> memref<32xi32, #tpu.memory_space<hbm>>
    %dma_wait3A_299 = tpu.memref_slice %arg2[%multiple_of3A_259] : memref<640000xi32, #tpu.memory_space<hbm>> -> memref<32xi32, #tpu.memory_space<hbm>>
    tpu.wait_dma2 semaphore(%arg41 : memref<!tpu.dma_semaphore, #tpu.memory_space<semaphore_mem>>) src(%dma_wait3A_299 : memref<32xi32, #tpu.memory_space<hbm>>) dst(%arg11 : memref<32xi32, #tpu.memory_space<vmem>>)
    %dma_wait3A_300 = tpu.memref_slice %arg3[%multiple_of3A_262] : memref<320000xi32, #tpu.memory_space<hbm>> -> memref<32xi32, #tpu.memory_space<hbm>>
    %dma_wait3A_301 = tpu.memref_slice %arg3[%multiple_of3A_262] : memref<320000xi32, #tpu.memory_space<hbm>> -> memref<32xi32, #tpu.memory_space<hbm>>
    tpu.wait_dma2 semaphore(%arg41 : memref<!tpu.dma_semaphore, #tpu.memory_space<semaphore_mem>>) src(%dma_wait3A_301 : memref<32xi32, #tpu.memory_space<hbm>>) dst(%arg21 : memref<32xi32, #tpu.memory_space<vmem>>)
    %dma_start3A_302 = arith.constant 0 : i32
    %dma_start3A_303 = arith.constant 0 : i32
    %dma_start3A_304 = tpu.memref_slice %arg4[%dma_start3A_302, %dma_start3A_303] : memref<20480x128xf32, #tpu.memory_space<hbm>> -> memref<20480x128xf32, #tpu.memory_space<hbm>>
    tpu.enqueue_indirect_dma source(%dma_start3A_304 : memref<20480x128xf32, #tpu.memory_space<hbm>>) target(%arg31 : memref<32x128xf32, #tpu.memory_space<vmem>>) offsets(%arg11 : memref<32xi32, #tpu.memory_space<vmem>>) semaphore(%arg51 : memref<!tpu.dma_semaphore, #tpu.memory_space<semaphore_mem>>)
    %dma_wait3A_305 = tpu.memref_slice %arg2[%multiple_of3A_269] : memref<640000xi32, #tpu.memory_space<hbm>> -> memref<32xi32, #tpu.memory_space<hbm>>
    %dma_wait3A_306 = tpu.memref_slice %arg2[%multiple_of3A_269] : memref<640000xi32, #tpu.memory_space<hbm>> -> memref<32xi32, #tpu.memory_space<hbm>>
    tpu.wait_dma2 semaphore(%arg42 : memref<!tpu.dma_semaphore, #tpu.memory_space<semaphore_mem>>) src(%dma_wait3A_306 : memref<32xi32, #tpu.memory_space<hbm>>) dst(%arg12 : memref<32xi32, #tpu.memory_space<vmem>>)
    %dma_wait3A_307 = tpu.memref_slice %arg3[%multiple_of3A_272] : memref<320000xi32, #tpu.memory_space<hbm>> -> memref<32xi32, #tpu.memory_space<hbm>>
    %dma_wait3A_308 = tpu.memref_slice %arg3[%multiple_of3A_272] : memref<320000xi32, #tpu.memory_space<hbm>> -> memref<32xi32, #tpu.memory_space<hbm>>
    tpu.wait_dma2 semaphore(%arg42 : memref<!tpu.dma_semaphore, #tpu.memory_space<semaphore_mem>>) src(%dma_wait3A_308 : memref<32xi32, #tpu.memory_space<hbm>>) dst(%arg22 : memref<32xi32, #tpu.memory_space<vmem>>)
    %dma_start3A_309 = arith.constant 0 : i32
    %dma_start3A_310 = arith.constant 0 : i32
    %dma_start3A_311 = tpu.memref_slice %arg4[%dma_start3A_309, %dma_start3A_310] : memref<20480x128xf32, #tpu.memory_space<hbm>> -> memref<20480x128xf32, #tpu.memory_space<hbm>>
    tpu.enqueue_indirect_dma source(%dma_start3A_311 : memref<20480x128xf32, #tpu.memory_space<hbm>>) target(%arg32 : memref<32x128xf32, #tpu.memory_space<vmem>>) offsets(%arg12 : memref<32xi32, #tpu.memory_space<vmem>>) semaphore(%arg52 : memref<!tpu.dma_semaphore, #tpu.memory_space<semaphore_mem>>)
    %dma_wait3A_312 = arith.constant 0 : i32
    %dma_wait3A_313 = arith.constant 0 : i32
    %dma_wait3A_314 = tpu.memref_slice %arg4[%dma_wait3A_312, %dma_wait3A_313] : memref<20480x128xf32, #tpu.memory_space<hbm>> -> memref<20480x128xf32, #tpu.memory_space<hbm>>
    tpu.wait_indirect_dma semaphore(%arg48 : memref<!tpu.dma_semaphore, #tpu.memory_space<semaphore_mem>>) src(%dma_wait3A_314 : memref<20480x128xf32, #tpu.memory_space<hbm>>) dst(%arg28 : memref<32x128xf32, #tpu.memory_space<vmem>>)
    %dma_start3A_315 = arith.constant 0 : i32
    %dma_start3A_316 = arith.constant 0 : i32
    %dma_start3A_317 = tpu.memref_slice %arg7[%dma_start3A_315, %dma_start3A_316] : memref<10240x128xf32, #tpu.memory_space<vmem_shared>> -> memref<10240x128xf32, #tpu.memory_space<vmem_shared>>
    tpu.enqueue_indirect_dma source(%arg28 : memref<32x128xf32, #tpu.memory_space<vmem>>) target(%dma_start3A_317 : memref<10240x128xf32, #tpu.memory_space<vmem_shared>>) offsets(%arg18 : memref<32xi32, #tpu.memory_space<vmem>>) semaphore(%arg58 : memref<!tpu.dma_semaphore, #tpu.memory_space<semaphore_mem>>) {add = true}
    %dma_wait3A_318 = arith.constant 0 : i32
    %dma_wait3A_319 = arith.constant 0 : i32
    %dma_wait3A_320 = tpu.memref_slice %arg7[%dma_wait3A_318, %dma_wait3A_319] : memref<10240x128xf32, #tpu.memory_space<vmem_shared>> -> memref<10240x128xf32, #tpu.memory_space<vmem_shared>>
    tpu.wait_indirect_dma semaphore(%arg58 : memref<!tpu.dma_semaphore, #tpu.memory_space<semaphore_mem>>) src(%arg28 : memref<32x128xf32, #tpu.memory_space<vmem>>) dst(%dma_wait3A_320 : memref<10240x128xf32, #tpu.memory_space<vmem_shared>>)
    %dma_wait3A_321 = arith.constant 0 : i32
    %dma_wait3A_322 = arith.constant 0 : i32
    %dma_wait3A_323 = tpu.memref_slice %arg4[%dma_wait3A_321, %dma_wait3A_322] : memref<20480x128xf32, #tpu.memory_space<hbm>> -> memref<20480x128xf32, #tpu.memory_space<hbm>>
    tpu.wait_indirect_dma semaphore(%arg49 : memref<!tpu.dma_semaphore, #tpu.memory_space<semaphore_mem>>) src(%dma_wait3A_323 : memref<20480x128xf32, #tpu.memory_space<hbm>>) dst(%arg29 : memref<32x128xf32, #tpu.memory_space<vmem>>)
    %dma_start3A_324 = arith.constant 0 : i32
    %dma_start3A_325 = arith.constant 0 : i32
    %dma_start3A_326 = tpu.memref_slice %arg7[%dma_start3A_324, %dma_start3A_325] : memref<10240x128xf32, #tpu.memory_space<vmem_shared>> -> memref<10240x128xf32, #tpu.memory_space<vmem_shared>>
    tpu.enqueue_indirect_dma source(%arg29 : memref<32x128xf32, #tpu.memory_space<vmem>>) target(%dma_start3A_326 : memref<10240x128xf32, #tpu.memory_space<vmem_shared>>) offsets(%arg19 : memref<32xi32, #tpu.memory_space<vmem>>) semaphore(%arg59 : memref<!tpu.dma_semaphore, #tpu.memory_space<semaphore_mem>>) {add = true}
    %dma_wait3A_327 = arith.constant 0 : i32
    %dma_wait3A_328 = arith.constant 0 : i32
    %dma_wait3A_329 = tpu.memref_slice %arg7[%dma_wait3A_327, %dma_wait3A_328] : memref<10240x128xf32, #tpu.memory_space<vmem_shared>> -> memref<10240x128xf32, #tpu.memory_space<vmem_shared>>
    tpu.wait_indirect_dma semaphore(%arg59 : memref<!tpu.dma_semaphore, #tpu.memory_space<semaphore_mem>>) src(%arg29 : memref<32x128xf32, #tpu.memory_space<vmem>>) dst(%dma_wait3A_329 : memref<10240x128xf32, #tpu.memory_space<vmem_shared>>)
    %dma_wait3A_330 = arith.constant 0 : i32
    %dma_wait3A_331 = arith.constant 0 : i32
    %dma_wait3A_332 = tpu.memref_slice %arg4[%dma_wait3A_330, %dma_wait3A_331] : memref<20480x128xf32, #tpu.memory_space<hbm>> -> memref<20480x128xf32, #tpu.memory_space<hbm>>
    tpu.wait_indirect_dma semaphore(%arg50 : memref<!tpu.dma_semaphore, #tpu.memory_space<semaphore_mem>>) src(%dma_wait3A_332 : memref<20480x128xf32, #tpu.memory_space<hbm>>) dst(%arg30 : memref<32x128xf32, #tpu.memory_space<vmem>>)
    %dma_start3A_333 = arith.constant 0 : i32
    %dma_start3A_334 = arith.constant 0 : i32
    %dma_start3A_335 = tpu.memref_slice %arg7[%dma_start3A_333, %dma_start3A_334] : memref<10240x128xf32, #tpu.memory_space<vmem_shared>> -> memref<10240x128xf32, #tpu.memory_space<vmem_shared>>
    tpu.enqueue_indirect_dma source(%arg30 : memref<32x128xf32, #tpu.memory_space<vmem>>) target(%dma_start3A_335 : memref<10240x128xf32, #tpu.memory_space<vmem_shared>>) offsets(%arg20 : memref<32xi32, #tpu.memory_space<vmem>>) semaphore(%arg60 : memref<!tpu.dma_semaphore, #tpu.memory_space<semaphore_mem>>) {add = true}
    %dma_wait3A_336 = arith.constant 0 : i32
    %dma_wait3A_337 = arith.constant 0 : i32
    %dma_wait3A_338 = tpu.memref_slice %arg7[%dma_wait3A_336, %dma_wait3A_337] : memref<10240x128xf32, #tpu.memory_space<vmem_shared>> -> memref<10240x128xf32, #tpu.memory_space<vmem_shared>>
    tpu.wait_indirect_dma semaphore(%arg60 : memref<!tpu.dma_semaphore, #tpu.memory_space<semaphore_mem>>) src(%arg30 : memref<32x128xf32, #tpu.memory_space<vmem>>) dst(%dma_wait3A_338 : memref<10240x128xf32, #tpu.memory_space<vmem_shared>>)
    %dma_wait3A_339 = arith.constant 0 : i32
    %dma_wait3A_340 = arith.constant 0 : i32
    %dma_wait3A_341 = tpu.memref_slice %arg4[%dma_wait3A_339, %dma_wait3A_340] : memref<20480x128xf32, #tpu.memory_space<hbm>> -> memref<20480x128xf32, #tpu.memory_space<hbm>>
    tpu.wait_indirect_dma semaphore(%arg51 : memref<!tpu.dma_semaphore, #tpu.memory_space<semaphore_mem>>) src(%dma_wait3A_341 : memref<20480x128xf32, #tpu.memory_space<hbm>>) dst(%arg31 : memref<32x128xf32, #tpu.memory_space<vmem>>)
    %dma_start3A_342 = arith.constant 0 : i32
    %dma_start3A_343 = arith.constant 0 : i32
    %dma_start3A_344 = tpu.memref_slice %arg7[%dma_start3A_342, %dma_start3A_343] : memref<10240x128xf32, #tpu.memory_space<vmem_shared>> -> memref<10240x128xf32, #tpu.memory_space<vmem_shared>>
    tpu.enqueue_indirect_dma source(%arg31 : memref<32x128xf32, #tpu.memory_space<vmem>>) target(%dma_start3A_344 : memref<10240x128xf32, #tpu.memory_space<vmem_shared>>) offsets(%arg21 : memref<32xi32, #tpu.memory_space<vmem>>) semaphore(%arg61 : memref<!tpu.dma_semaphore, #tpu.memory_space<semaphore_mem>>) {add = true}
    %dma_wait3A_345 = arith.constant 0 : i32
    %dma_wait3A_346 = arith.constant 0 : i32
    %dma_wait3A_347 = tpu.memref_slice %arg7[%dma_wait3A_345, %dma_wait3A_346] : memref<10240x128xf32, #tpu.memory_space<vmem_shared>> -> memref<10240x128xf32, #tpu.memory_space<vmem_shared>>
    tpu.wait_indirect_dma semaphore(%arg61 : memref<!tpu.dma_semaphore, #tpu.memory_space<semaphore_mem>>) src(%arg31 : memref<32x128xf32, #tpu.memory_space<vmem>>) dst(%dma_wait3A_347 : memref<10240x128xf32, #tpu.memory_space<vmem_shared>>)
    %dma_wait3A_348 = arith.constant 0 : i32
    %dma_wait3A_349 = arith.constant 0 : i32
    %dma_wait3A_350 = tpu.memref_slice %arg4[%dma_wait3A_348, %dma_wait3A_349] : memref<20480x128xf32, #tpu.memory_space<hbm>> -> memref<20480x128xf32, #tpu.memory_space<hbm>>
    tpu.wait_indirect_dma semaphore(%arg52 : memref<!tpu.dma_semaphore, #tpu.memory_space<semaphore_mem>>) src(%dma_wait3A_350 : memref<20480x128xf32, #tpu.memory_space<hbm>>) dst(%arg32 : memref<32x128xf32, #tpu.memory_space<vmem>>)
    %dma_start3A_351 = arith.constant 0 : i32
    %dma_start3A_352 = arith.constant 0 : i32
    %dma_start3A_353 = tpu.memref_slice %arg7[%dma_start3A_351, %dma_start3A_352] : memref<10240x128xf32, #tpu.memory_space<vmem_shared>> -> memref<10240x128xf32, #tpu.memory_space<vmem_shared>>
    tpu.enqueue_indirect_dma source(%arg32 : memref<32x128xf32, #tpu.memory_space<vmem>>) target(%dma_start3A_353 : memref<10240x128xf32, #tpu.memory_space<vmem_shared>>) offsets(%arg22 : memref<32xi32, #tpu.memory_space<vmem>>) semaphore(%arg62 : memref<!tpu.dma_semaphore, #tpu.memory_space<semaphore_mem>>) {add = true}
    %dma_wait3A_354 = arith.constant 0 : i32
    %dma_wait3A_355 = arith.constant 0 : i32
    %dma_wait3A_356 = tpu.memref_slice %arg7[%dma_wait3A_354, %dma_wait3A_355] : memref<10240x128xf32, #tpu.memory_space<vmem_shared>> -> memref<10240x128xf32, #tpu.memory_space<vmem_shared>>
    tpu.wait_indirect_dma semaphore(%arg62 : memref<!tpu.dma_semaphore, #tpu.memory_space<semaphore_mem>>) src(%arg32 : memref<32x128xf32, #tpu.memory_space<vmem>>) dst(%dma_wait3A_356 : memref<10240x128xf32, #tpu.memory_space<vmem_shared>>)
    %barrier3A_357 = arith.constant 0 : index
    tpu.barrier barrier_id(%barrier3A_357)
    %mul3A_358 = arith.constant 10240 : i32
    %mul3A_359 = arith.muli %arg0, %mul3A_358 : i32
    %mul3A_360 = arith.constant 640 : i32
    %mul3A_361 = arith.muli %arg1, %mul3A_360 : i32
    %add3A_362 = arith.addi %mul3A_359, %mul3A_361 : i32
    %multiple_of3A_363 = tpu.assume_multiple %add3A_362, 8 : i32
    "tpu.region"() ({
      %run_scoped3A = tpu.sem_alloc : memref<!tpu.dma_semaphore, #tpu.memory_space<semaphore_mem>>
      %dma_start3A_365 = arith.constant 0 : i32
      %dma_start3A_366 = tpu.memref_slice %arg6[%multiple_of3A_363, %dma_start3A_365] : memref<20480x128xf32, #tpu.memory_space<hbm>> -> memref<640x128xf32, #tpu.memory_space<hbm>>
      %dma_start3A_367 = arith.constant 0 : i32
      %dma_start3A_368 = tpu.memref_slice %arg7[%multiple_of3A, %dma_start3A_367] : memref<10240x128xf32, #tpu.memory_space<vmem_shared>> -> memref<640x128xf32, #tpu.memory_space<vmem_shared>>
      tpu.enqueue_dma source(%dma_start3A_368 : memref<640x128xf32, #tpu.memory_space<vmem_shared>>) target(%dma_start3A_366 : memref<640x128xf32, #tpu.memory_space<hbm>>) target_semaphore(%run_scoped3A : memref<!tpu.dma_semaphore, #tpu.memory_space<semaphore_mem>>)
      %dma_wait3A_369 = arith.constant 0 : i32
      %dma_wait3A_370 = tpu.memref_slice %arg6[%multiple_of3A_363, %dma_wait3A_369] : memref<20480x128xf32, #tpu.memory_space<hbm>> -> memref<640x128xf32, #tpu.memory_space<hbm>>
      %dma_wait3A_371 = arith.constant 0 : i32
      %dma_wait3A_372 = tpu.memref_slice %arg7[%multiple_of3A, %dma_wait3A_371] : memref<10240x128xf32, #tpu.memory_space<vmem_shared>> -> memref<640x128xf32, #tpu.memory_space<vmem_shared>>
      tpu.wait_dma2 semaphore(%run_scoped3A : memref<!tpu.dma_semaphore, #tpu.memory_space<semaphore_mem>>) src(%dma_wait3A_372 : memref<640x128xf32, #tpu.memory_space<vmem_shared>>) dst(%dma_wait3A_370 : memref<640x128xf32, #tpu.memory_space<hbm>>)
      tpu.yield
    }) : () -> ()
    %barrier3A_364 = arith.constant 0 : index
    tpu.barrier barrier_id(%barrier3A_364)
    return
  }
}

module attributes {stable_mosaic.version = 14 : i64} {
  func.func @body(%arg0: memref<32x10000xf32, #tpu.memory_space<vmem>>, %arg1: memref<10000x128xf32, #tpu.memory_space<vmem>>, %arg2: memref<320000xi32, #tpu.memory_space<vmem>>, %arg3: memref<10000x1xf32, #tpu.memory_space<vmem>>, %arg4: memref<10240x128xf32, #tpu.memory_space<vmem>>, %arg5: memref<640000xi32, #tpu.memory_space<vmem>>) attributes {dimension_semantics = [], scalar_prefetch = 0 : i64, scratch_operands = 0 : i64, tpu.core_type = #tpu.core_type<tc>} {
    %get3A = arith.constant 0 : index
    %get3A_0 = arith.constant 0 : index
    %get3A_1 = vector.load %arg0[%get3A, %get3A_0] : memref<32x10000xf32, #tpu.memory_space<vmem>>, vector<32x10000xf32>
    %reduce_sum3A = arith.constant dense<0.000000e+00> : vector<10000xf32>
    %reduce_sum3A_2 = vector.multi_reduction <add>, %get3A_1, %reduce_sum3A [0] : vector<32x10000xf32> to vector<10000xf32>
    %add3A = arith.constant 1.000000e+00 : f32
    %add3A_3 = vector.broadcast %add3A : f32 to vector<10000xf32>
    %add3A_4 = arith.addf %reduce_sum3A_2, %add3A_3 : vector<10000xf32>
    %rsqrt3A = math.rsqrt %add3A_4 : vector<10000xf32>
    %broadcast_in_dim3A = vector.shape_cast %rsqrt3A : vector<10000xf32> to vector<10000x1xf32>
    %swap3A = arith.constant 0 : index
    %swap3A_5 = arith.constant 0 : index
    %swap3A_6 = vector.load %arg3[%swap3A, %swap3A_5] : memref<10000x1xf32, #tpu.memory_space<vmem>>, vector<10000x1xf32>
    tpu.vector_store %arg3[%swap3A, %swap3A_5], %broadcast_in_dim3A {strides = array<i32>} : memref<10000x1xf32, #tpu.memory_space<vmem>>, vector<10000x1xf32>,
    %get3A_7 = arith.constant 0 : index
    %get3A_8 = arith.constant 0 : index
    %get3A_9 = vector.load %arg1[%get3A_7, %get3A_8] : memref<10000x128xf32, #tpu.memory_space<vmem>>, vector<10000x128xf32>
    %mul3A = vector.broadcast %broadcast_in_dim3A : vector<10000x1xf32> to vector<10000x128xf32>
    %mul3A_10 = arith.mulf %get3A_9, %mul3A : vector<10000x128xf32>
    %swap3A_11 = arith.constant 0 : index
    %swap3A_12 = arith.constant 0 : index
    %swap3A_13 = vector.load %arg4[%swap3A_11, %swap3A_12] : memref<10240x128xf32, #tpu.memory_space<vmem>>, vector<10000x128xf32>
    tpu.vector_store %arg4[%swap3A_11, %swap3A_12], %mul3A_10 {strides = array<i32>} : memref<10240x128xf32, #tpu.memory_space<vmem>>, vector<10000x128xf32>,
    %broadcast_in_dim3A_14 = arith.constant 0.000000e+00 : f32
    %broadcast_in_dim3A_15 = vector.broadcast %broadcast_in_dim3A_14 : f32 to vector<240x128xf32>
    %swap3A_16 = arith.constant 10000 : index
    %swap3A_17 = arith.constant 0 : index
    %swap3A_18 = vector.load %arg4[%swap3A_16, %swap3A_17] : memref<10240x128xf32, #tpu.memory_space<vmem>>, vector<240x128xf32>
    tpu.vector_store %arg4[%swap3A_16, %swap3A_17], %broadcast_in_dim3A_15 {strides = array<i32>} : memref<10240x128xf32, #tpu.memory_space<vmem>>, vector<240x128xf32>,
    %get3A_19 = arith.constant 0 : index
    %get3A_20 = vector.load %arg2[%get3A_19] : memref<320000xi32, #tpu.memory_space<vmem>>, vector<320000xi32>
    %swap3A_21 = arith.constant 0 : index
    %swap3A_22 = vector.load %arg5[%swap3A_21] : memref<640000xi32, #tpu.memory_space<vmem>>, vector<320000xi32>
    tpu.vector_store %arg5[%swap3A_21], %get3A_20 {strides = array<i32>} : memref<640000xi32, #tpu.memory_space<vmem>>, vector<320000xi32>,
    %get3A_23 = arith.constant 0 : index
    %get3A_24 = vector.load %arg2[%get3A_23] : memref<320000xi32, #tpu.memory_space<vmem>>, vector<320000xi32>
    %add3A_25 = arith.constant 10240 : i32
    %add3A_26 = vector.broadcast %add3A_25 : i32 to vector<320000xi32>
    %add3A_27 = arith.addi %get3A_24, %add3A_26 : vector<320000xi32>
    %swap3A_28 = arith.constant 320000 : index
    %swap3A_29 = vector.load %arg5[%swap3A_28] : memref<640000xi32, #tpu.memory_space<vmem>>, vector<320000xi32>
    tpu.vector_store %arg5[%swap3A_28], %add3A_27 {strides = array<i32>} : memref<640000xi32, #tpu.memory_space<vmem>>, vector<320000xi32>,
    return
  }
}

module attributes {stable_mosaic.version = 14 : i64} {
  func.func @body(%arg0: i32, %arg1: memref<2x2048x128xf32, #tpu.memory_space<vmem>>, %arg2: memref<2048x128xf32, #tpu.memory_space<vmem>>, %arg3: memref<2048x1xf32, #tpu.memory_space<vmem>>, %arg4: memref<128x256xf32, #tpu.memory_space<vmem>>, %arg5: memref<256xf32, #tpu.memory_space<vmem>>, %arg6: memref<2048x256xf32, #tpu.memory_space<vmem>>, %arg7: memref<2x2048x128xf32, #tpu.memory_space<vmem>>) attributes {dimension_semantics = [#tpu.dimension_semantics<arbitrary>], iteration_bounds = array<i64: 5>, scalar_prefetch = 0 : i64, scratch_operands = 0 : i64, tpu.core_type = #tpu.core_type<tc>, window_params = [{transform_indices = @transform_0, window_bounds = array<i64: 2, 2048, 128>}, {transform_indices = @transform_1, window_bounds = array<i64: 2048, 128>}, {transform_indices = @transform_2, window_bounds = array<i64: 2048, 1>}, {pipeline_mode = #tpu.pipeline_mode<synchronous>, transform_indices = @transform_3, window_bounds = array<i64: 128, 256>}, {pipeline_mode = #tpu.pipeline_mode<synchronous>, transform_indices = @transform_4, window_bounds = array<i64: 256>}, {transform_indices = @transform_5, window_bounds = array<i64: 2048, 256>}, {transform_indices = @transform_6, window_bounds = array<i64: 2, 2048, 128>}]} {
    %get3A = arith.constant 0 : index
    %get3A_0 = arith.constant 0 : index
    %get3A_1 = vector.load %arg3[%get3A, %get3A_0] : memref<2048x1xf32, #tpu.memory_space<vmem>>, vector<2048x1xf32>
    %get3A_2 = arith.constant 0 : index
    %get3A_3 = arith.constant 0 : index
    %get3A_4 = arith.constant 0 : index
    %get3A_5 = vector.load %arg1[%get3A_2, %get3A_3, %get3A_4] : memref<2x2048x128xf32, #tpu.memory_space<vmem>>, vector<1x2048x128xf32>
    %get3A_6 = vector.shape_cast %get3A_5 : vector<1x2048x128xf32> to vector<2048x128xf32>
    %get3A_7 = arith.constant 1 : index
    %get3A_8 = arith.constant 0 : index
    %get3A_9 = arith.constant 0 : index
    %get3A_10 = vector.load %arg1[%get3A_7, %get3A_8, %get3A_9] : memref<2x2048x128xf32, #tpu.memory_space<vmem>>, vector<1x2048x128xf32>
    %get3A_11 = vector.shape_cast %get3A_10 : vector<1x2048x128xf32> to vector<2048x128xf32>
    %add3A = arith.addf %get3A_6, %get3A_11 : vector<2048x128xf32>
    %get3A_12 = arith.constant 0 : index
    %get3A_13 = arith.constant 0 : index
    %get3A_14 = vector.load %arg2[%get3A_12, %get3A_13] : memref<2048x128xf32, #tpu.memory_space<vmem>>, vector<2048x128xf32>
    %add3A_15 = arith.addf %add3A, %get3A_14 : vector<2048x128xf32>
    %mul3A = vector.broadcast %get3A_1 : vector<2048x1xf32> to vector<2048x128xf32>
    %mul3A_16 = arith.mulf %add3A_15, %mul3A : vector<2048x128xf32>
    %get3A_17 = arith.constant 0 : index
    %get3A_18 = arith.constant 0 : index
    %get3A_19 = vector.load %arg4[%get3A_17, %get3A_18] : memref<128x256xf32, #tpu.memory_space<vmem>>, vector<128x256xf32>
    %dot_general3A = arith.constant dense<0.000000e+00> : vector<2048x256xf32>
    %dot_general3A_20 = tpu.matmul %mul3A_16, %get3A_19, %dot_general3A {dimension_numbers = #tpu.dot_dimension_numbers<[1], [0], [0], [1], [0, 0, 1, 1], [], []>, precision = #tpu.contract_precision<fp32>, transpose_lhs_hint = false} : vector<2048x128xf32>, vector<128x256xf32>, vector<2048x256xf32> -> vector<2048x256xf32>
    %get3A_21 = arith.constant 0 : index
    %get3A_22 = vector.load %arg5[%get3A_21] : memref<256xf32, #tpu.memory_space<vmem>>, vector<256xf32>
    %broadcast_in_dim3A = vector.shape_cast %get3A_22 : vector<256xf32> to vector<1x256xf32>
    %add3A_23 = vector.broadcast %broadcast_in_dim3A : vector<1x256xf32> to vector<2048x256xf32>
    %add3A_24 = arith.addf %dot_general3A_20, %add3A_23 : vector<2048x256xf32>
    %swap3A = arith.constant 0 : index
    %swap3A_25 = arith.constant 0 : index
    %swap3A_26 = vector.load %arg6[%swap3A, %swap3A_25] : memref<2048x256xf32, #tpu.memory_space<vmem>>, vector<2048x256xf32>
    tpu.vector_store %arg6[%swap3A, %swap3A_25], %add3A_24 {strides = array<i32>} : memref<2048x256xf32, #tpu.memory_space<vmem>>, vector<2048x256xf32>,
    %slice3A = vector.extract_strided_slice %add3A_24 {offsets = [0, 0], sizes = [2048, 128], strides = [1, 1]} : vector<2048x256xf32> to vector<2048x128xf32>
    %mul3A_27 = vector.broadcast %get3A_1 : vector<2048x1xf32> to vector<2048x128xf32>
    %mul3A_28 = arith.mulf %slice3A, %mul3A_27 : vector<2048x128xf32>
    %swap3A_29 = arith.constant 0 : index
    %swap3A_30 = arith.constant 0 : index
    %swap3A_31 = arith.constant 0 : index
    %swap3A_32 = vector.load %arg7[%swap3A_29, %swap3A_30, %swap3A_31] : memref<2x2048x128xf32, #tpu.memory_space<vmem>>, vector<1x2048x128xf32>
    %swap3A_33 = vector.shape_cast %swap3A_32 : vector<1x2048x128xf32> to vector<2048x128xf32>
    %swap3A_34 = vector.shape_cast %mul3A_28 : vector<2048x128xf32> to vector<1x2048x128xf32>
    tpu.vector_store %arg7[%swap3A_29, %swap3A_30, %swap3A_31], %swap3A_34 {strides = array<i32>} : memref<2x2048x128xf32, #tpu.memory_space<vmem>>, vector<1x2048x128xf32>,
    %slice3A_35 = vector.extract_strided_slice %add3A_24 {offsets = [0, 128], sizes = [2048, 128], strides = [1, 1]} : vector<2048x256xf32> to vector<2048x128xf32>
    %mul3A_36 = vector.broadcast %get3A_1 : vector<2048x1xf32> to vector<2048x128xf32>
    %mul3A_37 = arith.mulf %slice3A_35, %mul3A_36 : vector<2048x128xf32>
    %swap3A_38 = arith.constant 1 : index
    %swap3A_39 = arith.constant 0 : index
    %swap3A_40 = arith.constant 0 : index
    %swap3A_41 = vector.load %arg7[%swap3A_38, %swap3A_39, %swap3A_40] : memref<2x2048x128xf32, #tpu.memory_space<vmem>>, vector<1x2048x128xf32>
    %swap3A_42 = vector.shape_cast %swap3A_41 : vector<1x2048x128xf32> to vector<2048x128xf32>
    %swap3A_43 = vector.shape_cast %mul3A_37 : vector<2048x128xf32> to vector<1x2048x128xf32>
    tpu.vector_store %arg7[%swap3A_38, %swap3A_39, %swap3A_40], %swap3A_43 {strides = array<i32>} : memref<2x2048x128xf32, #tpu.memory_space<vmem>>, vector<1x2048x128xf32>,
    return
  }
  func.func @transform_0(%arg0: i32) -> (i32, i32, i32) {
    %c0_i32 = arith.constant 0 : i32
    %c0_i32_0 = arith.constant 0 : i32
    %c0_i32_1 = arith.constant 0 : i32
    return %c0_i32, %arg0, %c0_i32_0 : i32, i32, i32
  }
  func.func @transform_1(%arg0: i32) -> (i32, i32) {
    %c0_i32 = arith.constant 0 : i32
    %c0_i32_0 = arith.constant 0 : i32
    return %arg0, %c0_i32 : i32, i32
  }
  func.func @transform_2(%arg0: i32) -> (i32, i32) {
    %c0_i32 = arith.constant 0 : i32
    %c0_i32_0 = arith.constant 0 : i32
    return %arg0, %c0_i32 : i32, i32
  }
  func.func @transform_3(%arg0: i32) -> (i32, i32) {
    %c0_i32 = arith.constant 0 : i32
    %c0_i32_0 = arith.constant 0 : i32
    %c0_i32_1 = arith.constant 0 : i32
    return %c0_i32, %c0_i32_0 : i32, i32
  }
  func.func @transform_4(%arg0: i32) -> i32 {
    %c0_i32 = arith.constant 0 : i32
    %c0_i32_0 = arith.constant 0 : i32
    return %c0_i32 : i32
  }
  func.func @transform_5(%arg0: i32) -> (i32, i32) {
    %c0_i32 = arith.constant 0 : i32
    %c0_i32_0 = arith.constant 0 : i32
    return %arg0, %c0_i32 : i32, i32
  }
  func.func @transform_6(%arg0: i32) -> (i32, i32, i32) {
    %c0_i32 = arith.constant 0 : i32
    %c0_i32_0 = arith.constant 0 : i32
    %c0_i32_1 = arith.constant 0 : i32
    return %c0_i32, %arg0, %c0_i32_0 : i32, i32, i32
  }
}

module attributes {stable_mosaic.version = 14 : i64} {
  func.func @body(%arg0: i32, %arg1: memref<2x2048x128xf32, #tpu.memory_space<vmem>>, %arg2: memref<2x2048x128xf32, #tpu.memory_space<vmem>>, %arg3: memref<2048x1xf32, #tpu.memory_space<vmem>>, %arg4: memref<256x256xf32, #tpu.memory_space<vmem>>, %arg5: memref<256xf32, #tpu.memory_space<vmem>>, %arg6: memref<256x40xf32, #tpu.memory_space<vmem>>, %arg7: memref<40xf32, #tpu.memory_space<vmem>>, %arg8: memref<2048x256xf32, #tpu.memory_space<vmem>>, %arg9: memref<2048x40xf32, #tpu.memory_space<vmem>>) attributes {dimension_semantics = [#tpu.dimension_semantics<arbitrary>], iteration_bounds = array<i64: 5>, scalar_prefetch = 0 : i64, scratch_operands = 0 : i64, tpu.core_type = #tpu.core_type<tc>, window_params = [{transform_indices = @transform_0, window_bounds = array<i64: 2, 2048, 128>}, {transform_indices = @transform_1, window_bounds = array<i64: 2, 2048, 128>}, {transform_indices = @transform_2, window_bounds = array<i64: 2048, 1>}, {pipeline_mode = #tpu.pipeline_mode<synchronous>, transform_indices = @transform_3, window_bounds = array<i64: 256, 256>}, {pipeline_mode = #tpu.pipeline_mode<synchronous>, transform_indices = @transform_4, window_bounds = array<i64: 256>}, {pipeline_mode = #tpu.pipeline_mode<synchronous>, transform_indices = @transform_5, window_bounds = array<i64: 256, 40>}, {pipeline_mode = #tpu.pipeline_mode<synchronous>, transform_indices = @transform_6, window_bounds = array<i64: 40>}, {transform_indices = @transform_7, window_bounds = array<i64: 2048, 256>}, {transform_indices = @transform_8, window_bounds = array<i64: 2048, 40>}]} {
    %get3A = arith.constant 0 : index
    %get3A_0 = arith.constant 0 : index
    %get3A_1 = vector.load %arg3[%get3A, %get3A_0] : memref<2048x1xf32, #tpu.memory_space<vmem>>, vector<2048x1xf32>
    %get3A_2 = arith.constant 0 : index
    %get3A_3 = arith.constant 0 : index
    %get3A_4 = arith.constant 0 : index
    %get3A_5 = vector.load %arg1[%get3A_2, %get3A_3, %get3A_4] : memref<2x2048x128xf32, #tpu.memory_space<vmem>>, vector<1x2048x128xf32>
    %get3A_6 = vector.shape_cast %get3A_5 : vector<1x2048x128xf32> to vector<2048x128xf32>
    %get3A_7 = arith.constant 0 : index
    %get3A_8 = arith.constant 0 : index
    %get3A_9 = arith.constant 0 : index
    %get3A_10 = vector.load %arg2[%get3A_7, %get3A_8, %get3A_9] : memref<2x2048x128xf32, #tpu.memory_space<vmem>>, vector<1x2048x128xf32>
    %get3A_11 = vector.shape_cast %get3A_10 : vector<1x2048x128xf32> to vector<2048x128xf32>
    %add3A = arith.addf %get3A_6, %get3A_11 : vector<2048x128xf32>
    %get3A_12 = arith.constant 1 : index
    %get3A_13 = arith.constant 0 : index
    %get3A_14 = arith.constant 0 : index
    %get3A_15 = vector.load %arg1[%get3A_12, %get3A_13, %get3A_14] : memref<2x2048x128xf32, #tpu.memory_space<vmem>>, vector<1x2048x128xf32>
    %get3A_16 = vector.shape_cast %get3A_15 : vector<1x2048x128xf32> to vector<2048x128xf32>
    %get3A_17 = arith.constant 1 : index
    %get3A_18 = arith.constant 0 : index
    %get3A_19 = arith.constant 0 : index
    %get3A_20 = vector.load %arg2[%get3A_17, %get3A_18, %get3A_19] : memref<2x2048x128xf32, #tpu.memory_space<vmem>>, vector<1x2048x128xf32>
    %get3A_21 = vector.shape_cast %get3A_20 : vector<1x2048x128xf32> to vector<2048x128xf32>
    %add3A_22 = arith.addf %get3A_16, %get3A_21 : vector<2048x128xf32>
    %concatenate3A = tpu.concatenate %add3A, %add3A_22 in 1 : vector<2048x128xf32>, vector<2048x128xf32> -> vector<2048x256xf32>
    %mul3A = vector.broadcast %get3A_1 : vector<2048x1xf32> to vector<2048x256xf32>
    %mul3A_23 = arith.mulf %concatenate3A, %mul3A : vector<2048x256xf32>
    %get3A_24 = arith.constant 0 : index
    %get3A_25 = arith.constant 0 : index
    %get3A_26 = vector.load %arg4[%get3A_24, %get3A_25] : memref<256x256xf32, #tpu.memory_space<vmem>>, vector<256x256xf32>
    %dot_general3A = arith.constant dense<0.000000e+00> : vector<2048x256xf32>
    %dot_general3A_27 = tpu.matmul %mul3A_23, %get3A_26, %dot_general3A {dimension_numbers = #tpu.dot_dimension_numbers<[1], [0], [0], [1], [0, 0, 1, 1], [], []>, precision = #tpu.contract_precision<fp32>, transpose_lhs_hint = false} : vector<2048x256xf32>, vector<256x256xf32>, vector<2048x256xf32> -> vector<2048x256xf32>
    %get3A_28 = arith.constant 0 : index
    %get3A_29 = vector.load %arg5[%get3A_28] : memref<256xf32, #tpu.memory_space<vmem>>, vector<256xf32>
    %broadcast_in_dim3A = vector.shape_cast %get3A_29 : vector<256xf32> to vector<1x256xf32>
    %add3A_30 = vector.broadcast %broadcast_in_dim3A : vector<1x256xf32> to vector<2048x256xf32>
    %add3A_31 = arith.addf %dot_general3A_27, %add3A_30 : vector<2048x256xf32>
    %swap3A = arith.constant 0 : index
    %swap3A_32 = arith.constant 0 : index
    %swap3A_33 = vector.load %arg8[%swap3A, %swap3A_32] : memref<2048x256xf32, #tpu.memory_space<vmem>>, vector<2048x256xf32>
    tpu.vector_store %arg8[%swap3A, %swap3A_32], %add3A_31 {strides = array<i32>} : memref<2048x256xf32, #tpu.memory_space<vmem>>, vector<2048x256xf32>,
    %get3A_34 = arith.constant 0 : index
    %get3A_35 = arith.constant 0 : index
    %get3A_36 = vector.load %arg6[%get3A_34, %get3A_35] : memref<256x40xf32, #tpu.memory_space<vmem>>, vector<256x40xf32>
    %dot_general3A_37 = arith.constant dense<0.000000e+00> : vector<2048x40xf32>
    %dot_general3A_38 = tpu.matmul %add3A_31, %get3A_36, %dot_general3A_37 {dimension_numbers = #tpu.dot_dimension_numbers<[1], [0], [0], [1], [0, 0, 1, 1], [], []>, precision = #tpu.contract_precision<fp32>, transpose_lhs_hint = false} : vector<2048x256xf32>, vector<256x40xf32>, vector<2048x40xf32> -> vector<2048x40xf32>
    %get3A_39 = arith.constant 0 : index
    %get3A_40 = vector.load %arg7[%get3A_39] : memref<40xf32, #tpu.memory_space<vmem>>, vector<40xf32>
    %broadcast_in_dim3A_41 = vector.shape_cast %get3A_40 : vector<40xf32> to vector<1x40xf32>
    %add3A_42 = vector.broadcast %broadcast_in_dim3A_41 : vector<1x40xf32> to vector<2048x40xf32>
    %add3A_43 = arith.addf %dot_general3A_38, %add3A_42 : vector<2048x40xf32>
    %swap3A_44 = arith.constant 0 : index
    %swap3A_45 = arith.constant 0 : index
    %swap3A_46 = vector.load %arg9[%swap3A_44, %swap3A_45] : memref<2048x40xf32, #tpu.memory_space<vmem>>, vector<2048x40xf32>
    tpu.vector_store %arg9[%swap3A_44, %swap3A_45], %add3A_43 {strides = array<i32>} : memref<2048x40xf32, #tpu.memory_space<vmem>>, vector<2048x40xf32>,
    return
  }
  func.func @transform_0(%arg0: i32) -> (i32, i32, i32) {
    %c0_i32 = arith.constant 0 : i32
    %c0_i32_0 = arith.constant 0 : i32
    %c0_i32_1 = arith.constant 0 : i32
    return %c0_i32, %arg0, %c0_i32_0 : i32, i32, i32
  }
  func.func @transform_1(%arg0: i32) -> (i32, i32, i32) {
    %c0_i32 = arith.constant 0 : i32
    %c0_i32_0 = arith.constant 0 : i32
    %c0_i32_1 = arith.constant 0 : i32
    return %c0_i32, %arg0, %c0_i32_0 : i32, i32, i32
  }
  func.func @transform_2(%arg0: i32) -> (i32, i32) {
    %c0_i32 = arith.constant 0 : i32
    %c0_i32_0 = arith.constant 0 : i32
    return %arg0, %c0_i32 : i32, i32
  }
  func.func @transform_3(%arg0: i32) -> (i32, i32) {
    %c0_i32 = arith.constant 0 : i32
    %c0_i32_0 = arith.constant 0 : i32
    %c0_i32_1 = arith.constant 0 : i32
    return %c0_i32, %c0_i32_0 : i32, i32
  }
  func.func @transform_4(%arg0: i32) -> i32 {
    %c0_i32 = arith.constant 0 : i32
    %c0_i32_0 = arith.constant 0 : i32
    return %c0_i32 : i32
  }
  func.func @transform_5(%arg0: i32) -> (i32, i32) {
    %c0_i32 = arith.constant 0 : i32
    %c0_i32_0 = arith.constant 0 : i32
    %c0_i32_1 = arith.constant 0 : i32
    return %c0_i32, %c0_i32_0 : i32, i32
  }
  func.func @transform_6(%arg0: i32) -> i32 {
    %c0_i32 = arith.constant 0 : i32
    %c0_i32_0 = arith.constant 0 : i32
    return %c0_i32 : i32
  }
  func.func @transform_7(%arg0: i32) -> (i32, i32) {
    %c0_i32 = arith.constant 0 : i32
    %c0_i32_0 = arith.constant 0 : i32
    return %arg0, %c0_i32 : i32, i32
  }
  func.func @transform_8(%arg0: i32) -> (i32, i32) {
    %c0_i32 = arith.constant 0 : i32
    %c0_i32_0 = arith.constant 0 : i32
    return %arg0, %c0_i32 : i32, i32
  }
}

</mosaic_0001>

<sc_bundles>
// kernel: kernel.11.cloned.1.call-start
scs
__scs_entry_jumppad:
0x0: {  	(pc) =	sbr.rel $0x88, $3  }
0x1: {  	(tag) =	ssettag $0x0;
	lr =	simm.s32 $0x1  }
0x2: {  	[smem:$0x3F99] =	sst lr;
	_ =	strace $0xD0000000  }
0x3: {  	_ = 	snop  }
0x4: {  	_ = 	snop  }
0x5: {  	_ = 	snop  }
0x6: {  	_ = 	snop  }
0x7: {  	_ = 	snop  }
__scs_overlays_trampoline_lowered:
0x8: {  	[smem:$0x3FA8] =	sst s0  }
0x9: {  	[smem:$0x3FA9] =	sst s1  }
0xa: {  	[smem:$0x3FAA] =	sst s2  }
0xb: {  	[smem:$0x3FAB] =	sst s3  }
0xc: {  	[smem:$0x3FAC] =	sst s4  }
0xd: {  	[smem:$0x3FAD] =	sst s5  }
0xe: {  	[smem:$0x3FAE] =	sst s6  }
0xf: {  	[smem:$0x3FAF] =	sst s7  }
0x10: {  	[smem:$0x3FB0] =	sst s8  }
0x11: {  	[smem:$0x3FB1] =	sst s9;
	s0 =	simm.s32 @!p0 $0x0  }
0x12: {  	s1 =	sld [smem:$0x3F97];
	s0 =	simm.s32 @p0 $0x1  }
0x13: {  	[smem:$0x3FB2] =	sst s0;
	s0 =	simm.s32 @!p1 $0x0  }
0x14: {  	s2 =	sld [smem:$0x3F96];
	s0 =	simm.s32 @p1 $0x1  }
0x15: {  	[smem:$0x3FB3] =	sst s0;
	s0 =	simm.s32 @!p2 $0x0  }
0x16: {  	s3 =	sld [smem:$0x3FDB];
	s0 =	simm.s32 @p2 $0x1  }
0x17: {  	s4 =	simm.s32 $0x1BF5;
	[smem:$0x3FB5] =	sst s0  }
0x18: {  	s0 =	sld [smem:$0x3F98];
	_ =	swait.ge [sflag:s4], $0x0  }
0x19: {  	s7 =	sld [smem:$0x3F99]  }
0x1a: {  	s8 =	sadd.s32 $0xFFFFE003, lr  }
0x1b: {  	s9 =	sadd.s32 $0xFFFFFEF7, lr;
	s5 =	simm.s32 $0xFFFFFFFF;
	p2 =	slt.u32 s8, $0xFFFFF086  }
0x1c: {  	p1 =	slt.u32 s9, $0xF7A;
	s5 =	simm.s32 @!p2 $0x0  }
0x1d: {  	s5 =	simm.s32 @p1 $0x1;
	p0 =	seq.s32 s7, s2  }
0x1e: {  	s7 =	smul.u32 @!p0 $0xF7A, s2;
	p2 =	seq.s32 @!p0 s5, $0x0  }
0x1f: {  	s9 =	smul.u32 $0xF7A, s1;
	s8 =	simm.s32 @!p0 $0x1BF5;
	p2 =	por !p2, p0  }
0x20: {  	[sflag:s8] =	ssyncset.s32 @!p0 $0xFFFFF086;
	s6 =	sadd.s32 @!p0 s3, s7;
	s7 =	simm.s32 @!p0 $0x108  }
0x21: {  	s3 =	sadd.s32 s3, s9;
	s6 =	sadd.s32 @!p0 $0x88, s6;
	s7 =	simm.s32 @p2 $0x1082  }
0x22: {  	[simem:s7], [sflag:s8] =	dma.local @!p0 [hbm:s6], $0xF7A  }
0x23: {  	s9 =	sor.u32 $0xD0000000, s2;
	s6 =	simm.s32 $0x108;
	_ =	swait.ge @!p0 [sflag:s8], $0x0  }
0x24: {  	s3 =	sadd.s32 $0x88, s3;
	s6 =	simm.s32 @!p1 $0x1082;
	[sflag:s4] =	ssyncset.s32 $0xFFFFF086  }
0x25: {  	[simem:s6], [sflag:s4] =	dma.local [hbm:s3], $0xF7A  }
0x26: {  	[smem:$0x3F99] =	sst s1;
	(tag) =	ssettag s2;
	_ =	strace s9  }
0x27: {  	s1 =	sld [smem:$0x3FA9]  }
0x28: {  	s2 =	sld [smem:$0x3FAA]  }
0x29: {  	s4 =	sld [smem:$0x3FAC]  }
0x2a: {  	p0 =	seq.s32 s5, $0x0;
	s5 =	sld [smem:$0x3FAD]  }
0x2b: {  	s6 =	sld [smem:$0x3FAE]  }
0x2c: {  	s7 =	sld [smem:$0x3FAF]  }
0x2d: {  	s3 =	simm.s32 $0x108;
	s8 =	sld [smem:$0x3FB0]  }
0x2e: {  	s3 =	simm.s32 @!p0 $0x1082;
	s9 =	sld [smem:$0x3FB1]  }
0x2f: {  	lr =	sadd.s32 s0, s3;
	s0 =	sld [smem:$0x3FA8]  }
0x30: {  	s3 =	sld [smem:$0x3FAB]  }
0x31: {  	[smem:$0x3FB4] =	sst s10  }
0x32: {  	s10 =	sld [smem:$0x3FB2];
	_ =	sdelay $0x3  }
0x33: {  	p0 =	seq.s32 s10, $0x1;
	s10 =	sld [smem:$0x3FB4];
	_ =	sdelay $0x3  }
0x34: {  	[smem:$0x3FB4] =	sst s10  }
0x35: {  	s10 =	sld [smem:$0x3FB3];
	_ =	sdelay $0x3  }
0x36: {  	p1 =	seq.s32 s10, $0x1;
	s10 =	sld [smem:$0x3FB4];
	_ =	sdelay $0x3  }
0x37: {  	[smem:$0x3FB4] =	sst s10  }
0x38: {  	s10 =	sld [smem:$0x3FB5]  }
0x39: {  	_ = 	snop;
	(pc) =	sbr.ind lr, $3  }
0x3a: {  	_ = 	snop  }
0x3b: {  	_ = 	snop  }
0x3c: {  	p2 =	seq.s32 s10, $0x1;
	s10 =	sld [smem:$0x3FB4]  }
0x3d: {  	_ =	shalt  }
0x3e: {  	_ =	shalt  }
0x3f: {  	_ =	shalt  }
0x40: {  	_ =	shalt  }
0x41: {  	_ =	shalt  }
0x42: {  	_ =	shalt  }
0x43: {  	_ =	shalt  }
0x44: {  	_ =	shalt  }
0x45: {  	_ =	shalt  }
0x46: {  	_ =	shalt  }
0x47: {  	_ =	shalt  }
0x48: {  	_ =	shalt  }
0x49: {  	_ =	shalt  }
0x4a: {  	_ =	shalt  }
0x4b: {  	_ =	shalt  }
0x4c: {  	_ =	shalt  }
0x4d: {  	_ =	shalt  }
0x4e: {  	_ =	shalt  }
0x4f: {  	_ =	shalt  }
0x50: {  	_ =	shalt  }
0x51: {  	_ =	shalt  }
0x52: {  	_ =	shalt  }
0x53: {  	_ =	shalt  }
0x54: {  	_ =	shalt  }
0x55: {  	_ =	shalt  }
0x56: {  	_ =	shalt  }
0x57: {  	_ =	shalt  }
0x58: {  	_ =	shalt  }
0x59: {  	_ =	shalt  }
0x5a: {  	_ =	shalt  }
0x5b: {  	_ =	shalt  }
0x5c: {  	_ =	shalt  }
0x5d: {  	_ =	shalt  }
0x5e: {  	_ =	shalt  }
0x5f: {  	_ =	shalt  }
0x60: {  	_ =	shalt  }
0x61: {  	_ =	shalt  }
0x62: {  	_ =	shalt  }
0x63: {  	_ =	shalt  }
0x64: {  	_ =	shalt  }
0x65: {  	_ =	shalt  }
0x66: {  	_ =	shalt  }
0x67: {  	_ =	shalt  }
0x68: {  	_ =	shalt  }
0x69: {  	_ =	shalt  }
0x6a: {  	_ =	shalt  }
0x6b: {  	_ =	shalt  }
0x6c: {  	_ =	shalt  }
0x6d: {  	_ =	shalt  }
0x6e: {  	_ =	shalt  }
0x6f: {  	_ =	shalt  }
0x70: {  	_ =	shalt  }
0x71: {  	_ =	shalt  }
0x72: {  	_ =	shalt  }
0x73: {  	_ =	shalt  }
0x74: {  	_ =	shalt  }
0x75: {  	_ =	shalt  }
0x76: {  	_ =	shalt  }
0x77: {  	_ =	shalt  }
0x78: {  	_ =	shalt  }
0x79: {  	_ =	shalt  }
0x7a: {  	_ =	shalt  }
0x7b: {  	_ =	shalt  }
0x7c: {  	_ =	shalt  }
0x7d: {  	_ =	shalt  }
0x7e: {  	_ =	shalt  }
0x7f: {  	_ =	shalt  }
0x80: {  	_ =	shalt  }
0x81: {  	_ =	shalt  }
0x82: {  	_ =	shalt  }
0x83: {  	_ =	shalt  }
0x84: {  	_ =	shalt  }
0x85: {  	_ =	shalt  }
0x86: {  	_ =	shalt  }
0x87: {  	_ =	shalt  }
.Lfunc_end0:
.L_simem_size_0:
called_computation.1_lowered:
.L_overlay_start_0:
0x88: {  	s2 =	sld [smem:$0x3FD9]  }
0x89: {  	s3 =	sld [smem:$0x3FFE];
	_ =	sdelay $0x1  }
0x8a: {  	s1 =	srdreg.scid  }
0x8b: {  	s0 =	sand.u32 $0x1, s1  }
0x8c: {  	s14 =	sshll.u32 s0, $0xA;
	s2 =	sadd.s32 s3, s2  }
0x8d: {  	s2 =	sadd.s32 s2, s14  }
0x8e: {  	[smem:$0x3FC0] =	sst s2  }
0x8f: {  	_ = 	snop  }
0x90: {  	s2 =	sld [smem:$0x3FD0];
	_ =	sdelay $0x2  }
0x91: {  	s15 =	simm.s32 $0xA;
	s4 =	simm.s32 $0x10  }
0x92: {  	[smem:s4], [sflag:s15] =	dma.local [hbm:s2], $0x1  }
0x93: {  	_ =	swait.eq [sflag:s15], $0x1  }
0x94: {  	[sflag:s15] =	ssyncset.done $0x0  }
0x95: {  	s16 =	sld [smem:$0x11];
	[sflag:s15] =	ssyncadd.s32 $0xFFFFFFFF  }
0x96: {  	s17 =	sld [smem:$0x12];
	(tm) =	ssettm $0x1  }
0x97: {  	s18 =	sld [smem:$0x3FFB];
	_ =	sdelay $0x3  }
0x98: {  	_ =	strace s18  }
0x99: {  	s4 =	sld [smem:$0x3FFC];
	_ =	sdelay $0x3  }
0x9a: {  	_ =	strace s4  }
0x9b: {  	s4 =	sld [smem:$0x3FFD];
	_ =	sdelay $0x3  }
0x9c: {  	_ =	strace s4  }
0x9d: {  	_ =	strace $0x8FFFFFFF  }
0x9e: {  	s19 =	sld [smem:$0x3FDB];
	_ =	sdelay $0x1  }
0x9f: {  	s5 =	simm.s32 $_scs_section_size  }
0xa0: {  	s6 =	simm.s32 $_size__tile_overlayer_lowered;
	s7 =	simm.s32 $_tile_overlayer_lowered  }
0xa1: {  	s22 =	simm.s32 $0x1BFF;
	s21 =	sshll.u32 s7, $0x1;
	s4 =	sadd.s32 s5, s19  }
0xa2: {  	s8 =	simm.s32 $0x0;
	s20 =	sshll.u32 s6, $0x1;
	s6 =	sadd.s32 s21, s4  }
0xa3: {  	[timem:s8], [sflag:s22] =	dma.local [hbm:s6], s20  }
0xa4: {  	_ =	swait.ge [sflag:s22], s20  }
0xa5: {  	s5 =	ssub.s32 $0x0, s20;
	[sflag:s22] =	ssyncset.done $0x0  }
0xa6: {  	[sflag:s22] =	ssyncadd.s32 s5;
	_ =	sdelay $0x1  }
0xa7: {  	s23 =	simm.s32 $0x1B8B  }
0xa8: {  	_ =	swait.ge [sflag:s23], $0x1  }
0xa9: {  	[sflag:s23] =	ssyncset.done $0x0  }
0xaa: {  	s25 =	simm.s32 $0x1B8E;
	s24 =	sld [smem:$0x3FFE];
	[sflag:s23] =	ssyncadd.s32 $0xFFFFFFFF  }
0xab: {  	s26 =	simm.s32 $execute0_lowered;
	[smem:$0x3FD2] =	sst s25  }
0xac: {  	s6 =	sshll.u32 s26, $0x1;
	_ =	strace $0x80000049;
	[dreg:$0x1] =	wrdreg $0xFFFFFFFF  }
0xad: {  	s28 =	simm.s32 $_size_execute0_lowered;
	s4 =	sadd.s32 s4, s6;
	[dreg:$0x0] =	wrdreg $0x0  }
0xae: {  	s6 =	sshll.u32 s28, $0x1;
	[dreg:$0x2] =	wrdreg s4  }
0xaf: {  	[dreg:$0x3] =	wrdreg s6  }
0xb0: {  	[dreg:$0x4] =	wrdreg $0xC0  }
0xb1: {  	_ =	task [dreg:s8], $0x5FFFF  }
0xb2: {  	[dreg:$0x1] =	wrdreg $0xFFFFFFFF  }
0xb3: {  	[dreg:$0x0] =	wrdreg $0x60  }
0xb4: {  	[dreg:$0x2] =	wrdreg s24  }
0xb5: {  	[dreg:$0x3] =	wrdreg s17  }
0xb6: {  	[dreg:$0x4] =	wrdreg s16  }
0xb7: {  	[dreg:$0x5] =	wrdreg $0x0  }
0xb8: {  	[dreg:$0x6] =	wrdreg $0x9  }
0xb9: {  	_ =	task.clear_ibuf [dreg:s8], $0x7FFFF;
	_ =	strace $0x90000049  }
0xba: {  	s29 =	simm.s32 $0x9;
	_ =	strace $0x8000004B  }
0xbb: {  	_ =	swait.ge [sflag:s29], $0x1  }
0xbc: {  	[sflag:s29] =	ssyncadd.s32 $0xFFFFFFFF  }
0xbd: {  	_ =	strace $0x9000004B  }
0xbe: {  	_ =	sfence  }
0xbf: {  	s30 =	sld [smem:$0x0];
	_ =	sdelay $0x2  }
0xc0: {  	s31 =	sshll.u32 s1, $0xD;
	s1 =	sshrl.u32 s1, $0x2  }
0xc1: {  	s3 =	sand.u32 $0x4000, s31;
	s1 =	sadd.s32 s1, s30  }
0xc2: {  	s0 =	sor.u32 s3, s0;
	s1 =	sshll.u32 s1, $0x11  }
0xc3: {  	s0 =	sor.u32 s1, s0  }
0xc4: {  	s0 =	sadd.s32 $0x8F2B, s0  }
0xc5: {  	[sflag:s0] =	ssyncadd.remote.s32 $0x1  }
0xc6: {  	_ =	sfence.sel $0xFFFF  }
0xc7: {  	[dreg:$0x0] =	wrdreg $0xFFFFFFFF;
	(pc) =	sbr.abs _section_cstart, $3  }
0xc8: {  	[dreg:$0x1] =	wrdreg $0xFFFFFFFF  }
0xc9: {  	_ =	task.clear_ibuf [dreg:s8], $0x2FFFF;
	_ =	strace $0x9FFFFFFF  }
0xca: {  	(tm) =	ssettm $0x7FFFFFFF  }
0xcb: {  	_ =	shalt  }
tec
execute0_lowered:
.L_overlay_start_1:
0x0: {  	(tag) =	ssettag $0x1  }
0x1: {  	s5 =	rddreg [dreg:$0x0]  }
0x2: {  	s0 =	rddreg [dreg:$0x1]  }
0x3: {  	s1 =	rddreg [dreg:$0x2]  }
0x4: {  	s3 =	rddreg [dreg:$0x3];
	s12 =	stileid.u32  }
0x5: {  	s4 =	simm.s32 $0x0;
	s2 =	srdreg.scid;
	s7 =	smul.u32 $0x2800, s12  }
0x6: {  	[smem:$0x7FF] =	sst s4;
	s6 =	sand.u32 $0x1, s2;
	s19 =	smul.u32 $0x50000, s12  }
0x7: {  	s2 =	sadd.s32 $0x2E00, s5;
	s9 =	sadd.s32 $0x16800, s5;
	s21 =	smul.u32 $0x2710, s12  }
0x8: {  	_ =	strace $0x8000004A;
	[dreg:$0x19] =	wrdreg s9;
	s9 =	sshrl.u32 s19, $0x2  }
0x9: {  	s8 =	smul.u32 $0x28000, s6;
	s17 =	sshll.u32 s6, $0x4;
	s26 =	sadd.s32 s9, s3  }
0xa: {  	s20 =	ssub.s32 $0x2, s6;
	s9 =	sadd.s32 $0x1000, s26;
	[dreg:$0x1a] =	wrdreg s26  }
0xb: {  	s11 =	smul.u32 $0x27100, s6;
	s22 =	sadd.s32 $0x2000, s26;
	[dreg:$0x1b] =	wrdreg s9  }
0xc: {  	s18 =	sor.u32 s12, s17;
	s23 =	sadd.s32 $0x3000, s26;
	[dreg:$0x1c] =	wrdreg s22  }
0xd: {  	s10 =	sshrl.u32 s20, $0x1;
	s24 =	sadd.s32 $0x4000, s26;
	[dreg:$0x1d] =	wrdreg s23  }
0xe: {  	s7 =	sadd.s32 s7, s8;
	s25 =	sadd.s32 $0x5000, s26;
	[dreg:$0x1e] =	wrdreg s24  }
0xf: {  	s8 =	smul.u32 $0x2710, s18;
	s28 =	sadd.s32 $0x6000, s26;
	[dreg:$0x1f] =	wrdreg s25  }
0x10: {  	s5 =	sadd.s32 s7, s5;
	s29 =	sadd.s32 $0x7000, s26;
	[smem:$0x7E8] =	sst s28  }
0x11: {  	s7 =	sadd.s32 s21, s11;
	s11 =	sadd.s32 $0x8000, s26;
	[smem:$0x7E9] =	sst s29  }
0x12: {  	s12 =	sadd.s32 $0x9000, s26;
	s31 =	sadd.s32 $0x120, s7;
	[smem:$0x7EA] =	sst s11  }
0x13: {  	s6 =	ssub.s32 s20, s10;
	[smem:$0x7EB] =	sst s12;
	s9 =	sshrl.u32 s31, $0x3  }
0x14: {  	s8 =	sshrl.u32 s8, $0x3;
	s11 =	sadd.s32 $0x100, s7;
	s13 =	sadd.s32 s9, s0  }
0x15: {  	s14 =	sshrl.u32 s11, $0x3;
	s9 =	sadd.s32 s9, s2;
	[dreg:$0x5] =	wrdreg s13  }
0x16: {  	s16 =	sadd.s32 $0xE0, s7;
	s15 =	sadd.s32 s14, s0;
	[dreg:$0x6] =	wrdreg s9  }
0x17: {  	s18 =	sshrl.u32 s16, $0x3;
	s17 =	sadd.s32 s14, s2;
	[dreg:$0x7] =	wrdreg s15  }
0x18: {  	s20 =	sadd.s32 $0xC0, s7;
	s19 =	sadd.s32 s18, s0;
	[dreg:$0x8] =	wrdreg s17  }
0x19: {  	s22 =	sshrl.u32 s20, $0x3;
	s21 =	sadd.s32 s18, s2;
	[dreg:$0x9] =	wrdreg s19  }
0x1a: {  	s24 =	sadd.s32 $0xA0, s7;
	s23 =	sadd.s32 s22, s0;
	[dreg:$0xa] =	wrdreg s21  }
0x1b: {  	s28 =	sshrl.u32 s24, $0x3;
	s25 =	sadd.s32 s22, s2;
	[dreg:$0xb] =	wrdreg s23  }
0x1c: {  	s31 =	sadd.s32 $0x80, s7;
	s29 =	sadd.s32 s28, s0;
	[dreg:$0xc] =	wrdreg s25  }
0x1d: {  	s10 =	sadd.s32 s28, s2;
	s11 =	sshrl.u32 s31, $0x3;
	[dreg:$0xd] =	wrdreg s29  }
0x1e: {  	s24 =	sadd.s32 $0x4D8, s8;
	[dreg:$0xe] =	wrdreg s10;
	s12 =	sadd.s32 s11, s0  }
0x1f: {  	s13 =	sadd.s32 $0x60, s7;
	s14 =	sadd.s32 s11, s2;
	[dreg:$0xf] =	wrdreg s12  }
0x20: {  	s17 =	sadd.s32 $0x40, s7;
	s29 =	sadd.s32 s2, s24;
	[dreg:$0x10] =	wrdreg s14  }
0x21: {  	s21 =	sadd.s32 $0x20, s7;
	s11 =	sadd.s32 s0, s24;
	[smem:$0x7EC] =	sst s29  }
0x22: {  	s7 =	sshrl.u32 s7, $0x3;
	s24 =	sadd.s32 $0xF000, s26;
	[smem:$0x7ED] =	sst s11  }
0x23: {  	s31 =	sadd.s32 s7, s0;
	[smem:$0x7F9] =	sst s24  }
0x24: {  	s19 =	sshrl.u32 s17, $0x3;
	s17 =	sadd.s32 $0xA000, s26;
	[dreg:$0x17] =	wrdreg s31  }
0x25: {  	s23 =	sshrl.u32 s21, $0x3;
	s21 =	sadd.s32 $0xC000, s26;
	[smem:$0x7F2] =	sst s17  }
0x26: {  	s15 =	sshrl.u32 s13, $0x3;
	s29 =	sadd.s32 $0x12000, s26;
	[smem:$0x7F6] =	sst s21  }
0x27: {  	s16 =	sadd.s32 s15, s0;
	[smem:$0x7FC] =	sst s29  }
0x28: {  	s18 =	sadd.s32 s15, s2;
	[dreg:$0x11] =	wrdreg s16  }
0x29: {  	s20 =	sadd.s32 s19, s0;
	[dreg:$0x12] =	wrdreg s18  }
0x2a: {  	s22 =	sadd.s32 s19, s2;
	[dreg:$0x13] =	wrdreg s20  }
0x2b: {  	s25 =	sadd.s32 s23, s0;
	[dreg:$0x14] =	wrdreg s22  }
0x2c: {  	s12 =	sadd.s32 $0x4DC, s8;
	s28 =	sadd.s32 s23, s2;
	[dreg:$0x15] =	wrdreg s25  }
0x2d: {  	s13 =	sadd.s32 s2, s12;
	[dreg:$0x16] =	wrdreg s28  }
0x2e: {  	s8 =	sadd.s32 $0x4E0, s8;
	s14 =	sadd.s32 s0, s12;
	[smem:$0x7EE] =	sst s13  }
0x2f: {  	s0 =	sadd.s32 s0, s8;
	[smem:$0x7EF] =	sst s14  }
0x30: {  	s15 =	sadd.s32 s2, s8;
	[smem:$0x7F0] =	sst s0  }
0x31: {  	s19 =	sadd.s32 $0x16A00, s5;
	[smem:$0x7F1] =	sst s15  }
0x32: {  	s23 =	sadd.s32 $0xE000, s26;
	[smem:$0x7F4] =	sst s19  }
0x33: {  	s31 =	sadd.s32 $0x13000, s26;
	[smem:$0x7F8] =	sst s23  }
0x34: {  	s16 =	sadd.s32 s7, s2;
	[smem:$0x7FD] =	sst s31  }
0x35: {  	s18 =	sadd.s32 $0xB000, s26;
	[dreg:$0x18] =	wrdreg s16  }
0x36: {  	s20 =	smax.u32 s6, $0x1;
	[smem:$0x7F3] =	sst s18  }
0x37: {  	s30 =	simm.s32 $0x1F;
	s22 =	sadd.s32 $0xD000, s26;
	[smem:$0x7F5] =	sst s20  }
0x38: {  	s21 =	simm.s32 $0xA;
	s25 =	sadd.s32 $0x10000, s26;
	[smem:$0x7F7] =	sst s22  }
0x39: {  	s28 =	sadd.s32 $0x11000, s26;
	s0 =	simm.s32 $0x20;
	[smem:$0x7FA] =	sst s25  }
0x3a: {  	s7 =	simm.s32 $0x9;
	s2 =	simm.s32 $0x0;
	[smem:$0x7FB] =	sst s28  }
.LBB2_1:
0x3b: {  	[smem:$0x7E7] =	sst s2  }
0x3c: {  	s5 =	rddreg [dreg:$0x19];
	s29 =	simm.s32 $0x14A00  }
0x3d: {  	[tilespmem:s29], [sflag:$0x1F] =	stream.linear.gather [hbm4b:s5+s4], $0x1000, $0x38;
	[tilespmem:$0x1EB00] =	vst v63  }
0x3e: {  	_ =	swait.ge [sflag:s30], $0x1000  }
0x3f: {  	[sflag:s30] =	ssyncset.done $0x0  }
0x40: {  	s15 =	rddreg [dreg:$0x1b];
	[sflag:s30] =	ssyncadd.s32 $0xFFFFF000  }
0x41: {  	[spmem:s26] =	stream.linear.scatter [tilespmem:s29], [sflag:$0x15], $0x1000, $0x38;
	[tilespmem:$0x1EB00] =	vst v63  }
0x42: {  	s16 =	rddreg [dreg:$0x1c]  }
0x43: {  	[spmem:s15] =	stream.linear.scatter [tilespmem:s29], [sflag:$0x15], $0x1000, $0x38;
	[tilespmem:$0x1EB00] =	vst v63  }
0x44: {  	s17 =	rddreg [dreg:$0x1d]  }
0x45: {  	[spmem:s16] =	stream.linear.scatter [tilespmem:s29], [sflag:$0x15], $0x1000, $0x38;
	[tilespmem:$0x1EB00] =	vst v63  }
0x46: {  	s18 =	rddreg [dreg:$0x1e]  }
0x47: {  	[spmem:s17] =	stream.linear.scatter [tilespmem:s29], [sflag:$0x15], $0x1000, $0x38;
	[tilespmem:$0x1EB00] =	vst v63  }
0x48: {  	s19 =	rddreg [dreg:$0x1f]  }
0x49: {  	[spmem:s18] =	stream.linear.scatter [tilespmem:s29], [sflag:$0x15], $0x1000, $0x38;
	[tilespmem:$0x1EB00] =	vst v63  }
0x4a: {  	s20 =	sld [smem:$0x7E8]  }
0x4b: {  	[spmem:s19] =	stream.linear.scatter [tilespmem:s29], [sflag:$0x15], $0x1000, $0x38;
	[tilespmem:$0x1EB00] =	vst v63  }
0x4c: {  	s22 =	sld [smem:$0x7E9]  }
0x4d: {  	[spmem:s20] =	stream.linear.scatter [tilespmem:s29], [sflag:$0x15], $0x1000, $0x38;
	[tilespmem:$0x1EB00] =	vst v63  }
0x4e: {  	s23 =	sld [smem:$0x7EA]  }
0x4f: {  	[spmem:s22] =	stream.linear.scatter [tilespmem:s29], [sflag:$0x15], $0x1000, $0x38;
	[tilespmem:$0x1EB00] =	vst v63  }
0x50: {  	s24 =	sld [smem:$0x7EB]  }
0x51: {  	[spmem:s23] =	stream.linear.scatter [tilespmem:s29], [sflag:$0x15], $0x1000, $0x38;
	[tilespmem:$0x1EB00] =	vst v63  }
0x52: {  	s25 =	sld [smem:$0x7F2]  }
0x53: {  	[spmem:s24] =	stream.linear.scatter [tilespmem:s29], [sflag:$0x15], $0x1000, $0x38;
	[tilespmem:$0x1EB00] =	vst v63  }
0x54: {  	s26 =	sld [smem:$0x7F3]  }
0x55: {  	[spmem:s25] =	stream.linear.scatter [tilespmem:s29], [sflag:$0x15], $0x1000, $0x38;
	[tilespmem:$0x1EB00] =	vst v63  }
0x56: {  	s28 =	sld [smem:$0x7F6]  }
0x57: {  	[spmem:s26] =	stream.linear.scatter [tilespmem:s29], [sflag:$0x15], $0x1000, $0x38;
	[tilespmem:$0x1EB00] =	vst v63  }
0x58: {  	s30 =	sld [smem:$0x7F7]  }
0x59: {  	[spmem:s28] =	stream.linear.scatter [tilespmem:s29], [sflag:$0x15], $0x1000, $0x38;
	[tilespmem:$0x1EB00] =	vst v63  }
0x5a: {  	s31 =	sld [smem:$0x7F8]  }
0x5b: {  	[spmem:s30] =	stream.linear.scatter [tilespmem:s29], [sflag:$0x15], $0x1000, $0x38;
	[tilespmem:$0x1EB00] =	vst v63  }
0x5c: {  	s2 =	sld [smem:$0x7F9]  }
0x5d: {  	[spmem:s31] =	stream.linear.scatter [tilespmem:s29], [sflag:$0x15], $0x1000, $0x38;
	[tilespmem:$0x1EB00] =	vst v63  }
0x5e: {  	s6 =	sld [smem:$0x7FA]  }
0x5f: {  	[spmem:s2] =	stream.linear.scatter [tilespmem:s29], [sflag:$0x15], $0x1000, $0x38;
	[tilespmem:$0x1EB00] =	vst v63  }
0x60: {  	s8 =	sld [smem:$0x7FB]  }
0x61: {  	[spmem:s6] =	stream.linear.scatter [tilespmem:s29], [sflag:$0x15], $0x1000, $0x38;
	[tilespmem:$0x1EB00] =	vst v63  }
0x62: {  	s9 =	sld [smem:$0x7FC]  }
0x63: {  	[spmem:s8] =	stream.linear.scatter [tilespmem:s29], [sflag:$0x15], $0x1000, $0x38;
	[tilespmem:$0x1EB00] =	vst v63  }
0x64: {  	s10 =	sld [smem:$0x7FD]  }
0x65: {  	[spmem:s9] =	stream.linear.scatter [tilespmem:s29], [sflag:$0x15], $0x1000, $0x38;
	[tilespmem:$0x1EB00] =	vst v63  }
0x66: {  	s5 =	simm.s32 $0x15  }
0x67: {  	[spmem:s10] =	stream.linear.scatter [tilespmem:s29], [sflag:$0x15], $0x1000, $0x38;
	[tilespmem:$0x1EB00] =	vst v63  }
0x68: {  	_ =	swait.ge [sflag:s5], $0x1000  }
0x69: {  	[sflag:s5] =	ssyncset.done $0x0  }
0x6a: {  	[sflag:s5] =	ssyncadd.s32 $0xFFFFF000  }
0x6b: {  	_ =	swait.ge [sflag:s5], $0x1000  }
0x6c: {  	[sflag:s5] =	ssyncset.done $0x0  }
0x6d: {  	[sflag:s5] =	ssyncadd.s32 $0xFFFFF000  }
0x6e: {  	_ =	swait.ge [sflag:s5], $0x1000  }
0x6f: {  	[sflag:s5] =	ssyncset.done $0x0  }
0x70: {  	[sflag:s5] =	ssyncadd.s32 $0xFFFFF000  }
0x71: {  	_ =	swait.ge [sflag:s5], $0x1000  }
0x72: {  	[sflag:s5] =	ssyncset.done $0x0  }
0x73: {  	[sflag:s5] =	ssyncadd.s32 $0xFFFFF000  }
0x74: {  	_ =	swait.ge [sflag:s5], $0x1000  }
0x75: {  	[sflag:s5] =	ssyncset.done $0x0  }
0x76: {  	[sflag:s5] =	ssyncadd.s32 $0xFFFFF000  }
0x77: {  	_ =	swait.ge [sflag:s5], $0x1000  }
0x78: {  	[sflag:s5] =	ssyncset.done $0x0  }
0x79: {  	[sflag:s5] =	ssyncadd.s32 $0xFFFFF000  }
0x7a: {  	_ =	swait.ge [sflag:s5], $0x1000  }
0x7b: {  	[sflag:s5] =	ssyncset.done $0x0  }
0x7c: {  	[sflag:s5] =	ssyncadd.s32 $0xFFFFF000  }
0x7d: {  	_ =	swait.ge [sflag:s5], $0x1000  }
0x7e: {  	[sflag:s5] =	ssyncset.done $0x0  }
0x7f: {  	[sflag:s5] =	ssyncadd.s32 $0xFFFFF000  }
0x80: {  	_ =	swait.ge [sflag:s5], $0x1000  }
0x81: {  	[sflag:s5] =	ssyncset.done $0x0  }
0x82: {  	[sflag:s5] =	ssyncadd.s32 $0xFFFFF000  }
0x83: {  	_ =	swait.ge [sflag:s5], $0x1000  }
0x84: {  	[sflag:s5] =	ssyncset.done $0x0  }
0x85: {  	[sflag:s5] =	ssyncadd.s32 $0xFFFFF000  }
0x86: {  	_ =	swait.ge [sflag:s5], $0x1000  }
0x87: {  	[sflag:s5] =	ssyncset.done $0x0  }
0x88: {  	[sflag:s5] =	ssyncadd.s32 $0xFFFFF000  }
0x89: {  	_ =	swait.ge [sflag:s5], $0x1000  }
0x8a: {  	[sflag:s5] =	ssyncset.done $0x0  }
0x8b: {  	[sflag:s5] =	ssyncadd.s32 $0xFFFFF000  }
0x8c: {  	_ =	swait.ge [sflag:s5], $0x1000  }
0x8d: {  	[sflag:s5] =	ssyncset.done $0x0  }
0x8e: {  	[sflag:s5] =	ssyncadd.s32 $0xFFFFF000  }
0x8f: {  	_ =	swait.ge [sflag:s5], $0x1000  }
0x90: {  	[sflag:s5] =	ssyncset.done $0x0  }
0x91: {  	[sflag:s5] =	ssyncadd.s32 $0xFFFFF000  }
0x92: {  	_ =	swait.ge [sflag:s5], $0x1000  }
0x93: {  	[sflag:s5] =	ssyncset.done $0x0  }
0x94: {  	[sflag:s5] =	ssyncadd.s32 $0xFFFFF000  }
0x95: {  	_ =	swait.ge [sflag:s5], $0x1000  }
0x96: {  	[sflag:s5] =	ssyncset.done $0x0  }
0x97: {  	[sflag:s5] =	ssyncadd.s32 $0xFFFFF000  }
0x98: {  	_ =	swait.ge [sflag:s5], $0x1000  }
0x99: {  	[sflag:s5] =	ssyncset.done $0x0  }
0x9a: {  	[sflag:s5] =	ssyncadd.s32 $0xFFFFF000  }
0x9b: {  	_ =	swait.ge [sflag:s5], $0x1000  }
0x9c: {  	[sflag:s5] =	ssyncset.done $0x0  }
0x9d: {  	[sflag:s5] =	ssyncadd.s32 $0xFFFFF000  }
0x9e: {  	_ =	swait.ge [sflag:s5], $0x1000  }
0x9f: {  	[sflag:s5] =	ssyncset.done $0x0  }
0xa0: {  	[sflag:s5] =	ssyncadd.s32 $0xFFFFF000  }
0xa1: {  	_ =	swait.ge [sflag:s5], $0x1000  }
0xa2: {  	[sflag:s5] =	ssyncset.done $0x0  }
0xa3: {  	[sflag:s5] =	ssyncadd.s32 $0xFFFFF000  }
0xa4: {  	[bflag:$0x0] =	sbarrier.arrive $0xFFFF  }
0xa5: {  	s25 =	rddreg [dreg:$0x18]  }
0xa6: {  	s8 =	simm.s32 $0x14000;
	s11 =	rddreg [dreg:$0x17];
	s25 =	sadd.s32 $0x0, s25  }
0xa7: {  	[tilespmem:s8], [sflag:$0x1] =	stream.linear.gather [hbm4b:s25+s4], $0x20, $0x38;
	[tilespmem:$0x1EB00] =	vst v63  }
0xa8: {  	s28 =	rddreg [dreg:$0x16];
	s12 =	sadd.s32 $0x0, s11;
	s11 =	simm.s32 $0x14500  }
0xa9: {  	[tilespmem:s11], [sflag:$0x1] =	stream.linear.gather [hbm4b:s12+s4], $0x20, $0x38;
	[tilespmem:$0x1EB00] =	vst v63  }
0xaa: {  	s14 =	simm.s32 $0x14080;
	s13 =	rddreg [dreg:$0x15];
	s15 =	sadd.s32 $0x0, s28  }
0xab: {  	[tilespmem:s14], [sflag:$0x2] =	stream.linear.gather [hbm4b:s15+s4], $0x20, $0x38;
	[tilespmem:$0x1EB00] =	vst v63  }
0xac: {  	s16 =	rddreg [dreg:$0x14];
	s17 =	sadd.s32 $0x0, s13;
	s15 =	simm.s32 $0x14580  }
0xad: {  	[tilespmem:s15], [sflag:$0x2] =	stream.linear.gather [hbm4b:s17+s4], $0x20, $0x38;
	[tilespmem:$0x1EB00] =	vst v63  }
0xae: {  	s18 =	rddreg [dreg:$0x13];
	s19 =	sadd.s32 $0x0, s16;
	s17 =	simm.s32 $0x14100  }
0xaf: {  	[tilespmem:s17], [sflag:$0x3] =	stream.linear.gather [hbm4b:s19+s4], $0x20, $0x38;
	[tilespmem:$0x1EB00] =	vst v63  }
0xb0: {  	s20 =	rddreg [dreg:$0x12];
	s22 =	sadd.s32 $0x0, s18;
	s19 =	simm.s32 $0x14600  }
0xb1: {  	[tilespmem:s19], [sflag:$0x3] =	stream.linear.gather [hbm4b:s22+s4], $0x20, $0x38;
	[tilespmem:$0x1EB00] =	vst v63  }
0xb2: {  	s23 =	rddreg [dreg:$0x11];
	s24 =	sadd.s32 $0x0, s20;
	s20 =	simm.s32 $0x14180  }
0xb3: {  	[tilespmem:s20], [sflag:$0x4] =	stream.linear.gather [hbm4b:s24+s4], $0x20, $0x38;
	[tilespmem:$0x1EB00] =	vst v63  }
0xb4: {  	s30 =	rddreg [dreg:$0x10];
	s31 =	sadd.s32 $0x0, s23;
	s22 =	simm.s32 $0x14680  }
0xb5: {  	[tilespmem:s22], [sflag:$0x4] =	stream.linear.gather [hbm4b:s31+s4], $0x20, $0x38;
	[tilespmem:$0x1EB00] =	vst v63  }
0xb6: {  	s9 =	simm.s32 $0x14200;
	s2 =	rddreg [dreg:$0xf];
	s6 =	sadd.s32 $0x0, s30  }
0xb7: {  	[tilespmem:s9], [sflag:$0x5] =	stream.linear.gather [hbm4b:s6+s4], $0x20, $0x38;
	[tilespmem:$0x1EB00] =	vst v63  }
0xb8: {  	s10 =	rddreg [dreg:$0xe];
	s23 =	simm.s32 $0x14700;
	s12 =	sadd.s32 $0x0, s2  }
0xb9: {  	[tilespmem:s23], [sflag:$0x5] =	stream.linear.gather [hbm4b:s12+s4], $0x20, $0x38;
	[tilespmem:$0x1EB00] =	vst v63  }
0xba: {  	s13 =	rddreg [dreg:$0xd];
	s16 =	sadd.s32 $0x0, s10;
	s24 =	simm.s32 $0x14280  }
0xbb: {  	[tilespmem:s24], [sflag:$0x6] =	stream.linear.gather [hbm4b:s16+s4], $0x20, $0x38;
	[tilespmem:$0x1EB00] =	vst v63  }
0xbc: {  	s18 =	rddreg [dreg:$0xc];
	s30 =	simm.s32 $0x14780;
	s26 =	sadd.s32 $0x0, s13  }
0xbd: {  	[tilespmem:s30], [sflag:$0x6] =	stream.linear.gather [hbm4b:s26+s4], $0x20, $0x38;
	[tilespmem:$0x1EB00] =	vst v63  }
0xbe: {  	s2 =	simm.s32 $0x14300;
	s31 =	rddreg [dreg:$0xb];
	s6 =	sadd.s32 $0x0, s18  }
0xbf: {  	[tilespmem:s2], [sflag:$0x7] =	stream.linear.gather [hbm4b:s6+s4], $0x20, $0x38;
	[tilespmem:$0x1EB00] =	vst v63  }
0xc0: {  	s10 =	rddreg [dreg:$0xa];
	s12 =	sadd.s32 $0x0, s31;
	s6 =	simm.s32 $0x14800  }
0xc1: {  	[tilespmem:s6], [sflag:$0x7] =	stream.linear.gather [hbm4b:s12+s4], $0x20, $0x38;
	[tilespmem:$0x1EB00] =	vst v63  }
0xc2: {  	s13 =	rddreg [dreg:$0x9];
	s16 =	sadd.s32 $0x0, s10;
	s10 =	simm.s32 $0x14380  }
0xc3: {  	[tilespmem:s10], [sflag:$0x8] =	stream.linear.gather [hbm4b:s16+s4], $0x20, $0x38;
	[tilespmem:$0x1EB00] =	vst v63  }
0xc4: {  	s18 =	rddreg [dreg:$0x8];
	s26 =	sadd.s32 $0x0, s13;
	s12 =	simm.s32 $0x14880  }
0xc5: {  	[tilespmem:s12], [sflag:$0x8] =	stream.linear.gather [hbm4b:s26+s4], $0x20, $0x38;
	[tilespmem:$0x1EB00] =	vst v63  }
0xc6: {  	s31 =	rddreg [dreg:$0x7];
	s13 =	simm.s32 $0x14400;
	s16 =	sadd.s32 $0x0, s18  }
0xc7: {  	[tilespmem:s13], [sflag:$0x9] =	stream.linear.gather [hbm4b:s16+s4], $0x20, $0x38;
	[tilespmem:$0x1EB00] =	vst v63  }
0xc8: {  	s18 =	rddreg [dreg:$0x6];
	s26 =	sadd.s32 $0x0, s31;
	s16 =	simm.s32 $0x14900  }
0xc9: {  	[tilespmem:s16], [sflag:$0x9] =	stream.linear.gather [hbm4b:s26+s4], $0x20, $0x38;
	[tilespmem:$0x1EB00] =	vst v63  }
0xca: {  	s28 =	simm.s32 $0x14480;
	s18 =	sadd.s32 $0x0, s18;
	s31 =	rddreg [dreg:$0x5]  }
0xcb: {  	[tilespmem:s28], [sflag:$0xA] =	stream.linear.gather [hbm4b:s18+s4], $0x20, $0x38;
	[tilespmem:$0x1EB00] =	vst v63  }
0xcc: {  	s31 =	sadd.s32 $0x0, s31;
	s26 =	simm.s32 $0x14980;
	s18 =	simm.s32 $0x1  }
0xcd: {  	[tilespmem:s26], [sflag:$0xA] =	stream.linear.gather [hbm4b:s31+s4], $0x20, $0x38;
	[tilespmem:$0x1EB00] =	vst v63  }
0xce: {  	_ =	swait.ge [sflag:s18], $0x20  }
0xcf: {  	[sflag:s18] =	ssyncset.done $0x0  }
0xd0: {  	[sflag:s18] =	ssyncadd.s32 $0xFFFFFFE0  }
0xd1: {  	_ =	swait.ge [sflag:s18], $0x20  }
0xd2: {  	[sflag:s18] =	ssyncset.done $0x0  }
0xd3: {  	s31 =	simm.s32 $0x2;
	[sflag:s18] =	ssyncadd.s32 $0xFFFFFFE0  }
0xd4: {  	[tilespmem:s29], [sflag:$0xB] =	stream.indirect.gather [hbm4b:s1+s0], $0x80, s8, s0, $0xb8;
	[tilespmem:$0x1EB00] =	vst v63  }
0xd5: {  	_ =	swait.ge [sflag:s31], $0x20  }
0xd6: {  	[sflag:s31] =	ssyncset.done $0x0  }
0xd7: {  	[sflag:s31] =	ssyncadd.s32 $0xFFFFFFE0  }
0xd8: {  	_ =	swait.ge [sflag:s31], $0x20  }
0xd9: {  	[sflag:s31] =	ssyncset.done $0x0  }
0xda: {  	s18 =	simm.s32 $0x3;
	s8 =	simm.s32 $0x15A00;
	[sflag:s31] =	ssyncadd.s32 $0xFFFFFFE0  }
0xdb: {  	[tilespmem:s8], [sflag:$0xC] =	stream.indirect.gather [hbm4b:s1+s0], $0x80, s14, s0, $0xb8;
	[tilespmem:$0x1EB00] =	vst v63  }
0xdc: {  	_ =	swait.ge [sflag:s18], $0x20  }
0xdd: {  	[sflag:s18] =	ssyncset.done $0x0  }
0xde: {  	[sflag:s18] =	ssyncadd.s32 $0xFFFFFFE0  }
0xdf: {  	_ =	swait.ge [sflag:s18], $0x20  }
0xe0: {  	[sflag:s18] =	ssyncset.done $0x0  }
0xe1: {  	s25 =	simm.s32 $0x4;
	s14 =	simm.s32 $0x16A00;
	[sflag:s18] =	ssyncadd.s32 $0xFFFFFFE0  }
0xe2: {  	[tilespmem:s14], [sflag:$0xD] =	stream.indirect.gather [hbm4b:s1+s0], $0x80, s17, s0, $0xb8;
	[tilespmem:$0x1EB00] =	vst v63  }
0xe3: {  	_ =	swait.ge [sflag:s25], $0x20  }
0xe4: {  	[sflag:s25] =	ssyncset.done $0x0  }
0xe5: {  	[sflag:s25] =	ssyncadd.s32 $0xFFFFFFE0  }
0xe6: {  	_ =	swait.ge [sflag:s25], $0x20  }
0xe7: {  	[sflag:s25] =	ssyncset.done $0x0  }
0xe8: {  	s31 =	simm.s32 $0x5;
	s17 =	simm.s32 $0x17A00;
	[sflag:s25] =	ssyncadd.s32 $0xFFFFFFE0  }
0xe9: {  	[tilespmem:s17], [sflag:$0xE] =	stream.indirect.gather [hbm4b:s1+s0], $0x80, s20, s0, $0xb8;
	[tilespmem:$0x1EB00] =	vst v63  }
0xea: {  	_ =	swait.ge [sflag:s31], $0x20  }
0xeb: {  	[sflag:s31] =	ssyncset.done $0x0  }
0xec: {  	[sflag:s31] =	ssyncadd.s32 $0xFFFFFFE0  }
0xed: {  	_ =	swait.ge [sflag:s31], $0x20  }
0xee: {  	[sflag:s31] =	ssyncset.done $0x0  }
0xef: {  	s18 =	simm.s32 $0x6;
	s20 =	simm.s32 $0x18A00;
	[sflag:s31] =	ssyncadd.s32 $0xFFFFFFE0  }
0xf0: {  	[tilespmem:s20], [sflag:$0xF] =	stream.indirect.gather [hbm4b:s1+s0], $0x80, s9, s0, $0xb8;
	[tilespmem:$0x1EB00] =	vst v63  }
0xf1: {  	_ =	swait.ge [sflag:s18], $0x20  }
0xf2: {  	[sflag:s18] =	ssyncset.done $0x0  }
0xf3: {  	[sflag:s18] =	ssyncadd.s32 $0xFFFFFFE0  }
0xf4: {  	_ =	swait.ge [sflag:s18], $0x20  }
0xf5: {  	[sflag:s18] =	ssyncset.done $0x0  }
0xf6: {  	s25 =	simm.s32 $0x7;
	s9 =	simm.s32 $0x19A00;
	[sflag:s18] =	ssyncadd.s32 $0xFFFFFFE0  }
0xf7: {  	[tilespmem:s9], [sflag:$0x10] =	stream.indirect.gather [hbm4b:s1+s0], $0x80, s24, s0, $0xb8;
	[tilespmem:$0x1EB00] =	vst v63  }
0xf8: {  	_ =	swait.ge [sflag:s25], $0x20  }
0xf9: {  	[sflag:s25] =	ssyncset.done $0x0  }
0xfa: {  	[sflag:s25] =	ssyncadd.s32 $0xFFFFFFE0  }
0xfb: {  	_ =	swait.ge [sflag:s25], $0x20  }
0xfc: {  	[sflag:s25] =	ssyncset.done $0x0  }
0xfd: {  	s31 =	simm.s32 $0x8;
	s24 =	simm.s32 $0x1AA00;
	[sflag:s25] =	ssyncadd.s32 $0xFFFFFFE0  }
0xfe: {  	[tilespmem:s24], [sflag:$0x11] =	stream.indirect.gather [hbm4b:s1+s0], $0x80, s2, s0, $0xb8;
	[tilespmem:$0x1EB00] =	vst v63  }
0xff: {  	_ =	swait.ge [sflag:s31], $0x20  }
0x100: {  	[sflag:s31] =	ssyncset.done $0x0  }
0x101: {  	[sflag:s31] =	ssyncadd.s32 $0xFFFFFFE0  }
0x102: {  	_ =	swait.ge [sflag:s31], $0x20  }
0x103: {  	[sflag:s31] =	ssyncset.done $0x0  }
0x104: {  	s2 =	simm.s32 $0x1BA00;
	[sflag:s31] =	ssyncadd.s32 $0xFFFFFFE0  }
0x105: {  	[tilespmem:s2], [sflag:$0x12] =	stream.indirect.gather [hbm4b:s1+s0], $0x80, s10, s0, $0xb8;
	[tilespmem:$0x1EB00] =	vst v63  }
0x106: {  	_ =	swait.ge [sflag:s7], $0x20  }
0x107: {  	[sflag:s7] =	ssyncset.done $0x0  }
0x108: {  	[sflag:s7] =	ssyncadd.s32 $0xFFFFFFE0  }
0x109: {  	_ =	swait.ge [sflag:s7], $0x20  }
0x10a: {  	[sflag:s7] =	ssyncset.done $0x0  }
0x10b: {  	s10 =	simm.s32 $0x1CA00;
	[sflag:s7] =	ssyncadd.s32 $0xFFFFFFE0  }
0x10c: {  	[tilespmem:s10], [sflag:$0x13] =	stream.indirect.gather [hbm4b:s1+s0], $0x80, s13, s0, $0xb8;
	[tilespmem:$0x1EB00] =	vst v63  }
0x10d: {  	_ =	swait.ge [sflag:s21], $0x20  }
0x10e: {  	[sflag:s21] =	ssyncset.done $0x0  }
0x10f: {  	[sflag:s21] =	ssyncadd.s32 $0xFFFFFFE0  }
0x110: {  	_ =	swait.ge [sflag:s21], $0x20  }
0x111: {  	[sflag:s21] =	ssyncset.done $0x0  }
0x112: {  	s18 =	simm.s32 $0xB;
	s13 =	simm.s32 $0x1DA00;
	[sflag:s21] =	ssyncadd.s32 $0xFFFFFFE0  }
0x113: {  	[tilespmem:s13], [sflag:$0x14] =	stream.indirect.gather [hbm4b:s1+s0], $0x80, s28, s0, $0xb8;
	[tilespmem:$0x1EB00] =	vst v63  }
0x114: {  	_ =	swait.ge [sflag:s18], $0x1000  }
0x115: {  	[sflag:s18] =	ssyncset.done $0x0  }
0x116: {  	s25 =	simm.s32 $0xC;
	[sflag:s18] =	ssyncadd.s32 $0xFFFFF000  }
0x117: {  	[spmem:s3] =	stream.indirect.scatter.add.f32 [tilespmem:s29], [sflag:$0x15], $0x80, s11, s0, $0xb8;
	[tilespmem:$0x1EB00] =	vst v63  }
0x118: {  	_ =	swait.ge [sflag:s25], $0x1000  }
0x119: {  	[sflag:s25] =	ssyncset.done $0x0  }
0x11a: {  	s28 =	simm.s32 $0xD;
	[sflag:s25] =	ssyncadd.s32 $0xFFFFF000  }
0x11b: {  	[spmem:s3] =	stream.indirect.scatter.add.f32 [tilespmem:s8], [sflag:$0x16], $0x80, s15, s0, $0xb8;
	[tilespmem:$0x1EB00] =	vst v63  }
0x11c: {  	_ =	swait.ge [sflag:s28], $0x1000  }
0x11d: {  	[sflag:s28] =	ssyncset.done $0x0  }
0x11e: {  	s31 =	simm.s32 $0xE;
	[sflag:s28] =	ssyncadd.s32 $0xFFFFF000  }
0x11f: {  	[spmem:s3] =	stream.indirect.scatter.add.f32 [tilespmem:s14], [sflag:$0x17], $0x80, s19, s0, $0xb8;
	[tilespmem:$0x1EB00] =	vst v63  }
0x120: {  	_ =	swait.ge [sflag:s31], $0x1000  }
0x121: {  	[sflag:s31] =	ssyncset.done $0x0  }
0x122: {  	s11 =	simm.s32 $0xF;
	[sflag:s31] =	ssyncadd.s32 $0xFFFFF000  }
0x123: {  	[spmem:s3] =	stream.indirect.scatter.add.f32 [tilespmem:s17], [sflag:$0x18], $0x80, s22, s0, $0xb8;
	[tilespmem:$0x1EB00] =	vst v63  }
0x124: {  	_ =	swait.ge [sflag:s11], $0x1000  }
0x125: {  	[sflag:s11] =	ssyncset.done $0x0  }
0x126: {  	s14 =	simm.s32 $0x10;
	[sflag:s11] =	ssyncadd.s32 $0xFFFFF000  }
0x127: {  	[spmem:s3] =	stream.indirect.scatter.add.f32 [tilespmem:s20], [sflag:$0x19], $0x80, s23, s0, $0xb8;
	[tilespmem:$0x1EB00] =	vst v63  }
0x128: {  	_ =	swait.ge [sflag:s14], $0x1000  }
0x129: {  	[sflag:s14] =	ssyncset.done $0x0  }
0x12a: {  	s15 =	simm.s32 $0x11;
	[sflag:s14] =	ssyncadd.s32 $0xFFFFF000  }
0x12b: {  	[spmem:s3] =	stream.indirect.scatter.add.f32 [tilespmem:s9], [sflag:$0x1A], $0x80, s30, s0, $0xb8;
	[tilespmem:$0x1EB00] =	vst v63  }
0x12c: {  	_ =	swait.ge [sflag:s15], $0x1000  }
0x12d: {  	[sflag:s15] =	ssyncset.done $0x0  }
0x12e: {  	s17 =	simm.s32 $0x12;
	[sflag:s15] =	ssyncadd.s32 $0xFFFFF000  }
0x12f: {  	[spmem:s3] =	stream.indirect.scatter.add.f32 [tilespmem:s24], [sflag:$0x1B], $0x80, s6, s0, $0xb8;
	[tilespmem:$0x1EB00] =	vst v63  }
0x130: {  	_ =	swait.ge [sflag:s17], $0x1000  }
0x131: {  	[sflag:s17] =	ssyncset.done $0x0  }
0x132: {  	s18 =	simm.s32 $0x13;
	[sflag:s17] =	ssyncadd.s32 $0xFFFFF000  }
0x133: {  	[spmem:s3] =	stream.indirect.scatter.add.f32 [tilespmem:s2], [sflag:$0x1C], $0x80, s12, s0, $0xb8;
	[tilespmem:$0x1EB00] =	vst v63  }
0x134: {  	_ =	swait.ge [sflag:s18], $0x1000  }
0x135: {  	[sflag:s18] =	ssyncset.done $0x0  }
0x136: {  	s19 =	simm.s32 $0x14;
	[sflag:s18] =	ssyncadd.s32 $0xFFFFF000  }
0x137: {  	[spmem:s3] =	stream.indirect.scatter.add.f32 [tilespmem:s10], [sflag:$0x1D], $0x80, s16, s0, $0xb8;
	[tilespmem:$0x1EB00] =	vst v63  }
0x138: {  	_ =	swait.ge [sflag:s19], $0x1000  }
0x139: {  	[sflag:s19] =	ssyncset.done $0x0  }
0x13a: {  	[sflag:s19] =	ssyncadd.s32 $0xFFFFF000  }
0x13b: {  	[spmem:s3] =	stream.indirect.scatter.add.f32 [tilespmem:s13], [sflag:$0x1E], $0x80, s26, s0, $0xb8;
	[tilespmem:$0x1EB00] =	vst v63  }
0x13c: {  	_ =	swait.ge [sflag:s5], $0x1000  }
0x13d: {  	[sflag:s5] =	ssyncset.done $0x0  }
0x13e: {  	s20 =	simm.s32 $0x16;
	[sflag:s5] =	ssyncadd.s32 $0xFFFFF000  }
0x13f: {  	_ =	swait.ge [sflag:s20], $0x1000  }
0x140: {  	[sflag:s20] =	ssyncset.done $0x0  }
0x141: {  	s22 =	simm.s32 $0x17;
	[sflag:s20] =	ssyncadd.s32 $0xFFFFF000  }
0x142: {  	_ =	swait.ge [sflag:s22], $0x1000  }
0x143: {  	[sflag:s22] =	ssyncset.done $0x0  }
0x144: {  	s23 =	simm.s32 $0x18;
	[sflag:s22] =	ssyncadd.s32 $0xFFFFF000  }
0x145: {  	_ =	swait.ge [sflag:s23], $0x1000  }
0x146: {  	[sflag:s23] =	ssyncset.done $0x0  }
0x147: {  	s24 =	simm.s32 $0x19;
	[sflag:s23] =	ssyncadd.s32 $0xFFFFF000  }
0x148: {  	_ =	swait.ge [sflag:s24], $0x1000  }
0x149: {  	[sflag:s24] =	ssyncset.done $0x0  }
0x14a: {  	s25 =	simm.s32 $0x1A;
	[sflag:s24] =	ssyncadd.s32 $0xFFFFF000  }
0x14b: {  	_ =	swait.ge [sflag:s25], $0x1000  }
0x14c: {  	[sflag:s25] =	ssyncset.done $0x0  }
0x14d: {  	s26 =	simm.s32 $0x1B;
	[sflag:s25] =	ssyncadd.s32 $0xFFFFF000  }
0x14e: {  	_ =	swait.ge [sflag:s26], $0x1000  }
0x14f: {  	[sflag:s26] =	ssyncset.done $0x0  }
0x150: {  	s28 =	simm.s32 $0x1C;
	[sflag:s26] =	ssyncadd.s32 $0xFFFFF000  }
0x151: {  	_ =	swait.ge [sflag:s28], $0x1000  }
0x152: {  	[sflag:s28] =	ssyncset.done $0x0  }
0x153: {  	s30 =	simm.s32 $0x1D;
	[sflag:s28] =	ssyncadd.s32 $0xFFFFF000  }
0x154: {  	_ =	swait.ge [sflag:s30], $0x1000  }
0x155: {  	[sflag:s30] =	ssyncset.done $0x0  }
0x156: {  	s31 =	simm.s32 $0x1E;
	[sflag:s30] =	ssyncadd.s32 $0xFFFFF000  }
0x157: {  	s25 =	simm.s32 $0x28;
	_ =	swait.ge [sflag:s31], $0x1000  }
0x158: {  	s26 =	simm.s32 $0x50;
	s29 =	rddreg [dreg:$0x18];
	[sflag:s31] =	ssyncset.done $0x0  }
.LBB2_2:
0x159: {  	s18 =	simm.s32 $0x1E;
	s28 =	smov.u32 s26;
	s30 =	rddreg [dreg:$0x17]  }
0x15a: {  	s29 =	sadd.s32 s25, s29;
	s8 =	simm.s32 $0x14000;
	[sflag:s18] =	ssyncadd.s32 $0xFFFFF000  }
0x15b: {  	[tilespmem:s8], [sflag:$0x1] =	stream.linear.gather [hbm4b:s29+s4], $0x20, $0x38;
	[tilespmem:$0x1EB00] =	vst v63  }
0x15c: {  	s5 =	rddreg [dreg:$0x16];
	s11 =	simm.s32 $0x14500;
	s29 =	sadd.s32 s25, s30  }
0x15d: {  	[tilespmem:s11], [sflag:$0x1] =	stream.linear.gather [hbm4b:s29+s4], $0x20, $0x38;
	[tilespmem:$0x1EB00] =	vst v63  }
0x15e: {  	s24 =	rddreg [dreg:$0x15];
	s14 =	simm.s32 $0x14080;
	s5 =	sadd.s32 s25, s5  }
0x15f: {  	[tilespmem:s14], [sflag:$0x2] =	stream.linear.gather [hbm4b:s5+s4], $0x20, $0x38;
	[tilespmem:$0x1EB00] =	vst v63  }
0x160: {  	s15 =	simm.s32 $0x14580;
	s31 =	sadd.s32 s25, s24;
	s29 =	rddreg [dreg:$0x14]  }
0x161: {  	[tilespmem:s15], [sflag:$0x2] =	stream.linear.gather [hbm4b:s31+s4], $0x20, $0x38;
	[tilespmem:$0x1EB00] =	vst v63  }
0x162: {  	s2 =	rddreg [dreg:$0x13];
	s17 =	simm.s32 $0x14100;
	s6 =	sadd.s32 s25, s29  }
0x163: {  	[tilespmem:s17], [sflag:$0x3] =	stream.linear.gather [hbm4b:s6+s4], $0x20, $0x38;
	[tilespmem:$0x1EB00] =	vst v63  }
0x164: {  	s19 =	simm.s32 $0x14600;
	s9 =	sadd.s32 s25, s2;
	s29 =	rddreg [dreg:$0x12]  }
0x165: {  	[tilespmem:s19], [sflag:$0x3] =	stream.linear.gather [hbm4b:s9+s4], $0x20, $0x38;
	[tilespmem:$0x1EB00] =	vst v63  }
0x166: {  	s10 =	rddreg [dreg:$0x11];
	s20 =	simm.s32 $0x14180;
	s12 =	sadd.s32 s25, s29  }
0x167: {  	[tilespmem:s20], [sflag:$0x4] =	stream.linear.gather [hbm4b:s12+s4], $0x20, $0x38;
	[tilespmem:$0x1EB00] =	vst v63  }
0x168: {  	s22 =	simm.s32 $0x14680;
	s13 =	sadd.s32 s25, s10;
	s29 =	rddreg [dreg:$0x10]  }
0x169: {  	[tilespmem:s22], [sflag:$0x4] =	stream.linear.gather [hbm4b:s13+s4], $0x20, $0x38;
	[tilespmem:$0x1EB00] =	vst v63  }
0x16a: {  	s16 =	rddreg [dreg:$0xf];
	s23 =	sadd.s32 s25, s29;
	s9 =	simm.s32 $0x14200  }
0x16b: {  	[tilespmem:s9], [sflag:$0x5] =	stream.linear.gather [hbm4b:s23+s4], $0x20, $0x38;
	[tilespmem:$0x1EB00] =	vst v63  }
0x16c: {  	s24 =	sadd.s32 s25, s16;
	s29 =	rddreg [dreg:$0xe];
	s23 =	simm.s32 $0x14700  }
0x16d: {  	[tilespmem:s23], [sflag:$0x5] =	stream.linear.gather [hbm4b:s24+s4], $0x20, $0x38;
	[tilespmem:$0x1EB00] =	vst v63  }
0x16e: {  	s31 =	rddreg [dreg:$0xd];
	s2 =	sadd.s32 s25, s29;
	s24 =	simm.s32 $0x14280  }
0x16f: {  	[tilespmem:s24], [sflag:$0x6] =	stream.linear.gather [hbm4b:s2+s4], $0x20, $0x38;
	[tilespmem:$0x1EB00] =	vst v63  }
0x170: {  	s29 =	rddreg [dreg:$0xc];
	s6 =	sadd.s32 s25, s31;
	s31 =	simm.s32 $0x14780  }
0x171: {  	[tilespmem:s31], [sflag:$0x6] =	stream.linear.gather [hbm4b:s6+s4], $0x20, $0x38;
	[tilespmem:$0x1EB00] =	vst v63  }
0x172: {  	s10 =	rddreg [dreg:$0xb];
	s12 =	sadd.s32 s25, s29;
	s2 =	simm.s32 $0x14300  }
0x173: {  	[tilespmem:s2], [sflag:$0x7] =	stream.linear.gather [hbm4b:s12+s4], $0x20, $0x38;
	[tilespmem:$0x1EB00] =	vst v63  }
0x174: {  	s29 =	rddreg [dreg:$0xa];
	s13 =	sadd.s32 s25, s10;
	s6 =	simm.s32 $0x14800  }
0x175: {  	[tilespmem:s6], [sflag:$0x7] =	stream.linear.gather [hbm4b:s13+s4], $0x20, $0x38;
	[tilespmem:$0x1EB00] =	vst v63  }
0x176: {  	s16 =	rddreg [dreg:$0x9];
	s10 =	simm.s32 $0x14380;
	s12 =	sadd.s32 s25, s29  }
0x177: {  	[tilespmem:s10], [sflag:$0x8] =	stream.linear.gather [hbm4b:s12+s4], $0x20, $0x38;
	[tilespmem:$0x1EB00] =	vst v63  }
0x178: {  	s29 =	rddreg [dreg:$0x8];
	s13 =	sadd.s32 s25, s16;
	s12 =	simm.s32 $0x14880  }
0x179: {  	[tilespmem:s12], [sflag:$0x8] =	stream.linear.gather [hbm4b:s13+s4], $0x20, $0x38;
	[tilespmem:$0x1EB00] =	vst v63  }
0x17a: {  	s30 =	rddreg [dreg:$0x7];
	s16 =	sadd.s32 s25, s29;
	s13 =	simm.s32 $0x14400  }
0x17b: {  	[tilespmem:s13], [sflag:$0x9] =	stream.linear.gather [hbm4b:s16+s4], $0x20, $0x38;
	[tilespmem:$0x1EB00] =	vst v63  }
0x17c: {  	s5 =	sadd.s32 s25, s30;
	s29 =	rddreg [dreg:$0x6];
	s16 =	simm.s32 $0x14900  }
0x17d: {  	[tilespmem:s16], [sflag:$0x9] =	stream.linear.gather [hbm4b:s5+s4], $0x20, $0x38;
	[tilespmem:$0x1EB00] =	vst v63  }
0x17e: {  	s30 =	rddreg [dreg:$0x5];
	s5 =	sadd.s32 s25, s29;
	s29 =	simm.s32 $0x14480  }
0x17f: {  	[tilespmem:s29], [sflag:$0xA] =	stream.linear.gather [hbm4b:s5+s4], $0x20, $0x38;
	[tilespmem:$0x1EB00] =	vst v63  }
0x180: {  	s30 =	sadd.s32 s25, s30;
	s25 =	smov.u32 s28;
	s28 =	simm.s32 $0x14980  }
0x181: {  	[tilespmem:s28], [sflag:$0xA] =	stream.linear.gather [hbm4b:s30+s4], $0x20, $0x38;
	[tilespmem:$0x1EB00] =	vst v63  }
0x182: {  	s30 =	simm.s32 $0x1  }
0x183: {  	_ =	swait.ge [sflag:s30], $0x20  }
0x184: {  	[sflag:s30] =	ssyncset.done $0x0  }
0x185: {  	[sflag:s30] =	ssyncadd.s32 $0xFFFFFFE0  }
0x186: {  	_ =	swait.ge [sflag:s30], $0x20  }
0x187: {  	[sflag:s30] =	ssyncset.done $0x0  }
0x188: {  	s5 =	simm.s32 $0x14A00;
	[sflag:s30] =	ssyncadd.s32 $0xFFFFFFE0;
	s30 =	simm.s32 $0x2  }
0x189: {  	[tilespmem:s5], [sflag:$0xB] =	stream.indirect.gather [hbm4b:s1+s0], $0x80, s8, s0, $0xb8;
	[tilespmem:$0x1EB00] =	vst v63  }
0x18a: {  	_ =	swait.ge [sflag:s30], $0x20  }
0x18b: {  	[sflag:s30] =	ssyncset.done $0x0  }
0x18c: {  	[sflag:s30] =	ssyncadd.s32 $0xFFFFFFE0  }
0x18d: {  	_ =	swait.ge [sflag:s30], $0x20  }
0x18e: {  	[sflag:s30] =	ssyncset.done $0x0  }
0x18f: {  	s8 =	simm.s32 $0x15A00;
	[sflag:s30] =	ssyncadd.s32 $0xFFFFFFE0;
	s30 =	simm.s32 $0x3  }
0x190: {  	[tilespmem:s8], [sflag:$0xC] =	stream.indirect.gather [hbm4b:s1+s0], $0x80, s14, s0, $0xb8;
	[tilespmem:$0x1EB00] =	vst v63  }
0x191: {  	_ =	swait.ge [sflag:s30], $0x20  }
0x192: {  	[sflag:s30] =	ssyncset.done $0x0  }
0x193: {  	[sflag:s30] =	ssyncadd.s32 $0xFFFFFFE0  }
0x194: {  	_ =	swait.ge [sflag:s30], $0x20  }
0x195: {  	[sflag:s30] =	ssyncset.done $0x0  }
0x196: {  	s14 =	simm.s32 $0x16A00;
	[sflag:s30] =	ssyncadd.s32 $0xFFFFFFE0;
	s30 =	simm.s32 $0x4  }
0x197: {  	[tilespmem:s14], [sflag:$0xD] =	stream.indirect.gather [hbm4b:s1+s0], $0x80, s17, s0, $0xb8;
	[tilespmem:$0x1EB00] =	vst v63  }
0x198: {  	_ =	swait.ge [sflag:s30], $0x20  }
0x199: {  	[sflag:s30] =	ssyncset.done $0x0  }
0x19a: {  	[sflag:s30] =	ssyncadd.s32 $0xFFFFFFE0  }
0x19b: {  	_ =	swait.ge [sflag:s30], $0x20  }
0x19c: {  	[sflag:s30] =	ssyncset.done $0x0  }
0x19d: {  	s17 =	simm.s32 $0x17A00;
	[sflag:s30] =	ssyncadd.s32 $0xFFFFFFE0;
	s30 =	simm.s32 $0x5  }
0x19e: {  	[tilespmem:s17], [sflag:$0xE] =	stream.indirect.gather [hbm4b:s1+s0], $0x80, s20, s0, $0xb8;
	[tilespmem:$0x1EB00] =	vst v63  }
0x19f: {  	_ =	swait.ge [sflag:s30], $0x20  }
0x1a0: {  	[sflag:s30] =	ssyncset.done $0x0  }
0x1a1: {  	[sflag:s30] =	ssyncadd.s32 $0xFFFFFFE0  }
0x1a2: {  	_ =	swait.ge [sflag:s30], $0x20  }
0x1a3: {  	[sflag:s30] =	ssyncset.done $0x0  }
0x1a4: {  	s20 =	simm.s32 $0x18A00;
	[sflag:s30] =	ssyncadd.s32 $0xFFFFFFE0;
	s30 =	simm.s32 $0x6  }
0x1a5: {  	[tilespmem:s20], [sflag:$0xF] =	stream.indirect.gather [hbm4b:s1+s0], $0x80, s9, s0, $0xb8;
	[tilespmem:$0x1EB00] =	vst v63  }
0x1a6: {  	_ =	swait.ge [sflag:s30], $0x20  }
0x1a7: {  	[sflag:s30] =	ssyncset.done $0x0  }
0x1a8: {  	[sflag:s30] =	ssyncadd.s32 $0xFFFFFFE0  }
0x1a9: {  	_ =	swait.ge [sflag:s30], $0x20  }
0x1aa: {  	[sflag:s30] =	ssyncset.done $0x0  }
0x1ab: {  	s9 =	simm.s32 $0x19A00;
	[sflag:s30] =	ssyncadd.s32 $0xFFFFFFE0;
	s30 =	simm.s32 $0x7  }
0x1ac: {  	[tilespmem:s9], [sflag:$0x10] =	stream.indirect.gather [hbm4b:s1+s0], $0x80, s24, s0, $0xb8;
	[tilespmem:$0x1EB00] =	vst v63  }
0x1ad: {  	_ =	swait.ge [sflag:s30], $0x20  }
0x1ae: {  	[sflag:s30] =	ssyncset.done $0x0  }
0x1af: {  	[sflag:s30] =	ssyncadd.s32 $0xFFFFFFE0  }
0x1b0: {  	_ =	swait.ge [sflag:s30], $0x20  }
0x1b1: {  	[sflag:s30] =	ssyncset.done $0x0  }
0x1b2: {  	s24 =	simm.s32 $0x1AA00;
	[sflag:s30] =	ssyncadd.s32 $0xFFFFFFE0;
	s30 =	simm.s32 $0x8  }
0x1b3: {  	[tilespmem:s24], [sflag:$0x11] =	stream.indirect.gather [hbm4b:s1+s0], $0x80, s2, s0, $0xb8;
	[tilespmem:$0x1EB00] =	vst v63  }
0x1b4: {  	_ =	swait.ge [sflag:s30], $0x20  }
0x1b5: {  	[sflag:s30] =	ssyncset.done $0x0  }
0x1b6: {  	[sflag:s30] =	ssyncadd.s32 $0xFFFFFFE0  }
0x1b7: {  	_ =	swait.ge [sflag:s30], $0x20  }
0x1b8: {  	[sflag:s30] =	ssyncset.done $0x0  }
0x1b9: {  	s2 =	simm.s32 $0x1BA00;
	[sflag:s30] =	ssyncadd.s32 $0xFFFFFFE0  }
0x1ba: {  	[tilespmem:s2], [sflag:$0x12] =	stream.indirect.gather [hbm4b:s1+s0], $0x80, s10, s0, $0xb8;
	[tilespmem:$0x1EB00] =	vst v63  }
0x1bb: {  	_ =	swait.ge [sflag:s7], $0x20  }
0x1bc: {  	[sflag:s7] =	ssyncset.done $0x0  }
0x1bd: {  	[sflag:s7] =	ssyncadd.s32 $0xFFFFFFE0  }
0x1be: {  	_ =	swait.ge [sflag:s7], $0x20  }
0x1bf: {  	[sflag:s7] =	ssyncset.done $0x0  }
0x1c0: {  	s10 =	simm.s32 $0x1CA00;
	[sflag:s7] =	ssyncadd.s32 $0xFFFFFFE0  }
0x1c1: {  	[tilespmem:s10], [sflag:$0x13] =	stream.indirect.gather [hbm4b:s1+s0], $0x80, s13, s0, $0xb8;
	[tilespmem:$0x1EB00] =	vst v63  }
0x1c2: {  	_ =	swait.ge [sflag:s21], $0x20  }
0x1c3: {  	[sflag:s21] =	ssyncset.done $0x0  }
0x1c4: {  	[sflag:s21] =	ssyncadd.s32 $0xFFFFFFE0  }
0x1c5: {  	_ =	swait.ge [sflag:s21], $0x20  }
0x1c6: {  	[sflag:s21] =	ssyncset.done $0x0  }
0x1c7: {  	s13 =	simm.s32 $0x1DA00;
	[sflag:s21] =	ssyncadd.s32 $0xFFFFFFE0  }
0x1c8: {  	[tilespmem:s13], [sflag:$0x14] =	stream.indirect.gather [hbm4b:s1+s0], $0x80, s29, s0, $0xb8;
	[tilespmem:$0x1EB00] =	vst v63  }
0x1c9: {  	s29 =	simm.s32 $0xB  }
0x1ca: {  	_ =	swait.ge [sflag:s29], $0x1000  }
0x1cb: {  	[sflag:s29] =	ssyncset.done $0x0  }
0x1cc: {  	[sflag:s29] =	ssyncadd.s32 $0xFFFFF000  }
0x1cd: {  	[spmem:s3] =	stream.indirect.scatter.add.f32 [tilespmem:s5], [sflag:$0x15], $0x80, s11, s0, $0xb8;
	[tilespmem:$0x1EB00] =	vst v63  }
0x1ce: {  	s11 =	simm.s32 $0xC  }
0x1cf: {  	_ =	swait.ge [sflag:s11], $0x1000  }
0x1d0: {  	[sflag:s11] =	ssyncset.done $0x0  }
0x1d1: {  	[sflag:s11] =	ssyncadd.s32 $0xFFFFF000  }
0x1d2: {  	[spmem:s3] =	stream.indirect.scatter.add.f32 [tilespmem:s8], [sflag:$0x16], $0x80, s15, s0, $0xb8;
	[tilespmem:$0x1EB00] =	vst v63  }
0x1d3: {  	s15 =	simm.s32 $0xD  }
0x1d4: {  	_ =	swait.ge [sflag:s15], $0x1000  }
0x1d5: {  	[sflag:s15] =	ssyncset.done $0x0  }
0x1d6: {  	[sflag:s15] =	ssyncadd.s32 $0xFFFFF000  }
0x1d7: {  	[spmem:s3] =	stream.indirect.scatter.add.f32 [tilespmem:s14], [sflag:$0x17], $0x80, s19, s0, $0xb8;
	[tilespmem:$0x1EB00] =	vst v63  }
0x1d8: {  	s19 =	simm.s32 $0xE  }
0x1d9: {  	_ =	swait.ge [sflag:s19], $0x1000  }
0x1da: {  	[sflag:s19] =	ssyncset.done $0x0  }
0x1db: {  	s30 =	simm.s32 $0xF;
	[sflag:s19] =	ssyncadd.s32 $0xFFFFF000  }
0x1dc: {  	[spmem:s3] =	stream.indirect.scatter.add.f32 [tilespmem:s17], [sflag:$0x18], $0x80, s22, s0, $0xb8;
	[tilespmem:$0x1EB00] =	vst v63  }
0x1dd: {  	_ =	swait.ge [sflag:s30], $0x1000  }
0x1de: {  	[sflag:s30] =	ssyncset.done $0x0  }
0x1df: {  	s8 =	simm.s32 $0x10;
	[sflag:s30] =	ssyncadd.s32 $0xFFFFF000  }
0x1e0: {  	[spmem:s3] =	stream.indirect.scatter.add.f32 [tilespmem:s20], [sflag:$0x19], $0x80, s23, s0, $0xb8;
	[tilespmem:$0x1EB00] =	vst v63  }
0x1e1: {  	_ =	swait.ge [sflag:s8], $0x1000  }
0x1e2: {  	[sflag:s8] =	ssyncset.done $0x0  }
0x1e3: {  	s11 =	simm.s32 $0x11;
	[sflag:s8] =	ssyncadd.s32 $0xFFFFF000  }
0x1e4: {  	[spmem:s3] =	stream.indirect.scatter.add.f32 [tilespmem:s9], [sflag:$0x1A], $0x80, s31, s0, $0xb8;
	[tilespmem:$0x1EB00] =	vst v63  }
0x1e5: {  	_ =	swait.ge [sflag:s11], $0x1000  }
0x1e6: {  	[sflag:s11] =	ssyncset.done $0x0  }
0x1e7: {  	s14 =	simm.s32 $0x12;
	[sflag:s11] =	ssyncadd.s32 $0xFFFFF000  }
0x1e8: {  	[spmem:s3] =	stream.indirect.scatter.add.f32 [tilespmem:s24], [sflag:$0x1B], $0x80, s6, s0, $0xb8;
	[tilespmem:$0x1EB00] =	vst v63  }
0x1e9: {  	_ =	swait.ge [sflag:s14], $0x1000  }
0x1ea: {  	[sflag:s14] =	ssyncset.done $0x0  }
0x1eb: {  	s15 =	simm.s32 $0x13;
	[sflag:s14] =	ssyncadd.s32 $0xFFFFF000  }
0x1ec: {  	[spmem:s3] =	stream.indirect.scatter.add.f32 [tilespmem:s2], [sflag:$0x1C], $0x80, s12, s0, $0xb8;
	[tilespmem:$0x1EB00] =	vst v63  }
0x1ed: {  	_ =	swait.ge [sflag:s15], $0x1000  }
0x1ee: {  	[sflag:s15] =	ssyncset.done $0x0  }
0x1ef: {  	[sflag:s15] =	ssyncadd.s32 $0xFFFFF000  }
0x1f0: {  	[spmem:s3] =	stream.indirect.scatter.add.f32 [tilespmem:s10], [sflag:$0x1D], $0x80, s16, s0, $0xb8;
	[tilespmem:$0x1EB00] =	vst v63  }
0x1f1: {  	s16 =	simm.s32 $0x14  }
0x1f2: {  	_ =	swait.ge [sflag:s16], $0x1000  }
0x1f3: {  	[sflag:s16] =	ssyncset.done $0x0  }
0x1f4: {  	s17 =	simm.s32 $0x15;
	[sflag:s16] =	ssyncadd.s32 $0xFFFFF000  }
0x1f5: {  	[spmem:s3] =	stream.indirect.scatter.add.f32 [tilespmem:s13], [sflag:$0x1E], $0x80, s28, s0, $0xb8;
	[tilespmem:$0x1EB00] =	vst v63  }
0x1f6: {  	_ =	swait.ge [sflag:s17], $0x1000  }
0x1f7: {  	[sflag:s17] =	ssyncset.done $0x0  }
0x1f8: {  	s19 =	simm.s32 $0x16;
	[sflag:s17] =	ssyncadd.s32 $0xFFFFF000  }
0x1f9: {  	_ =	swait.ge [sflag:s19], $0x1000  }
0x1fa: {  	[sflag:s19] =	ssyncset.done $0x0  }
0x1fb: {  	s20 =	simm.s32 $0x17;
	[sflag:s19] =	ssyncadd.s32 $0xFFFFF000  }
0x1fc: {  	_ =	swait.ge [sflag:s20], $0x1000  }
0x1fd: {  	[sflag:s20] =	ssyncset.done $0x0  }
0x1fe: {  	s22 =	simm.s32 $0x18;
	[sflag:s20] =	ssyncadd.s32 $0xFFFFF000  }
0x1ff: {  	_ =	swait.ge [sflag:s22], $0x1000  }
0x200: {  	[sflag:s22] =	ssyncset.done $0x0  }
0x201: {  	s23 =	simm.s32 $0x19;
	[sflag:s22] =	ssyncadd.s32 $0xFFFFF000  }
0x202: {  	_ =	swait.ge [sflag:s23], $0x1000  }
0x203: {  	[sflag:s23] =	ssyncset.done $0x0  }
0x204: {  	s24 =	simm.s32 $0x1A;
	[sflag:s23] =	ssyncadd.s32 $0xFFFFF000  }
0x205: {  	_ =	swait.ge [sflag:s24], $0x1000  }
0x206: {  	[sflag:s24] =	ssyncset.done $0x0  }
0x207: {  	s28 =	simm.s32 $0x1B;
	[sflag:s24] =	ssyncadd.s32 $0xFFFFF000  }
0x208: {  	_ =	swait.ge [sflag:s28], $0x1000  }
0x209: {  	[sflag:s28] =	ssyncset.done $0x0  }
0x20a: {  	s30 =	simm.s32 $0x1C;
	[sflag:s28] =	ssyncadd.s32 $0xFFFFF000  }
0x20b: {  	_ =	swait.ge [sflag:s30], $0x1000  }
0x20c: {  	[sflag:s30] =	ssyncset.done $0x0  }
0x20d: {  	p0 =	sne.s32 s26, $0x4B0;
	s31 =	simm.s32 $0x1D;
	[sflag:s30] =	ssyncadd.s32 $0xFFFFF000  }
.Ltmp0:
0x20e: {  	_ =	swait.ge [sflag:s31], $0x1000;
	(pc) =	sbr.rel @p0 .LBB2_2-.Ltmp0, $4  }
0x20f: {  	[sflag:s31] =	ssyncset.done $0x0  }
0x210: {  	[sflag:s31] =	ssyncadd.s32 $0xFFFFF000  }
0x211: {  	_ =	swait.ge [sflag:s18], $0x1000  }
0x212: {  	s26 =	sadd.s32 $0x28, s26;
	s29 =	rddreg [dreg:$0x18];
	[sflag:s18] =	ssyncset.done $0x0  }
0x213: {  	s5 =	rddreg [dreg:$0x17];
	s18 =	simm.s32 $0x1E  }
0x214: {  	s26 =	sadd.s32 s25, s29;
	s28 =	simm.s32 $0x14000;
	[sflag:s18] =	ssyncadd.s32 $0xFFFFF000  }
0x215: {  	[tilespmem:s28], [sflag:$0x1] =	stream.linear.gather [hbm4b:s26+s4], $0x20, $0x38;
	[tilespmem:$0x1EB00] =	vst v63  }
0x216: {  	s15 =	rddreg [dreg:$0x16];
	s20 =	simm.s32 $0x14500;
	s5 =	sadd.s32 s25, s5  }
0x217: {  	[tilespmem:s20], [sflag:$0x1] =	stream.linear.gather [hbm4b:s5+s4], $0x20, $0x38;
	[tilespmem:$0x1EB00] =	vst v63  }
0x218: {  	s16 =	rddreg [dreg:$0x15];
	s14 =	simm.s32 $0x14080;
	s26 =	sadd.s32 s25, s15  }
0x219: {  	[tilespmem:s14], [sflag:$0x2] =	stream.linear.gather [hbm4b:s26+s4], $0x20, $0x38;
	[tilespmem:$0x1EB00] =	vst v63  }
0x21a: {  	s17 =	rddreg [dreg:$0x14];
	s2 =	simm.s32 $0x14580;
	s5 =	sadd.s32 s25, s16  }
0x21b: {  	[tilespmem:s2], [sflag:$0x2] =	stream.linear.gather [hbm4b:s5+s4], $0x20, $0x38;
	[tilespmem:$0x1EB00] =	vst v63  }
0x21c: {  	s19 =	rddreg [dreg:$0x13];
	s15 =	simm.s32 $0x14100;
	s26 =	sadd.s32 s25, s17  }
0x21d: {  	[tilespmem:s15], [sflag:$0x3] =	stream.linear.gather [hbm4b:s26+s4], $0x20, $0x38;
	[tilespmem:$0x1EB00] =	vst v63  }
0x21e: {  	s22 =	rddreg [dreg:$0x12];
	s23 =	simm.s32 $0x14600;
	s5 =	sadd.s32 s25, s19  }
0x21f: {  	[tilespmem:s23], [sflag:$0x3] =	stream.linear.gather [hbm4b:s5+s4], $0x20, $0x38;
	[tilespmem:$0x1EB00] =	vst v63  }
0x220: {  	s24 =	rddreg [dreg:$0x11];
	s19 =	simm.s32 $0x14180;
	s26 =	sadd.s32 s25, s22  }
0x221: {  	[tilespmem:s19], [sflag:$0x4] =	stream.linear.gather [hbm4b:s26+s4], $0x20, $0x38;
	[tilespmem:$0x1EB00] =	vst v63  }
0x222: {  	s29 =	rddreg [dreg:$0x10];
	s31 =	simm.s32 $0x14680;
	s5 =	sadd.s32 s25, s24  }
0x223: {  	[tilespmem:s31], [sflag:$0x4] =	stream.linear.gather [hbm4b:s5+s4], $0x20, $0x38;
	[tilespmem:$0x1EB00] =	vst v63  }
0x224: {  	s9 =	simm.s32 $0x14200;
	s2 =	rddreg [dreg:$0xf];
	s26 =	sadd.s32 s25, s29  }
0x225: {  	[tilespmem:s9], [sflag:$0x5] =	stream.linear.gather [hbm4b:s26+s4], $0x20, $0x38;
	[tilespmem:$0x1EB00] =	vst v63  }
0x226: {  	s6 =	rddreg [dreg:$0xe];
	s22 =	simm.s32 $0x14700;
	s5 =	sadd.s32 s25, s2  }
0x227: {  	[tilespmem:s22], [sflag:$0x5] =	stream.linear.gather [hbm4b:s5+s4], $0x20, $0x38;
	[tilespmem:$0x1EB00] =	vst v63  }
0x228: {  	s8 =	rddreg [dreg:$0xd];
	s23 =	simm.s32 $0x14280;
	s26 =	sadd.s32 s25, s6  }
0x229: {  	[tilespmem:s23], [sflag:$0x6] =	stream.linear.gather [hbm4b:s26+s4], $0x20, $0x38;
	[tilespmem:$0x1EB00] =	vst v63  }
0x22a: {  	s10 =	rddreg [dreg:$0xc];
	s24 =	simm.s32 $0x14780;
	s5 =	sadd.s32 s25, s8  }
0x22b: {  	[tilespmem:s24], [sflag:$0x6] =	stream.linear.gather [hbm4b:s5+s4], $0x20, $0x38;
	[tilespmem:$0x1EB00] =	vst v63  }
0x22c: {  	s11 =	rddreg [dreg:$0xb];
	s2 =	simm.s32 $0x14300;
	s26 =	sadd.s32 s25, s10  }
0x22d: {  	[tilespmem:s2], [sflag:$0x7] =	stream.linear.gather [hbm4b:s26+s4], $0x20, $0x38;
	[tilespmem:$0x1EB00] =	vst v63  }
0x22e: {  	s12 =	rddreg [dreg:$0xa];
	s17 =	simm.s32 $0x14800;
	s5 =	sadd.s32 s25, s11  }
0x22f: {  	[tilespmem:s17], [sflag:$0x7] =	stream.linear.gather [hbm4b:s5+s4], $0x20, $0x38;
	[tilespmem:$0x1EB00] =	vst v63  }
0x230: {  	s13 =	rddreg [dreg:$0x9];
	s10 =	simm.s32 $0x14380;
	s26 =	sadd.s32 s25, s12  }
0x231: {  	[tilespmem:s10], [sflag:$0x8] =	stream.linear.gather [hbm4b:s26+s4], $0x20, $0x38;
	[tilespmem:$0x1EB00] =	vst v63  }
0x232: {  	s16 =	rddreg [dreg:$0x8];
	s12 =	simm.s32 $0x14880;
	s5 =	sadd.s32 s25, s13  }
0x233: {  	[tilespmem:s12], [sflag:$0x8] =	stream.linear.gather [hbm4b:s5+s4], $0x20, $0x38;
	[tilespmem:$0x1EB00] =	vst v63  }
0x234: {  	s29 =	rddreg [dreg:$0x7];
	s13 =	simm.s32 $0x14400;
	s26 =	sadd.s32 s25, s16  }
0x235: {  	[tilespmem:s13], [sflag:$0x9] =	stream.linear.gather [hbm4b:s26+s4], $0x20, $0x38;
	[tilespmem:$0x1EB00] =	vst v63  }
0x236: {  	s31 =	rddreg [dreg:$0x6];
	s16 =	simm.s32 $0x14900;
	s5 =	sadd.s32 s25, s29  }
0x237: {  	[tilespmem:s16], [sflag:$0x9] =	stream.linear.gather [hbm4b:s5+s4], $0x20, $0x38;
	[tilespmem:$0x1EB00] =	vst v63  }
0x238: {  	s6 =	rddreg [dreg:$0x5];
	s29 =	simm.s32 $0x14480;
	s26 =	sadd.s32 s25, s31  }
0x239: {  	[tilespmem:s29], [sflag:$0xA] =	stream.linear.gather [hbm4b:s26+s4], $0x20, $0x38;
	[tilespmem:$0x1EB00] =	vst v63  }
0x23a: {  	s30 =	simm.s32 $0x1;
	s5 =	sadd.s32 s25, s6;
	s26 =	simm.s32 $0x14980  }
0x23b: {  	[tilespmem:s26], [sflag:$0xA] =	stream.linear.gather [hbm4b:s5+s4], $0x20, $0x38;
	[tilespmem:$0x1EB00] =	vst v63  }
0x23c: {  	_ =	swait.ge [sflag:s30], $0x20  }
0x23d: {  	[sflag:s30] =	ssyncset.done $0x0  }
0x23e: {  	[sflag:s30] =	ssyncadd.s32 $0xFFFFFFE0  }
0x23f: {  	_ =	swait.ge [sflag:s30], $0x20  }
0x240: {  	[sflag:s30] =	ssyncset.done $0x0  }
0x241: {  	s31 =	simm.s32 $0x2;
	s25 =	simm.s32 $0x14A00;
	[sflag:s30] =	ssyncadd.s32 $0xFFFFFFE0  }
0x242: {  	[tilespmem:s25], [sflag:$0xB] =	stream.indirect.gather [hbm4b:s1+s0], $0x80, s28, s0, $0xb8;
	[tilespmem:$0x1EB00] =	vst v63  }
0x243: {  	_ =	swait.ge [sflag:s31], $0x20  }
0x244: {  	[sflag:s31] =	ssyncset.done $0x0  }
0x245: {  	[sflag:s31] =	ssyncadd.s32 $0xFFFFFFE0  }
0x246: {  	_ =	swait.ge [sflag:s31], $0x20  }
0x247: {  	[sflag:s31] =	ssyncset.done $0x0  }
0x248: {  	s8 =	simm.s32 $0x3;
	s11 =	simm.s32 $0x15A00;
	[sflag:s31] =	ssyncadd.s32 $0xFFFFFFE0  }
0x249: {  	[tilespmem:s11], [sflag:$0xC] =	stream.indirect.gather [hbm4b:s1+s0], $0x80, s14, s0, $0xb8;
	[tilespmem:$0x1EB00] =	vst v63  }
0x24a: {  	_ =	swait.ge [sflag:s8], $0x20  }
0x24b: {  	[sflag:s8] =	ssyncset.done $0x0  }
0x24c: {  	[sflag:s8] =	ssyncadd.s32 $0xFFFFFFE0  }
0x24d: {  	_ =	swait.ge [sflag:s8], $0x20  }
0x24e: {  	[sflag:s8] =	ssyncset.done $0x0  }
0x24f: {  	s6 =	simm.s32 $0x4;
	[sflag:s8] =	ssyncadd.s32 $0xFFFFFFE0;
	s8 =	simm.s32 $0x16A00  }
0x250: {  	[tilespmem:s8], [sflag:$0xD] =	stream.indirect.gather [hbm4b:s1+s0], $0x80, s15, s0, $0xb8;
	[tilespmem:$0x1EB00] =	vst v63  }
0x251: {  	_ =	swait.ge [sflag:s6], $0x20  }
0x252: {  	[sflag:s6] =	ssyncset.done $0x0  }
0x253: {  	[sflag:s6] =	ssyncadd.s32 $0xFFFFFFE0  }
0x254: {  	_ =	swait.ge [sflag:s6], $0x20  }
0x255: {  	[sflag:s6] =	ssyncset.done $0x0  }
0x256: {  	s5 =	simm.s32 $0x5;
	s15 =	simm.s32 $0x17A00;
	[sflag:s6] =	ssyncadd.s32 $0xFFFFFFE0  }
0x257: {  	[tilespmem:s15], [sflag:$0xE] =	stream.indirect.gather [hbm4b:s1+s0], $0x80, s19, s0, $0xb8;
	[tilespmem:$0x1EB00] =	vst v63  }
0x258: {  	_ =	swait.ge [sflag:s5], $0x20  }
0x259: {  	[sflag:s5] =	ssyncset.done $0x0  }
0x25a: {  	[sflag:s5] =	ssyncadd.s32 $0xFFFFFFE0  }
0x25b: {  	_ =	swait.ge [sflag:s5], $0x20  }
0x25c: {  	[sflag:s5] =	ssyncset.done $0x0  }
0x25d: {  	s6 =	simm.s32 $0x6;
	s19 =	simm.s32 $0x18A00;
	[sflag:s5] =	ssyncadd.s32 $0xFFFFFFE0  }
0x25e: {  	[tilespmem:s19], [sflag:$0xF] =	stream.indirect.gather [hbm4b:s1+s0], $0x80, s9, s0, $0xb8;
	[tilespmem:$0x1EB00] =	vst v63  }
0x25f: {  	_ =	swait.ge [sflag:s6], $0x20  }
0x260: {  	[sflag:s6] =	ssyncset.done $0x0  }
0x261: {  	[sflag:s6] =	ssyncadd.s32 $0xFFFFFFE0  }
0x262: {  	_ =	swait.ge [sflag:s6], $0x20  }
0x263: {  	[sflag:s6] =	ssyncset.done $0x0  }
0x264: {  	s5 =	simm.s32 $0x7;
	s9 =	simm.s32 $0x19A00;
	[sflag:s6] =	ssyncadd.s32 $0xFFFFFFE0  }
0x265: {  	[tilespmem:s9], [sflag:$0x10] =	stream.indirect.gather [hbm4b:s1+s0], $0x80, s23, s0, $0xb8;
	[tilespmem:$0x1EB00] =	vst v63  }
0x266: {  	_ =	swait.ge [sflag:s5], $0x20  }
0x267: {  	[sflag:s5] =	ssyncset.done $0x0  }
0x268: {  	[sflag:s5] =	ssyncadd.s32 $0xFFFFFFE0  }
0x269: {  	_ =	swait.ge [sflag:s5], $0x20  }
0x26a: {  	[sflag:s5] =	ssyncset.done $0x0  }
0x26b: {  	s6 =	simm.s32 $0x8;
	s23 =	simm.s32 $0x1AA00;
	[sflag:s5] =	ssyncadd.s32 $0xFFFFFFE0  }
0x26c: {  	[tilespmem:s23], [sflag:$0x11] =	stream.indirect.gather [hbm4b:s1+s0], $0x80, s2, s0, $0xb8;
	[tilespmem:$0x1EB00] =	vst v63  }
0x26d: {  	_ =	swait.ge [sflag:s6], $0x20  }
0x26e: {  	[sflag:s6] =	ssyncset.done $0x0  }
0x26f: {  	[sflag:s6] =	ssyncadd.s32 $0xFFFFFFE0  }
0x270: {  	_ =	swait.ge [sflag:s6], $0x20  }
0x271: {  	[sflag:s6] =	ssyncset.done $0x0  }
0x272: {  	s5 =	simm.s32 $0x1BA00;
	[sflag:s6] =	ssyncadd.s32 $0xFFFFFFE0  }
0x273: {  	[tilespmem:s5], [sflag:$0x12] =	stream.indirect.gather [hbm4b:s1+s0], $0x80, s10, s0, $0xb8;
	[tilespmem:$0x1EB00] =	vst v63  }
0x274: {  	_ =	swait.ge [sflag:s7], $0x20  }
0x275: {  	[sflag:s7] =	ssyncset.done $0x0  }
0x276: {  	[sflag:s7] =	ssyncadd.s32 $0xFFFFFFE0  }
0x277: {  	_ =	swait.ge [sflag:s7], $0x20  }
0x278: {  	[sflag:s7] =	ssyncset.done $0x0  }
0x279: {  	s10 =	simm.s32 $0x1CA00;
	[sflag:s7] =	ssyncadd.s32 $0xFFFFFFE0  }
0x27a: {  	[tilespmem:s10], [sflag:$0x13] =	stream.indirect.gather [hbm4b:s1+s0], $0x80, s13, s0, $0xb8;
	[tilespmem:$0x1EB00] =	vst v63  }
0x27b: {  	_ =	swait.ge [sflag:s21], $0x20  }
0x27c: {  	[sflag:s21] =	ssyncset.done $0x0  }
0x27d: {  	[sflag:s21] =	ssyncadd.s32 $0xFFFFFFE0  }
0x27e: {  	_ =	swait.ge [sflag:s21], $0x20  }
0x27f: {  	[sflag:s21] =	ssyncset.done $0x0  }
0x280: {  	s13 =	simm.s32 $0x1DA00;
	[sflag:s21] =	ssyncadd.s32 $0xFFFFFFE0  }
0x281: {  	[tilespmem:s13], [sflag:$0x14] =	stream.indirect.gather [hbm4b:s1+s0], $0x80, s29, s0, $0xb8;
	[tilespmem:$0x1EB00] =	vst v63  }
0x282: {  	s29 =	simm.s32 $0xB  }
0x283: {  	_ =	swait.ge [sflag:s29], $0x1000  }
0x284: {  	[sflag:s29] =	ssyncset.done $0x0  }
0x285: {  	s6 =	simm.s32 $0xC;
	[sflag:s29] =	ssyncadd.s32 $0xFFFFF000  }
0x286: {  	[spmem:s3] =	stream.indirect.scatter.add.f32 [tilespmem:s25], [sflag:$0x15], $0x80, s20, s0, $0xb8;
	[tilespmem:$0x1EB00] =	vst v63  }
0x287: {  	_ =	swait.ge [sflag:s6], $0x1000  }
0x288: {  	[sflag:s6] =	ssyncset.done $0x0  }
0x289: {  	s2 =	simm.s32 $0x14580;
	[sflag:s6] =	ssyncadd.s32 $0xFFFFF000  }
0x28a: {  	[spmem:s3] =	stream.indirect.scatter.add.f32 [tilespmem:s11], [sflag:$0x16], $0x80, s2, s0, $0xb8;
	[tilespmem:$0x1EB00] =	vst v63  }
0x28b: {  	s2 =	simm.s32 $0xD  }
0x28c: {  	_ =	swait.ge [sflag:s2], $0x1000  }
0x28d: {  	[sflag:s2] =	ssyncset.done $0x0  }
0x28e: {  	[sflag:s2] =	ssyncadd.s32 $0xFFFFF000;
	s2 =	simm.s32 $0x14600  }
0x28f: {  	[spmem:s3] =	stream.indirect.scatter.add.f32 [tilespmem:s8], [sflag:$0x17], $0x80, s2, s0, $0xb8;
	[tilespmem:$0x1EB00] =	vst v63  }
0x290: {  	s8 =	simm.s32 $0xE  }
0x291: {  	_ =	swait.ge [sflag:s8], $0x1000  }
0x292: {  	[sflag:s8] =	ssyncset.done $0x0  }
0x293: {  	[sflag:s8] =	ssyncadd.s32 $0xFFFFF000;
	s8 =	simm.s32 $0x14680  }
0x294: {  	[spmem:s3] =	stream.indirect.scatter.add.f32 [tilespmem:s15], [sflag:$0x18], $0x80, s8, s0, $0xb8;
	[tilespmem:$0x1EB00] =	vst v63  }
0x295: {  	s15 =	simm.s32 $0xF  }
0x296: {  	_ =	swait.ge [sflag:s15], $0x1000  }
0x297: {  	[sflag:s15] =	ssyncset.done $0x0  }
0x298: {  	s2 =	simm.s32 $0x10;
	[sflag:s15] =	ssyncadd.s32 $0xFFFFF000  }
0x299: {  	[spmem:s3] =	stream.indirect.scatter.add.f32 [tilespmem:s19], [sflag:$0x19], $0x80, s22, s0, $0xb8;
	[tilespmem:$0x1EB00] =	vst v63  }
0x29a: {  	_ =	swait.ge [sflag:s2], $0x1000  }
0x29b: {  	[sflag:s2] =	ssyncset.done $0x0  }
0x29c: {  	[sflag:s2] =	ssyncadd.s32 $0xFFFFF000  }
0x29d: {  	[spmem:s3] =	stream.indirect.scatter.add.f32 [tilespmem:s9], [sflag:$0x1A], $0x80, s24, s0, $0xb8;
	[tilespmem:$0x1EB00] =	vst v63  }
0x29e: {  	s24 =	simm.s32 $0x11  }
0x29f: {  	_ =	swait.ge [sflag:s24], $0x1000  }
0x2a0: {  	[sflag:s24] =	ssyncset.done $0x0  }
0x2a1: {  	s9 =	simm.s32 $0x12;
	[sflag:s24] =	ssyncadd.s32 $0xFFFFF000  }
0x2a2: {  	[spmem:s3] =	stream.indirect.scatter.add.f32 [tilespmem:s23], [sflag:$0x1B], $0x80, s17, s0, $0xb8;
	[tilespmem:$0x1EB00] =	vst v63  }
0x2a3: {  	_ =	swait.ge [sflag:s9], $0x1000  }
0x2a4: {  	[sflag:s9] =	ssyncset.done $0x0  }
0x2a5: {  	[sflag:s9] =	ssyncadd.s32 $0xFFFFF000  }
0x2a6: {  	[spmem:s3] =	stream.indirect.scatter.add.f32 [tilespmem:s5], [sflag:$0x1C], $0x80, s12, s0, $0xb8;
	[tilespmem:$0x1EB00] =	vst v63  }
0x2a7: {  	s12 =	simm.s32 $0x13  }
0x2a8: {  	_ =	swait.ge [sflag:s12], $0x1000  }
0x2a9: {  	[sflag:s12] =	ssyncset.done $0x0  }
0x2aa: {  	s15 =	simm.s32 $0x14;
	[sflag:s12] =	ssyncadd.s32 $0xFFFFF000  }
0x2ab: {  	[spmem:s3] =	stream.indirect.scatter.add.f32 [tilespmem:s10], [sflag:$0x1D], $0x80, s16, s0, $0xb8;
	[tilespmem:$0x1EB00] =	vst v63  }
0x2ac: {  	_ =	swait.ge [sflag:s15], $0x1000  }
0x2ad: {  	[sflag:s15] =	ssyncset.done $0x0  }
0x2ae: {  	[sflag:s15] =	ssyncadd.s32 $0xFFFFF000  }
0x2af: {  	[spmem:s3] =	stream.indirect.scatter.add.f32 [tilespmem:s13], [sflag:$0x1E], $0x80, s26, s0, $0xb8;
	[tilespmem:$0x1EB00] =	vst v63  }
0x2b0: {  	s26 =	simm.s32 $0x15  }
0x2b1: {  	_ =	swait.ge [sflag:s26], $0x1000  }
0x2b2: {  	[sflag:s26] =	ssyncset.done $0x0  }
0x2b3: {  	s8 =	simm.s32 $0x16;
	[sflag:s26] =	ssyncadd.s32 $0xFFFFF000  }
0x2b4: {  	_ =	swait.ge [sflag:s8], $0x1000  }
0x2b5: {  	[sflag:s8] =	ssyncset.done $0x0  }
0x2b6: {  	s16 =	simm.s32 $0x17;
	[sflag:s8] =	ssyncadd.s32 $0xFFFFF000  }
0x2b7: {  	_ =	swait.ge [sflag:s16], $0x1000  }
0x2b8: {  	[sflag:s16] =	ssyncset.done $0x0  }
0x2b9: {  	s17 =	simm.s32 $0x18;
	[sflag:s16] =	ssyncadd.s32 $0xFFFFF000  }
0x2ba: {  	_ =	swait.ge [sflag:s17], $0x1000  }
0x2bb: {  	[sflag:s17] =	ssyncset.done $0x0  }
0x2bc: {  	s19 =	simm.s32 $0x19;
	[sflag:s17] =	ssyncadd.s32 $0xFFFFF000  }
0x2bd: {  	_ =	swait.ge [sflag:s19], $0x1000  }
0x2be: {  	[sflag:s19] =	ssyncset.done $0x0  }
0x2bf: {  	s22 =	simm.s32 $0x1A;
	[sflag:s19] =	ssyncadd.s32 $0xFFFFF000  }
0x2c0: {  	_ =	swait.ge [sflag:s22], $0x1000  }
0x2c1: {  	[sflag:s22] =	ssyncset.done $0x0  }
0x2c2: {  	s23 =	simm.s32 $0x1B;
	[sflag:s22] =	ssyncadd.s32 $0xFFFFF000  }
0x2c3: {  	_ =	swait.ge [sflag:s23], $0x1000  }
0x2c4: {  	[sflag:s23] =	ssyncset.done $0x0  }
0x2c5: {  	s24 =	simm.s32 $0x1C;
	[sflag:s23] =	ssyncadd.s32 $0xFFFFF000  }
0x2c6: {  	_ =	swait.ge [sflag:s24], $0x1000  }
0x2c7: {  	[sflag:s24] =	ssyncset.done $0x0  }
0x2c8: {  	s9 =	simm.s32 $0x1D;
	[sflag:s24] =	ssyncadd.s32 $0xFFFFF000  }
0x2c9: {  	_ =	swait.ge [sflag:s9], $0x1000  }
0x2ca: {  	[sflag:s9] =	ssyncset.done $0x0  }
0x2cb: {  	[sflag:s9] =	ssyncadd.s32 $0xFFFFF000  }
0x2cc: {  	_ =	swait.ge [sflag:s18], $0x1000  }
0x2cd: {  	s10 =	sld [smem:$0x7EC]  }
0x2ce: {  	[sflag:s18] =	ssyncset.done $0x0  }
0x2cf: {  	s12 =	sld [smem:$0x7ED];
	[sflag:s18] =	ssyncadd.s32 $0xFFFFF000  }
0x2d0: {  	[tilespmem:s28], [sflag:$0x1] =	stream.linear.gather [hbm4b:s10+s4], $0x20, $0x38;
	[tilespmem:$0x1EB00] =	vst v63  }
0x2d1: {  	s13 =	sld [smem:$0x7EE]  }
0x2d2: {  	[tilespmem:s20], [sflag:$0x1] =	stream.linear.gather [hbm4b:s12+s4], $0x20, $0x38;
	[tilespmem:$0x1EB00] =	vst v63  }
0x2d3: {  	s15 =	sld [smem:$0x7EF]  }
0x2d4: {  	[tilespmem:s14], [sflag:$0x2] =	stream.linear.gather [hbm4b:s13+s4], $0x20, $0x38;
	[tilespmem:$0x1EB00] =	vst v63  }
0x2d5: {  	s16 =	simm.s32 $0x14580  }
0x2d6: {  	[tilespmem:s16], [sflag:$0x2] =	stream.linear.gather [hbm4b:s15+s4], $0x20, $0x38;
	[tilespmem:$0x1EB00] =	vst v63  }
0x2d7: {  	_ =	swait.ge [sflag:s30], $0x20  }
0x2d8: {  	[sflag:s30] =	ssyncset.done $0x0  }
0x2d9: {  	[sflag:s30] =	ssyncadd.s32 $0xFFFFFFE0  }
0x2da: {  	_ =	swait.ge [sflag:s30], $0x20  }
0x2db: {  	[sflag:s30] =	ssyncset.done $0x0  }
0x2dc: {  	[sflag:s30] =	ssyncadd.s32 $0xFFFFFFE0  }
0x2dd: {  	[tilespmem:s25], [sflag:$0xB] =	stream.indirect.gather [hbm4b:s1+s0], $0x80, s28, s0, $0xb8;
	[tilespmem:$0x1EB00] =	vst v63  }
0x2de: {  	_ =	swait.ge [sflag:s31], $0x20  }
0x2df: {  	[sflag:s31] =	ssyncset.done $0x0  }
0x2e0: {  	[sflag:s31] =	ssyncadd.s32 $0xFFFFFFE0  }
0x2e1: {  	_ =	swait.ge [sflag:s31], $0x20  }
0x2e2: {  	[sflag:s31] =	ssyncset.done $0x0  }
0x2e3: {  	[sflag:s31] =	ssyncadd.s32 $0xFFFFFFE0  }
0x2e4: {  	[tilespmem:s11], [sflag:$0xC] =	stream.indirect.gather [hbm4b:s1+s0], $0x80, s14, s0, $0xb8;
	[tilespmem:$0x1EB00] =	vst v63  }
0x2e5: {  	_ =	swait.ge [sflag:s29], $0x1000  }
0x2e6: {  	[sflag:s29] =	ssyncset.done $0x0  }
0x2e7: {  	[sflag:s29] =	ssyncadd.s32 $0xFFFFF000  }
0x2e8: {  	[spmem:s3] =	stream.indirect.scatter.add.f32 [tilespmem:s25], [sflag:$0x15], $0x80, s20, s0, $0xb8;
	[tilespmem:$0x1EB00] =	vst v63  }
0x2e9: {  	_ =	swait.ge [sflag:s26], $0x1000  }
0x2ea: {  	[sflag:s26] =	ssyncset.done $0x0  }
0x2eb: {  	[sflag:s26] =	ssyncadd.s32 $0xFFFFF000  }
0x2ec: {  	_ =	swait.ge [sflag:s6], $0x1000  }
0x2ed: {  	[sflag:s6] =	ssyncset.done $0x0  }
0x2ee: {  	[sflag:s6] =	ssyncadd.s32 $0xFFFFF000  }
0x2ef: {  	[spmem:s3] =	stream.indirect.scatter.add.f32 [tilespmem:s11], [sflag:$0x16], $0x80, s16, s0, $0xb8;
	[tilespmem:$0x1EB00] =	vst v63  }
0x2f0: {  	_ =	swait.ge [sflag:s8], $0x1000  }
0x2f1: {  	s17 =	sld [smem:$0x7F1]  }
0x2f2: {  	[sflag:s8] =	ssyncset.done $0x0  }
0x2f3: {  	s18 =	simm.s32 $0x1EA00;
	s30 =	simm.s32 $0x1F;
	[sflag:s8] =	ssyncadd.s32 $0xFFFFF000  }
0x2f4: {  	[tilespmem:s18], [sflag:$0x1F] =	stream.linear.gather [hbm4b:s17+s4], $0x10, $0x38;
	[tilespmem:$0x1EB00] =	vst v63  }
0x2f5: {  	_ =	swait.ge [sflag:s30], $0x10  }
0x2f6: {  	s19 =	sld [smem:$0x7F0]  }
0x2f7: {  	[sflag:s30] =	ssyncset.done $0x0  }
0x2f8: {  	s20 =	simm.s32 $0x1EA80;
	[sflag:s30] =	ssyncadd.s32 $0xFFFFFFF0  }
0x2f9: {  	[tilespmem:s20], [sflag:$0x1F] =	stream.linear.gather [hbm4b:s19+s4], $0x10, $0x38;
	[tilespmem:$0x1EB00] =	vst v63  }
0x2fa: {  	_ =	swait.ge [sflag:s30], $0x10  }
0x2fb: {  	[sflag:s30] =	ssyncset.done $0x0  }
0x2fc: {  	[sflag:s30] =	ssyncadd.s32 $0xFFFFFFF0  }
0x2fd: {  	[tilespmem:s25], [sflag:$0xB] =	stream.indirect.gather [hbm4b:s1+s2], $0x80, s18, s2, $0xb8;
	[tilespmem:$0x1EB00] =	vst v63  }
0x2fe: {  	_ =	swait.ge [sflag:s29], $0x800  }
0x2ff: {  	[sflag:s29] =	ssyncset.done $0x0  }
0x300: {  	[sflag:s29] =	ssyncadd.s32 $0xFFFFF800  }
0x301: {  	[spmem:s3] =	stream.indirect.scatter.add.f32 [tilespmem:s25], [sflag:$0x15], $0x80, s20, s2, $0xb8;
	[tilespmem:$0x1EB00] =	vst v63  }
0x302: {  	_ =	swait.ge [sflag:s26], $0x800  }
0x303: {  	[sflag:s26] =	ssyncset.done $0x0  }
0x304: {  	[sflag:s26] =	ssyncadd.s32 $0xFFFFF800  }
0x305: {  	[bflag:$0x0] =	sbarrier.arrive $0xFFFF  }
0x306: {  	s22 =	stileid.u32;
	s24 =	sld [smem:$0x7F4]  }
0x307: {  	s5 =	sshll.u32 s22, $0x6;
	s26 =	rddreg [dreg:$0x1a]  }
0x308: {  	s5 =	sor.u32 $0x1C1F, s5;
	s23 =	sshrl.u32 s26, $0x3  }
0x309: {  	[hbm:s24], [sflag:s5] =	dma.local [spmem:s23], $0x2800  }
0x30a: {  	_ =	swait.ge [sflag:s30], $0x2800  }
0x30b: {  	s29 =	sld [smem:$0x7E7]  }
0x30c: {  	s31 =	sld [smem:$0x7F5];
	_ =	sdelay $0x1  }
0x30d: {  	s2 =	sadd.s32 $0x1, s29  }
0x30e: {  	p0 =	sne.s32 s2, s31  }
.Ltmp1:
0x30f: {  	_ = 	snop;
	(pc) =	sbr.rel @p0 .LBB2_1-.Ltmp1, $3  }
0x310: {  	[sflag:s30] =	ssyncset.done $0x0  }
0x311: {  	[sflag:s30] =	ssyncadd.s32 $0xFFFFD800  }
0x312: {  	[bflag:$0x0] =	sbarrier.arrive $0xFFFF;
	_ =	sdelay $0x1  }
0x313: {  	_ =	sfence.sel $0x180000  }
0x314: {  	[bflag:$0x0] =	sbarrier.arrive $0xFFFF  }
0x315: {  	_ =	strace $0x9000004A  }
0x316: {  	s0 =	stileid.u32;
	[bflag:$0x2] =	sbarrier.arrive $0xFFFF  }
0x317: {  	p0 =	sne.s32 s0, $0x0;
	s0 =	rddreg [dreg:$0x4]  }
0x318: {  	s0 =	sadd.s32 @!p0 $0x100000, s0  }
0x319: {  	[sflag:s0] =	ssyncadd.tile.s32 @!p0 $0x1;
	_ =	shalt  }
.Lfunc_end2:
_tile_overlayer_lowered:
.L_overlay_start_2:
0x31a: {  	(tag) =	ssettag $0x2  }
0x31b: {  	s0 =	rddreg [dreg:$0x0];
	s2 =	stileid.u32  }
0x31c: {  	s1 =	rddreg [dreg:$0x1];
	p0 =	sne.s32 s2, $0x0  }
0x31d: {  	s3 =	rddreg [dreg:$0x2];
	[bflag:$0x3] =	sbarrier.arrive $0xFFFF;
	s2 =	simm.s32 @!p0 $0x1C1F  }
0x31e: {  	[timem:s3], [sflag:s2] =	dma.local @!p0 [hbm:s0], s1  }
0x31f: {  	s0 =	simm.s32 @!p0 $0x1F  }
0x320: {  	_ =	swait.ge @!p0 [sflag:s0], s1  }
0x321: {  	s1 =	ssub.s32 @!p0 $0x0, s1;
	[sflag:s0] =	ssyncset.done @!p0 $0x0  }
0x322: {  	[sflag:s0] =	ssyncadd.s32 @!p0 s1  }
0x323: {  	[bflag:$0x3] =	sbarrier.arrive $0xFFFF  }
0x324: {  	_ =	shalt  }

// kernel: kernel.14.cloned.1.call-start
scs
__scs_entry_jumppad:
0x0: {  	(pc) =	sbr.rel $0x88, $3  }
0x1: {  	(tag) =	ssettag $0x0;
	lr =	simm.s32 $0x1  }
0x2: {  	[smem:$0x3F99] =	sst lr;
	_ =	strace $0xD0000000  }
0x3: {  	_ = 	snop  }
0x4: {  	_ = 	snop  }
0x5: {  	_ = 	snop  }
0x6: {  	_ = 	snop  }
0x7: {  	_ = 	snop  }
__scs_overlays_trampoline_lowered:
0x8: {  	[smem:$0x3FA8] =	sst s0  }
0x9: {  	[smem:$0x3FA9] =	sst s1  }
0xa: {  	[smem:$0x3FAA] =	sst s2  }
0xb: {  	[smem:$0x3FAB] =	sst s3  }
0xc: {  	[smem:$0x3FAC] =	sst s4  }
0xd: {  	[smem:$0x3FAD] =	sst s5  }
0xe: {  	[smem:$0x3FAE] =	sst s6  }
0xf: {  	[smem:$0x3FAF] =	sst s7  }
0x10: {  	[smem:$0x3FB0] =	sst s8  }
0x11: {  	[smem:$0x3FB1] =	sst s9;
	s0 =	simm.s32 @!p0 $0x0  }
0x12: {  	s1 =	sld [smem:$0x3F97];
	s0 =	simm.s32 @p0 $0x1  }
0x13: {  	[smem:$0x3FB2] =	sst s0;
	s0 =	simm.s32 @!p1 $0x0  }
0x14: {  	s2 =	sld [smem:$0x3F96];
	s0 =	simm.s32 @p1 $0x1  }
0x15: {  	[smem:$0x3FB3] =	sst s0;
	s0 =	simm.s32 @!p2 $0x0  }
0x16: {  	s3 =	sld [smem:$0x3FDB];
	s0 =	simm.s32 @p2 $0x1  }
0x17: {  	s4 =	simm.s32 $0x1BF5;
	[smem:$0x3FB5] =	sst s0  }
0x18: {  	s0 =	sld [smem:$0x3F98];
	_ =	swait.ge [sflag:s4], $0x0  }
0x19: {  	s7 =	sld [smem:$0x3F99]  }
0x1a: {  	s8 =	sadd.s32 $0xFFFFE003, lr  }
0x1b: {  	s9 =	sadd.s32 $0xFFFFFEF7, lr;
	s5 =	simm.s32 $0xFFFFFFFF;
	p2 =	slt.u32 s8, $0xFFFFF086  }
0x1c: {  	p1 =	slt.u32 s9, $0xF7A;
	s5 =	simm.s32 @!p2 $0x0  }
0x1d: {  	s5 =	simm.s32 @p1 $0x1;
	p0 =	seq.s32 s7, s2  }
0x1e: {  	s7 =	smul.u32 @!p0 $0xF7A, s2;
	p2 =	seq.s32 @!p0 s5, $0x0  }
0x1f: {  	s9 =	smul.u32 $0xF7A, s1;
	s8 =	simm.s32 @!p0 $0x1BF5;
	p2 =	por !p2, p0  }
0x20: {  	[sflag:s8] =	ssyncset.s32 @!p0 $0xFFFFF086;
	s6 =	sadd.s32 @!p0 s3, s7;
	s7 =	simm.s32 @!p0 $0x108  }
0x21: {  	s3 =	sadd.s32 s3, s9;
	s6 =	sadd.s32 @!p0 $0x88, s6;
	s7 =	simm.s32 @p2 $0x1082  }
0x22: {  	[simem:s7], [sflag:s8] =	dma.local @!p0 [hbm:s6], $0xF7A  }
0x23: {  	s9 =	sor.u32 $0xD0000000, s2;
	s6 =	simm.s32 $0x108;
	_ =	swait.ge @!p0 [sflag:s8], $0x0  }
0x24: {  	s3 =	sadd.s32 $0x88, s3;
	s6 =	simm.s32 @!p1 $0x1082;
	[sflag:s4] =	ssyncset.s32 $0xFFFFF086  }
0x25: {  	[simem:s6], [sflag:s4] =	dma.local [hbm:s3], $0xF7A  }
0x26: {  	[smem:$0x3F99] =	sst s1;
	(tag) =	ssettag s2;
	_ =	strace s9  }
0x27: {  	s1 =	sld [smem:$0x3FA9]  }
0x28: {  	s2 =	sld [smem:$0x3FAA]  }
0x29: {  	s4 =	sld [smem:$0x3FAC]  }
0x2a: {  	p0 =	seq.s32 s5, $0x0;
	s5 =	sld [smem:$0x3FAD]  }
0x2b: {  	s6 =	sld [smem:$0x3FAE]  }
0x2c: {  	s7 =	sld [smem:$0x3FAF]  }
0x2d: {  	s3 =	simm.s32 $0x108;
	s8 =	sld [smem:$0x3FB0]  }
0x2e: {  	s3 =	simm.s32 @!p0 $0x1082;
	s9 =	sld [smem:$0x3FB1]  }
0x2f: {  	lr =	sadd.s32 s0, s3;
	s0 =	sld [smem:$0x3FA8]  }
0x30: {  	s3 =	sld [smem:$0x3FAB]  }
0x31: {  	[smem:$0x3FB4] =	sst s10  }
0x32: {  	s10 =	sld [smem:$0x3FB2];
	_ =	sdelay $0x3  }
0x33: {  	p0 =	seq.s32 s10, $0x1;
	s10 =	sld [smem:$0x3FB4];
	_ =	sdelay $0x3  }
0x34: {  	[smem:$0x3FB4] =	sst s10  }
0x35: {  	s10 =	sld [smem:$0x3FB3];
	_ =	sdelay $0x3  }
0x36: {  	p1 =	seq.s32 s10, $0x1;
	s10 =	sld [smem:$0x3FB4];
	_ =	sdelay $0x3  }
0x37: {  	[smem:$0x3FB4] =	sst s10  }
0x38: {  	s10 =	sld [smem:$0x3FB5]  }
0x39: {  	_ = 	snop;
	(pc) =	sbr.ind lr, $3  }
0x3a: {  	_ = 	snop  }
0x3b: {  	_ = 	snop  }
0x3c: {  	p2 =	seq.s32 s10, $0x1;
	s10 =	sld [smem:$0x3FB4]  }
0x3d: {  	_ =	shalt  }
0x3e: {  	_ =	shalt  }
0x3f: {  	_ =	shalt  }
0x40: {  	_ =	shalt  }
0x41: {  	_ =	shalt  }
0x42: {  	_ =	shalt  }
0x43: {  	_ =	shalt  }
0x44: {  	_ =	shalt  }
0x45: {  	_ =	shalt  }
0x46: {  	_ =	shalt  }
0x47: {  	_ =	shalt  }
0x48: {  	_ =	shalt  }
0x49: {  	_ =	shalt  }
0x4a: {  	_ =	shalt  }
0x4b: {  	_ =	shalt  }
0x4c: {  	_ =	shalt  }
0x4d: {  	_ =	shalt  }
0x4e: {  	_ =	shalt  }
0x4f: {  	_ =	shalt  }
0x50: {  	_ =	shalt  }
0x51: {  	_ =	shalt  }
0x52: {  	_ =	shalt  }
0x53: {  	_ =	shalt  }
0x54: {  	_ =	shalt  }
0x55: {  	_ =	shalt  }
0x56: {  	_ =	shalt  }
0x57: {  	_ =	shalt  }
0x58: {  	_ =	shalt  }
0x59: {  	_ =	shalt  }
0x5a: {  	_ =	shalt  }
0x5b: {  	_ =	shalt  }
0x5c: {  	_ =	shalt  }
0x5d: {  	_ =	shalt  }
0x5e: {  	_ =	shalt  }
0x5f: {  	_ =	shalt  }
0x60: {  	_ =	shalt  }
0x61: {  	_ =	shalt  }
0x62: {  	_ =	shalt  }
0x63: {  	_ =	shalt  }
0x64: {  	_ =	shalt  }
0x65: {  	_ =	shalt  }
0x66: {  	_ =	shalt  }
0x67: {  	_ =	shalt  }
0x68: {  	_ =	shalt  }
0x69: {  	_ =	shalt  }
0x6a: {  	_ =	shalt  }
0x6b: {  	_ =	shalt  }
0x6c: {  	_ =	shalt  }
0x6d: {  	_ =	shalt  }
0x6e: {  	_ =	shalt  }
0x6f: {  	_ =	shalt  }
0x70: {  	_ =	shalt  }
0x71: {  	_ =	shalt  }
0x72: {  	_ =	shalt  }
0x73: {  	_ =	shalt  }
0x74: {  	_ =	shalt  }
0x75: {  	_ =	shalt  }
0x76: {  	_ =	shalt  }
0x77: {  	_ =	shalt  }
0x78: {  	_ =	shalt  }
0x79: {  	_ =	shalt  }
0x7a: {  	_ =	shalt  }
0x7b: {  	_ =	shalt  }
0x7c: {  	_ =	shalt  }
0x7d: {  	_ =	shalt  }
0x7e: {  	_ =	shalt  }
0x7f: {  	_ =	shalt  }
0x80: {  	_ =	shalt  }
0x81: {  	_ =	shalt  }
0x82: {  	_ =	shalt  }
0x83: {  	_ =	shalt  }
0x84: {  	_ =	shalt  }
0x85: {  	_ =	shalt  }
0x86: {  	_ =	shalt  }
0x87: {  	_ =	shalt  }
.Lfunc_end0:
.L_simem_size_0:
called_computation.2_lowered:
.L_overlay_start_0:
0x88: {  	s2 =	sld [smem:$0x3FD9]  }
0x89: {  	s3 =	sld [smem:$0x3FFE];
	_ =	sdelay $0x1  }
0x8a: {  	s1 =	srdreg.scid  }
0x8b: {  	s0 =	sand.u32 $0x1, s1  }
0x8c: {  	s14 =	sshll.u32 s0, $0xA;
	s2 =	sadd.s32 s3, s2  }
0x8d: {  	s2 =	sadd.s32 s2, s14  }
0x8e: {  	[smem:$0x3FC0] =	sst s2  }
0x8f: {  	_ = 	snop  }
0x90: {  	s2 =	sld [smem:$0x3FD0];
	_ =	sdelay $0x2  }
0x91: {  	s15 =	simm.s32 $0xA;
	s4 =	simm.s32 $0x10  }
0x92: {  	[smem:s4], [sflag:s15] =	dma.local [hbm:s2], $0x1  }
0x93: {  	_ =	swait.eq [sflag:s15], $0x1  }
0x94: {  	[sflag:s15] =	ssyncset.done $0x0  }
0x95: {  	[sflag:s15] =	ssyncadd.s32 $0xFFFFFFFF  }
0x96: {  	s16 =	sld [smem:$0x12];
	(tm) =	ssettm $0x1  }
0x97: {  	s17 =	sld [smem:$0x3FFB];
	_ =	sdelay $0x3  }
0x98: {  	_ =	strace s17  }
0x99: {  	s3 =	sld [smem:$0x3FFC];
	_ =	sdelay $0x3  }
0x9a: {  	_ =	strace s3  }
0x9b: {  	s3 =	sld [smem:$0x3FFD];
	_ =	sdelay $0x3  }
0x9c: {  	_ =	strace s3  }
0x9d: {  	_ =	strace $0x8FFFFFFF  }
0x9e: {  	s18 =	sld [smem:$0x3FDB];
	_ =	sdelay $0x1  }
0x9f: {  	s19 =	simm.s32 $_scs_section_size  }
0xa0: {  	s5 =	simm.s32 $_size__tile_overlayer_lowered;
	s6 =	simm.s32 $_tile_overlayer_lowered  }
0xa1: {  	s22 =	simm.s32 $0x1BFF;
	s21 =	sshll.u32 s6, $0x1;
	s3 =	sadd.s32 s19, s18  }
0xa2: {  	s7 =	simm.s32 $0x0;
	s20 =	sshll.u32 s5, $0x1;
	s5 =	sadd.s32 s21, s3  }
0xa3: {  	[timem:s7], [sflag:s22] =	dma.local [hbm:s5], s20  }
0xa4: {  	_ =	swait.ge [sflag:s22], s20  }
0xa5: {  	s4 =	ssub.s32 $0x0, s20;
	[sflag:s22] =	ssyncset.done $0x0  }
0xa6: {  	[sflag:s22] =	ssyncadd.s32 s4;
	_ =	sdelay $0x1  }
0xa7: {  	s23 =	simm.s32 $0x1B8B  }
0xa8: {  	_ =	swait.ge [sflag:s23], $0x1  }
0xa9: {  	[sflag:s23] =	ssyncset.done $0x0  }
0xaa: {  	s25 =	simm.s32 $0x1B8E;
	s24 =	sld [smem:$0x3FFE];
	[sflag:s23] =	ssyncadd.s32 $0xFFFFFFFF  }
0xab: {  	s26 =	simm.s32 $execute0_lowered;
	[smem:$0x3FD2] =	sst s25  }
0xac: {  	s5 =	sshll.u32 s26, $0x1;
	_ =	strace $0x8000004C;
	[dreg:$0x1] =	wrdreg $0xFFFFFFFF  }
0xad: {  	s28 =	simm.s32 $_size_execute0_lowered;
	s3 =	sadd.s32 s3, s5;
	[dreg:$0x0] =	wrdreg $0x0  }
0xae: {  	s5 =	sshll.u32 s28, $0x1;
	[dreg:$0x2] =	wrdreg s3  }
0xaf: {  	[dreg:$0x3] =	wrdreg s5  }
0xb0: {  	[dreg:$0x4] =	wrdreg $0xC0  }
0xb1: {  	_ =	task [dreg:s7], $0x5FFFF  }
0xb2: {  	[dreg:$0x1] =	wrdreg $0xFFFFFFFF  }
0xb3: {  	[dreg:$0x0] =	wrdreg $0x60  }
0xb4: {  	[dreg:$0x2] =	wrdreg s24  }
0xb5: {  	[dreg:$0x3] =	wrdreg s16  }
0xb6: {  	[dreg:$0x4] =	wrdreg $0x0  }
0xb7: {  	[dreg:$0x5] =	wrdreg $0x9  }
0xb8: {  	_ =	task.clear_ibuf [dreg:s7], $0x6FFFF;
	_ =	strace $0x9000004C  }
0xb9: {  	s29 =	simm.s32 $0x9;
	_ =	strace $0x8000004E  }
0xba: {  	_ =	swait.ge [sflag:s29], $0x1  }
0xbb: {  	[sflag:s29] =	ssyncadd.s32 $0xFFFFFFFF  }
0xbc: {  	_ =	strace $0x9000004E  }
0xbd: {  	_ =	sfence  }
0xbe: {  	s30 =	sld [smem:$0x0];
	_ =	sdelay $0x2  }
0xbf: {  	s31 =	sshll.u32 s1, $0xD;
	s1 =	sshrl.u32 s1, $0x2  }
0xc0: {  	s3 =	sand.u32 $0x4000, s31;
	s1 =	sadd.s32 s1, s30  }
0xc1: {  	s0 =	sor.u32 s3, s0;
	s1 =	sshll.u32 s1, $0x11  }
0xc2: {  	s0 =	sor.u32 s1, s0  }
0xc3: {  	s0 =	sadd.s32 $0x8F2B, s0  }
0xc4: {  	[sflag:s0] =	ssyncadd.remote.s32 $0x1  }
0xc5: {  	_ =	sfence.sel $0xFFFF  }
0xc6: {  	[dreg:$0x0] =	wrdreg $0xFFFFFFFF;
	(pc) =	sbr.abs _section_cstart, $3  }
0xc7: {  	[dreg:$0x1] =	wrdreg $0xFFFFFFFF  }
0xc8: {  	_ =	task.clear_ibuf [dreg:s7], $0x2FFFF;
	_ =	strace $0x9FFFFFFF  }
0xc9: {  	(tm) =	ssettm $0x7FFFFFFF  }
tec
execute0_lowered:
.L_overlay_start_1:
0x0: {  	(tag) =	ssettag $0x1  }
0x1: {  	s1 =	rddreg [dreg:$0x0]  }
0x2: {  	s6 =	rddreg [dreg:$0x1];
	s13 =	stileid.u32  }
0x3: {  	s2 =	rddreg [dreg:$0x2];
	s3 =	simm.s32 $0x0;
	s16 =	smul.u32 $0x50000, s13  }
0x4: {  	s0 =	srdreg.scid;
	[smem:$0x7FF] =	sst s3;
	s9 =	sadd.s32 $0x16800, s1  }
0x5: {  	_ =	strace $0x8000004D;
	[dreg:$0xe] =	wrdreg s9;
	s9 =	sshrl.u32 s16, $0x2  }
0x6: {  	s5 =	sand.u32 $0x1, s0;
	s7 =	smul.u32 $0x2800, s13;
	s16 =	sadd.s32 s9, s2  }
0x7: {  	s0 =	sadd.s32 $0x2E00, s1;
	s18 =	sadd.s32 $0x1000, s16;
	[dreg:$0xf] =	wrdreg s16  }
0x8: {  	s4 =	sadd.s32 $0x16A00, s1;
	s19 =	sadd.s32 $0x2000, s16;
	[dreg:$0x10] =	wrdreg s18  }
0x9: {  	s10 =	smul.u32 $0x4E20, s13;
	s20 =	sadd.s32 $0x3000, s16;
	[dreg:$0x11] =	wrdreg s19  }
0xa: {  	s29 =	smul.u32 $0x9C4, s13;
	s21 =	sadd.s32 $0x4000, s16;
	[dreg:$0x12] =	wrdreg s20  }
0xb: {  	s8 =	smul.u32 $0x28000, s5;
	s22 =	sadd.s32 $0x5000, s16;
	[dreg:$0x13] =	wrdreg s21  }
0xc: {  	s17 =	ssub.s32 $0x2, s5;
	s23 =	sadd.s32 $0x6000, s16;
	[dreg:$0x14] =	wrdreg s22  }
0xd: {  	s12 =	smul.u32 $0x4E200, s5;
	s24 =	sadd.s32 $0x7000, s16;
	[dreg:$0x15] =	wrdreg s23  }
0xe: {  	s11 =	sshrl.u32 s17, $0x1;
	s25 =	sadd.s32 $0x8000, s16;
	[dreg:$0x16] =	wrdreg s24  }
0xf: {  	s30 =	sshrl.u32 s10, $0x3;
	s26 =	sadd.s32 $0x9000, s16;
	[dreg:$0x17] =	wrdreg s25  }
0x10: {  	s7 =	sadd.s32 s7, s8;
	s28 =	sadd.s32 $0xA000, s16;
	[dreg:$0x18] =	wrdreg s26  }
0x11: {  	s5 =	ssub.s32 s17, s11;
	s9 =	sadd.s32 $0xB000, s16;
	[dreg:$0x19] =	wrdreg s28  }
0x12: {  	s1 =	sadd.s32 s7, s1;
	s7 =	sadd.s32 s10, s12;
	[dreg:$0x1a] =	wrdreg s9  }
0x13: {  	s31 =	sadd.s32 $0x120, s7;
	s9 =	sadd.s32 s6, s30;
	s6 =	sadd.s32 s29, s6  }
0x14: {  	s13 =	sadd.s32 $0x100, s7;
	s15 =	sadd.s32 $0xE0, s7;
	s17 =	sadd.s32 $0xC0, s7  }
0x15: {  	s11 =	sshrl.u32 s31, $0x3;
	[dreg:$0x4] =	wrdreg s6;
	s31 =	sadd.s32 $0x9B0, s9  }
0x16: {  	s21 =	sadd.s32 $0xA0, s7;
	s10 =	sadd.s32 $0x9B4, s9;
	[dreg:$0x1b] =	wrdreg s31  }
0x17: {  	s14 =	sshrl.u32 s13, $0x3;
	s13 =	sadd.s32 $0x9C0, s9;
	[dreg:$0x1c] =	wrdreg s10  }
0x18: {  	s8 =	sshrl.u32 s15, $0x3;
	s15 =	smax.u32 s5, $0x1;
	[dreg:$0x1f] =	wrdreg s13  }
0x19: {  	s19 =	sshrl.u32 s17, $0x3;
	s17 =	sadd.s32 $0xC000, s16;
	[smem:$0x7F0] =	sst s15  }
0x1a: {  	s22 =	sshrl.u32 s21, $0x3;
	s21 =	sadd.s32 $0xF000, s16;
	[smem:$0x7F1] =	sst s17  }
0x1b: {  	s12 =	sadd.s32 s11, s0;
	[smem:$0x7F4] =	sst s21  }
0x1c: {  	s6 =	sadd.s32 s14, s0;
	[dreg:$0x5] =	wrdreg s12  }
0x1d: {  	s18 =	sadd.s32 s8, s0;
	[dreg:$0x6] =	wrdreg s6  }
0x1e: {  	s20 =	sadd.s32 s19, s0;
	[dreg:$0x7] =	wrdreg s18  }
0x1f: {  	s11 =	sadd.s32 $0x9B8, s9;
	[dreg:$0x8] =	wrdreg s20  }
0x20: {  	s14 =	sadd.s32 $0x66A00, s1;
	[dreg:$0x1d] =	wrdreg s11  }
0x21: {  	s23 =	sadd.s32 $0x80, s7;
	s19 =	sadd.s32 $0xD000, s16;
	[smem:$0x7EF] =	sst s14  }
0x22: {  	s8 =	sshrl.u32 s23, $0x3;
	s23 =	sadd.s32 $0x11000, s16;
	[smem:$0x7F2] =	sst s19  }
0x23: {  	s6 =	sadd.s32 s22, s0;
	[smem:$0x7F6] =	sst s23  }
0x24: {  	s24 =	sshrl.u32 s7, $0x3;
	s25 =	sadd.s32 s8, s0;
	[dreg:$0x9] =	wrdreg s6  }
0x25: {  	s26 =	sadd.s32 $0x60, s7;
	s12 =	sadd.s32 $0x9BC, s9;
	[dreg:$0xa] =	wrdreg s25  }
0x26: {  	s29 =	sadd.s32 $0x40, s7;
	s20 =	sadd.s32 $0xE000, s16;
	[dreg:$0x1e] =	wrdreg s12  }
0x27: {  	s28 =	sshrl.u32 s26, $0x3;
	s22 =	sadd.s32 $0x10000, s16;
	[smem:$0x7F3] =	sst s20  }
0x28: {  	s18 =	sadd.s32 s24, s0;
	s24 =	sadd.s32 $0x12000, s16;
	[smem:$0x7F5] =	sst s22  }
0x29: {  	s8 =	sshrl.u32 s29, $0x3;
	s6 =	sadd.s32 s28, s0;
	[smem:$0x7F7] =	sst s24  }
0x2a: {  	s30 =	sadd.s32 s8, s0;
	[dreg:$0xb] =	wrdreg s6  }
0x2b: {  	s25 =	sadd.s32 $0x13000, s16;
	[dreg:$0xc] =	wrdreg s30  }
0x2c: {  	s26 =	sadd.s32 $0x9B0, s18;
	[smem:$0x7F8] =	sst s25  }
0x2d: {  	s28 =	sadd.s32 $0x9B4, s18;
	[smem:$0x7F9] =	sst s26  }
0x2e: {  	s7 =	sadd.s32 $0x20, s7;
	s29 =	sadd.s32 $0x9B8, s18;
	[smem:$0x7FA] =	sst s28  }
0x2f: {  	s8 =	sshrl.u32 s7, $0x3;
	s31 =	sadd.s32 $0x9C0, s18;
	[smem:$0x7FB] =	sst s29  }
0x30: {  	s0 =	sadd.s32 s8, s0;
	[smem:$0x7FD] =	sst s31  }
0x31: {  	s5 =	simm.s32 $0x0;
	s30 =	sadd.s32 $0x9BC, s18;
	[dreg:$0xd] =	wrdreg s0  }
0x32: {  	s1 =	simm.s32 $0x1F;
	s10 =	simm.s32 $0x20;
	[smem:$0x7FC] =	sst s30  }
.LBB2_1:
0x33: {  	[smem:$0x7EE] =	sst s5  }
0x34: {  	s0 =	rddreg [dreg:$0xe];
	s6 =	simm.s32 $0x14A00  }
0x35: {  	[tilespmem:s6], [sflag:$0x1F] =	stream.linear.gather [hbm4b:s0+s3], $0x1000, $0x38;
	[tilespmem:$0x1EA00] =	vst v63  }
0x36: {  	_ =	swait.ge [sflag:s1], $0x1000  }
0x37: {  	[sflag:s1] =	ssyncset.done $0x0  }
0x38: {  	s31 =	rddreg [dreg:$0x10];
	[sflag:s1] =	ssyncadd.s32 $0xFFFFF000  }
0x39: {  	[spmem:s16] =	stream.linear.scatter [tilespmem:s6], [sflag:$0x15], $0x1000, $0x38;
	[tilespmem:$0x1EA00] =	vst v63  }
0x3a: {  	s5 =	rddreg [dreg:$0x12]  }
0x3b: {  	[spmem:s31] =	stream.linear.scatter [tilespmem:s6], [sflag:$0x15], $0x1000, $0x38;
	[tilespmem:$0x1EA00] =	vst v63  }
0x3c: {  	s1 =	rddreg [dreg:$0x11]  }
0x3d: {  	[spmem:s1] =	stream.linear.scatter [tilespmem:s6], [sflag:$0x15], $0x1000, $0x38;
	[tilespmem:$0x1EA00] =	vst v63  }
0x3e: {  	s7 =	rddreg [dreg:$0x13]  }
0x3f: {  	[spmem:s5] =	stream.linear.scatter [tilespmem:s6], [sflag:$0x15], $0x1000, $0x38;
	[tilespmem:$0x1EA00] =	vst v63  }
0x40: {  	s8 =	rddreg [dreg:$0x14]  }
0x41: {  	[spmem:s7] =	stream.linear.scatter [tilespmem:s6], [sflag:$0x15], $0x1000, $0x38;
	[tilespmem:$0x1EA00] =	vst v63  }
0x42: {  	s9 =	rddreg [dreg:$0x15]  }
0x43: {  	[spmem:s8] =	stream.linear.scatter [tilespmem:s6], [sflag:$0x15], $0x1000, $0x38;
	[tilespmem:$0x1EA00] =	vst v63  }
0x44: {  	s11 =	rddreg [dreg:$0x16]  }
0x45: {  	[spmem:s9] =	stream.linear.scatter [tilespmem:s6], [sflag:$0x15], $0x1000, $0x38;
	[tilespmem:$0x1EA00] =	vst v63  }
0x46: {  	s12 =	rddreg [dreg:$0x17]  }
0x47: {  	[spmem:s11] =	stream.linear.scatter [tilespmem:s6], [sflag:$0x15], $0x1000, $0x38;
	[tilespmem:$0x1EA00] =	vst v63  }
0x48: {  	s13 =	rddreg [dreg:$0x18]  }
0x49: {  	[spmem:s12] =	stream.linear.scatter [tilespmem:s6], [sflag:$0x15], $0x1000, $0x38;
	[tilespmem:$0x1EA00] =	vst v63  }
0x4a: {  	s14 =	rddreg [dreg:$0x19]  }
0x4b: {  	[spmem:s13] =	stream.linear.scatter [tilespmem:s6], [sflag:$0x15], $0x1000, $0x38;
	[tilespmem:$0x1EA00] =	vst v63  }
0x4c: {  	s15 =	rddreg [dreg:$0x1a]  }
0x4d: {  	[spmem:s14] =	stream.linear.scatter [tilespmem:s6], [sflag:$0x15], $0x1000, $0x38;
	[tilespmem:$0x1EA00] =	vst v63  }
0x4e: {  	s16 =	sld [smem:$0x7F1]  }
0x4f: {  	[spmem:s15] =	stream.linear.scatter [tilespmem:s6], [sflag:$0x15], $0x1000, $0x38;
	[tilespmem:$0x1EA00] =	vst v63  }
0x50: {  	s17 =	sld [smem:$0x7F2]  }
0x51: {  	[spmem:s16] =	stream.linear.scatter [tilespmem:s6], [sflag:$0x15], $0x1000, $0x38;
	[tilespmem:$0x1EA00] =	vst v63  }
0x52: {  	s19 =	sld [smem:$0x7F3]  }
0x53: {  	[spmem:s17] =	stream.linear.scatter [tilespmem:s6], [sflag:$0x15], $0x1000, $0x38;
	[tilespmem:$0x1EA00] =	vst v63  }
0x54: {  	s20 =	sld [smem:$0x7F4]  }
0x55: {  	[spmem:s19] =	stream.linear.scatter [tilespmem:s6], [sflag:$0x15], $0x1000, $0x38;
	[tilespmem:$0x1EA00] =	vst v63  }
0x56: {  	s21 =	sld [smem:$0x7F5]  }
0x57: {  	[spmem:s20] =	stream.linear.scatter [tilespmem:s6], [sflag:$0x15], $0x1000, $0x38;
	[tilespmem:$0x1EA00] =	vst v63  }
0x58: {  	s22 =	sld [smem:$0x7F6]  }
0x59: {  	[spmem:s21] =	stream.linear.scatter [tilespmem:s6], [sflag:$0x15], $0x1000, $0x38;
	[tilespmem:$0x1EA00] =	vst v63  }
0x5a: {  	s23 =	sld [smem:$0x7F7]  }
0x5b: {  	[spmem:s22] =	stream.linear.scatter [tilespmem:s6], [sflag:$0x15], $0x1000, $0x38;
	[tilespmem:$0x1EA00] =	vst v63  }
0x5c: {  	s24 =	sld [smem:$0x7F8]  }
0x5d: {  	[spmem:s23] =	stream.linear.scatter [tilespmem:s6], [sflag:$0x15], $0x1000, $0x38;
	[tilespmem:$0x1EA00] =	vst v63  }
0x5e: {  	s7 =	simm.s32 $0x15  }
0x5f: {  	[spmem:s24] =	stream.linear.scatter [tilespmem:s6], [sflag:$0x15], $0x1000, $0x38;
	[tilespmem:$0x1EA00] =	vst v63  }
0x60: {  	_ =	swait.ge [sflag:s7], $0x1000  }
0x61: {  	[sflag:s7] =	ssyncset.done $0x0  }
0x62: {  	[sflag:s7] =	ssyncadd.s32 $0xFFFFF000  }
0x63: {  	_ =	swait.ge [sflag:s7], $0x1000  }
0x64: {  	[sflag:s7] =	ssyncset.done $0x0  }
0x65: {  	[sflag:s7] =	ssyncadd.s32 $0xFFFFF000  }
0x66: {  	_ =	swait.ge [sflag:s7], $0x1000  }
0x67: {  	[sflag:s7] =	ssyncset.done $0x0  }
0x68: {  	[sflag:s7] =	ssyncadd.s32 $0xFFFFF000  }
0x69: {  	_ =	swait.ge [sflag:s7], $0x1000  }
0x6a: {  	[sflag:s7] =	ssyncset.done $0x0  }
0x6b: {  	[sflag:s7] =	ssyncadd.s32 $0xFFFFF000  }
0x6c: {  	_ =	swait.ge [sflag:s7], $0x1000  }
0x6d: {  	[sflag:s7] =	ssyncset.done $0x0  }
0x6e: {  	[sflag:s7] =	ssyncadd.s32 $0xFFFFF000  }
0x6f: {  	_ =	swait.ge [sflag:s7], $0x1000  }
0x70: {  	[sflag:s7] =	ssyncset.done $0x0  }
0x71: {  	[sflag:s7] =	ssyncadd.s32 $0xFFFFF000  }
0x72: {  	_ =	swait.ge [sflag:s7], $0x1000  }
0x73: {  	[sflag:s7] =	ssyncset.done $0x0  }
0x74: {  	[sflag:s7] =	ssyncadd.s32 $0xFFFFF000  }
0x75: {  	_ =	swait.ge [sflag:s7], $0x1000  }
0x76: {  	[sflag:s7] =	ssyncset.done $0x0  }
0x77: {  	[sflag:s7] =	ssyncadd.s32 $0xFFFFF000  }
0x78: {  	_ =	swait.ge [sflag:s7], $0x1000  }
0x79: {  	[sflag:s7] =	ssyncset.done $0x0  }
0x7a: {  	[sflag:s7] =	ssyncadd.s32 $0xFFFFF000  }
0x7b: {  	_ =	swait.ge [sflag:s7], $0x1000  }
0x7c: {  	[sflag:s7] =	ssyncset.done $0x0  }
0x7d: {  	[sflag:s7] =	ssyncadd.s32 $0xFFFFF000  }
0x7e: {  	_ =	swait.ge [sflag:s7], $0x1000  }
0x7f: {  	[sflag:s7] =	ssyncset.done $0x0  }
0x80: {  	[sflag:s7] =	ssyncadd.s32 $0xFFFFF000  }
0x81: {  	_ =	swait.ge [sflag:s7], $0x1000  }
0x82: {  	[sflag:s7] =	ssyncset.done $0x0  }
0x83: {  	[sflag:s7] =	ssyncadd.s32 $0xFFFFF000  }
0x84: {  	_ =	swait.ge [sflag:s7], $0x1000  }
0x85: {  	[sflag:s7] =	ssyncset.done $0x0  }
0x86: {  	[sflag:s7] =	ssyncadd.s32 $0xFFFFF000  }
0x87: {  	_ =	swait.ge [sflag:s7], $0x1000  }
0x88: {  	[sflag:s7] =	ssyncset.done $0x0  }
0x89: {  	[sflag:s7] =	ssyncadd.s32 $0xFFFFF000  }
0x8a: {  	_ =	swait.ge [sflag:s7], $0x1000  }
0x8b: {  	[sflag:s7] =	ssyncset.done $0x0  }
0x8c: {  	[sflag:s7] =	ssyncadd.s32 $0xFFFFF000  }
0x8d: {  	_ =	swait.ge [sflag:s7], $0x1000  }
0x8e: {  	[sflag:s7] =	ssyncset.done $0x0  }
0x8f: {  	[sflag:s7] =	ssyncadd.s32 $0xFFFFF000  }
0x90: {  	_ =	swait.ge [sflag:s7], $0x1000  }
0x91: {  	[sflag:s7] =	ssyncset.done $0x0  }
0x92: {  	[sflag:s7] =	ssyncadd.s32 $0xFFFFF000  }
0x93: {  	_ =	swait.ge [sflag:s7], $0x1000  }
0x94: {  	[sflag:s7] =	ssyncset.done $0x0  }
0x95: {  	[sflag:s7] =	ssyncadd.s32 $0xFFFFF000  }
0x96: {  	_ =	swait.ge [sflag:s7], $0x1000  }
0x97: {  	[sflag:s7] =	ssyncset.done $0x0  }
0x98: {  	[sflag:s7] =	ssyncadd.s32 $0xFFFFF000  }
0x99: {  	_ =	swait.ge [sflag:s7], $0x1000  }
0x9a: {  	[sflag:s7] =	ssyncset.done $0x0  }
0x9b: {  	[sflag:s7] =	ssyncadd.s32 $0xFFFFF000  }
0x9c: {  	[bflag:$0x0] =	sbarrier.arrive $0xFFFF  }
0x9d: {  	s26 =	sadd.s32 $0x0, s18;
	s8 =	simm.s32 $0x14000;
	s25 =	rddreg [dreg:$0x4]  }
0x9e: {  	[tilespmem:s8], [sflag:$0x1] =	stream.linear.gather [hbm4b:s26+s3], $0x20, $0x38;
	[tilespmem:$0x1EA00] =	vst v63  }
0x9f: {  	s16 =	simm.s32 $0x14500;
	s28 =	rddreg [dreg:$0xd];
	s0 =	sadd.s32 $0x0, s25  }
0xa0: {  	[tilespmem:s16], [sflag:$0x1] =	stream.linear.gather [hbm4b:s0+s3], $0x20, $0x38;
	[tilespmem:$0x1EA00] =	vst v63  }
0xa1: {  	s19 =	simm.s32 $0x14080;
	s29 =	sadd.s32 $0x0, s28  }
0xa2: {  	[tilespmem:s19], [sflag:$0x2] =	stream.linear.gather [hbm4b:s29+s3], $0x20, $0x38;
	[tilespmem:$0x1EA00] =	vst v63  }
0xa3: {  	s21 =	simm.s32 $0x14580;
	s30 =	rddreg [dreg:$0xc];
	s31 =	sadd.s32 $0x4, s0  }
0xa4: {  	[tilespmem:s21], [sflag:$0x2] =	stream.linear.gather [hbm4b:s31+s3], $0x20, $0x38;
	[tilespmem:$0x1EA00] =	vst v63  }
0xa5: {  	s23 =	simm.s32 $0x14100;
	s9 =	sadd.s32 $0x0, s30  }
0xa6: {  	[tilespmem:s23], [sflag:$0x3] =	stream.linear.gather [hbm4b:s9+s3], $0x20, $0x38;
	[tilespmem:$0x1EA00] =	vst v63  }
0xa7: {  	s24 =	simm.s32 $0x14600;
	s11 =	rddreg [dreg:$0xb];
	s12 =	sadd.s32 $0x8, s0  }
0xa8: {  	[tilespmem:s24], [sflag:$0x3] =	stream.linear.gather [hbm4b:s12+s3], $0x20, $0x38;
	[tilespmem:$0x1EA00] =	vst v63  }
0xa9: {  	s14 =	simm.s32 $0x14180;
	s13 =	sadd.s32 $0x0, s11  }
0xaa: {  	[tilespmem:s14], [sflag:$0x4] =	stream.linear.gather [hbm4b:s13+s3], $0x20, $0x38;
	[tilespmem:$0x1EA00] =	vst v63  }
0xab: {  	s15 =	rddreg [dreg:$0xa];
	s25 =	simm.s32 $0x14680;
	s17 =	sadd.s32 $0xC, s0  }
0xac: {  	[tilespmem:s25], [sflag:$0x4] =	stream.linear.gather [hbm4b:s17+s3], $0x20, $0x38;
	[tilespmem:$0x1EA00] =	vst v63  }
0xad: {  	s20 =	sadd.s32 $0x0, s15;
	s29 =	simm.s32 $0x14200  }
0xae: {  	[tilespmem:s29], [sflag:$0x5] =	stream.linear.gather [hbm4b:s20+s3], $0x20, $0x38;
	[tilespmem:$0x1EA00] =	vst v63  }
0xaf: {  	s22 =	rddreg [dreg:$0x9];
	s26 =	sadd.s32 $0x10, s0;
	s9 =	simm.s32 $0x14700  }
0xb0: {  	[tilespmem:s9], [sflag:$0x5] =	stream.linear.gather [hbm4b:s26+s3], $0x20, $0x38;
	[tilespmem:$0x1EA00] =	vst v63  }
0xb1: {  	s28 =	sadd.s32 $0x0, s22;
	s11 =	simm.s32 $0x14280  }
0xb2: {  	[tilespmem:s11], [sflag:$0x6] =	stream.linear.gather [hbm4b:s28+s3], $0x20, $0x38;
	[tilespmem:$0x1EA00] =	vst v63  }
0xb3: {  	s30 =	rddreg [dreg:$0x8];
	s31 =	sadd.s32 $0x14, s0;
	s13 =	simm.s32 $0x14780  }
0xb4: {  	[tilespmem:s13], [sflag:$0x6] =	stream.linear.gather [hbm4b:s31+s3], $0x20, $0x38;
	[tilespmem:$0x1EA00] =	vst v63  }
0xb5: {  	s15 =	simm.s32 $0x14300;
	s5 =	sadd.s32 $0x0, s30  }
0xb6: {  	[tilespmem:s15], [sflag:$0x7] =	stream.linear.gather [hbm4b:s5+s3], $0x20, $0x38;
	[tilespmem:$0x1EA00] =	vst v63  }
0xb7: {  	s12 =	rddreg [dreg:$0x7];
	s17 =	simm.s32 $0x14800;
	s20 =	sadd.s32 $0x18, s0  }
0xb8: {  	[tilespmem:s17], [sflag:$0x7] =	stream.linear.gather [hbm4b:s20+s3], $0x20, $0x38;
	[tilespmem:$0x1EA00] =	vst v63  }
0xb9: {  	s22 =	sadd.s32 $0x0, s12;
	s20 =	simm.s32 $0x14380  }
0xba: {  	[tilespmem:s20], [sflag:$0x8] =	stream.linear.gather [hbm4b:s22+s3], $0x20, $0x38;
	[tilespmem:$0x1EA00] =	vst v63  }
0xbb: {  	s26 =	rddreg [dreg:$0x6];
	s28 =	sadd.s32 $0x1C, s0;
	s22 =	simm.s32 $0x14880  }
0xbc: {  	[tilespmem:s22], [sflag:$0x8] =	stream.linear.gather [hbm4b:s28+s3], $0x20, $0x38;
	[tilespmem:$0x1EA00] =	vst v63  }
0xbd: {  	s12 =	simm.s32 $0x14400;
	s30 =	sadd.s32 $0x0, s26  }
0xbe: {  	[tilespmem:s12], [sflag:$0x9] =	stream.linear.gather [hbm4b:s30+s3], $0x20, $0x38;
	[tilespmem:$0x1EA00] =	vst v63  }
0xbf: {  	s26 =	simm.s32 $0x14900;
	s31 =	rddreg [dreg:$0x5];
	s28 =	sadd.s32 $0x20, s0  }
0xc0: {  	[tilespmem:s26], [sflag:$0x9] =	stream.linear.gather [hbm4b:s28+s3], $0x20, $0x38;
	[tilespmem:$0x1EA00] =	vst v63  }
0xc1: {  	s5 =	simm.s32 $0x14480;
	s30 =	sadd.s32 $0x0, s31  }
0xc2: {  	[tilespmem:s5], [sflag:$0xA] =	stream.linear.gather [hbm4b:s30+s3], $0x20, $0x38;
	[tilespmem:$0x1EA00] =	vst v63  }
0xc3: {  	s1 =	simm.s32 $0x14980;
	s0 =	sadd.s32 $0x24, s0;
	s31 =	simm.s32 $0x1  }
0xc4: {  	[tilespmem:s1], [sflag:$0xA] =	stream.linear.gather [hbm4b:s0+s3], $0x20, $0x38;
	[tilespmem:$0x1EA00] =	vst v63  }
0xc5: {  	_ =	swait.ge [sflag:s31], $0x20  }
0xc6: {  	[sflag:s31] =	ssyncset.done $0x0  }
0xc7: {  	[sflag:s31] =	ssyncadd.s32 $0xFFFFFFE0  }
0xc8: {  	_ =	swait.ge [sflag:s31], $0x20  }
0xc9: {  	[sflag:s31] =	ssyncset.done $0x0  }
0xca: {  	s28 =	simm.s32 $0x2;
	[sflag:s31] =	ssyncadd.s32 $0xFFFFFFE0  }
0xcb: {  	[tilespmem:s6], [sflag:$0xB] =	stream.indirect.gather [hbm4b:s4+s10], $0x80, s8, s10, $0xb8;
	[tilespmem:$0x1EA00] =	vst v63  }
0xcc: {  	_ =	swait.ge [sflag:s28], $0x20  }
0xcd: {  	[sflag:s28] =	ssyncset.done $0x0  }
0xce: {  	[sflag:s28] =	ssyncadd.s32 $0xFFFFFFE0  }
0xcf: {  	_ =	swait.ge [sflag:s28], $0x20  }
0xd0: {  	[sflag:s28] =	ssyncset.done $0x0  }
0xd1: {  	s30 =	simm.s32 $0x3;
	s0 =	simm.s32 $0x15A00;
	[sflag:s28] =	ssyncadd.s32 $0xFFFFFFE0  }
0xd2: {  	[tilespmem:s0], [sflag:$0xC] =	stream.indirect.gather [hbm4b:s4+s10], $0x80, s19, s10, $0xb8;
	[tilespmem:$0x1EA00] =	vst v63  }
0xd3: {  	_ =	swait.ge [sflag:s30], $0x20  }
0xd4: {  	[sflag:s30] =	ssyncset.done $0x0  }
0xd5: {  	[sflag:s30] =	ssyncadd.s32 $0xFFFFFFE0  }
0xd6: {  	_ =	swait.ge [sflag:s30], $0x20  }
0xd7: {  	[sflag:s30] =	ssyncset.done $0x0  }
0xd8: {  	s31 =	simm.s32 $0x4;
	s8 =	simm.s32 $0x16A00;
	[sflag:s30] =	ssyncadd.s32 $0xFFFFFFE0  }
0xd9: {  	[tilespmem:s8], [sflag:$0xD] =	stream.indirect.gather [hbm4b:s4+s10], $0x80, s23, s10, $0xb8;
	[tilespmem:$0x1EA00] =	vst v63  }
0xda: {  	_ =	swait.ge [sflag:s31], $0x20  }
0xdb: {  	[sflag:s31] =	ssyncset.done $0x0  }
0xdc: {  	[sflag:s31] =	ssyncadd.s32 $0xFFFFFFE0  }
0xdd: {  	_ =	swait.ge [sflag:s31], $0x20  }
0xde: {  	[sflag:s31] =	ssyncset.done $0x0  }
0xdf: {  	s19 =	simm.s32 $0x17A00;
	s23 =	simm.s32 $0x5;
	[sflag:s31] =	ssyncadd.s32 $0xFFFFFFE0  }
0xe0: {  	[tilespmem:s19], [sflag:$0xE] =	stream.indirect.gather [hbm4b:s4+s10], $0x80, s14, s10, $0xb8;
	[tilespmem:$0x1EA00] =	vst v63  }
0xe1: {  	_ =	swait.ge [sflag:s23], $0x20  }
0xe2: {  	[sflag:s23] =	ssyncset.done $0x0  }
0xe3: {  	[sflag:s23] =	ssyncadd.s32 $0xFFFFFFE0  }
0xe4: {  	_ =	swait.ge [sflag:s23], $0x20  }
0xe5: {  	[sflag:s23] =	ssyncset.done $0x0  }
0xe6: {  	s28 =	simm.s32 $0x6;
	s14 =	simm.s32 $0x18A00;
	[sflag:s23] =	ssyncadd.s32 $0xFFFFFFE0  }
0xe7: {  	[tilespmem:s14], [sflag:$0xF] =	stream.indirect.gather [hbm4b:s4+s10], $0x80, s29, s10, $0xb8;
	[tilespmem:$0x1EA00] =	vst v63  }
0xe8: {  	_ =	swait.ge [sflag:s28], $0x20  }
0xe9: {  	[sflag:s28] =	ssyncset.done $0x0  }
0xea: {  	[sflag:s28] =	ssyncadd.s32 $0xFFFFFFE0  }
0xeb: {  	_ =	swait.ge [sflag:s28], $0x20  }
0xec: {  	[sflag:s28] =	ssyncset.done $0x0  }
0xed: {  	s23 =	simm.s32 $0x19A00;
	s29 =	simm.s32 $0x7;
	[sflag:s28] =	ssyncadd.s32 $0xFFFFFFE0  }
0xee: {  	[tilespmem:s23], [sflag:$0x10] =	stream.indirect.gather [hbm4b:s4+s10], $0x80, s11, s10, $0xb8;
	[tilespmem:$0x1EA00] =	vst v63  }
0xef: {  	_ =	swait.ge [sflag:s29], $0x20  }
0xf0: {  	[sflag:s29] =	ssyncset.done $0x0  }
0xf1: {  	[sflag:s29] =	ssyncadd.s32 $0xFFFFFFE0  }
0xf2: {  	_ =	swait.ge [sflag:s29], $0x20  }
0xf3: {  	[sflag:s29] =	ssyncset.done $0x0  }
0xf4: {  	s30 =	simm.s32 $0x8;
	s11 =	simm.s32 $0x1AA00;
	[sflag:s29] =	ssyncadd.s32 $0xFFFFFFE0  }
0xf5: {  	[tilespmem:s11], [sflag:$0x11] =	stream.indirect.gather [hbm4b:s4+s10], $0x80, s15, s10, $0xb8;
	[tilespmem:$0x1EA00] =	vst v63  }
0xf6: {  	_ =	swait.ge [sflag:s30], $0x20  }
0xf7: {  	[sflag:s30] =	ssyncset.done $0x0  }
0xf8: {  	[sflag:s30] =	ssyncadd.s32 $0xFFFFFFE0  }
0xf9: {  	_ =	swait.ge [sflag:s30], $0x20  }
0xfa: {  	[sflag:s30] =	ssyncset.done $0x0  }
0xfb: {  	s31 =	simm.s32 $0x9;
	s15 =	simm.s32 $0x1BA00;
	[sflag:s30] =	ssyncadd.s32 $0xFFFFFFE0  }
0xfc: {  	[tilespmem:s15], [sflag:$0x12] =	stream.indirect.gather [hbm4b:s4+s10], $0x80, s20, s10, $0xb8;
	[tilespmem:$0x1EA00] =	vst v63  }
0xfd: {  	_ =	swait.ge [sflag:s31], $0x20  }
0xfe: {  	[sflag:s31] =	ssyncset.done $0x0  }
0xff: {  	[sflag:s31] =	ssyncadd.s32 $0xFFFFFFE0  }
0x100: {  	_ =	swait.ge [sflag:s31], $0x20  }
0x101: {  	[sflag:s31] =	ssyncset.done $0x0  }
0x102: {  	s28 =	simm.s32 $0xA;
	s20 =	simm.s32 $0x1CA00;
	[sflag:s31] =	ssyncadd.s32 $0xFFFFFFE0  }
0x103: {  	[tilespmem:s20], [sflag:$0x13] =	stream.indirect.gather [hbm4b:s4+s10], $0x80, s12, s10, $0xb8;
	[tilespmem:$0x1EA00] =	vst v63  }
0x104: {  	_ =	swait.ge [sflag:s28], $0x20  }
0x105: {  	[sflag:s28] =	ssyncset.done $0x0  }
0x106: {  	[sflag:s28] =	ssyncadd.s32 $0xFFFFFFE0  }
0x107: {  	_ =	swait.ge [sflag:s28], $0x20  }
0x108: {  	[sflag:s28] =	ssyncset.done $0x0  }
0x109: {  	s29 =	simm.s32 $0x1DA00;
	s30 =	simm.s32 $0xB;
	[sflag:s28] =	ssyncadd.s32 $0xFFFFFFE0  }
0x10a: {  	[tilespmem:s29], [sflag:$0x14] =	stream.indirect.gather [hbm4b:s4+s10], $0x80, s5, s10, $0xb8;
	[tilespmem:$0x1EA00] =	vst v63  }
0x10b: {  	_ =	swait.ge [sflag:s30], $0x1000  }
0x10c: {  	[sflag:s30] =	ssyncset.done $0x0  }
0x10d: {  	s31 =	simm.s32 $0xC;
	[sflag:s30] =	ssyncadd.s32 $0xFFFFF000  }
0x10e: {  	[spmem:s2] =	stream.indirect.scatter.add.f32 [tilespmem:s6], [sflag:$0x15], $0x80, s16, s10, $0xb8;
	[tilespmem:$0x1EA00] =	vst v63  }
0x10f: {  	_ =	swait.ge [sflag:s31], $0x1000  }
0x110: {  	[sflag:s31] =	ssyncset.done $0x0  }
0x111: {  	s5 =	simm.s32 $0xD;
	[sflag:s31] =	ssyncadd.s32 $0xFFFFF000  }
0x112: {  	[spmem:s2] =	stream.indirect.scatter.add.f32 [tilespmem:s0], [sflag:$0x16], $0x80, s21, s10, $0xb8;
	[tilespmem:$0x1EA00] =	vst v63  }
0x113: {  	_ =	swait.ge [sflag:s5], $0x1000  }
0x114: {  	[sflag:s5] =	ssyncset.done $0x0  }
0x115: {  	s6 =	simm.s32 $0xE;
	[sflag:s5] =	ssyncadd.s32 $0xFFFFF000  }
0x116: {  	[spmem:s2] =	stream.indirect.scatter.add.f32 [tilespmem:s8], [sflag:$0x17], $0x80, s24, s10, $0xb8;
	[tilespmem:$0x1EA00] =	vst v63  }
0x117: {  	_ =	swait.ge [sflag:s6], $0x1000  }
0x118: {  	[sflag:s6] =	ssyncset.done $0x0  }
0x119: {  	s8 =	simm.s32 $0xF;
	[sflag:s6] =	ssyncadd.s32 $0xFFFFF000  }
0x11a: {  	[spmem:s2] =	stream.indirect.scatter.add.f32 [tilespmem:s19], [sflag:$0x18], $0x80, s25, s10, $0xb8;
	[tilespmem:$0x1EA00] =	vst v63  }
0x11b: {  	_ =	swait.ge [sflag:s8], $0x1000  }
0x11c: {  	[sflag:s8] =	ssyncset.done $0x0  }
0x11d: {  	[sflag:s8] =	ssyncadd.s32 $0xFFFFF000  }
0x11e: {  	[spmem:s2] =	stream.indirect.scatter.add.f32 [tilespmem:s14], [sflag:$0x19], $0x80, s9, s10, $0xb8;
	[tilespmem:$0x1EA00] =	vst v63  }
0x11f: {  	s14 =	simm.s32 $0x10  }
0x120: {  	_ =	swait.ge [sflag:s14], $0x1000  }
0x121: {  	[sflag:s14] =	ssyncset.done $0x0  }
0x122: {  	s16 =	simm.s32 $0x11;
	[sflag:s14] =	ssyncadd.s32 $0xFFFFF000  }
0x123: {  	[spmem:s2] =	stream.indirect.scatter.add.f32 [tilespmem:s23], [sflag:$0x1A], $0x80, s13, s10, $0xb8;
	[tilespmem:$0x1EA00] =	vst v63  }
0x124: {  	_ =	swait.ge [sflag:s16], $0x1000  }
0x125: {  	[sflag:s16] =	ssyncset.done $0x0  }
0x126: {  	[sflag:s16] =	ssyncadd.s32 $0xFFFFF000  }
0x127: {  	[spmem:s2] =	stream.indirect.scatter.add.f32 [tilespmem:s11], [sflag:$0x1B], $0x80, s17, s10, $0xb8;
	[tilespmem:$0x1EA00] =	vst v63  }
0x128: {  	s17 =	simm.s32 $0x12  }
0x129: {  	_ =	swait.ge [sflag:s17], $0x1000  }
0x12a: {  	[sflag:s17] =	ssyncset.done $0x0  }
0x12b: {  	s19 =	simm.s32 $0x13;
	[sflag:s17] =	ssyncadd.s32 $0xFFFFF000  }
0x12c: {  	[spmem:s2] =	stream.indirect.scatter.add.f32 [tilespmem:s15], [sflag:$0x1C], $0x80, s22, s10, $0xb8;
	[tilespmem:$0x1EA00] =	vst v63  }
0x12d: {  	_ =	swait.ge [sflag:s19], $0x1000  }
0x12e: {  	[sflag:s19] =	ssyncset.done $0x0  }
0x12f: {  	s21 =	simm.s32 $0x14;
	[sflag:s19] =	ssyncadd.s32 $0xFFFFF000  }
0x130: {  	[spmem:s2] =	stream.indirect.scatter.add.f32 [tilespmem:s20], [sflag:$0x1D], $0x80, s26, s10, $0xb8;
	[tilespmem:$0x1EA00] =	vst v63  }
0x131: {  	_ =	swait.ge [sflag:s21], $0x1000  }
0x132: {  	[sflag:s21] =	ssyncset.done $0x0  }
0x133: {  	[sflag:s21] =	ssyncadd.s32 $0xFFFFF000  }
0x134: {  	[spmem:s2] =	stream.indirect.scatter.add.f32 [tilespmem:s29], [sflag:$0x1E], $0x80, s1, s10, $0xb8;
	[tilespmem:$0x1EA00] =	vst v63  }
0x135: {  	_ =	swait.ge [sflag:s7], $0x1000  }
0x136: {  	[sflag:s7] =	ssyncset.done $0x0  }
0x137: {  	s22 =	simm.s32 $0x16;
	[sflag:s7] =	ssyncadd.s32 $0xFFFFF000  }
0x138: {  	_ =	swait.ge [sflag:s22], $0x1000  }
0x139: {  	[sflag:s22] =	ssyncset.done $0x0  }
0x13a: {  	s23 =	simm.s32 $0x17;
	[sflag:s22] =	ssyncadd.s32 $0xFFFFF000  }
0x13b: {  	_ =	swait.ge [sflag:s23], $0x1000  }
0x13c: {  	[sflag:s23] =	ssyncset.done $0x0  }
0x13d: {  	s24 =	simm.s32 $0x18;
	[sflag:s23] =	ssyncadd.s32 $0xFFFFF000  }
0x13e: {  	_ =	swait.ge [sflag:s24], $0x1000  }
0x13f: {  	[sflag:s24] =	ssyncset.done $0x0  }
0x140: {  	s25 =	simm.s32 $0x19;
	[sflag:s24] =	ssyncadd.s32 $0xFFFFF000  }
0x141: {  	_ =	swait.ge [sflag:s25], $0x1000  }
0x142: {  	[sflag:s25] =	ssyncset.done $0x0  }
0x143: {  	s26 =	simm.s32 $0x1A;
	[sflag:s25] =	ssyncadd.s32 $0xFFFFF000  }
0x144: {  	_ =	swait.ge [sflag:s26], $0x1000  }
0x145: {  	[sflag:s26] =	ssyncset.done $0x0  }
0x146: {  	s28 =	simm.s32 $0x1B;
	[sflag:s26] =	ssyncadd.s32 $0xFFFFF000  }
0x147: {  	_ =	swait.ge [sflag:s28], $0x1000  }
0x148: {  	[sflag:s28] =	ssyncset.done $0x0  }
0x149: {  	s29 =	simm.s32 $0x1C;
	[sflag:s28] =	ssyncadd.s32 $0xFFFFF000  }
0x14a: {  	_ =	swait.ge [sflag:s29], $0x1000  }
0x14b: {  	[sflag:s29] =	ssyncset.done $0x0  }
0x14c: {  	s30 =	simm.s32 $0x1D;
	[sflag:s29] =	ssyncadd.s32 $0xFFFFF000  }
0x14d: {  	_ =	swait.ge [sflag:s30], $0x1000  }
0x14e: {  	[sflag:s30] =	ssyncset.done $0x0  }
0x14f: {  	s31 =	simm.s32 $0x1E;
	[sflag:s30] =	ssyncadd.s32 $0xFFFFF000  }
0x150: {  	s0 =	simm.s32 $0x28;
	s5 =	sadd.s32 $0x28, s18;
	_ =	swait.ge [sflag:s31], $0x1000  }
0x151: {  	s1 =	simm.s32 $0x50;
	s8 =	rddreg [dreg:$0x4];
	[sflag:s31] =	ssyncset.done $0x0  }
.LBB2_2:
0x152: {  	s6 =	sadd.s32 s1, s18;
	s28 =	simm.s32 $0x1E  }
0x153: {  	s19 =	smov.u32 s18;
	s21 =	simm.s32 $0x14000;
	[sflag:s28] =	ssyncadd.s32 $0xFFFFF000  }
0x154: {  	[tilespmem:s21], [sflag:$0x1] =	stream.linear.gather [hbm4b:s5+s3], $0x20, $0x38;
	[tilespmem:$0x1EA00] =	vst v63  }
0x155: {  	s17 =	rddreg [dreg:$0xd];
	s8 =	sadd.s32 s0, s8;
	s23 =	simm.s32 $0x14500  }
0x156: {  	[tilespmem:s23], [sflag:$0x1] =	stream.linear.gather [hbm4b:s8+s3], $0x20, $0x38;
	[tilespmem:$0x1EA00] =	vst v63  }
0x157: {  	s16 =	rddreg [dreg:$0xc];
	s24 =	simm.s32 $0x14080;
	s18 =	sadd.s32 s0, s17  }
0x158: {  	[tilespmem:s24], [sflag:$0x2] =	stream.linear.gather [hbm4b:s18+s3], $0x20, $0x38;
	[tilespmem:$0x1EA00] =	vst v63  }
0x159: {  	s20 =	sadd.s32 $0x4, s8;
	s18 =	smov.u32 s19;
	s19 =	simm.s32 $0x14580  }
0x15a: {  	[tilespmem:s19], [sflag:$0x2] =	stream.linear.gather [hbm4b:s20+s3], $0x20, $0x38;
	[tilespmem:$0x1EA00] =	vst v63  }
0x15b: {  	s25 =	simm.s32 $0x14100;
	s22 =	sadd.s32 s0, s16  }
0x15c: {  	[tilespmem:s25], [sflag:$0x3] =	stream.linear.gather [hbm4b:s22+s3], $0x20, $0x38;
	[tilespmem:$0x1EA00] =	vst v63  }
0x15d: {  	s26 =	rddreg [dreg:$0xb];
	s29 =	simm.s32 $0x14600;
	s30 =	sadd.s32 $0x8, s8  }
0x15e: {  	[tilespmem:s29], [sflag:$0x3] =	stream.linear.gather [hbm4b:s30+s3], $0x20, $0x38;
	[tilespmem:$0x1EA00] =	vst v63  }
0x15f: {  	s14 =	simm.s32 $0x14180;
	s31 =	sadd.s32 s0, s26  }
0x160: {  	[tilespmem:s14], [sflag:$0x4] =	stream.linear.gather [hbm4b:s31+s3], $0x20, $0x38;
	[tilespmem:$0x1EA00] =	vst v63  }
0x161: {  	s9 =	rddreg [dreg:$0xa];
	s11 =	sadd.s32 $0xC, s8;
	s30 =	simm.s32 $0x14680  }
0x162: {  	[tilespmem:s30], [sflag:$0x4] =	stream.linear.gather [hbm4b:s11+s3], $0x20, $0x38;
	[tilespmem:$0x1EA00] =	vst v63  }
0x163: {  	s12 =	sadd.s32 s0, s9;
	s31 =	simm.s32 $0x14200  }
0x164: {  	[tilespmem:s31], [sflag:$0x5] =	stream.linear.gather [hbm4b:s12+s3], $0x20, $0x38;
	[tilespmem:$0x1EA00] =	vst v63  }
0x165: {  	s13 =	rddreg [dreg:$0x9];
	s15 =	sadd.s32 $0x10, s8;
	s9 =	simm.s32 $0x14700  }
0x166: {  	[tilespmem:s9], [sflag:$0x5] =	stream.linear.gather [hbm4b:s15+s3], $0x20, $0x38;
	[tilespmem:$0x1EA00] =	vst v63  }
0x167: {  	s17 =	sadd.s32 s0, s13;
	s11 =	simm.s32 $0x14280  }
0x168: {  	[tilespmem:s11], [sflag:$0x6] =	stream.linear.gather [hbm4b:s17+s3], $0x20, $0x38;
	[tilespmem:$0x1EA00] =	vst v63  }
0x169: {  	s13 =	simm.s32 $0x14780;
	s20 =	rddreg [dreg:$0x8];
	s22 =	sadd.s32 $0x14, s8  }
0x16a: {  	[tilespmem:s13], [sflag:$0x6] =	stream.linear.gather [hbm4b:s22+s3], $0x20, $0x38;
	[tilespmem:$0x1EA00] =	vst v63  }
0x16b: {  	s26 =	sadd.s32 s0, s20;
	s15 =	simm.s32 $0x14300  }
0x16c: {  	[tilespmem:s15], [sflag:$0x7] =	stream.linear.gather [hbm4b:s26+s3], $0x20, $0x38;
	[tilespmem:$0x1EA00] =	vst v63  }
0x16d: {  	s20 =	sadd.s32 $0x18, s8;
	s12 =	rddreg [dreg:$0x7];
	s17 =	simm.s32 $0x14800  }
0x16e: {  	[tilespmem:s17], [sflag:$0x7] =	stream.linear.gather [hbm4b:s20+s3], $0x20, $0x38;
	[tilespmem:$0x1EA00] =	vst v63  }
0x16f: {  	s7 =	smov.u32 s1;
	s22 =	sadd.s32 s0, s12;
	s20 =	simm.s32 $0x14380  }
0x170: {  	[tilespmem:s20], [sflag:$0x8] =	stream.linear.gather [hbm4b:s22+s3], $0x20, $0x38;
	[tilespmem:$0x1EA00] =	vst v63  }
0x171: {  	s12 =	sadd.s32 $0x1C, s8;
	s26 =	rddreg [dreg:$0x6];
	s22 =	simm.s32 $0x14880  }
0x172: {  	[tilespmem:s22], [sflag:$0x8] =	stream.linear.gather [hbm4b:s12+s3], $0x20, $0x38;
	[tilespmem:$0x1EA00] =	vst v63  }
0x173: {  	s16 =	rddreg [dreg:$0x5];
	s26 =	sadd.s32 s0, s26;
	s12 =	simm.s32 $0x14400  }
0x174: {  	[tilespmem:s12], [sflag:$0x9] =	stream.linear.gather [hbm4b:s26+s3], $0x20, $0x38;
	[tilespmem:$0x1EA00] =	vst v63  }
0x175: {  	s5 =	smov.u32 s6;
	s6 =	sadd.s32 $0x20, s8;
	s26 =	simm.s32 $0x14900  }
0x176: {  	[tilespmem:s26], [sflag:$0x9] =	stream.linear.gather [hbm4b:s6+s3], $0x20, $0x38;
	[tilespmem:$0x1EA00] =	vst v63  }
0x177: {  	s16 =	sadd.s32 s0, s16;
	s0 =	smov.u32 s7;
	s7 =	simm.s32 $0x14480  }
0x178: {  	[tilespmem:s7], [sflag:$0xA] =	stream.linear.gather [hbm4b:s16+s3], $0x20, $0x38;
	[tilespmem:$0x1EA00] =	vst v63  }
0x179: {  	s16 =	sadd.s32 $0x24, s8;
	s8 =	simm.s32 $0x14980  }
0x17a: {  	[tilespmem:s8], [sflag:$0xA] =	stream.linear.gather [hbm4b:s16+s3], $0x20, $0x38;
	[tilespmem:$0x1EA00] =	vst v63  }
0x17b: {  	s16 =	simm.s32 $0x1  }
0x17c: {  	_ =	swait.ge [sflag:s16], $0x20  }
0x17d: {  	[sflag:s16] =	ssyncset.done $0x0  }
0x17e: {  	[sflag:s16] =	ssyncadd.s32 $0xFFFFFFE0  }
0x17f: {  	_ =	swait.ge [sflag:s16], $0x20  }
0x180: {  	[sflag:s16] =	ssyncset.done $0x0  }
0x181: {  	s6 =	simm.s32 $0x14A00;
	[sflag:s16] =	ssyncadd.s32 $0xFFFFFFE0  }
0x182: {  	[tilespmem:s6], [sflag:$0xB] =	stream.indirect.gather [hbm4b:s4+s10], $0x80, s21, s10, $0xb8;
	[tilespmem:$0x1EA00] =	vst v63  }
0x183: {  	s21 =	simm.s32 $0x2  }
0x184: {  	_ =	swait.ge [sflag:s21], $0x20  }
0x185: {  	[sflag:s21] =	ssyncset.done $0x0  }
0x186: {  	[sflag:s21] =	ssyncadd.s32 $0xFFFFFFE0  }
0x187: {  	_ =	swait.ge [sflag:s21], $0x20  }
0x188: {  	[sflag:s21] =	ssyncset.done $0x0  }
0x189: {  	s16 =	simm.s32 $0x15A00;
	[sflag:s21] =	ssyncadd.s32 $0xFFFFFFE0  }
0x18a: {  	[tilespmem:s16], [sflag:$0xC] =	stream.indirect.gather [hbm4b:s4+s10], $0x80, s24, s10, $0xb8;
	[tilespmem:$0x1EA00] =	vst v63  }
0x18b: {  	s24 =	simm.s32 $0x3  }
0x18c: {  	_ =	swait.ge [sflag:s24], $0x20  }
0x18d: {  	[sflag:s24] =	ssyncset.done $0x0  }
0x18e: {  	[sflag:s24] =	ssyncadd.s32 $0xFFFFFFE0  }
0x18f: {  	_ =	swait.ge [sflag:s24], $0x20  }
0x190: {  	[sflag:s24] =	ssyncset.done $0x0  }
0x191: {  	s21 =	simm.s32 $0x16A00;
	[sflag:s24] =	ssyncadd.s32 $0xFFFFFFE0  }
0x192: {  	[tilespmem:s21], [sflag:$0xD] =	stream.indirect.gather [hbm4b:s4+s10], $0x80, s25, s10, $0xb8;
	[tilespmem:$0x1EA00] =	vst v63  }
0x193: {  	s25 =	simm.s32 $0x4  }
0x194: {  	_ =	swait.ge [sflag:s25], $0x20  }
0x195: {  	[sflag:s25] =	ssyncset.done $0x0  }
0x196: {  	[sflag:s25] =	ssyncadd.s32 $0xFFFFFFE0  }
0x197: {  	_ =	swait.ge [sflag:s25], $0x20  }
0x198: {  	[sflag:s25] =	ssyncset.done $0x0  }
0x199: {  	s24 =	simm.s32 $0x17A00;
	[sflag:s25] =	ssyncadd.s32 $0xFFFFFFE0;
	s25 =	simm.s32 $0x5  }
0x19a: {  	[tilespmem:s24], [sflag:$0xE] =	stream.indirect.gather [hbm4b:s4+s10], $0x80, s14, s10, $0xb8;
	[tilespmem:$0x1EA00] =	vst v63  }
0x19b: {  	_ =	swait.ge [sflag:s25], $0x20  }
0x19c: {  	[sflag:s25] =	ssyncset.done $0x0  }
0x19d: {  	[sflag:s25] =	ssyncadd.s32 $0xFFFFFFE0  }
0x19e: {  	_ =	swait.ge [sflag:s25], $0x20  }
0x19f: {  	[sflag:s25] =	ssyncset.done $0x0  }
0x1a0: {  	s14 =	simm.s32 $0x18A00;
	[sflag:s25] =	ssyncadd.s32 $0xFFFFFFE0  }
0x1a1: {  	[tilespmem:s14], [sflag:$0xF] =	stream.indirect.gather [hbm4b:s4+s10], $0x80, s31, s10, $0xb8;
	[tilespmem:$0x1EA00] =	vst v63  }
0x1a2: {  	s31 =	simm.s32 $0x6  }
0x1a3: {  	_ =	swait.ge [sflag:s31], $0x20  }
0x1a4: {  	[sflag:s31] =	ssyncset.done $0x0  }
0x1a5: {  	[sflag:s31] =	ssyncadd.s32 $0xFFFFFFE0  }
0x1a6: {  	_ =	swait.ge [sflag:s31], $0x20  }
0x1a7: {  	[sflag:s31] =	ssyncset.done $0x0  }
0x1a8: {  	s25 =	simm.s32 $0x19A00;
	[sflag:s31] =	ssyncadd.s32 $0xFFFFFFE0;
	s31 =	simm.s32 $0x7  }
0x1a9: {  	[tilespmem:s25], [sflag:$0x10] =	stream.indirect.gather [hbm4b:s4+s10], $0x80, s11, s10, $0xb8;
	[tilespmem:$0x1EA00] =	vst v63  }
0x1aa: {  	_ =	swait.ge [sflag:s31], $0x20  }
0x1ab: {  	[sflag:s31] =	ssyncset.done $0x0  }
0x1ac: {  	[sflag:s31] =	ssyncadd.s32 $0xFFFFFFE0  }
0x1ad: {  	_ =	swait.ge [sflag:s31], $0x20  }
0x1ae: {  	[sflag:s31] =	ssyncset.done $0x0  }
0x1af: {  	s11 =	simm.s32 $0x1AA00;
	[sflag:s31] =	ssyncadd.s32 $0xFFFFFFE0;
	s31 =	simm.s32 $0x8  }
0x1b0: {  	[tilespmem:s11], [sflag:$0x11] =	stream.indirect.gather [hbm4b:s4+s10], $0x80, s15, s10, $0xb8;
	[tilespmem:$0x1EA00] =	vst v63  }
0x1b1: {  	_ =	swait.ge [sflag:s31], $0x20  }
0x1b2: {  	[sflag:s31] =	ssyncset.done $0x0  }
0x1b3: {  	[sflag:s31] =	ssyncadd.s32 $0xFFFFFFE0  }
0x1b4: {  	_ =	swait.ge [sflag:s31], $0x20  }
0x1b5: {  	[sflag:s31] =	ssyncset.done $0x0  }
0x1b6: {  	s15 =	simm.s32 $0x1BA00;
	[sflag:s31] =	ssyncadd.s32 $0xFFFFFFE0;
	s31 =	simm.s32 $0x9  }
0x1b7: {  	[tilespmem:s15], [sflag:$0x12] =	stream.indirect.gather [hbm4b:s4+s10], $0x80, s20, s10, $0xb8;
	[tilespmem:$0x1EA00] =	vst v63  }
0x1b8: {  	_ =	swait.ge [sflag:s31], $0x20  }
0x1b9: {  	[sflag:s31] =	ssyncset.done $0x0  }
0x1ba: {  	[sflag:s31] =	ssyncadd.s32 $0xFFFFFFE0  }
0x1bb: {  	_ =	swait.ge [sflag:s31], $0x20  }
0x1bc: {  	[sflag:s31] =	ssyncset.done $0x0  }
0x1bd: {  	s20 =	simm.s32 $0x1CA00;
	[sflag:s31] =	ssyncadd.s32 $0xFFFFFFE0;
	s31 =	simm.s32 $0xA  }
0x1be: {  	[tilespmem:s20], [sflag:$0x13] =	stream.indirect.gather [hbm4b:s4+s10], $0x80, s12, s10, $0xb8;
	[tilespmem:$0x1EA00] =	vst v63  }
0x1bf: {  	_ =	swait.ge [sflag:s31], $0x20  }
0x1c0: {  	[sflag:s31] =	ssyncset.done $0x0  }
0x1c1: {  	[sflag:s31] =	ssyncadd.s32 $0xFFFFFFE0  }
0x1c2: {  	_ =	swait.ge [sflag:s31], $0x20  }
0x1c3: {  	[sflag:s31] =	ssyncset.done $0x0  }
0x1c4: {  	s12 =	simm.s32 $0x1DA00;
	[sflag:s31] =	ssyncadd.s32 $0xFFFFFFE0;
	s31 =	simm.s32 $0xB  }
0x1c5: {  	[tilespmem:s12], [sflag:$0x14] =	stream.indirect.gather [hbm4b:s4+s10], $0x80, s7, s10, $0xb8;
	[tilespmem:$0x1EA00] =	vst v63  }
0x1c6: {  	_ =	swait.ge [sflag:s31], $0x1000  }
0x1c7: {  	[sflag:s31] =	ssyncset.done $0x0  }
0x1c8: {  	s7 =	simm.s32 $0xC;
	[sflag:s31] =	ssyncadd.s32 $0xFFFFF000  }
0x1c9: {  	[spmem:s2] =	stream.indirect.scatter.add.f32 [tilespmem:s6], [sflag:$0x15], $0x80, s23, s10, $0xb8;
	[tilespmem:$0x1EA00] =	vst v63  }
0x1ca: {  	_ =	swait.ge [sflag:s7], $0x1000  }
0x1cb: {  	[sflag:s7] =	ssyncset.done $0x0  }
0x1cc: {  	s23 =	simm.s32 $0xD;
	[sflag:s7] =	ssyncadd.s32 $0xFFFFF000  }
0x1cd: {  	[spmem:s2] =	stream.indirect.scatter.add.f32 [tilespmem:s16], [sflag:$0x16], $0x80, s19, s10, $0xb8;
	[tilespmem:$0x1EA00] =	vst v63  }
0x1ce: {  	_ =	swait.ge [sflag:s23], $0x1000  }
0x1cf: {  	[sflag:s23] =	ssyncset.done $0x0  }
0x1d0: {  	s31 =	simm.s32 $0xE;
	[sflag:s23] =	ssyncadd.s32 $0xFFFFF000  }
0x1d1: {  	[spmem:s2] =	stream.indirect.scatter.add.f32 [tilespmem:s21], [sflag:$0x17], $0x80, s29, s10, $0xb8;
	[tilespmem:$0x1EA00] =	vst v63  }
0x1d2: {  	_ =	swait.ge [sflag:s31], $0x1000  }
0x1d3: {  	[sflag:s31] =	ssyncset.done $0x0  }
0x1d4: {  	s7 =	simm.s32 $0xF;
	[sflag:s31] =	ssyncadd.s32 $0xFFFFF000  }
0x1d5: {  	[spmem:s2] =	stream.indirect.scatter.add.f32 [tilespmem:s24], [sflag:$0x18], $0x80, s30, s10, $0xb8;
	[tilespmem:$0x1EA00] =	vst v63  }
0x1d6: {  	_ =	swait.ge [sflag:s7], $0x1000  }
0x1d7: {  	[sflag:s7] =	ssyncset.done $0x0  }
0x1d8: {  	[sflag:s7] =	ssyncadd.s32 $0xFFFFF000  }
0x1d9: {  	[spmem:s2] =	stream.indirect.scatter.add.f32 [tilespmem:s14], [sflag:$0x19], $0x80, s9, s10, $0xb8;
	[tilespmem:$0x1EA00] =	vst v63  }
0x1da: {  	s14 =	simm.s32 $0x10  }
0x1db: {  	_ =	swait.ge [sflag:s14], $0x1000  }
0x1dc: {  	[sflag:s14] =	ssyncset.done $0x0  }
0x1dd: {  	s16 =	simm.s32 $0x11;
	[sflag:s14] =	ssyncadd.s32 $0xFFFFF000  }
0x1de: {  	[spmem:s2] =	stream.indirect.scatter.add.f32 [tilespmem:s25], [sflag:$0x1A], $0x80, s13, s10, $0xb8;
	[tilespmem:$0x1EA00] =	vst v63  }
0x1df: {  	_ =	swait.ge [sflag:s16], $0x1000  }
0x1e0: {  	[sflag:s16] =	ssyncset.done $0x0  }
0x1e1: {  	[sflag:s16] =	ssyncadd.s32 $0xFFFFF000  }
0x1e2: {  	[spmem:s2] =	stream.indirect.scatter.add.f32 [tilespmem:s11], [sflag:$0x1B], $0x80, s17, s10, $0xb8;
	[tilespmem:$0x1EA00] =	vst v63  }
0x1e3: {  	s17 =	simm.s32 $0x12  }
0x1e4: {  	_ =	swait.ge [sflag:s17], $0x1000  }
0x1e5: {  	[sflag:s17] =	ssyncset.done $0x0  }
0x1e6: {  	s19 =	simm.s32 $0x13;
	[sflag:s17] =	ssyncadd.s32 $0xFFFFF000  }
0x1e7: {  	[spmem:s2] =	stream.indirect.scatter.add.f32 [tilespmem:s15], [sflag:$0x1C], $0x80, s22, s10, $0xb8;
	[tilespmem:$0x1EA00] =	vst v63  }
0x1e8: {  	_ =	swait.ge [sflag:s19], $0x1000  }
0x1e9: {  	[sflag:s19] =	ssyncset.done $0x0  }
0x1ea: {  	[sflag:s19] =	ssyncadd.s32 $0xFFFFF000  }
0x1eb: {  	[spmem:s2] =	stream.indirect.scatter.add.f32 [tilespmem:s20], [sflag:$0x1D], $0x80, s26, s10, $0xb8;
	[tilespmem:$0x1EA00] =	vst v63  }
0x1ec: {  	s20 =	simm.s32 $0x14  }
0x1ed: {  	_ =	swait.ge [sflag:s20], $0x1000  }
0x1ee: {  	[sflag:s20] =	ssyncset.done $0x0  }
0x1ef: {  	s21 =	simm.s32 $0x15;
	[sflag:s20] =	ssyncadd.s32 $0xFFFFF000  }
0x1f0: {  	[spmem:s2] =	stream.indirect.scatter.add.f32 [tilespmem:s12], [sflag:$0x1E], $0x80, s8, s10, $0xb8;
	[tilespmem:$0x1EA00] =	vst v63  }
0x1f1: {  	_ =	swait.ge [sflag:s21], $0x1000  }
0x1f2: {  	[sflag:s21] =	ssyncset.done $0x0  }
0x1f3: {  	s22 =	simm.s32 $0x16;
	[sflag:s21] =	ssyncadd.s32 $0xFFFFF000  }
0x1f4: {  	_ =	swait.ge [sflag:s22], $0x1000  }
0x1f5: {  	[sflag:s22] =	ssyncset.done $0x0  }
0x1f6: {  	s23 =	simm.s32 $0x17;
	[sflag:s22] =	ssyncadd.s32 $0xFFFFF000  }
0x1f7: {  	_ =	swait.ge [sflag:s23], $0x1000  }
0x1f8: {  	[sflag:s23] =	ssyncset.done $0x0  }
0x1f9: {  	s24 =	simm.s32 $0x18;
	[sflag:s23] =	ssyncadd.s32 $0xFFFFF000  }
0x1fa: {  	_ =	swait.ge [sflag:s24], $0x1000  }
0x1fb: {  	[sflag:s24] =	ssyncset.done $0x0  }
0x1fc: {  	s25 =	simm.s32 $0x19;
	[sflag:s24] =	ssyncadd.s32 $0xFFFFF000  }
0x1fd: {  	_ =	swait.ge [sflag:s25], $0x1000  }
0x1fe: {  	[sflag:s25] =	ssyncset.done $0x0  }
0x1ff: {  	s26 =	simm.s32 $0x1A;
	[sflag:s25] =	ssyncadd.s32 $0xFFFFF000  }
0x200: {  	_ =	swait.ge [sflag:s26], $0x1000  }
0x201: {  	[sflag:s26] =	ssyncset.done $0x0  }
0x202: {  	s29 =	simm.s32 $0x1B;
	[sflag:s26] =	ssyncadd.s32 $0xFFFFF000  }
0x203: {  	_ =	swait.ge [sflag:s29], $0x1000  }
0x204: {  	[sflag:s29] =	ssyncset.done $0x0  }
0x205: {  	s30 =	simm.s32 $0x1C;
	[sflag:s29] =	ssyncadd.s32 $0xFFFFF000  }
0x206: {  	_ =	swait.ge [sflag:s30], $0x1000  }
0x207: {  	[sflag:s30] =	ssyncset.done $0x0  }
0x208: {  	p0 =	sne.s32 s1, $0x988;
	s31 =	simm.s32 $0x1D;
	[sflag:s30] =	ssyncadd.s32 $0xFFFFF000  }
.Ltmp0:
0x209: {  	_ =	swait.ge [sflag:s31], $0x1000;
	(pc) =	sbr.rel @p0 .LBB2_2-.Ltmp0, $4  }
0x20a: {  	[sflag:s31] =	ssyncset.done $0x0  }
0x20b: {  	[sflag:s31] =	ssyncadd.s32 $0xFFFFF000  }
0x20c: {  	_ =	swait.ge [sflag:s28], $0x1000  }
0x20d: {  	s1 =	sadd.s32 $0x28, s1;
	s8 =	rddreg [dreg:$0x4];
	[sflag:s28] =	ssyncset.done $0x0  }
0x20e: {  	s28 =	simm.s32 $0x1E  }
0x20f: {  	s6 =	simm.s32 $0x14000;
	[sflag:s28] =	ssyncadd.s32 $0xFFFFF000  }
0x210: {  	[tilespmem:s6], [sflag:$0x1] =	stream.linear.gather [hbm4b:s5+s3], $0x20, $0x38;
	[tilespmem:$0x1EA00] =	vst v63  }
0x211: {  	s1 =	rddreg [dreg:$0xd];
	s15 =	simm.s32 $0x14500;
	s5 =	sadd.s32 s0, s8  }
0x212: {  	[tilespmem:s15], [sflag:$0x1] =	stream.linear.gather [hbm4b:s5+s3], $0x20, $0x38;
	[tilespmem:$0x1EA00] =	vst v63  }
0x213: {  	s7 =	simm.s32 $0x14080;
	s1 =	sadd.s32 s0, s1  }
0x214: {  	[tilespmem:s7], [sflag:$0x2] =	stream.linear.gather [hbm4b:s1+s3], $0x20, $0x38;
	[tilespmem:$0x1EA00] =	vst v63  }
0x215: {  	s16 =	rddreg [dreg:$0xc];
	s19 =	simm.s32 $0x14580;
	s17 =	sadd.s32 $0x4, s5  }
0x216: {  	[tilespmem:s19], [sflag:$0x2] =	stream.linear.gather [hbm4b:s17+s3], $0x20, $0x38;
	[tilespmem:$0x1EA00] =	vst v63  }
0x217: {  	s24 =	simm.s32 $0x14100;
	s22 =	sadd.s32 s0, s16  }
0x218: {  	[tilespmem:s24], [sflag:$0x3] =	stream.linear.gather [hbm4b:s22+s3], $0x20, $0x38;
	[tilespmem:$0x1EA00] =	vst v63  }
0x219: {  	s23 =	rddreg [dreg:$0xb];
	s26 =	simm.s32 $0x14600;
	s25 =	sadd.s32 $0x8, s5  }
0x21a: {  	[tilespmem:s26], [sflag:$0x3] =	stream.linear.gather [hbm4b:s25+s3], $0x20, $0x38;
	[tilespmem:$0x1EA00] =	vst v63  }
0x21b: {  	s31 =	simm.s32 $0x14180;
	s29 =	sadd.s32 s0, s23  }
0x21c: {  	[tilespmem:s31], [sflag:$0x4] =	stream.linear.gather [hbm4b:s29+s3], $0x20, $0x38;
	[tilespmem:$0x1EA00] =	vst v63  }
0x21d: {  	s30 =	rddreg [dreg:$0xa];
	s9 =	simm.s32 $0x14680;
	s8 =	sadd.s32 $0xC, s5  }
0x21e: {  	[tilespmem:s9], [sflag:$0x4] =	stream.linear.gather [hbm4b:s8+s3], $0x20, $0x38;
	[tilespmem:$0x1EA00] =	vst v63  }
0x21f: {  	s12 =	sadd.s32 s0, s30;
	s17 =	simm.s32 $0x14200  }
0x220: {  	[tilespmem:s17], [sflag:$0x5] =	stream.linear.gather [hbm4b:s12+s3], $0x20, $0x38;
	[tilespmem:$0x1EA00] =	vst v63  }
0x221: {  	s13 =	rddreg [dreg:$0x9];
	s23 =	simm.s32 $0x14700;
	s22 =	sadd.s32 $0x10, s5  }
0x222: {  	[tilespmem:s23], [sflag:$0x5] =	stream.linear.gather [hbm4b:s22+s3], $0x20, $0x38;
	[tilespmem:$0x1EA00] =	vst v63  }
0x223: {  	s24 =	sadd.s32 s0, s13;
	s9 =	simm.s32 $0x14280  }
0x224: {  	[tilespmem:s9], [sflag:$0x6] =	stream.linear.gather [hbm4b:s24+s3], $0x20, $0x38;
	[tilespmem:$0x1EA00] =	vst v63  }
0x225: {  	s25 =	rddreg [dreg:$0x8];
	s26 =	sadd.s32 $0x14, s5;
	s29 =	simm.s32 $0x14780  }
0x226: {  	[tilespmem:s29], [sflag:$0x6] =	stream.linear.gather [hbm4b:s26+s3], $0x20, $0x38;
	[tilespmem:$0x1EA00] =	vst v63  }
0x227: {  	s13 =	simm.s32 $0x14300;
	s30 =	sadd.s32 s0, s25  }
0x228: {  	[tilespmem:s13], [sflag:$0x7] =	stream.linear.gather [hbm4b:s30+s3], $0x20, $0x38;
	[tilespmem:$0x1EA00] =	vst v63  }
0x229: {  	s7 =	sadd.s32 $0x18, s5;
	s31 =	rddreg [dreg:$0x7];
	s8 =	simm.s32 $0x14800  }
0x22a: {  	[tilespmem:s8], [sflag:$0x7] =	stream.linear.gather [hbm4b:s7+s3], $0x20, $0x38;
	[tilespmem:$0x1EA00] =	vst v63  }
0x22b: {  	s12 =	sadd.s32 s0, s31;
	s17 =	simm.s32 $0x14380  }
0x22c: {  	[tilespmem:s17], [sflag:$0x8] =	stream.linear.gather [hbm4b:s12+s3], $0x20, $0x38;
	[tilespmem:$0x1EA00] =	vst v63  }
0x22d: {  	s22 =	rddreg [dreg:$0x6];
	s23 =	sadd.s32 $0x1C, s5;
	s24 =	simm.s32 $0x14880  }
0x22e: {  	[tilespmem:s24], [sflag:$0x8] =	stream.linear.gather [hbm4b:s23+s3], $0x20, $0x38;
	[tilespmem:$0x1EA00] =	vst v63  }
0x22f: {  	s25 =	sadd.s32 s0, s22;
	s12 =	simm.s32 $0x14400  }
0x230: {  	[tilespmem:s12], [sflag:$0x9] =	stream.linear.gather [hbm4b:s25+s3], $0x20, $0x38;
	[tilespmem:$0x1EA00] =	vst v63  }
0x231: {  	s26 =	rddreg [dreg:$0x5];
	s29 =	simm.s32 $0x14900;
	s30 =	sadd.s32 $0x20, s5  }
0x232: {  	[tilespmem:s29], [sflag:$0x9] =	stream.linear.gather [hbm4b:s30+s3], $0x20, $0x38;
	[tilespmem:$0x1EA00] =	vst v63  }
0x233: {  	s31 =	sadd.s32 s0, s26;
	s7 =	simm.s32 $0x14480  }
0x234: {  	[tilespmem:s7], [sflag:$0xA] =	stream.linear.gather [hbm4b:s31+s3], $0x20, $0x38;
	[tilespmem:$0x1EA00] =	vst v63  }
0x235: {  	s1 =	sadd.s32 $0x24, s5;
	s26 =	simm.s32 $0x1;
	s25 =	simm.s32 $0x14980  }
0x236: {  	[tilespmem:s25], [sflag:$0xA] =	stream.linear.gather [hbm4b:s1+s3], $0x20, $0x38;
	[tilespmem:$0x1EA00] =	vst v63  }
0x237: {  	_ =	swait.ge [sflag:s26], $0x20  }
0x238: {  	[sflag:s26] =	ssyncset.done $0x0  }
0x239: {  	[sflag:s26] =	ssyncadd.s32 $0xFFFFFFE0  }
0x23a: {  	_ =	swait.ge [sflag:s26], $0x20  }
0x23b: {  	s21 =	simm.s32 $0x14000;
	[sflag:s26] =	ssyncset.done $0x0  }
0x23c: {  	s5 =	simm.s32 $0x14A00;
	s30 =	simm.s32 $0x2;
	[sflag:s26] =	ssyncadd.s32 $0xFFFFFFE0  }
0x23d: {  	[tilespmem:s5], [sflag:$0xB] =	stream.indirect.gather [hbm4b:s4+s10], $0x80, s21, s10, $0xb8;
	[tilespmem:$0x1EA00] =	vst v63  }
0x23e: {  	_ =	swait.ge [sflag:s30], $0x20  }
0x23f: {  	[sflag:s30] =	ssyncset.done $0x0  }
0x240: {  	[sflag:s30] =	ssyncadd.s32 $0xFFFFFFE0  }
0x241: {  	_ =	swait.ge [sflag:s30], $0x20  }
0x242: {  	s20 =	simm.s32 $0x14080;
	[sflag:s30] =	ssyncset.done $0x0  }
0x243: {  	s6 =	simm.s32 $0x15A00;
	s1 =	simm.s32 $0x3;
	[sflag:s30] =	ssyncadd.s32 $0xFFFFFFE0  }
0x244: {  	[tilespmem:s6], [sflag:$0xC] =	stream.indirect.gather [hbm4b:s4+s10], $0x80, s20, s10, $0xb8;
	[tilespmem:$0x1EA00] =	vst v63  }
0x245: {  	_ =	swait.ge [sflag:s1], $0x20  }
0x246: {  	[sflag:s1] =	ssyncset.done $0x0  }
0x247: {  	[sflag:s1] =	ssyncadd.s32 $0xFFFFFFE0  }
0x248: {  	_ =	swait.ge [sflag:s1], $0x20  }
0x249: {  	s16 =	simm.s32 $0x14100;
	[sflag:s1] =	ssyncset.done $0x0  }
0x24a: {  	s8 =	simm.s32 $0x16A00;
	s5 =	simm.s32 $0x4;
	[sflag:s1] =	ssyncadd.s32 $0xFFFFFFE0  }
0x24b: {  	[tilespmem:s8], [sflag:$0xD] =	stream.indirect.gather [hbm4b:s4+s10], $0x80, s16, s10, $0xb8;
	[tilespmem:$0x1EA00] =	vst v63  }
0x24c: {  	_ =	swait.ge [sflag:s5], $0x20  }
0x24d: {  	[sflag:s5] =	ssyncset.done $0x0  }
0x24e: {  	[sflag:s5] =	ssyncadd.s32 $0xFFFFFFE0  }
0x24f: {  	_ =	swait.ge [sflag:s5], $0x20  }
0x250: {  	s15 =	simm.s32 $0x14180;
	[sflag:s5] =	ssyncset.done $0x0  }
0x251: {  	s6 =	simm.s32 $0x5;
	s16 =	simm.s32 $0x17A00;
	[sflag:s5] =	ssyncadd.s32 $0xFFFFFFE0  }
0x252: {  	[tilespmem:s16], [sflag:$0xE] =	stream.indirect.gather [hbm4b:s4+s10], $0x80, s15, s10, $0xb8;
	[tilespmem:$0x1EA00] =	vst v63  }
0x253: {  	_ =	swait.ge [sflag:s6], $0x20  }
0x254: {  	[sflag:s6] =	ssyncset.done $0x0  }
0x255: {  	[sflag:s6] =	ssyncadd.s32 $0xFFFFFFE0  }
0x256: {  	_ =	swait.ge [sflag:s6], $0x20  }
0x257: {  	s14 =	simm.s32 $0x14200;
	[sflag:s6] =	ssyncset.done $0x0  }
0x258: {  	s22 =	simm.s32 $0x18A00;
	s24 =	simm.s32 $0x6;
	[sflag:s6] =	ssyncadd.s32 $0xFFFFFFE0  }
0x259: {  	[tilespmem:s22], [sflag:$0xF] =	stream.indirect.gather [hbm4b:s4+s10], $0x80, s14, s10, $0xb8;
	[tilespmem:$0x1EA00] =	vst v63  }
0x25a: {  	_ =	swait.ge [sflag:s24], $0x20  }
0x25b: {  	[sflag:s24] =	ssyncset.done $0x0  }
0x25c: {  	[sflag:s24] =	ssyncadd.s32 $0xFFFFFFE0  }
0x25d: {  	_ =	swait.ge [sflag:s24], $0x20  }
0x25e: {  	[sflag:s24] =	ssyncset.done $0x0  }
0x25f: {  	s0 =	simm.s32 $0x7;
	s16 =	simm.s32 $0x19A00;
	[sflag:s24] =	ssyncadd.s32 $0xFFFFFFE0  }
0x260: {  	[tilespmem:s16], [sflag:$0x10] =	stream.indirect.gather [hbm4b:s4+s10], $0x80, s9, s10, $0xb8;
	[tilespmem:$0x1EA00] =	vst v63  }
0x261: {  	_ =	swait.ge [sflag:s0], $0x20  }
0x262: {  	[sflag:s0] =	ssyncset.done $0x0  }
0x263: {  	[sflag:s0] =	ssyncadd.s32 $0xFFFFFFE0  }
0x264: {  	_ =	swait.ge [sflag:s0], $0x20  }
0x265: {  	[sflag:s0] =	ssyncset.done $0x0  }
0x266: {  	s8 =	simm.s32 $0x8;
	s15 =	simm.s32 $0x1AA00;
	[sflag:s0] =	ssyncadd.s32 $0xFFFFFFE0  }
0x267: {  	[tilespmem:s15], [sflag:$0x11] =	stream.indirect.gather [hbm4b:s4+s10], $0x80, s13, s10, $0xb8;
	[tilespmem:$0x1EA00] =	vst v63  }
0x268: {  	_ =	swait.ge [sflag:s8], $0x20  }
0x269: {  	[sflag:s8] =	ssyncset.done $0x0  }
0x26a: {  	[sflag:s8] =	ssyncadd.s32 $0xFFFFFFE0  }
0x26b: {  	_ =	swait.ge [sflag:s8], $0x20  }
0x26c: {  	[sflag:s8] =	ssyncset.done $0x0  }
0x26d: {  	s14 =	simm.s32 $0x1BA00;
	s9 =	simm.s32 $0x9;
	[sflag:s8] =	ssyncadd.s32 $0xFFFFFFE0  }
0x26e: {  	[tilespmem:s14], [sflag:$0x12] =	stream.indirect.gather [hbm4b:s4+s10], $0x80, s17, s10, $0xb8;
	[tilespmem:$0x1EA00] =	vst v63  }
0x26f: {  	_ =	swait.ge [sflag:s9], $0x20  }
0x270: {  	[sflag:s9] =	ssyncset.done $0x0  }
0x271: {  	[sflag:s9] =	ssyncadd.s32 $0xFFFFFFE0  }
0x272: {  	_ =	swait.ge [sflag:s9], $0x20  }
0x273: {  	[sflag:s9] =	ssyncset.done $0x0  }
0x274: {  	s13 =	simm.s32 $0xA;
	s17 =	simm.s32 $0x1CA00;
	[sflag:s9] =	ssyncadd.s32 $0xFFFFFFE0  }
0x275: {  	[tilespmem:s17], [sflag:$0x13] =	stream.indirect.gather [hbm4b:s4+s10], $0x80, s12, s10, $0xb8;
	[tilespmem:$0x1EA00] =	vst v63  }
0x276: {  	_ =	swait.ge [sflag:s13], $0x20  }
0x277: {  	[sflag:s13] =	ssyncset.done $0x0  }
0x278: {  	[sflag:s13] =	ssyncadd.s32 $0xFFFFFFE0  }
0x279: {  	_ =	swait.ge [sflag:s13], $0x20  }
0x27a: {  	[sflag:s13] =	ssyncset.done $0x0  }
0x27b: {  	s8 =	simm.s32 $0xB;
	s9 =	simm.s32 $0x1DA00;
	[sflag:s13] =	ssyncadd.s32 $0xFFFFFFE0  }
0x27c: {  	[tilespmem:s9], [sflag:$0x14] =	stream.indirect.gather [hbm4b:s4+s10], $0x80, s7, s10, $0xb8;
	[tilespmem:$0x1EA00] =	vst v63  }
0x27d: {  	_ =	swait.ge [sflag:s8], $0x1000  }
0x27e: {  	[sflag:s8] =	ssyncset.done $0x0  }
0x27f: {  	s11 =	simm.s32 $0x14500;
	s21 =	simm.s32 $0x14A00;
	[sflag:s8] =	ssyncadd.s32 $0xFFFFF000  }
0x280: {  	[spmem:s2] =	stream.indirect.scatter.add.f32 [tilespmem:s21], [sflag:$0x15], $0x80, s11, s10, $0xb8;
	[tilespmem:$0x1EA00] =	vst v63  }
0x281: {  	s11 =	simm.s32 $0xC  }
0x282: {  	_ =	swait.ge [sflag:s11], $0x1000  }
0x283: {  	s31 =	simm.s32 $0x15A00;
	[sflag:s11] =	ssyncset.done $0x0  }
0x284: {  	s12 =	simm.s32 $0xD;
	s21 =	simm.s32 $0x14580;
	[sflag:s11] =	ssyncadd.s32 $0xFFFFF000  }
0x285: {  	[spmem:s2] =	stream.indirect.scatter.add.f32 [tilespmem:s31], [sflag:$0x16], $0x80, s21, s10, $0xb8;
	[tilespmem:$0x1EA00] =	vst v63  }
0x286: {  	_ =	swait.ge [sflag:s12], $0x1000  }
0x287: {  	s19 =	simm.s32 $0x14600;
	[sflag:s12] =	ssyncset.done $0x0  }
0x288: {  	s20 =	simm.s32 $0x16A00;
	s13 =	simm.s32 $0xE;
	[sflag:s12] =	ssyncadd.s32 $0xFFFFF000  }
0x289: {  	[spmem:s2] =	stream.indirect.scatter.add.f32 [tilespmem:s20], [sflag:$0x17], $0x80, s19, s10, $0xb8;
	[tilespmem:$0x1EA00] =	vst v63  }
0x28a: {  	_ =	swait.ge [sflag:s13], $0x1000  }
0x28b: {  	s23 =	simm.s32 $0x17A00;
	[sflag:s13] =	ssyncset.done $0x0  }
0x28c: {  	s21 =	simm.s32 $0x14680;
	s19 =	simm.s32 $0xF;
	[sflag:s13] =	ssyncadd.s32 $0xFFFFF000  }
0x28d: {  	[spmem:s2] =	stream.indirect.scatter.add.f32 [tilespmem:s23], [sflag:$0x18], $0x80, s21, s10, $0xb8;
	[tilespmem:$0x1EA00] =	vst v63  }
0x28e: {  	_ =	swait.ge [sflag:s19], $0x1000  }
0x28f: {  	s22 =	simm.s32 $0x18A00;
	[sflag:s19] =	ssyncset.done $0x0  }
0x290: {  	s31 =	simm.s32 $0x10;
	s20 =	simm.s32 $0x14700;
	[sflag:s19] =	ssyncadd.s32 $0xFFFFF000  }
0x291: {  	[spmem:s2] =	stream.indirect.scatter.add.f32 [tilespmem:s22], [sflag:$0x19], $0x80, s20, s10, $0xb8;
	[tilespmem:$0x1EA00] =	vst v63  }
0x292: {  	_ =	swait.ge [sflag:s31], $0x1000  }
0x293: {  	[sflag:s31] =	ssyncset.done $0x0  }
0x294: {  	s23 =	simm.s32 $0x11;
	s22 =	simm.s32 $0x14780;
	[sflag:s31] =	ssyncadd.s32 $0xFFFFF000  }
0x295: {  	[spmem:s2] =	stream.indirect.scatter.add.f32 [tilespmem:s16], [sflag:$0x1A], $0x80, s22, s10, $0xb8;
	[tilespmem:$0x1EA00] =	vst v63  }
0x296: {  	_ =	swait.ge [sflag:s23], $0x1000  }
0x297: {  	[sflag:s23] =	ssyncset.done $0x0  }
0x298: {  	s31 =	simm.s32 $0x14800;
	[sflag:s23] =	ssyncadd.s32 $0xFFFFF000  }
0x299: {  	[spmem:s2] =	stream.indirect.scatter.add.f32 [tilespmem:s15], [sflag:$0x1B], $0x80, s31, s10, $0xb8;
	[tilespmem:$0x1EA00] =	vst v63  }
0x29a: {  	s15 =	simm.s32 $0x12  }
0x29b: {  	_ =	swait.ge [sflag:s15], $0x1000  }
0x29c: {  	[sflag:s15] =	ssyncset.done $0x0  }
0x29d: {  	s16 =	simm.s32 $0x14880;
	s22 =	simm.s32 $0x13;
	[sflag:s15] =	ssyncadd.s32 $0xFFFFF000  }
0x29e: {  	[spmem:s2] =	stream.indirect.scatter.add.f32 [tilespmem:s14], [sflag:$0x1C], $0x80, s16, s10, $0xb8;
	[tilespmem:$0x1EA00] =	vst v63  }
0x29f: {  	_ =	swait.ge [sflag:s22], $0x1000  }
0x2a0: {  	[sflag:s22] =	ssyncset.done $0x0  }
0x2a1: {  	s23 =	simm.s32 $0x14;
	[sflag:s22] =	ssyncadd.s32 $0xFFFFF000  }
0x2a2: {  	[spmem:s2] =	stream.indirect.scatter.add.f32 [tilespmem:s17], [sflag:$0x1D], $0x80, s29, s10, $0xb8;
	[tilespmem:$0x1EA00] =	vst v63  }
0x2a3: {  	_ =	swait.ge [sflag:s23], $0x1000  }
0x2a4: {  	[sflag:s23] =	ssyncset.done $0x0  }
0x2a5: {  	[sflag:s23] =	ssyncadd.s32 $0xFFFFF000  }
0x2a6: {  	[spmem:s2] =	stream.indirect.scatter.add.f32 [tilespmem:s9], [sflag:$0x1E], $0x80, s25, s10, $0xb8;
	[tilespmem:$0x1EA00] =	vst v63  }
0x2a7: {  	s9 =	simm.s32 $0x15  }
0x2a8: {  	_ =	swait.ge [sflag:s9], $0x1000  }
0x2a9: {  	[sflag:s9] =	ssyncset.done $0x0  }
0x2aa: {  	s14 =	simm.s32 $0x16;
	[sflag:s9] =	ssyncadd.s32 $0xFFFFF000  }
0x2ab: {  	_ =	swait.ge [sflag:s14], $0x1000  }
0x2ac: {  	[sflag:s14] =	ssyncset.done $0x0  }
0x2ad: {  	s15 =	simm.s32 $0x17;
	[sflag:s14] =	ssyncadd.s32 $0xFFFFF000  }
0x2ae: {  	_ =	swait.ge [sflag:s15], $0x1000  }
0x2af: {  	[sflag:s15] =	ssyncset.done $0x0  }
0x2b0: {  	s16 =	simm.s32 $0x18;
	[sflag:s15] =	ssyncadd.s32 $0xFFFFF000  }
0x2b1: {  	_ =	swait.ge [sflag:s16], $0x1000  }
0x2b2: {  	[sflag:s16] =	ssyncset.done $0x0  }
0x2b3: {  	s17 =	simm.s32 $0x19;
	[sflag:s16] =	ssyncadd.s32 $0xFFFFF000  }
0x2b4: {  	_ =	swait.ge [sflag:s17], $0x1000  }
0x2b5: {  	[sflag:s17] =	ssyncset.done $0x0  }
0x2b6: {  	s29 =	simm.s32 $0x1A;
	[sflag:s17] =	ssyncadd.s32 $0xFFFFF000  }
0x2b7: {  	_ =	swait.ge [sflag:s29], $0x1000  }
0x2b8: {  	[sflag:s29] =	ssyncset.done $0x0  }
0x2b9: {  	s31 =	simm.s32 $0x1B;
	[sflag:s29] =	ssyncadd.s32 $0xFFFFF000  }
0x2ba: {  	_ =	swait.ge [sflag:s31], $0x1000  }
0x2bb: {  	[sflag:s31] =	ssyncset.done $0x0  }
0x2bc: {  	s22 =	simm.s32 $0x1C;
	[sflag:s31] =	ssyncadd.s32 $0xFFFFF000  }
0x2bd: {  	_ =	swait.ge [sflag:s22], $0x1000  }
0x2be: {  	[sflag:s22] =	ssyncset.done $0x0  }
0x2bf: {  	s23 =	simm.s32 $0x1D;
	[sflag:s22] =	ssyncadd.s32 $0xFFFFF000  }
0x2c0: {  	_ =	swait.ge [sflag:s23], $0x1000  }
0x2c1: {  	[sflag:s23] =	ssyncset.done $0x0  }
0x2c2: {  	[sflag:s23] =	ssyncadd.s32 $0xFFFFF000  }
0x2c3: {  	_ =	swait.ge [sflag:s28], $0x1000  }
0x2c4: {  	s25 =	sld [smem:$0x7F9]  }
0x2c5: {  	[sflag:s28] =	ssyncset.done $0x0  }
0x2c6: {  	s29 =	rddreg [dreg:$0x1b];
	[sflag:s28] =	ssyncadd.s32 $0xFFFFF000;
	s28 =	simm.s32 $0x14000  }
0x2c7: {  	[tilespmem:s28], [sflag:$0x1] =	stream.linear.gather [hbm4b:s25+s3], $0x20, $0x38;
	[tilespmem:$0x1EA00] =	vst v63  }
0x2c8: {  	s24 =	simm.s32 $0x14500;
	s31 =	sld [smem:$0x7FA]  }
0x2c9: {  	[tilespmem:s24], [sflag:$0x1] =	stream.linear.gather [hbm4b:s29+s3], $0x20, $0x38;
	[tilespmem:$0x1EA00] =	vst v63  }
0x2ca: {  	s22 =	rddreg [dreg:$0x1c];
	s25 =	simm.s32 $0x14080  }
0x2cb: {  	[tilespmem:s25], [sflag:$0x2] =	stream.linear.gather [hbm4b:s31+s3], $0x20, $0x38;
	[tilespmem:$0x1EA00] =	vst v63  }
0x2cc: {  	s24 =	simm.s32 $0x14580;
	s29 =	sld [smem:$0x7FB]  }
0x2cd: {  	[tilespmem:s24], [sflag:$0x2] =	stream.linear.gather [hbm4b:s22+s3], $0x20, $0x38;
	[tilespmem:$0x1EA00] =	vst v63  }
0x2ce: {  	s31 =	rddreg [dreg:$0x1d];
	s22 =	simm.s32 $0x14100  }
0x2cf: {  	[tilespmem:s22], [sflag:$0x3] =	stream.linear.gather [hbm4b:s29+s3], $0x20, $0x38;
	[tilespmem:$0x1EA00] =	vst v63  }
0x2d0: {  	s7 =	simm.s32 $0x14600;
	s29 =	sld [smem:$0x7FC]  }
0x2d1: {  	[tilespmem:s7], [sflag:$0x3] =	stream.linear.gather [hbm4b:s31+s3], $0x20, $0x38;
	[tilespmem:$0x1EA00] =	vst v63  }
0x2d2: {  	s0 =	sld [smem:$0x7FD];
	s7 =	simm.s32 $0x14180  }
0x2d3: {  	[tilespmem:s7], [sflag:$0x4] =	stream.linear.gather [hbm4b:s29+s3], $0x20, $0x38;
	[tilespmem:$0x1EA00] =	vst v63  }
0x2d4: {  	s29 =	rddreg [dreg:$0x1e]  }
0x2d5: {  	[tilespmem:s21], [sflag:$0x4] =	stream.linear.gather [hbm4b:s29+s3], $0x20, $0x38;
	[tilespmem:$0x1EA00] =	vst v63  }
0x2d6: {  	s29 =	simm.s32 $0x14200  }
0x2d7: {  	[tilespmem:s29], [sflag:$0x5] =	stream.linear.gather [hbm4b:s0+s3], $0x20, $0x38;
	[tilespmem:$0x1EA00] =	vst v63  }
0x2d8: {  	s0 =	rddreg [dreg:$0x1f]  }
0x2d9: {  	[tilespmem:s20], [sflag:$0x5] =	stream.linear.gather [hbm4b:s0+s3], $0x20, $0x38;
	[tilespmem:$0x1EA00] =	vst v63  }
0x2da: {  	_ =	swait.ge [sflag:s26], $0x20  }
0x2db: {  	[sflag:s26] =	ssyncset.done $0x0  }
0x2dc: {  	[sflag:s26] =	ssyncadd.s32 $0xFFFFFFE0  }
0x2dd: {  	_ =	swait.ge [sflag:s26], $0x20  }
0x2de: {  	[sflag:s26] =	ssyncset.done $0x0  }
0x2df: {  	s20 =	simm.s32 $0x14A00;
	[sflag:s26] =	ssyncadd.s32 $0xFFFFFFE0  }
0x2e0: {  	[tilespmem:s20], [sflag:$0xB] =	stream.indirect.gather [hbm4b:s4+s10], $0x80, s28, s10, $0xb8;
	[tilespmem:$0x1EA00] =	vst v63  }
0x2e1: {  	_ =	swait.ge [sflag:s30], $0x20  }
0x2e2: {  	[sflag:s30] =	ssyncset.done $0x0  }
0x2e3: {  	[sflag:s30] =	ssyncadd.s32 $0xFFFFFFE0  }
0x2e4: {  	_ =	swait.ge [sflag:s30], $0x20  }
0x2e5: {  	[sflag:s30] =	ssyncset.done $0x0  }
0x2e6: {  	[sflag:s30] =	ssyncadd.s32 $0xFFFFFFE0;
	s30 =	simm.s32 $0x15A00  }
0x2e7: {  	[tilespmem:s30], [sflag:$0xC] =	stream.indirect.gather [hbm4b:s4+s10], $0x80, s25, s10, $0xb8;
	[tilespmem:$0x1EA00] =	vst v63  }
0x2e8: {  	_ =	swait.ge [sflag:s1], $0x20  }
0x2e9: {  	[sflag:s1] =	ssyncset.done $0x0  }
0x2ea: {  	[sflag:s1] =	ssyncadd.s32 $0xFFFFFFE0  }
0x2eb: {  	_ =	swait.ge [sflag:s1], $0x20  }
0x2ec: {  	[sflag:s1] =	ssyncset.done $0x0  }
0x2ed: {  	[sflag:s1] =	ssyncadd.s32 $0xFFFFFFE0;
	s1 =	simm.s32 $0x16A00  }
0x2ee: {  	[tilespmem:s1], [sflag:$0xD] =	stream.indirect.gather [hbm4b:s4+s10], $0x80, s22, s10, $0xb8;
	[tilespmem:$0x1EA00] =	vst v63  }
0x2ef: {  	_ =	swait.ge [sflag:s5], $0x20  }
0x2f0: {  	[sflag:s5] =	ssyncset.done $0x0  }
0x2f1: {  	[sflag:s5] =	ssyncadd.s32 $0xFFFFFFE0  }
0x2f2: {  	_ =	swait.ge [sflag:s5], $0x20  }
0x2f3: {  	[sflag:s5] =	ssyncset.done $0x0  }
0x2f4: {  	s22 =	simm.s32 $0x17A00;
	[sflag:s5] =	ssyncadd.s32 $0xFFFFFFE0  }
0x2f5: {  	[tilespmem:s22], [sflag:$0xE] =	stream.indirect.gather [hbm4b:s4+s10], $0x80, s7, s10, $0xb8;
	[tilespmem:$0x1EA00] =	vst v63  }
0x2f6: {  	_ =	swait.ge [sflag:s6], $0x20  }
0x2f7: {  	[sflag:s6] =	ssyncset.done $0x0  }
0x2f8: {  	[sflag:s6] =	ssyncadd.s32 $0xFFFFFFE0  }
0x2f9: {  	_ =	swait.ge [sflag:s6], $0x20  }
0x2fa: {  	[sflag:s6] =	ssyncset.done $0x0  }
0x2fb: {  	s25 =	simm.s32 $0x18A00;
	[sflag:s6] =	ssyncadd.s32 $0xFFFFFFE0  }
0x2fc: {  	[tilespmem:s25], [sflag:$0xF] =	stream.indirect.gather [hbm4b:s4+s10], $0x80, s29, s10, $0xb8;
	[tilespmem:$0x1EA00] =	vst v63  }
0x2fd: {  	_ =	swait.ge [sflag:s8], $0x1000  }
0x2fe: {  	[sflag:s8] =	ssyncset.done $0x0  }
0x2ff: {  	s23 =	simm.s32 $0x14500;
	[sflag:s8] =	ssyncadd.s32 $0xFFFFF000  }
0x300: {  	[spmem:s2] =	stream.indirect.scatter.add.f32 [tilespmem:s20], [sflag:$0x15], $0x80, s23, s10, $0xb8;
	[tilespmem:$0x1EA00] =	vst v63  }
0x301: {  	_ =	swait.ge [sflag:s9], $0x1000  }
0x302: {  	[sflag:s9] =	ssyncset.done $0x0  }
0x303: {  	[sflag:s9] =	ssyncadd.s32 $0xFFFFF000  }
0x304: {  	_ =	swait.ge [sflag:s11], $0x1000  }
0x305: {  	[sflag:s11] =	ssyncset.done $0x0  }
0x306: {  	s24 =	simm.s32 $0x14580;
	[sflag:s11] =	ssyncadd.s32 $0xFFFFF000  }
0x307: {  	[spmem:s2] =	stream.indirect.scatter.add.f32 [tilespmem:s30], [sflag:$0x16], $0x80, s24, s10, $0xb8;
	[tilespmem:$0x1EA00] =	vst v63  }
0x308: {  	_ =	swait.ge [sflag:s14], $0x1000  }
0x309: {  	[sflag:s14] =	ssyncset.done $0x0  }
0x30a: {  	[sflag:s14] =	ssyncadd.s32 $0xFFFFF000  }
0x30b: {  	_ =	swait.ge [sflag:s12], $0x1000  }
0x30c: {  	[sflag:s12] =	ssyncset.done $0x0  }
0x30d: {  	s31 =	simm.s32 $0x14600;
	[sflag:s12] =	ssyncadd.s32 $0xFFFFF000  }
0x30e: {  	[spmem:s2] =	stream.indirect.scatter.add.f32 [tilespmem:s1], [sflag:$0x17], $0x80, s31, s10, $0xb8;
	[tilespmem:$0x1EA00] =	vst v63  }
0x30f: {  	_ =	swait.ge [sflag:s15], $0x1000  }
0x310: {  	[sflag:s15] =	ssyncset.done $0x0  }
0x311: {  	[sflag:s15] =	ssyncadd.s32 $0xFFFFF000  }
0x312: {  	_ =	swait.ge [sflag:s13], $0x1000  }
0x313: {  	[sflag:s13] =	ssyncset.done $0x0  }
0x314: {  	s21 =	simm.s32 $0x14680;
	[sflag:s13] =	ssyncadd.s32 $0xFFFFF000  }
0x315: {  	[spmem:s2] =	stream.indirect.scatter.add.f32 [tilespmem:s22], [sflag:$0x18], $0x80, s21, s10, $0xb8;
	[tilespmem:$0x1EA00] =	vst v63  }
0x316: {  	_ =	swait.ge [sflag:s16], $0x1000  }
0x317: {  	[sflag:s16] =	ssyncset.done $0x0  }
0x318: {  	[sflag:s16] =	ssyncadd.s32 $0xFFFFF000  }
0x319: {  	_ =	swait.ge [sflag:s19], $0x1000  }
0x31a: {  	[sflag:s19] =	ssyncset.done $0x0  }
0x31b: {  	s0 =	simm.s32 $0x14700;
	[sflag:s19] =	ssyncadd.s32 $0xFFFFF000  }
0x31c: {  	[spmem:s2] =	stream.indirect.scatter.add.f32 [tilespmem:s25], [sflag:$0x19], $0x80, s0, s10, $0xb8;
	[tilespmem:$0x1EA00] =	vst v63  }
0x31d: {  	_ =	swait.ge [sflag:s17], $0x1000  }
0x31e: {  	[sflag:s17] =	ssyncset.done $0x0  }
0x31f: {  	[sflag:s17] =	ssyncadd.s32 $0xFFFFF000  }
0x320: {  	[bflag:$0x0] =	sbarrier.arrive $0xFFFF  }
0x321: {  	s26 =	stileid.u32;
	s29 =	sld [smem:$0x7EF]  }
0x322: {  	s0 =	sshll.u32 s26, $0x6;
	s16 =	rddreg [dreg:$0xf]  }
0x323: {  	s1 =	simm.s32 $0x1F;
	s0 =	sor.u32 $0x1C1F, s0;
	s28 =	sshrl.u32 s16, $0x3  }
0x324: {  	[hbm:s29], [sflag:s0] =	dma.local [spmem:s28], $0x2800  }
0x325: {  	_ =	swait.ge [sflag:s1], $0x2800  }
0x326: {  	s30 =	sld [smem:$0x7EE]  }
0x327: {  	s31 =	sld [smem:$0x7F0];
	_ =	sdelay $0x1  }
0x328: {  	s5 =	sadd.s32 $0x1, s30  }
0x329: {  	p0 =	sne.s32 s5, s31  }
.Ltmp1:
0x32a: {  	_ = 	snop;
	(pc) =	sbr.rel @p0 .LBB2_1-.Ltmp1, $3  }
0x32b: {  	[sflag:s1] =	ssyncset.done $0x0  }
0x32c: {  	[sflag:s1] =	ssyncadd.s32 $0xFFFFD800  }
0x32d: {  	[bflag:$0x0] =	sbarrier.arrive $0xFFFF;
	_ =	sdelay $0x1  }
0x32e: {  	_ =	sfence.sel $0x180000  }
0x32f: {  	[bflag:$0x0] =	sbarrier.arrive $0xFFFF  }
0x330: {  	_ =	strace $0x9000004D  }
0x331: {  	s0 =	stileid.u32;
	[bflag:$0x2] =	sbarrier.arrive $0xFFFF  }
0x332: {  	p0 =	sne.s32 s0, $0x0;
	s0 =	rddreg [dreg:$0x3]  }
0x333: {  	s0 =	sadd.s32 @!p0 $0x100000, s0  }
0x334: {  	[sflag:s0] =	ssyncadd.tile.s32 @!p0 $0x1;
	_ =	shalt  }
.Lfunc_end2:
_tile_overlayer_lowered:
.L_overlay_start_2:
0x335: {  	(tag) =	ssettag $0x2  }
0x336: {  	s0 =	rddreg [dreg:$0x0];
	s2 =	stileid.u32  }
0x337: {  	s1 =	rddreg [dreg:$0x1];
	p0 =	sne.s32 s2, $0x0  }
0x338: {  	s3 =	rddreg [dreg:$0x2];
	[bflag:$0x3] =	sbarrier.arrive $0xFFFF;
	s2 =	simm.s32 @!p0 $0x1C1F  }
0x339: {  	[timem:s3], [sflag:s2] =	dma.local @!p0 [hbm:s0], s1  }
0x33a: {  	s0 =	simm.s32 @!p0 $0x1F  }
0x33b: {  	_ =	swait.ge @!p0 [sflag:s0], s1  }
0x33c: {  	s1 =	ssub.s32 @!p0 $0x0, s1;
	[sflag:s0] =	ssyncset.done @!p0 $0x0  }
0x33d: {  	[sflag:s0] =	ssyncadd.s32 @!p0 s1  }
0x33e: {  	[bflag:$0x3] =	sbarrier.arrive $0xFFFF  }
0x33f: {  	_ =	shalt  }

// kernel: kernel.8.cloned.1.call-start
scs
__scs_entry_jumppad:
0x0: {  	(pc) =	sbr.rel $0x88, $3  }
0x1: {  	(tag) =	ssettag $0x0;
	lr =	simm.s32 $0x1  }
0x2: {  	[smem:$0x3F99] =	sst lr;
	_ =	strace $0xD0000000  }
0x3: {  	_ = 	snop  }
0x4: {  	_ = 	snop  }
0x5: {  	_ = 	snop  }
0x6: {  	_ = 	snop  }
0x7: {  	_ = 	snop  }
__scs_overlays_trampoline_lowered:
0x8: {  	[smem:$0x3FA8] =	sst s0  }
0x9: {  	[smem:$0x3FA9] =	sst s1  }
0xa: {  	[smem:$0x3FAA] =	sst s2  }
0xb: {  	[smem:$0x3FAB] =	sst s3  }
0xc: {  	[smem:$0x3FAC] =	sst s4  }
0xd: {  	[smem:$0x3FAD] =	sst s5  }
0xe: {  	[smem:$0x3FAE] =	sst s6  }
0xf: {  	[smem:$0x3FAF] =	sst s7  }
0x10: {  	[smem:$0x3FB0] =	sst s8  }
0x11: {  	[smem:$0x3FB1] =	sst s9;
	s0 =	simm.s32 @!p0 $0x0  }
0x12: {  	s1 =	sld [smem:$0x3F97];
	s0 =	simm.s32 @p0 $0x1  }
0x13: {  	[smem:$0x3FB2] =	sst s0;
	s0 =	simm.s32 @!p1 $0x0  }
0x14: {  	s2 =	sld [smem:$0x3F96];
	s0 =	simm.s32 @p1 $0x1  }
0x15: {  	[smem:$0x3FB3] =	sst s0;
	s0 =	simm.s32 @!p2 $0x0  }
0x16: {  	s3 =	sld [smem:$0x3FDB];
	s0 =	simm.s32 @p2 $0x1  }
0x17: {  	s4 =	simm.s32 $0x1BF5;
	[smem:$0x3FB5] =	sst s0  }
0x18: {  	s0 =	sld [smem:$0x3F98];
	_ =	swait.ge [sflag:s4], $0x0  }
0x19: {  	s7 =	sld [smem:$0x3F99]  }
0x1a: {  	s8 =	sadd.s32 $0xFFFFE003, lr  }
0x1b: {  	s9 =	sadd.s32 $0xFFFFFEF7, lr;
	s5 =	simm.s32 $0xFFFFFFFF;
	p2 =	slt.u32 s8, $0xFFFFF086  }
0x1c: {  	p1 =	slt.u32 s9, $0xF7A;
	s5 =	simm.s32 @!p2 $0x0  }
0x1d: {  	s5 =	simm.s32 @p1 $0x1;
	p0 =	seq.s32 s7, s2  }
0x1e: {  	s7 =	smul.u32 @!p0 $0xF7A, s2;
	p2 =	seq.s32 @!p0 s5, $0x0  }
0x1f: {  	s9 =	smul.u32 $0xF7A, s1;
	s8 =	simm.s32 @!p0 $0x1BF5;
	p2 =	por !p2, p0  }
0x20: {  	[sflag:s8] =	ssyncset.s32 @!p0 $0xFFFFF086;
	s6 =	sadd.s32 @!p0 s3, s7;
	s7 =	simm.s32 @!p0 $0x108  }
0x21: {  	s3 =	sadd.s32 s3, s9;
	s6 =	sadd.s32 @!p0 $0x88, s6;
	s7 =	simm.s32 @p2 $0x1082  }
0x22: {  	[simem:s7], [sflag:s8] =	dma.local @!p0 [hbm:s6], $0xF7A  }
0x23: {  	s9 =	sor.u32 $0xD0000000, s2;
	s6 =	simm.s32 $0x108;
	_ =	swait.ge @!p0 [sflag:s8], $0x0  }
0x24: {  	s3 =	sadd.s32 $0x88, s3;
	s6 =	simm.s32 @!p1 $0x1082;
	[sflag:s4] =	ssyncset.s32 $0xFFFFF086  }
0x25: {  	[simem:s6], [sflag:s4] =	dma.local [hbm:s3], $0xF7A  }
0x26: {  	[smem:$0x3F99] =	sst s1;
	(tag) =	ssettag s2;
	_ =	strace s9  }
0x27: {  	s1 =	sld [smem:$0x3FA9]  }
0x28: {  	s2 =	sld [smem:$0x3FAA]  }
0x29: {  	s4 =	sld [smem:$0x3FAC]  }
0x2a: {  	p0 =	seq.s32 s5, $0x0;
	s5 =	sld [smem:$0x3FAD]  }
0x2b: {  	s6 =	sld [smem:$0x3FAE]  }
0x2c: {  	s7 =	sld [smem:$0x3FAF]  }
0x2d: {  	s3 =	simm.s32 $0x108;
	s8 =	sld [smem:$0x3FB0]  }
0x2e: {  	s3 =	simm.s32 @!p0 $0x1082;
	s9 =	sld [smem:$0x3FB1]  }
0x2f: {  	lr =	sadd.s32 s0, s3;
	s0 =	sld [smem:$0x3FA8]  }
0x30: {  	s3 =	sld [smem:$0x3FAB]  }
0x31: {  	[smem:$0x3FB4] =	sst s10  }
0x32: {  	s10 =	sld [smem:$0x3FB2];
	_ =	sdelay $0x3  }
0x33: {  	p0 =	seq.s32 s10, $0x1;
	s10 =	sld [smem:$0x3FB4];
	_ =	sdelay $0x3  }
0x34: {  	[smem:$0x3FB4] =	sst s10  }
0x35: {  	s10 =	sld [smem:$0x3FB3];
	_ =	sdelay $0x3  }
0x36: {  	p1 =	seq.s32 s10, $0x1;
	s10 =	sld [smem:$0x3FB4];
	_ =	sdelay $0x3  }
0x37: {  	[smem:$0x3FB4] =	sst s10  }
0x38: {  	s10 =	sld [smem:$0x3FB5]  }
0x39: {  	_ = 	snop;
	(pc) =	sbr.ind lr, $3  }
0x3a: {  	_ = 	snop  }
0x3b: {  	_ = 	snop  }
0x3c: {  	p2 =	seq.s32 s10, $0x1;
	s10 =	sld [smem:$0x3FB4]  }
0x3d: {  	_ =	shalt  }
0x3e: {  	_ =	shalt  }
0x3f: {  	_ =	shalt  }
0x40: {  	_ =	shalt  }
0x41: {  	_ =	shalt  }
0x42: {  	_ =	shalt  }
0x43: {  	_ =	shalt  }
0x44: {  	_ =	shalt  }
0x45: {  	_ =	shalt  }
0x46: {  	_ =	shalt  }
0x47: {  	_ =	shalt  }
0x48: {  	_ =	shalt  }
0x49: {  	_ =	shalt  }
0x4a: {  	_ =	shalt  }
0x4b: {  	_ =	shalt  }
0x4c: {  	_ =	shalt  }
0x4d: {  	_ =	shalt  }
0x4e: {  	_ =	shalt  }
0x4f: {  	_ =	shalt  }
0x50: {  	_ =	shalt  }
0x51: {  	_ =	shalt  }
0x52: {  	_ =	shalt  }
0x53: {  	_ =	shalt  }
0x54: {  	_ =	shalt  }
0x55: {  	_ =	shalt  }
0x56: {  	_ =	shalt  }
0x57: {  	_ =	shalt  }
0x58: {  	_ =	shalt  }
0x59: {  	_ =	shalt  }
0x5a: {  	_ =	shalt  }
0x5b: {  	_ =	shalt  }
0x5c: {  	_ =	shalt  }
0x5d: {  	_ =	shalt  }
0x5e: {  	_ =	shalt  }
0x5f: {  	_ =	shalt  }
0x60: {  	_ =	shalt  }
0x61: {  	_ =	shalt  }
0x62: {  	_ =	shalt  }
0x63: {  	_ =	shalt  }
0x64: {  	_ =	shalt  }
0x65: {  	_ =	shalt  }
0x66: {  	_ =	shalt  }
0x67: {  	_ =	shalt  }
0x68: {  	_ =	shalt  }
0x69: {  	_ =	shalt  }
0x6a: {  	_ =	shalt  }
0x6b: {  	_ =	shalt  }
0x6c: {  	_ =	shalt  }
0x6d: {  	_ =	shalt  }
0x6e: {  	_ =	shalt  }
0x6f: {  	_ =	shalt  }
0x70: {  	_ =	shalt  }
0x71: {  	_ =	shalt  }
0x72: {  	_ =	shalt  }
0x73: {  	_ =	shalt  }
0x74: {  	_ =	shalt  }
0x75: {  	_ =	shalt  }
0x76: {  	_ =	shalt  }
0x77: {  	_ =	shalt  }
0x78: {  	_ =	shalt  }
0x79: {  	_ =	shalt  }
0x7a: {  	_ =	shalt  }
0x7b: {  	_ =	shalt  }
0x7c: {  	_ =	shalt  }
0x7d: {  	_ =	shalt  }
0x7e: {  	_ =	shalt  }
0x7f: {  	_ =	shalt  }
0x80: {  	_ =	shalt  }
0x81: {  	_ =	shalt  }
0x82: {  	_ =	shalt  }
0x83: {  	_ =	shalt  }
0x84: {  	_ =	shalt  }
0x85: {  	_ =	shalt  }
0x86: {  	_ =	shalt  }
0x87: {  	_ =	shalt  }
.Lfunc_end0:
.L_simem_size_0:
called_computation_lowered:
.L_overlay_start_0:
0x88: {  	s2 =	sld [smem:$0x3FD9]  }
0x89: {  	s3 =	sld [smem:$0x3FFE];
	_ =	sdelay $0x1  }
0x8a: {  	s1 =	srdreg.scid  }
0x8b: {  	s0 =	sand.u32 $0x1, s1  }
0x8c: {  	s15 =	sshll.u32 s0, $0xA;
	s2 =	sadd.s32 s3, s2  }
0x8d: {  	s2 =	sadd.s32 s2, s15  }
0x8e: {  	[smem:$0x3FC0] =	sst s2  }
0x8f: {  	_ = 	snop  }
0x90: {  	s2 =	sld [smem:$0x3FD0];
	_ =	sdelay $0x2  }
0x91: {  	s16 =	simm.s32 $0xA;
	s4 =	simm.s32 $0x10  }
0x92: {  	[smem:s4], [sflag:s16] =	dma.local [hbm:s2], $0x1  }
0x93: {  	_ =	swait.eq [sflag:s16], $0x1  }
0x94: {  	[sflag:s16] =	ssyncset.done $0x0  }
0x95: {  	s17 =	sld [smem:$0x11];
	[sflag:s16] =	ssyncadd.s32 $0xFFFFFFFF  }
0x96: {  	s18 =	sld [smem:$0x12];
	(tm) =	ssettm $0x1  }
0x97: {  	s19 =	sld [smem:$0x3FFB];
	_ =	sdelay $0x3  }
0x98: {  	_ =	strace s19  }
0x99: {  	s4 =	sld [smem:$0x3FFC];
	_ =	sdelay $0x3  }
0x9a: {  	_ =	strace s4  }
0x9b: {  	s4 =	sld [smem:$0x3FFD];
	_ =	sdelay $0x3  }
0x9c: {  	_ =	strace s4  }
0x9d: {  	_ =	strace $0x8FFFFFFF  }
0x9e: {  	s20 =	sld [smem:$0x3FDB];
	_ =	sdelay $0x1  }
0x9f: {  	s5 =	simm.s32 $_scs_section_size  }
0xa0: {  	s6 =	simm.s32 $_size__tile_overlayer_lowered;
	s7 =	simm.s32 $_tile_overlayer_lowered  }
0xa1: {  	s23 =	simm.s32 $0x1BFF;
	s22 =	sshll.u32 s7, $0x1;
	s4 =	sadd.s32 s5, s20  }
0xa2: {  	s8 =	simm.s32 $0x0;
	s21 =	sshll.u32 s6, $0x1;
	s6 =	sadd.s32 s22, s4  }
0xa3: {  	[timem:s8], [sflag:s23] =	dma.local [hbm:s6], s21  }
0xa4: {  	_ =	swait.ge [sflag:s23], s21  }
0xa5: {  	s5 =	ssub.s32 $0x0, s21;
	[sflag:s23] =	ssyncset.done $0x0  }
0xa6: {  	[sflag:s23] =	ssyncadd.s32 s5;
	_ =	sdelay $0x1  }
0xa7: {  	s24 =	simm.s32 $0x1B8B  }
0xa8: {  	_ =	swait.ge [sflag:s24], $0x1  }
0xa9: {  	[sflag:s24] =	ssyncset.done $0x0  }
0xaa: {  	s25 =	simm.s32 $0x1B8E;
	[sflag:s24] =	ssyncadd.s32 $0xFFFFFFFF  }
0xab: {  	s26 =	simm.s32 $execute0_lowered;
	[smem:$0x3FD2] =	sst s25  }
0xac: {  	s5 =	sshll.u32 s26, $0x1;
	_ =	strace $0x80000046;
	[dreg:$0x1] =	wrdreg $0xFFFFFFFF  }
0xad: {  	s28 =	simm.s32 $_size_execute0_lowered;
	s4 =	sadd.s32 s4, s5;
	[dreg:$0x0] =	wrdreg $0x0  }
0xae: {  	s5 =	sshll.u32 s28, $0x1;
	[dreg:$0x2] =	wrdreg s4  }
0xaf: {  	[dreg:$0x3] =	wrdreg s5  }
0xb0: {  	[dreg:$0x4] =	wrdreg $0xC0  }
0xb1: {  	_ =	task [dreg:s8], $0x5FFFF  }
0xb2: {  	[dreg:$0x1] =	wrdreg $0xFFFFFFFF  }
0xb3: {  	[dreg:$0x0] =	wrdreg $0x60  }
0xb4: {  	[dreg:$0x2] =	wrdreg s18  }
0xb5: {  	[dreg:$0x3] =	wrdreg s17  }
0xb6: {  	[dreg:$0x4] =	wrdreg $0x9  }
0xb7: {  	_ =	task.clear_ibuf [dreg:s8], $0x5FFFF;
	_ =	strace $0x90000046  }
0xb8: {  	s29 =	simm.s32 $0x9;
	_ =	strace $0x80000048  }
0xb9: {  	_ =	swait.ge [sflag:s29], $0x1  }
0xba: {  	[sflag:s29] =	ssyncadd.s32 $0xFFFFFFFF  }
0xbb: {  	_ =	strace $0x90000048  }
0xbc: {  	_ =	sfence  }
0xbd: {  	s30 =	sld [smem:$0x0];
	_ =	sdelay $0x2  }
0xbe: {  	s31 =	sshll.u32 s1, $0xD;
	s1 =	sshrl.u32 s1, $0x2  }
0xbf: {  	s3 =	sand.u32 $0x4000, s31;
	s1 =	sadd.s32 s1, s30  }
0xc0: {  	s0 =	sor.u32 s3, s0;
	s1 =	sshll.u32 s1, $0x11  }
0xc1: {  	s0 =	sor.u32 s1, s0  }
0xc2: {  	s0 =	sadd.s32 $0x8F2B, s0  }
0xc3: {  	[sflag:s0] =	ssyncadd.remote.s32 $0x1  }
0xc4: {  	_ =	sfence.sel $0xFFFF  }
0xc5: {  	[dreg:$0x0] =	wrdreg $0xFFFFFFFF;
	(pc) =	sbr.abs _section_cstart, $3  }
0xc6: {  	[dreg:$0x1] =	wrdreg $0xFFFFFFFF  }
0xc7: {  	_ =	task.clear_ibuf [dreg:s8], $0x2FFFF;
	_ =	strace $0x9FFFFFFF  }
0xc8: {  	(tm) =	ssettm $0x7FFFFFFF  }
0xc9: {  	_ =	shalt  }
tec
execute0_lowered:
.L_overlay_start_1:
0x0: {  	(tag) =	ssettag $0x1  }
0x1: {  	s3 =	rddreg [dreg:$0x0]  }
0x2: {  	s4 =	rddreg [dreg:$0x1]  }
0x3: {  	s2 =	srdreg.scid;
	s1 =	stileid.u32  }
0x4: {  	s0 =	rddreg [dreg:$0x2];
	s5 =	sand.u32 $0x1, s2;
	s6 =	sshll.u32 s1, $0x1  }
0x5: {  	s2 =	simm.s32 $0x0;
	s7 =	ssub.s32 $0x2, s5;
	s5 =	sor.u32 s5, s6  }
0x6: {  	[smem:$0x7FF] =	sst s2;
	s5 =	smul.u32 $0x4E2, s5  }
0x7: {  	s8 =	simm.s32 $0x0;
	s31 =	sshrl.u32 s7, $0x1;
	_ =	strace $0x80000047  }
0x8: {  	s6 =	ssub.s32 s7, s31;
	s7 =	simm.s32 $0x1;
	s3 =	sadd.s32 s3, s5  }
0x9: {  	v0 =	vimm.f32 $0.0e+00;
	v1 =	vimm.f32 $1.000000000e+00;
	s4 =	sadd.s32 s4, s5;
	s5 =	smax.u32 s6, $0x1;
	s6 =	simm.s32 $0x2780  }
.LBB2_1:
0xa: {  	s9 =	simm.s32 $0x40;
	s10 =	simm.s32 $0x0  }
.LBB2_2:
0xb: {  	p0 =	sne.s32 s9, $0x9C00;
	[tilespmem:s10+$0x0] =	vst v0;
	s10 =	smov.u32 s9;
	s9 =	sadd.s32 $0x40, s9  }
.Ltmp0:
0xc: {  	(pc) =	sbr.rel @p0 .LBB2_2-.Ltmp0, $2  }
0xd: {  	_ =	sdelay $0x2  }
0xe: {  	s10 =	sshra.s32 s10, $0x2  }
0xf: {  	[tilespmem:s10+$0x0] =	vst v0;
	s9 =	simm.s32 $0x0  }
0x10: {  	[tilespmem:s6], [sflag:$0x1] =	stream.linear.gather [hbm4b:s3+s9], $0x2710, $0x38;
	[tilespmem:$0x4F00] =	vst v63  }
0x11: {  	_ =	swait.ge [sflag:s7], $0x2710  }
0x12: {  	[sflag:s7] =	ssyncset.done $0x0  }
0x13: {  	s10 =	simm.s32 $0x0;
	s9 =	simm.s32 $0x40;
	[sflag:s7] =	ssyncadd.s32 $0xFFFFD8F0  }
.LBB2_4:
0x14: {  	p0 =	sne.s32 s9, $0x9C00;
	v2 =	vld [tilespmem:s10+$0x2780];
	_ =	sdelay $0x3  }
.Ltmp1:
0x15: {  	(pc) =	sbr.rel @p0 .LBB2_4-.Ltmp1, $2  }
0x16: {  	_ =	sdelay $0x2  }
0x17: {  	s10 =	sshra.s32 s9, $0x2;
	s9 =	sadd.s32 $0x40, s9;
	[tilespmem:v2+s2+$0x0] =	vst.idx.add.f32.msk $0xffff, v1  }
0x18: {  	v2 =	vld [tilespmem:s10+$0x2780];
	_ =	sdelay $0x5  }
0x19: {  	s8 =	sadd.s32 $0x1, s8  }
0x1a: {  	p0 =	sne.s32 s8, s5  }
.Ltmp2:
0x1b: {  	[tilespmem:v2+s2+$0x0] =	vst.idx.add.f32.msk $0xffff, v1;
	(pc) =	sbr.rel @p0 .LBB2_1-.Ltmp2, $4  }
0x1c: {  	[hbm4b:s4+s2] =	stream.linear.scatter [tilespmem:s2], [sflag:$0x1], $0x2710, $0x38;
	[tilespmem:$0x4F00] =	vst v63  }
0x1d: {  	_ =	swait.ge [sflag:s7], $0x2710  }
0x1e: {  	[sflag:s7] =	ssyncset.done $0x0  }
0x1f: {  	[sflag:s7] =	ssyncadd.s32 $0xFFFFD8F0  }
0x20: {  	_ =	sfence.sel $0x180000  }
0x21: {  	[bflag:$0x0] =	sbarrier.arrive $0xFFFF  }
0x22: {  	p0 =	sne.s32 s1, $0x0;
	_ =	strace $0x90000047  }
0x23: {  	s0 =	sadd.s32 @!p0 $0x100000, s0;
	[bflag:$0x2] =	sbarrier.arrive $0xFFFF  }
0x24: {  	[sflag:s0] =	ssyncadd.tile.s32 @!p0 $0x1;
	_ =	shalt  }
.Lfunc_end2:
_tile_overlayer_lowered:
.L_overlay_start_2:
0x25: {  	(tag) =	ssettag $0x2  }
0x26: {  	s0 =	rddreg [dreg:$0x0];
	s2 =	stileid.u32  }
0x27: {  	s1 =	rddreg [dreg:$0x1];
	p0 =	sne.s32 s2, $0x0  }
0x28: {  	s3 =	rddreg [dreg:$0x2];
	[bflag:$0x3] =	sbarrier.arrive $0xFFFF;
	s2 =	simm.s32 @!p0 $0x1C01  }
0x29: {  	[timem:s3], [sflag:s2] =	dma.local @!p0 [hbm:s0], s1  }
0x2a: {  	s0 =	simm.s32 @!p0 $0x1  }
0x2b: {  	_ =	swait.ge @!p0 [sflag:s0], s1  }
0x2c: {  	s1 =	ssub.s32 @!p0 $0x0, s1;
	[sflag:s0] =	ssyncset.done @!p0 $0x0  }
0x2d: {  	[sflag:s0] =	ssyncadd.s32 @!p0 s1  }
0x2e: {  	[bflag:$0x3] =	sbarrier.arrive $0xFFFF  }
0x2f: {  	_ =	shalt  }

</sc_bundles>
